<compile_context>
chip_gen: v7x
topology: tpu7x:2x2x1
jax: 0.10.2.dev20260603
libtpu: 0.0.44.dev20260713+nightly
codegen_flags: <defaults>
</compile_context>

<pallas_src>
import functools

import jax
import jax.numpy as jnp
from jax import lax
from jax.experimental import pallas as pl
from jax.experimental.pallas import tpu as pltpu
from jax.experimental.pallas import tpu_sc as plsc

N = 10000
E = 160000
NG = 128
NP = 10240
ET = E // 16
FB = ET // 128
TAIL = ET - FB * 128
NPT = NP // 16
GH = NG // 2
DEAD = NP * GH
SW = NP * GH + 128
GPAD = 200

_MESH = plsc.VectorSubcoreMesh(core_axis_name="c", subcore_axis_name="s")


def _zero_fill(ref, nwords):
    z = jnp.zeros((16,), ref.dtype)

    def body(i, carry):
        ref[pl.ds(i * 16, 16)] = z
        return carry

    lax.fori_loop(0, nwords // 16, body, 0)


def _newton_rsqrt(d):
    i = plsc.bitcast(d, jnp.int32)
    i = 0x5F3759DF - lax.shift_right_logical(i, 1)
    y = plsc.bitcast(i, jnp.float32)
    for _ in range(3):
        y = y * (1.5 - 0.5 * d * y * y)
    return y


@functools.partial(
    pl.kernel,
    out_type=(
        jax.ShapeDtypeStruct((2, NP * GH), jnp.float32),
        jax.ShapeDtypeStruct((2, 256), jnp.float32),
    ),
    mesh=_MESH,
    compiler_params=pltpu.CompilerParams(needs_layout_passes=False),
    scratch_types=[
        pltpu.VMEM((ET,), jnp.int32),
        pltpu.VMEM((ET,), jnp.int32),
        pltpu.VMEM((ET,), jnp.float32),
        pltpu.VMEM((NP,), jnp.int32),
        pltpu.VMEM((NP,), jnp.float32),
        pltpu.VMEM((NP,), jnp.float32),
        pltpu.VMEM((NPT,), jnp.float32),
        pltpu.VMEM((NPT,), jnp.float32),
        pltpu.VMEM((NPT,), jnp.float32),
        pltpu.VMEM((128,), jnp.int32),
        pltpu.VMEM((128,), jnp.int32),
        pltpu.VMEM((128,), jnp.int32),
        pltpu.VMEM((128,), jnp.int32),
        pltpu.VMEM((128,), jnp.int32),
        pltpu.VMEM((128,), jnp.int32),
        pltpu.VMEM((128,), jnp.float32),
        pltpu.VMEM((128,), jnp.float32),
        pltpu.VMEM((128,), jnp.float32),
        pltpu.VMEM((128,), jnp.float32),
        pltpu.VMEM((128,), jnp.float32),
        pltpu.VMEM((128,), jnp.float32),
        pltpu.VMEM((16,), jnp.int32),
        pltpu.VMEM((16,), jnp.float32),
        pltpu.VMEM((8192,), jnp.float32),
        pltpu.VMEM_SHARED((NP,), jnp.float32),
        pltpu.VMEM_SHARED((256,), jnp.float32),
        pltpu.VMEM_SHARED((NP,), jnp.float32),
        pltpu.VMEM_SHARED((NP,), jnp.float32),
        pltpu.VMEM_SHARED((SW,), jnp.float32),
        pltpu.SemaphoreType.DMA,
        pltpu.SemaphoreType.DMA,
        pltpu.SemaphoreType.DMA,
        pltpu.SemaphoreType.DMA,
        pltpu.SemaphoreType.DMA,
        pltpu.SemaphoreType.DMA,
        pltpu.SemaphoreType.DMA,
        pltpu.SemaphoreType.DMA,
    ],
)
def _gcn_sc(eif, ew, bat, sp, cnt,
            srcv, dstv, ewv, batv, disv, invv, degv, disl, invl,
            idx0, idx1, idx2, idx3, idx4, idx5,
            val0, val1, val2, val3, val4, val5, idxt, valt, zb,
            degsh, cntsh, dissh, invsh, ssh,
            sem0, sem1, sem2, sem3, sem4, sem5, sem6, sem7):
    c = lax.axis_index("c")
    s = lax.axis_index("s")
    glo = c * GH
    lanes = lax.iota(jnp.int32, 16)
    slots = ((idx0, val0, sem0), (idx1, val1, sem1),
             (idx2, val2, sem2), (idx3, val3, sem3),
             (idx4, val4, sem6), (idx5, val5, sem7))

    pltpu.async_copy(eif.at[pl.ds(s * ET, ET)], srcv, sem4)
    pltpu.async_copy(eif.at[pl.ds(E + s * ET, ET)], dstv, sem5)
    pltpu.async_copy(ew.at[pl.ds(s * ET, ET)], ewv, sem6)
    pltpu.async_copy(bat, batv.at[pl.ds(0, N)], sem7)
    for t in range((NP - N) // 16):
        batv[pl.ds(N + t * 16, 16)] = jnp.zeros((16,), jnp.int32)

    _zero_fill(zb, 8192)

    ts = NP * GH // 16

    for i in range(4):
        pltpu.async_copy(zb, ssh.at[pl.ds(s * ts + i * 8192, 8192)],
                         (sem0, sem1, sem2, sem3)[i])
    pltpu.sync_copy(zb.at[pl.ds(0, NPT)], degsh.at[pl.ds(s * NPT, NPT)])

    @pl.when(s == 0)
    def _():
        pltpu.sync_copy(zb.at[pl.ds(0, 256)], cntsh)

    pltpu.make_async_copy(zb, ssh.at[pl.ds(s * ts, 8192)], sem0).wait()
    pltpu.sync_copy(zb, ssh.at[pl.ds(s * ts + 4 * 8192, 8192)])
    for i in range(1, 4):
        pltpu.make_async_copy(zb, ssh.at[pl.ds(s * ts + i * 8192, 8192)],
                              (sem0, sem1, sem2, sem3)[i]).wait()
    pltpu.make_async_copy(eif.at[pl.ds(s * ET, ET)], srcv, sem4).wait()
    pltpu.make_async_copy(eif.at[pl.ds(E + s * ET, ET)], dstv, sem5).wait()
    pltpu.make_async_copy(ew.at[pl.ds(s * ET, ET)], ewv, sem6).wait()
    pltpu.make_async_copy(bat, batv.at[pl.ds(0, N)], sem7).wait()

    def _pipeline(nbatches, make_batch, target):
        nslots = min(len(slots), nbatches)

        def fire(j, sl):
            idxr, valr, sem = slots[sl]
            make_batch(j, idxr, valr)
            pltpu.async_copy(valr, target.at[idxr], sem, add=True)

        def drain(sl):
            idxr, valr, sem = slots[sl]
            pltpu.make_async_copy(valr, target.at[idxr], sem).wait()

        for b in range(nslots):
            fire(b, b)

        def grp(g, carry):
            for b in range(nslots):
                drain(b)
                fire(nslots + g * nslots + b, b)
            return carry

        ngroups = (nbatches - nslots) // nslots
        lax.fori_loop(0, ngroups, grp, 0)
        rem = (nbatches - nslots) % nslots
        for r in range(rem):
            drain(r)
            fire(nbatches - rem + r, r)
        for b in range(nslots):
            drain(b)

    def deg_batch(j, idxr, valr):
        def sub(k, carry):
            off = j * 128 + k * 16
            idxr[pl.ds(k * 16, 16)] = dstv[pl.ds(off, 16)]
            valr[pl.ds(k * 16, 16)] = ewv[pl.ds(off, 16)]
            return carry

        lax.fori_loop(0, 8, sub, 0)

    _pipeline(FB, deg_batch, degsh)

    idxt[...] = dstv[pl.ds(FB * 128, 16)]
    valt[...] = ewv[pl.ds(FB * 128, 16)]
    pltpu.sync_copy(valt, degsh.at[idxt], add=True)

    def count_batch(j, idxr, valr):
        def sub(k, carry):
            base = j * 128 + k * 16
            nglob = s * NPT + base + lanes
            b16 = batv[pl.ds(s * NPT + base, 16)]
            valid = nglob < N
            idxr[pl.ds(k * 16, 16)] = jnp.where(valid, b16, GPAD + lanes)
            valr[pl.ds(k * 16, 16)] = jnp.where(valid, 1.0, 0.0)
            return carry

        lax.fori_loop(0, 8, sub, 0)

    _pipeline(NPT // 128, count_batch, cntsh)

    plsc.subcore_barrier()

    pltpu.sync_copy(degsh.at[pl.ds(s * NPT, NPT)], degv)

    def newton(i, carry):
        d = degv[pl.ds(i * 16, 16)] + 1.0
        y = _newton_rsqrt(d)
        disl[pl.ds(i * 16, 16)] = y
        invl[pl.ds(i * 16, 16)] = y * y
        return carry

    lax.fori_loop(0, NPT // 16, newton, 0)
    pltpu.sync_copy(disl, dissh.at[pl.ds(s * NPT, NPT)])
    pltpu.sync_copy(invl, invsh.at[pl.ds(s * NPT, NPT)])
    plsc.subcore_barrier()
    pltpu.sync_copy(dissh, disv)
    pltpu.sync_copy(invsh, invv)

    def s_batch(j, idxr, valr):
        def sub(k, carry):
            off = j * 128 + k * 16
            s16 = srcv[pl.ds(off, 16)]
            d16 = dstv[pl.ds(off, 16)]
            w16 = ewv[pl.ds(off, 16)]
            dd = plsc.load_gather(disv, [d16])
            ds_ = plsc.load_gather(disv, [s16])
            gi = plsc.load_gather(batv, [d16]) - glo
            own = (gi >= 0) & (gi < GH)
            dead = DEAD + ((lanes + k * 16) & 127)
            idxr[pl.ds(k * 16, 16)] = jnp.where(own, gi * NP + s16, dead)
            valr[pl.ds(k * 16, 16)] = jnp.where(own, dd * ds_ * w16, 0.0)
            return carry

        lax.fori_loop(0, 8, sub, 0)

    _pipeline(FB, s_batch, ssh)

    s16 = srcv[pl.ds(FB * 128, 16)]
    d16 = dstv[pl.ds(FB * 128, 16)]
    w16 = ewv[pl.ds(FB * 128, 16)]
    dd = plsc.load_gather(disv, [d16])
    ds_ = plsc.load_gather(disv, [s16])
    gi = plsc.load_gather(batv, [d16]) - glo
    own = (gi >= 0) & (gi < GH)
    idxt[...] = jnp.where(own, gi * NP + s16, DEAD + lanes)
    valt[...] = jnp.where(own, dd * ds_ * w16, 0.0)
    pltpu.sync_copy(valt, ssh.at[idxt], add=True)

    def self_batch(j, idxr, valr):
        def sub(k, carry):
            base = j * 128 + k * 16
            n16 = s * NPT + base + lanes
            gi = plsc.load_gather(batv, [n16]) - glo
            v16 = plsc.load_gather(invv, [n16])
            own = (gi >= 0) & (gi < GH) & (n16 < N)
            dead = DEAD + ((lanes + k * 16) & 127)
            idxr[pl.ds(k * 16, 16)] = jnp.where(own, gi * NP + n16, dead)
            valr[pl.ds(k * 16, 16)] = jnp.where(own, v16, 0.0)
            return carry

        lax.fori_loop(0, 8, sub, 0)

    _pipeline(NPT // 128, self_batch, ssh)

    plsc.subcore_barrier()

    pltpu.sync_copy(ssh.at[pl.ds(s * ts, ts)], sp.at[c, pl.ds(s * ts, ts)])

    @pl.when(s == 0)
    def _():
        pltpu.sync_copy(cntsh, cnt.at[c])


_BN = 1024


def _h_tc_body(x_ref, w_ref, h_ref):
    k = pl.program_id(0)
    h = jnp.dot(x_ref[...], w_ref[...], preferred_element_type=jnp.float32)
    rid = lax.broadcasted_iota(jnp.int32, h.shape, 0)
    h_ref[...] = jnp.where(rid < N - k * _BN, h, 0.0)


def _p_tc_body(s_ref, h_ref, cnt_ref, b_ref, out_ref, acc_ref):
    k = pl.program_id(0)

    @pl.when(k == 0)
    def _():
        acc_ref[...] = jnp.zeros_like(acc_ref)

    h = h_ref[...]
    acc_ref[0:GH, :] += jnp.dot(s_ref[0], h,
                                preferred_element_type=jnp.float32)
    acc_ref[GH:NG, :] += jnp.dot(s_ref[1], h,
                                 preferred_element_type=jnp.float32)

    @pl.when(k == pl.num_programs(0) - 1)
    def _():
        cnt = cnt_ref[...]
        pooled = (acc_ref[...] + cnt * b_ref[...]) / jnp.maximum(cnt, 1.0)
        m = jnp.max(pooled, axis=1, keepdims=True)
        shifted = pooled - m
        out_ref[...] = shifted - jnp.log(
            jnp.sum(jnp.exp(shifted), axis=1, keepdims=True))


def kernel(x, edge_index, edge_weights, batch, W, b):
    n, d = x.shape
    cdim = W.shape[1]

    eif = edge_index.reshape(2 * E)
    sp, cnt = _gcn_sc(eif, edge_weights, batch)
    s3 = sp.reshape(2, GH, NP)
    cnt_col = cnt[0, :NG].reshape(NG, 1)
    b_row = b.reshape(1, cdim)

    h = pl.pallas_call(
        _h_tc_body,
        grid=(NP // _BN,),
        in_specs=[
            pl.BlockSpec((_BN, d), lambda k: (k, 0)),
            pl.BlockSpec((d, cdim), lambda k: (0, 0)),
        ],
        out_specs=pl.BlockSpec((_BN, cdim), lambda k: (k, 0)),
        out_shape=jax.ShapeDtypeStruct((NP, cdim), jnp.float32),
    )(x, W)

    out = pl.pallas_call(
        _p_tc_body,
        grid=(NP // _BN,),
        in_specs=[
            pl.BlockSpec((2, GH, _BN), lambda k: (0, 0, k)),
            pl.BlockSpec((_BN, cdim), lambda k: (k, 0)),
            pl.BlockSpec((NG, 1), lambda k: (0, 0)),
            pl.BlockSpec((1, cdim), lambda k: (0, 0)),
        ],
        out_specs=pl.BlockSpec((NG, cdim), lambda k: (0, 0)),
        out_shape=jax.ShapeDtypeStruct((NG, cdim), jnp.float32),
        scratch_shapes=[pltpu.VMEM((NG, cdim), jnp.float32)],
    )(s3, h, cnt_col, b_row)

    return out

# --- scband reference (transcript-rebuilt; emitter-appended) ---
"""Pipeline reference for scband-simplest-gcn-90769838834128 (READ-ONLY COPY).

The authoritative reference and input builder live on the scoring server;
editing this copy changes nothing except your own understanding.
"""

import jax, jax.numpy as jnp
import numpy as np

N = 10000
E = 160000
D = 256
C = 64
NUM_GRAPHS = 128

def setup_inputs(seed: int = 0) -> dict:
    key = jax.random.key(seed)
    k1, k2, k3, k4, k5 = jax.random.split(key, 5)
    x = jax.random.normal(k1, (N, D), dtype=jnp.float32)
    edge_index = jax.random.randint(k2, (2, E), 0, N, dtype=jnp.int32)
    edge_weights = jax.random.uniform(k3, (E,), dtype=jnp.float32)
    batch = jnp.sort(jax.random.randint(k4, (N,), 0, NUM_GRAPHS, dtype=jnp.int32))
    W = jax.random.normal(k5, (D, C), dtype=jnp.float32) * (1.0 / np.sqrt(D))
    b = jnp.zeros((C,), dtype=jnp.float32)
    return {"x": x, "edge_index": edge_index, "edge_weights": edge_weights, "batch": batch, "W": W, "b": b}

def reference(x, edge_index, edge_weights, batch, W, b):
    # GCNConv with edge weights (PyG semantics): add self-loops (weight 1),
    # symmetric normalization, linear transform, scatter-add aggregate, bias.
    n = x.shape[0]
    src = edge_index[0]
    dst = edge_index[1]
    loop = jnp.arange(n, dtype=src.dtype)
    src2 = jnp.concatenate([src, loop])
    dst2 = jnp.concatenate([dst, loop])
    ew2 = jnp.concatenate([edge_weights, jnp.ones((n,), dtype=edge_weights.dtype)])
    deg = jnp.zeros((n,), dtype=x.dtype).at[dst2].add(ew2)
    deg_inv_sqrt = jnp.where(deg > 0, jax.lax.rsqrt(jnp.maximum(deg, 1e-12)), 0.0)
    norm = deg_inv_sqrt[src2] * ew2 * deg_inv_sqrt[dst2]
    h = x @ W
    msg = h[src2] * norm[:, None]
    agg = jnp.zeros((n, h.shape[1]), dtype=h.dtype).at[dst2].add(msg)
    out = agg + b
    # global_mean_pool over graph ids
    sums = jax.ops.segment_sum(out, batch, num_segments=NUM_GRAPHS)
    counts = jax.ops.segment_sum(jnp.ones((n,), dtype=out.dtype), batch, num_segments=NUM_GRAPHS)
    pooled = sums / jnp.maximum(counts, 1.0)[:, None]
    return jax.nn.log_softmax(pooled, axis=1)

if __name__ == "__main__":
    import jax
    _d = setup_inputs()
    print(jax.jit(kernel)(*tuple(_d.values())))

</pallas_src>

<mosaic_0001>
#map = affine_map<(d0, d1) -> (0)>
#map1 = affine_map<(d0, d1) -> (0, 0)>
module attributes {stable_mosaic.version = 14 : i64} {
  func.func @_gcn_sc(%arg0: i32, %arg1: i32, %arg2: memref<320000xi32, #tpu.memory_space<hbm>>, %arg3: memref<160000xf32, #tpu.memory_space<hbm>>, %arg4: memref<10000xi32, #tpu.memory_space<hbm>>, %arg5: memref<2x655360xf32, #tpu.memory_space<hbm>>, %arg6: memref<2x256xf32, #tpu.memory_space<hbm>>, %arg7: memref<10000xi32, #tpu.memory_space<vmem>>, %arg8: memref<10000xi32, #tpu.memory_space<vmem>>, %arg9: memref<10000xf32, #tpu.memory_space<vmem>>, %arg10: memref<10240xi32, #tpu.memory_space<vmem>>, %arg11: memref<10240xf32, #tpu.memory_space<vmem>>, %arg12: memref<10240xf32, #tpu.memory_space<vmem>>, %arg13: memref<640xf32, #tpu.memory_space<vmem>>, %arg14: memref<640xf32, #tpu.memory_space<vmem>>, %arg15: memref<640xf32, #tpu.memory_space<vmem>>, %arg16: memref<128xi32, #tpu.memory_space<vmem>>, %arg17: memref<128xi32, #tpu.memory_space<vmem>>, %arg18: memref<128xi32, #tpu.memory_space<vmem>>, %arg19: memref<128xi32, #tpu.memory_space<vmem>>, %arg20: memref<128xi32, #tpu.memory_space<vmem>>, %arg21: memref<128xi32, #tpu.memory_space<vmem>>, %arg22: memref<128xf32, #tpu.memory_space<vmem>>, %arg23: memref<128xf32, #tpu.memory_space<vmem>>, %arg24: memref<128xf32, #tpu.memory_space<vmem>>, %arg25: memref<128xf32, #tpu.memory_space<vmem>>, %arg26: memref<128xf32, #tpu.memory_space<vmem>>, %arg27: memref<128xf32, #tpu.memory_space<vmem>>, %arg28: memref<16xi32, #tpu.memory_space<vmem>>, %arg29: memref<16xf32, #tpu.memory_space<vmem>>, %arg30: memref<8192xf32, #tpu.memory_space<vmem>>, %arg31: memref<10240xf32, #tpu.memory_space<vmem_shared>>, %arg32: memref<256xf32, #tpu.memory_space<vmem_shared>>, %arg33: memref<10240xf32, #tpu.memory_space<vmem_shared>>, %arg34: memref<10240xf32, #tpu.memory_space<vmem_shared>>, %arg35: memref<655488xf32, #tpu.memory_space<vmem_shared>>, %arg36: memref<!tpu.dma_semaphore, #tpu.memory_space<semaphore_mem>>, %arg37: memref<!tpu.dma_semaphore, #tpu.memory_space<semaphore_mem>>, %arg38: memref<!tpu.dma_semaphore, #tpu.memory_space<semaphore_mem>>, %arg39: memref<!tpu.dma_semaphore, #tpu.memory_space<semaphore_mem>>, %arg40: memref<!tpu.dma_semaphore, #tpu.memory_space<semaphore_mem>>, %arg41: memref<!tpu.dma_semaphore, #tpu.memory_space<semaphore_mem>>, %arg42: memref<!tpu.dma_semaphore, #tpu.memory_space<semaphore_mem>>, %arg43: memref<!tpu.dma_semaphore, #tpu.memory_space<semaphore_mem>>) attributes {dimension_semantics = [#tpu.dimension_semantics<core_parallel>, #tpu.dimension_semantics<subcore_parallel>], iteration_bounds = array<i64: 2, 16>, scalar_prefetch = 0 : i64, scratch_operands = 37 : i64, tpu.core_type = #tpu.core_type<sc_vector_subcore>, window_params = [{transform_indices = #map}, {transform_indices = #map}, {transform_indices = #map}, {transform_indices = #map1}, {transform_indices = #map1}]} {
    %mul3A = arith.constant 64 : i32
    %mul3A_0 = arith.muli %arg0, %mul3A : i32
    %iota3A = tpu.iota {dimensions = array<i32: 0>} : vector<16xi32>
    %mul3A_1 = arith.constant 10000 : i32
    %mul3A_2 = arith.muli %arg1, %mul3A_1 : i32
    %dma_start3A = tpu.memref_slice %arg2[%mul3A_2] : memref<320000xi32, #tpu.memory_space<hbm>> -> memref<10000xi32, #tpu.memory_space<hbm>>
    %dma_start3A_3 = tpu.memref_slice %arg2[%mul3A_2] : memref<320000xi32, #tpu.memory_space<hbm>> -> memref<10000xi32, #tpu.memory_space<hbm>>
    tpu.enqueue_dma source(%dma_start3A_3 : memref<10000xi32, #tpu.memory_space<hbm>>) target(%arg7 : memref<10000xi32, #tpu.memory_space<vmem>>) target_semaphore(%arg40 : memref<!tpu.dma_semaphore, #tpu.memory_space<semaphore_mem>>)
    %mul3A_4 = arith.constant 10000 : i32
    %mul3A_5 = arith.muli %arg1, %mul3A_4 : i32
    %add3A = arith.constant 160000 : i32
    %add3A_6 = arith.addi %add3A, %mul3A_5 : i32
    %dma_start3A_7 = tpu.memref_slice %arg2[%add3A_6] : memref<320000xi32, #tpu.memory_space<hbm>> -> memref<10000xi32, #tpu.memory_space<hbm>>
    %dma_start3A_8 = tpu.memref_slice %arg2[%add3A_6] : memref<320000xi32, #tpu.memory_space<hbm>> -> memref<10000xi32, #tpu.memory_space<hbm>>
    tpu.enqueue_dma source(%dma_start3A_8 : memref<10000xi32, #tpu.memory_space<hbm>>) target(%arg8 : memref<10000xi32, #tpu.memory_space<vmem>>) target_semaphore(%arg41 : memref<!tpu.dma_semaphore, #tpu.memory_space<semaphore_mem>>)
    %mul3A_9 = arith.constant 10000 : i32
    %mul3A_10 = arith.muli %arg1, %mul3A_9 : i32
    %dma_start3A_11 = tpu.memref_slice %arg3[%mul3A_10] : memref<160000xf32, #tpu.memory_space<hbm>> -> memref<10000xf32, #tpu.memory_space<hbm>>
    %dma_start3A_12 = tpu.memref_slice %arg3[%mul3A_10] : memref<160000xf32, #tpu.memory_space<hbm>> -> memref<10000xf32, #tpu.memory_space<hbm>>
    tpu.enqueue_dma source(%dma_start3A_12 : memref<10000xf32, #tpu.memory_space<hbm>>) target(%arg9 : memref<10000xf32, #tpu.memory_space<vmem>>) target_semaphore(%arg42 : memref<!tpu.dma_semaphore, #tpu.memory_space<semaphore_mem>>)
    %dma_start3A_13 = arith.constant 0 : i32
    %dma_start3A_14 = tpu.memref_slice %arg10[%dma_start3A_13] : memref<10240xi32, #tpu.memory_space<vmem>> -> memref<10000xi32, #tpu.memory_space<vmem>>
    %dma_start3A_15 = arith.constant 0 : i32
    %dma_start3A_16 = tpu.memref_slice %arg10[%dma_start3A_15] : memref<10240xi32, #tpu.memory_space<vmem>> -> memref<10000xi32, #tpu.memory_space<vmem>>
    tpu.enqueue_dma source(%arg4 : memref<10000xi32, #tpu.memory_space<hbm>>) target(%dma_start3A_16 : memref<10000xi32, #tpu.memory_space<vmem>>) target_semaphore(%arg43 : memref<!tpu.dma_semaphore, #tpu.memory_space<semaphore_mem>>)
    %broadcast_in_dim3A = arith.constant 0 : i32
    %broadcast_in_dim3A_17 = vector.broadcast %broadcast_in_dim3A : i32 to vector<16xi32>
    %swap3A = arith.constant 10000 : index
    %swap3A_18 = tpu.vector_load %arg10[%swap3A] {strides = array<i32>} : memref<10240xi32, #tpu.memory_space<vmem>>, vector<16xi32>,
    tpu.vector_store %arg10[%swap3A], %broadcast_in_dim3A_17 {strides = array<i32>} : memref<10240xi32, #tpu.memory_space<vmem>>, vector<16xi32>,
    %broadcast_in_dim3A_19 = arith.constant 0 : i32
    %broadcast_in_dim3A_20 = vector.broadcast %broadcast_in_dim3A_19 : i32 to vector<16xi32>
    %swap3A_21 = arith.constant 10016 : index
    %swap3A_22 = tpu.vector_load %arg10[%swap3A_21] {strides = array<i32>} : memref<10240xi32, #tpu.memory_space<vmem>>, vector<16xi32>,
    tpu.vector_store %arg10[%swap3A_21], %broadcast_in_dim3A_20 {strides = array<i32>} : memref<10240xi32, #tpu.memory_space<vmem>>, vector<16xi32>,
    %broadcast_in_dim3A_23 = arith.constant 0 : i32
    %broadcast_in_dim3A_24 = vector.broadcast %broadcast_in_dim3A_23 : i32 to vector<16xi32>
    %swap3A_25 = arith.constant 10032 : index
    %swap3A_26 = tpu.vector_load %arg10[%swap3A_25] {strides = array<i32>} : memref<10240xi32, #tpu.memory_space<vmem>>, vector<16xi32>,
    tpu.vector_store %arg10[%swap3A_25], %broadcast_in_dim3A_24 {strides = array<i32>} : memref<10240xi32, #tpu.memory_space<vmem>>, vector<16xi32>,
    %broadcast_in_dim3A_27 = arith.constant 0 : i32
    %broadcast_in_dim3A_28 = vector.broadcast %broadcast_in_dim3A_27 : i32 to vector<16xi32>
    %swap3A_29 = arith.constant 10048 : index
    %swap3A_30 = tpu.vector_load %arg10[%swap3A_29] {strides = array<i32>} : memref<10240xi32, #tpu.memory_space<vmem>>, vector<16xi32>,
    tpu.vector_store %arg10[%swap3A_29], %broadcast_in_dim3A_28 {strides = array<i32>} : memref<10240xi32, #tpu.memory_space<vmem>>, vector<16xi32>,
    %broadcast_in_dim3A_31 = arith.constant 0 : i32
    %broadcast_in_dim3A_32 = vector.broadcast %broadcast_in_dim3A_31 : i32 to vector<16xi32>
    %swap3A_33 = arith.constant 10064 : index
    %swap3A_34 = tpu.vector_load %arg10[%swap3A_33] {strides = array<i32>} : memref<10240xi32, #tpu.memory_space<vmem>>, vector<16xi32>,
    tpu.vector_store %arg10[%swap3A_33], %broadcast_in_dim3A_32 {strides = array<i32>} : memref<10240xi32, #tpu.memory_space<vmem>>, vector<16xi32>,
    %broadcast_in_dim3A_35 = arith.constant 0 : i32
    %broadcast_in_dim3A_36 = vector.broadcast %broadcast_in_dim3A_35 : i32 to vector<16xi32>
    %swap3A_37 = arith.constant 10080 : index
    %swap3A_38 = tpu.vector_load %arg10[%swap3A_37] {strides = array<i32>} : memref<10240xi32, #tpu.memory_space<vmem>>, vector<16xi32>,
    tpu.vector_store %arg10[%swap3A_37], %broadcast_in_dim3A_36 {strides = array<i32>} : memref<10240xi32, #tpu.memory_space<vmem>>, vector<16xi32>,
    %broadcast_in_dim3A_39 = arith.constant 0 : i32
    %broadcast_in_dim3A_40 = vector.broadcast %broadcast_in_dim3A_39 : i32 to vector<16xi32>
    %swap3A_41 = arith.constant 10096 : index
    %swap3A_42 = tpu.vector_load %arg10[%swap3A_41] {strides = array<i32>} : memref<10240xi32, #tpu.memory_space<vmem>>, vector<16xi32>,
    tpu.vector_store %arg10[%swap3A_41], %broadcast_in_dim3A_40 {strides = array<i32>} : memref<10240xi32, #tpu.memory_space<vmem>>, vector<16xi32>,
    %broadcast_in_dim3A_43 = arith.constant 0 : i32
    %broadcast_in_dim3A_44 = vector.broadcast %broadcast_in_dim3A_43 : i32 to vector<16xi32>
    %swap3A_45 = arith.constant 10112 : index
    %swap3A_46 = tpu.vector_load %arg10[%swap3A_45] {strides = array<i32>} : memref<10240xi32, #tpu.memory_space<vmem>>, vector<16xi32>,
    tpu.vector_store %arg10[%swap3A_45], %broadcast_in_dim3A_44 {strides = array<i32>} : memref<10240xi32, #tpu.memory_space<vmem>>, vector<16xi32>,
    %broadcast_in_dim3A_47 = arith.constant 0 : i32
    %broadcast_in_dim3A_48 = vector.broadcast %broadcast_in_dim3A_47 : i32 to vector<16xi32>
    %swap3A_49 = arith.constant 10128 : index
    %swap3A_50 = tpu.vector_load %arg10[%swap3A_49] {strides = array<i32>} : memref<10240xi32, #tpu.memory_space<vmem>>, vector<16xi32>,
    tpu.vector_store %arg10[%swap3A_49], %broadcast_in_dim3A_48 {strides = array<i32>} : memref<10240xi32, #tpu.memory_space<vmem>>, vector<16xi32>,
    %broadcast_in_dim3A_51 = arith.constant 0 : i32
    %broadcast_in_dim3A_52 = vector.broadcast %broadcast_in_dim3A_51 : i32 to vector<16xi32>
    %swap3A_53 = arith.constant 10144 : index
    %swap3A_54 = tpu.vector_load %arg10[%swap3A_53] {strides = array<i32>} : memref<10240xi32, #tpu.memory_space<vmem>>, vector<16xi32>,
    tpu.vector_store %arg10[%swap3A_53], %broadcast_in_dim3A_52 {strides = array<i32>} : memref<10240xi32, #tpu.memory_space<vmem>>, vector<16xi32>,
    %broadcast_in_dim3A_55 = arith.constant 0 : i32
    %broadcast_in_dim3A_56 = vector.broadcast %broadcast_in_dim3A_55 : i32 to vector<16xi32>
    %swap3A_57 = arith.constant 10160 : index
    %swap3A_58 = tpu.vector_load %arg10[%swap3A_57] {strides = array<i32>} : memref<10240xi32, #tpu.memory_space<vmem>>, vector<16xi32>,
    tpu.vector_store %arg10[%swap3A_57], %broadcast_in_dim3A_56 {strides = array<i32>} : memref<10240xi32, #tpu.memory_space<vmem>>, vector<16xi32>,
    %broadcast_in_dim3A_59 = arith.constant 0 : i32
    %broadcast_in_dim3A_60 = vector.broadcast %broadcast_in_dim3A_59 : i32 to vector<16xi32>
    %swap3A_61 = arith.constant 10176 : index
    %swap3A_62 = tpu.vector_load %arg10[%swap3A_61] {strides = array<i32>} : memref<10240xi32, #tpu.memory_space<vmem>>, vector<16xi32>,
    tpu.vector_store %arg10[%swap3A_61], %broadcast_in_dim3A_60 {strides = array<i32>} : memref<10240xi32, #tpu.memory_space<vmem>>, vector<16xi32>,
    %broadcast_in_dim3A_63 = arith.constant 0 : i32
    %broadcast_in_dim3A_64 = vector.broadcast %broadcast_in_dim3A_63 : i32 to vector<16xi32>
    %swap3A_65 = arith.constant 10192 : index
    %swap3A_66 = tpu.vector_load %arg10[%swap3A_65] {strides = array<i32>} : memref<10240xi32, #tpu.memory_space<vmem>>, vector<16xi32>,
    tpu.vector_store %arg10[%swap3A_65], %broadcast_in_dim3A_64 {strides = array<i32>} : memref<10240xi32, #tpu.memory_space<vmem>>, vector<16xi32>,
    %broadcast_in_dim3A_67 = arith.constant 0 : i32
    %broadcast_in_dim3A_68 = vector.broadcast %broadcast_in_dim3A_67 : i32 to vector<16xi32>
    %swap3A_69 = arith.constant 10208 : index
    %swap3A_70 = tpu.vector_load %arg10[%swap3A_69] {strides = array<i32>} : memref<10240xi32, #tpu.memory_space<vmem>>, vector<16xi32>,
    tpu.vector_store %arg10[%swap3A_69], %broadcast_in_dim3A_68 {strides = array<i32>} : memref<10240xi32, #tpu.memory_space<vmem>>, vector<16xi32>,
    %broadcast_in_dim3A_71 = arith.constant 0 : i32
    %broadcast_in_dim3A_72 = vector.broadcast %broadcast_in_dim3A_71 : i32 to vector<16xi32>
    %swap3A_73 = arith.constant 10224 : index
    %swap3A_74 = tpu.vector_load %arg10[%swap3A_73] {strides = array<i32>} : memref<10240xi32, #tpu.memory_space<vmem>>, vector<16xi32>,
    tpu.vector_store %arg10[%swap3A_73], %broadcast_in_dim3A_72 {strides = array<i32>} : memref<10240xi32, #tpu.memory_space<vmem>>, vector<16xi32>,
    %broadcast_in_dim3A_75 = arith.constant 0.000000e+00 : f32
    %broadcast_in_dim3A_76 = vector.broadcast %broadcast_in_dim3A_75 : f32 to vector<16xf32>
    %scan3A = arith.constant 0 : i32
    %scan3A_77 = arith.constant 0 : i32
    %scan3A_78 = arith.constant 512 : i32
    %scan3A_79 = arith.addi %scan3A_77, %scan3A_78 : i32
    %scan3A_80 = arith.constant 1 : i32
    scf.for %scan3A_453 = %scan3A_77 to %scan3A_79 step %scan3A_80  : i32 {
      %mul3A_454 = arith.constant 16 : i32
      %mul3A_455 = arith.muli %scan3A_453, %mul3A_454 : i32
      %swap3A_456 = arith.index_cast %mul3A_455 : i32 to index
      %swap3A_457 = tpu.vector_load %arg30[%swap3A_456] {strides = array<i32>} : memref<8192xf32, #tpu.memory_space<vmem>>, vector<16xf32>,
      tpu.vector_store %arg30[%swap3A_456], %broadcast_in_dim3A_76 {strides = array<i32>} : memref<8192xf32, #tpu.memory_space<vmem>>, vector<16xf32>,
    }
    %scan3A_81 = arith.constant 512 : i32
    %mul3A_82 = arith.constant 40960 : i32
    %mul3A_83 = arith.muli %arg1, %mul3A_82 : i32
    %add3A_84 = arith.constant 0 : i32
    %add3A_85 = arith.addi %mul3A_83, %add3A_84 : i32
    %dma_start3A_86 = tpu.memref_slice %arg35[%add3A_85] : memref<655488xf32, #tpu.memory_space<vmem_shared>> -> memref<8192xf32, #tpu.memory_space<vmem_shared>>
    %dma_start3A_87 = tpu.memref_slice %arg35[%add3A_85] : memref<655488xf32, #tpu.memory_space<vmem_shared>> -> memref<8192xf32, #tpu.memory_space<vmem_shared>>
    tpu.enqueue_dma source(%arg30 : memref<8192xf32, #tpu.memory_space<vmem>>) target(%dma_start3A_87 : memref<8192xf32, #tpu.memory_space<vmem_shared>>) target_semaphore(%arg36 : memref<!tpu.dma_semaphore, #tpu.memory_space<semaphore_mem>>)
    %mul3A_88 = arith.constant 40960 : i32
    %mul3A_89 = arith.muli %arg1, %mul3A_88 : i32
    %add3A_90 = arith.constant 8192 : i32
    %add3A_91 = arith.addi %mul3A_89, %add3A_90 : i32
    %dma_start3A_92 = tpu.memref_slice %arg35[%add3A_91] : memref<655488xf32, #tpu.memory_space<vmem_shared>> -> memref<8192xf32, #tpu.memory_space<vmem_shared>>
    %dma_start3A_93 = tpu.memref_slice %arg35[%add3A_91] : memref<655488xf32, #tpu.memory_space<vmem_shared>> -> memref<8192xf32, #tpu.memory_space<vmem_shared>>
    tpu.enqueue_dma source(%arg30 : memref<8192xf32, #tpu.memory_space<vmem>>) target(%dma_start3A_93 : memref<8192xf32, #tpu.memory_space<vmem_shared>>) target_semaphore(%arg37 : memref<!tpu.dma_semaphore, #tpu.memory_space<semaphore_mem>>)
    %mul3A_94 = arith.constant 40960 : i32
    %mul3A_95 = arith.muli %arg1, %mul3A_94 : i32
    %add3A_96 = arith.constant 16384 : i32
    %add3A_97 = arith.addi %mul3A_95, %add3A_96 : i32
    %dma_start3A_98 = tpu.memref_slice %arg35[%add3A_97] : memref<655488xf32, #tpu.memory_space<vmem_shared>> -> memref<8192xf32, #tpu.memory_space<vmem_shared>>
    %dma_start3A_99 = tpu.memref_slice %arg35[%add3A_97] : memref<655488xf32, #tpu.memory_space<vmem_shared>> -> memref<8192xf32, #tpu.memory_space<vmem_shared>>
    tpu.enqueue_dma source(%arg30 : memref<8192xf32, #tpu.memory_space<vmem>>) target(%dma_start3A_99 : memref<8192xf32, #tpu.memory_space<vmem_shared>>) target_semaphore(%arg38 : memref<!tpu.dma_semaphore, #tpu.memory_space<semaphore_mem>>)
    %mul3A_100 = arith.constant 40960 : i32
    %mul3A_101 = arith.muli %arg1, %mul3A_100 : i32
    %add3A_102 = arith.constant 24576 : i32
    %add3A_103 = arith.addi %mul3A_101, %add3A_102 : i32
    %dma_start3A_104 = tpu.memref_slice %arg35[%add3A_103] : memref<655488xf32, #tpu.memory_space<vmem_shared>> -> memref<8192xf32, #tpu.memory_space<vmem_shared>>
    %dma_start3A_105 = tpu.memref_slice %arg35[%add3A_103] : memref<655488xf32, #tpu.memory_space<vmem_shared>> -> memref<8192xf32, #tpu.memory_space<vmem_shared>>
    tpu.enqueue_dma source(%arg30 : memref<8192xf32, #tpu.memory_space<vmem>>) target(%dma_start3A_105 : memref<8192xf32, #tpu.memory_space<vmem_shared>>) target_semaphore(%arg39 : memref<!tpu.dma_semaphore, #tpu.memory_space<semaphore_mem>>)
    %mul3A_106 = arith.constant 640 : i32
    %mul3A_107 = arith.muli %arg1, %mul3A_106 : i32
    "tpu.region"() ({
      %run_scoped3A = tpu.sem_alloc : memref<!tpu.dma_semaphore, #tpu.memory_space<semaphore_mem>>
      %dma_start3A_453 = arith.constant 0 : i32
      %dma_start3A_454 = tpu.memref_slice %arg30[%dma_start3A_453] : memref<8192xf32, #tpu.memory_space<vmem>> -> memref<640xf32, #tpu.memory_space<vmem>>
      %dma_start3A_455 = tpu.memref_slice %arg31[%mul3A_107] : memref<10240xf32, #tpu.memory_space<vmem_shared>> -> memref<640xf32, #tpu.memory_space<vmem_shared>>
      %dma_start3A_456 = tpu.memref_slice %arg31[%mul3A_107] : memref<10240xf32, #tpu.memory_space<vmem_shared>> -> memref<640xf32, #tpu.memory_space<vmem_shared>>
      %dma_start3A_457 = arith.constant 0 : i32
      %dma_start3A_458 = tpu.memref_slice %arg30[%dma_start3A_457] : memref<8192xf32, #tpu.memory_space<vmem>> -> memref<640xf32, #tpu.memory_space<vmem>>
      tpu.enqueue_dma source(%dma_start3A_458 : memref<640xf32, #tpu.memory_space<vmem>>) target(%dma_start3A_456 : memref<640xf32, #tpu.memory_space<vmem_shared>>) target_semaphore(%run_scoped3A : memref<!tpu.dma_semaphore, #tpu.memory_space<semaphore_mem>>)
      %dma_wait3A_459 = arith.constant 0 : i32
      %dma_wait3A_460 = tpu.memref_slice %arg30[%dma_wait3A_459] : memref<8192xf32, #tpu.memory_space<vmem>> -> memref<640xf32, #tpu.memory_space<vmem>>
      %dma_wait3A_461 = tpu.memref_slice %arg31[%mul3A_107] : memref<10240xf32, #tpu.memory_space<vmem_shared>> -> memref<640xf32, #tpu.memory_space<vmem_shared>>
      %dma_wait3A_462 = tpu.memref_slice %arg31[%mul3A_107] : memref<10240xf32, #tpu.memory_space<vmem_shared>> -> memref<640xf32, #tpu.memory_space<vmem_shared>>
      %dma_wait3A_463 = arith.constant 0 : i32
      %dma_wait3A_464 = tpu.memref_slice %arg30[%dma_wait3A_463] : memref<8192xf32, #tpu.memory_space<vmem>> -> memref<640xf32, #tpu.memory_space<vmem>>
      tpu.wait_dma2 semaphore(%run_scoped3A : memref<!tpu.dma_semaphore, #tpu.memory_space<semaphore_mem>>) src(%dma_wait3A_464 : memref<640xf32, #tpu.memory_space<vmem>>) dst(%dma_wait3A_462 : memref<640xf32, #tpu.memory_space<vmem_shared>>)
      tpu.yield
    }) : () -> ()
    %eq3A = arith.constant 0 : i32
    %eq3A_108 = arith.cmpi eq, %arg1, %eq3A : i32
    %convert_element_type3A = arith.extui %eq3A_108 : i1 to i32
    %cond3A = arith.constant 0 : i32
    %cond3A_109 = arith.cmpi ne, %convert_element_type3A, %cond3A : i32
    scf.if %cond3A_109 {
      "tpu.region"() ({
        %run_scoped3A = tpu.sem_alloc : memref<!tpu.dma_semaphore, #tpu.memory_space<semaphore_mem>>
        %dma_start3A_453 = arith.constant 0 : i32
        %dma_start3A_454 = tpu.memref_slice %arg30[%dma_start3A_453] : memref<8192xf32, #tpu.memory_space<vmem>> -> memref<256xf32, #tpu.memory_space<vmem>>
        %dma_start3A_455 = arith.constant 0 : i32
        %dma_start3A_456 = tpu.memref_slice %arg30[%dma_start3A_455] : memref<8192xf32, #tpu.memory_space<vmem>> -> memref<256xf32, #tpu.memory_space<vmem>>
        tpu.enqueue_dma source(%dma_start3A_456 : memref<256xf32, #tpu.memory_space<vmem>>) target(%arg32 : memref<256xf32, #tpu.memory_space<vmem_shared>>) target_semaphore(%run_scoped3A : memref<!tpu.dma_semaphore, #tpu.memory_space<semaphore_mem>>)
        %dma_wait3A_457 = arith.constant 0 : i32
        %dma_wait3A_458 = tpu.memref_slice %arg30[%dma_wait3A_457] : memref<8192xf32, #tpu.memory_space<vmem>> -> memref<256xf32, #tpu.memory_space<vmem>>
        %dma_wait3A_459 = arith.constant 0 : i32
        %dma_wait3A_460 = tpu.memref_slice %arg30[%dma_wait3A_459] : memref<8192xf32, #tpu.memory_space<vmem>> -> memref<256xf32, #tpu.memory_space<vmem>>
        tpu.wait_dma2 semaphore(%run_scoped3A : memref<!tpu.dma_semaphore, #tpu.memory_space<semaphore_mem>>) src(%dma_wait3A_460 : memref<256xf32, #tpu.memory_space<vmem>>) dst(%arg32 : memref<256xf32, #tpu.memory_space<vmem_shared>>)
        tpu.yield
      }) : () -> ()
    } else {
    }
    %mul3A_110 = arith.constant 40960 : i32
    %mul3A_111 = arith.muli %arg1, %mul3A_110 : i32
    %dma_wait3A = tpu.memref_slice %arg35[%mul3A_111] : memref<655488xf32, #tpu.memory_space<vmem_shared>> -> memref<8192xf32, #tpu.memory_space<vmem_shared>>
    %dma_wait3A_112 = tpu.memref_slice %arg35[%mul3A_111] : memref<655488xf32, #tpu.memory_space<vmem_shared>> -> memref<8192xf32, #tpu.memory_space<vmem_shared>>
    tpu.wait_dma2 semaphore(%arg36 : memref<!tpu.dma_semaphore, #tpu.memory_space<semaphore_mem>>) src(%arg30 : memref<8192xf32, #tpu.memory_space<vmem>>) dst(%dma_wait3A_112 : memref<8192xf32, #tpu.memory_space<vmem_shared>>)
    %mul3A_113 = arith.constant 40960 : i32
    %mul3A_114 = arith.muli %arg1, %mul3A_113 : i32
    %add3A_115 = arith.constant 32768 : i32
    %add3A_116 = arith.addi %mul3A_114, %add3A_115 : i32
    "tpu.region"() ({
      %run_scoped3A = tpu.sem_alloc : memref<!tpu.dma_semaphore, #tpu.memory_space<semaphore_mem>>
      %dma_start3A_453 = tpu.memref_slice %arg35[%add3A_116] : memref<655488xf32, #tpu.memory_space<vmem_shared>> -> memref<8192xf32, #tpu.memory_space<vmem_shared>>
      %dma_start3A_454 = tpu.memref_slice %arg35[%add3A_116] : memref<655488xf32, #tpu.memory_space<vmem_shared>> -> memref<8192xf32, #tpu.memory_space<vmem_shared>>
      tpu.enqueue_dma source(%arg30 : memref<8192xf32, #tpu.memory_space<vmem>>) target(%dma_start3A_454 : memref<8192xf32, #tpu.memory_space<vmem_shared>>) target_semaphore(%run_scoped3A : memref<!tpu.dma_semaphore, #tpu.memory_space<semaphore_mem>>)
      %dma_wait3A_455 = tpu.memref_slice %arg35[%add3A_116] : memref<655488xf32, #tpu.memory_space<vmem_shared>> -> memref<8192xf32, #tpu.memory_space<vmem_shared>>
      %dma_wait3A_456 = tpu.memref_slice %arg35[%add3A_116] : memref<655488xf32, #tpu.memory_space<vmem_shared>> -> memref<8192xf32, #tpu.memory_space<vmem_shared>>
      tpu.wait_dma2 semaphore(%run_scoped3A : memref<!tpu.dma_semaphore, #tpu.memory_space<semaphore_mem>>) src(%arg30 : memref<8192xf32, #tpu.memory_space<vmem>>) dst(%dma_wait3A_456 : memref<8192xf32, #tpu.memory_space<vmem_shared>>)
      tpu.yield
    }) : () -> ()
    %mul3A_117 = arith.constant 40960 : i32
    %mul3A_118 = arith.muli %arg1, %mul3A_117 : i32
    %add3A_119 = arith.constant 8192 : i32
    %add3A_120 = arith.addi %mul3A_118, %add3A_119 : i32
    %dma_wait3A_121 = tpu.memref_slice %arg35[%add3A_120] : memref<655488xf32, #tpu.memory_space<vmem_shared>> -> memref<8192xf32, #tpu.memory_space<vmem_shared>>
    %dma_wait3A_122 = tpu.memref_slice %arg35[%add3A_120] : memref<655488xf32, #tpu.memory_space<vmem_shared>> -> memref<8192xf32, #tpu.memory_space<vmem_shared>>
    tpu.wait_dma2 semaphore(%arg37 : memref<!tpu.dma_semaphore, #tpu.memory_space<semaphore_mem>>) src(%arg30 : memref<8192xf32, #tpu.memory_space<vmem>>) dst(%dma_wait3A_122 : memref<8192xf32, #tpu.memory_space<vmem_shared>>)
    %mul3A_123 = arith.constant 40960 : i32
    %mul3A_124 = arith.muli %arg1, %mul3A_123 : i32
    %add3A_125 = arith.constant 16384 : i32
    %add3A_126 = arith.addi %mul3A_124, %add3A_125 : i32
    %dma_wait3A_127 = tpu.memref_slice %arg35[%add3A_126] : memref<655488xf32, #tpu.memory_space<vmem_shared>> -> memref<8192xf32, #tpu.memory_space<vmem_shared>>
    %dma_wait3A_128 = tpu.memref_slice %arg35[%add3A_126] : memref<655488xf32, #tpu.memory_space<vmem_shared>> -> memref<8192xf32, #tpu.memory_space<vmem_shared>>
    tpu.wait_dma2 semaphore(%arg38 : memref<!tpu.dma_semaphore, #tpu.memory_space<semaphore_mem>>) src(%arg30 : memref<8192xf32, #tpu.memory_space<vmem>>) dst(%dma_wait3A_128 : memref<8192xf32, #tpu.memory_space<vmem_shared>>)
    %mul3A_129 = arith.constant 40960 : i32
    %mul3A_130 = arith.muli %arg1, %mul3A_129 : i32
    %add3A_131 = arith.constant 24576 : i32
    %add3A_132 = arith.addi %mul3A_130, %add3A_131 : i32
    %dma_wait3A_133 = tpu.memref_slice %arg35[%add3A_132] : memref<655488xf32, #tpu.memory_space<vmem_shared>> -> memref<8192xf32, #tpu.memory_space<vmem_shared>>
    %dma_wait3A_134 = tpu.memref_slice %arg35[%add3A_132] : memref<655488xf32, #tpu.memory_space<vmem_shared>> -> memref<8192xf32, #tpu.memory_space<vmem_shared>>
    tpu.wait_dma2 semaphore(%arg39 : memref<!tpu.dma_semaphore, #tpu.memory_space<semaphore_mem>>) src(%arg30 : memref<8192xf32, #tpu.memory_space<vmem>>) dst(%dma_wait3A_134 : memref<8192xf32, #tpu.memory_space<vmem_shared>>)
    %mul3A_135 = arith.constant 10000 : i32
    %mul3A_136 = arith.muli %arg1, %mul3A_135 : i32
    %dma_wait3A_137 = tpu.memref_slice %arg2[%mul3A_136] : memref<320000xi32, #tpu.memory_space<hbm>> -> memref<10000xi32, #tpu.memory_space<hbm>>
    %dma_wait3A_138 = tpu.memref_slice %arg2[%mul3A_136] : memref<320000xi32, #tpu.memory_space<hbm>> -> memref<10000xi32, #tpu.memory_space<hbm>>
    tpu.wait_dma2 semaphore(%arg40 : memref<!tpu.dma_semaphore, #tpu.memory_space<semaphore_mem>>) src(%dma_wait3A_138 : memref<10000xi32, #tpu.memory_space<hbm>>) dst(%arg7 : memref<10000xi32, #tpu.memory_space<vmem>>)
    %mul3A_139 = arith.constant 10000 : i32
    %mul3A_140 = arith.muli %arg1, %mul3A_139 : i32
    %add3A_141 = arith.constant 160000 : i32
    %add3A_142 = arith.addi %add3A_141, %mul3A_140 : i32
    %dma_wait3A_143 = tpu.memref_slice %arg2[%add3A_142] : memref<320000xi32, #tpu.memory_space<hbm>> -> memref<10000xi32, #tpu.memory_space<hbm>>
    %dma_wait3A_144 = tpu.memref_slice %arg2[%add3A_142] : memref<320000xi32, #tpu.memory_space<hbm>> -> memref<10000xi32, #tpu.memory_space<hbm>>
    tpu.wait_dma2 semaphore(%arg41 : memref<!tpu.dma_semaphore, #tpu.memory_space<semaphore_mem>>) src(%dma_wait3A_144 : memref<10000xi32, #tpu.memory_space<hbm>>) dst(%arg8 : memref<10000xi32, #tpu.memory_space<vmem>>)
    %mul3A_145 = arith.constant 10000 : i32
    %mul3A_146 = arith.muli %arg1, %mul3A_145 : i32
    %dma_wait3A_147 = tpu.memref_slice %arg3[%mul3A_146] : memref<160000xf32, #tpu.memory_space<hbm>> -> memref<10000xf32, #tpu.memory_space<hbm>>
    %dma_wait3A_148 = tpu.memref_slice %arg3[%mul3A_146] : memref<160000xf32, #tpu.memory_space<hbm>> -> memref<10000xf32, #tpu.memory_space<hbm>>
    tpu.wait_dma2 semaphore(%arg42 : memref<!tpu.dma_semaphore, #tpu.memory_space<semaphore_mem>>) src(%dma_wait3A_148 : memref<10000xf32, #tpu.memory_space<hbm>>) dst(%arg9 : memref<10000xf32, #tpu.memory_space<vmem>>)
    %dma_wait3A_149 = arith.constant 0 : i32
    %dma_wait3A_150 = tpu.memref_slice %arg10[%dma_wait3A_149] : memref<10240xi32, #tpu.memory_space<vmem>> -> memref<10000xi32, #tpu.memory_space<vmem>>
    %dma_wait3A_151 = arith.constant 0 : i32
    %dma_wait3A_152 = tpu.memref_slice %arg10[%dma_wait3A_151] : memref<10240xi32, #tpu.memory_space<vmem>> -> memref<10000xi32, #tpu.memory_space<vmem>>
    tpu.wait_dma2 semaphore(%arg43 : memref<!tpu.dma_semaphore, #tpu.memory_space<semaphore_mem>>) src(%arg4 : memref<10000xi32, #tpu.memory_space<hbm>>) dst(%dma_wait3A_152 : memref<10000xi32, #tpu.memory_space<vmem>>)
    %scan3A_153 = arith.constant 0 : i32
    %scan3A_154 = arith.constant 0 : i32
    %scan3A_155 = arith.constant 8 : i32
    %scan3A_156 = arith.addi %scan3A_154, %scan3A_155 : i32
    %scan3A_157 = arith.constant 1 : i32
    scf.for %scan3A_453 = %scan3A_154 to %scan3A_156 step %scan3A_157  : i32 {
      %mul3A_454 = arith.constant 16 : i32
      %mul3A_455 = arith.muli %scan3A_453, %mul3A_454 : i32
      %add3A_456 = arith.constant 0 : i32
      %add3A_457 = arith.addi %add3A_456, %mul3A_455 : i32
      %get3A_458 = arith.index_cast %add3A_457 : i32 to index
      %get3A_459 = tpu.vector_load %arg8[%get3A_458] {strides = array<i32>} : memref<10000xi32, #tpu.memory_space<vmem>>, vector<16xi32>,
      %mul3A_460 = arith.constant 16 : i32
      %mul3A_461 = arith.muli %scan3A_453, %mul3A_460 : i32
      %swap3A_462 = arith.index_cast %mul3A_461 : i32 to index
      %swap3A_463 = tpu.vector_load %arg16[%swap3A_462] {strides = array<i32>} : memref<128xi32, #tpu.memory_space<vmem>>, vector<16xi32>,
      tpu.vector_store %arg16[%swap3A_462], %get3A_459 {strides = array<i32>} : memref<128xi32, #tpu.memory_space<vmem>>, vector<16xi32>,
      %get3A_464 = arith.index_cast %add3A_457 : i32 to index
      %get3A_465 = tpu.vector_load %arg9[%get3A_464] {strides = array<i32>} : memref<10000xf32, #tpu.memory_space<vmem>>, vector<16xf32>,
      %mul3A_466 = arith.constant 16 : i32
      %mul3A_467 = arith.muli %scan3A_453, %mul3A_466 : i32
      %swap3A_468 = arith.index_cast %mul3A_467 : i32 to index
      %swap3A_469 = tpu.vector_load %arg22[%swap3A_468] {strides = array<i32>} : memref<128xf32, #tpu.memory_space<vmem>>, vector<16xf32>,
      tpu.vector_store %arg22[%swap3A_468], %get3A_465 {strides = array<i32>} : memref<128xf32, #tpu.memory_space<vmem>>, vector<16xf32>,
    }
    %scan3A_158 = arith.constant 8 : i32
    %dma_start3A_159 = arith.constant 0 : i32
    %dma_start3A_160 = tpu.memref_slice %arg31[%dma_start3A_159] : memref<10240xf32, #tpu.memory_space<vmem_shared>> -> memref<10240xf32, #tpu.memory_space<vmem_shared>>
    tpu.enqueue_indirect_dma source(%arg22 : memref<128xf32, #tpu.memory_space<vmem>>) target(%dma_start3A_160 : memref<10240xf32, #tpu.memory_space<vmem_shared>>) offsets(%arg16 : memref<128xi32, #tpu.memory_space<vmem>>) semaphore(%arg36 : memref<!tpu.dma_semaphore, #tpu.memory_space<semaphore_mem>>) {add = true}
    %scan3A_161 = arith.constant 0 : i32
    %scan3A_162 = arith.constant 0 : i32
    %scan3A_163 = arith.constant 8 : i32
    %scan3A_164 = arith.addi %scan3A_162, %scan3A_163 : i32
    %scan3A_165 = arith.constant 1 : i32
    scf.for %scan3A_453 = %scan3A_162 to %scan3A_164 step %scan3A_165  : i32 {
      %mul3A_454 = arith.constant 16 : i32
      %mul3A_455 = arith.muli %scan3A_453, %mul3A_454 : i32
      %add3A_456 = arith.constant 128 : i32
      %add3A_457 = arith.addi %add3A_456, %mul3A_455 : i32
      %get3A_458 = arith.index_cast %add3A_457 : i32 to index
      %get3A_459 = tpu.vector_load %arg8[%get3A_458] {strides = array<i32>} : memref<10000xi32, #tpu.memory_space<vmem>>, vector<16xi32>,
      %mul3A_460 = arith.constant 16 : i32
      %mul3A_461 = arith.muli %scan3A_453, %mul3A_460 : i32
      %swap3A_462 = arith.index_cast %mul3A_461 : i32 to index
      %swap3A_463 = tpu.vector_load %arg17[%swap3A_462] {strides = array<i32>} : memref<128xi32, #tpu.memory_space<vmem>>, vector<16xi32>,
      tpu.vector_store %arg17[%swap3A_462], %get3A_459 {strides = array<i32>} : memref<128xi32, #tpu.memory_space<vmem>>, vector<16xi32>,
      %get3A_464 = arith.index_cast %add3A_457 : i32 to index
      %get3A_465 = tpu.vector_load %arg9[%get3A_464] {strides = array<i32>} : memref<10000xf32, #tpu.memory_space<vmem>>, vector<16xf32>,
      %mul3A_466 = arith.constant 16 : i32
      %mul3A_467 = arith.muli %scan3A_453, %mul3A_466 : i32
      %swap3A_468 = arith.index_cast %mul3A_467 : i32 to index
      %swap3A_469 = tpu.vector_load %arg23[%swap3A_468] {strides = array<i32>} : memref<128xf32, #tpu.memory_space<vmem>>, vector<16xf32>,
      tpu.vector_store %arg23[%swap3A_468], %get3A_465 {strides = array<i32>} : memref<128xf32, #tpu.memory_space<vmem>>, vector<16xf32>,
    }
    %scan3A_166 = arith.constant 8 : i32
    %dma_start3A_167 = arith.constant 0 : i32
    %dma_start3A_168 = tpu.memref_slice %arg31[%dma_start3A_167] : memref<10240xf32, #tpu.memory_space<vmem_shared>> -> memref<10240xf32, #tpu.memory_space<vmem_shared>>
    tpu.enqueue_indirect_dma source(%arg23 : memref<128xf32, #tpu.memory_space<vmem>>) target(%dma_start3A_168 : memref<10240xf32, #tpu.memory_space<vmem_shared>>) offsets(%arg17 : memref<128xi32, #tpu.memory_space<vmem>>) semaphore(%arg37 : memref<!tpu.dma_semaphore, #tpu.memory_space<semaphore_mem>>) {add = true}
    %scan3A_169 = arith.constant 0 : i32
    %scan3A_170 = arith.constant 0 : i32
    %scan3A_171 = arith.constant 8 : i32
    %scan3A_172 = arith.addi %scan3A_170, %scan3A_171 : i32
    %scan3A_173 = arith.constant 1 : i32
    scf.for %scan3A_453 = %scan3A_170 to %scan3A_172 step %scan3A_173  : i32 {
      %mul3A_454 = arith.constant 16 : i32
      %mul3A_455 = arith.muli %scan3A_453, %mul3A_454 : i32
      %add3A_456 = arith.constant 256 : i32
      %add3A_457 = arith.addi %add3A_456, %mul3A_455 : i32
      %get3A_458 = arith.index_cast %add3A_457 : i32 to index
      %get3A_459 = tpu.vector_load %arg8[%get3A_458] {strides = array<i32>} : memref<10000xi32, #tpu.memory_space<vmem>>, vector<16xi32>,
      %mul3A_460 = arith.constant 16 : i32
      %mul3A_461 = arith.muli %scan3A_453, %mul3A_460 : i32
      %swap3A_462 = arith.index_cast %mul3A_461 : i32 to index
      %swap3A_463 = tpu.vector_load %arg18[%swap3A_462] {strides = array<i32>} : memref<128xi32, #tpu.memory_space<vmem>>, vector<16xi32>,
      tpu.vector_store %arg18[%swap3A_462], %get3A_459 {strides = array<i32>} : memref<128xi32, #tpu.memory_space<vmem>>, vector<16xi32>,
      %get3A_464 = arith.index_cast %add3A_457 : i32 to index
      %get3A_465 = tpu.vector_load %arg9[%get3A_464] {strides = array<i32>} : memref<10000xf32, #tpu.memory_space<vmem>>, vector<16xf32>,
      %mul3A_466 = arith.constant 16 : i32
      %mul3A_467 = arith.muli %scan3A_453, %mul3A_466 : i32
      %swap3A_468 = arith.index_cast %mul3A_467 : i32 to index
      %swap3A_469 = tpu.vector_load %arg24[%swap3A_468] {strides = array<i32>} : memref<128xf32, #tpu.memory_space<vmem>>, vector<16xf32>,
      tpu.vector_store %arg24[%swap3A_468], %get3A_465 {strides = array<i32>} : memref<128xf32, #tpu.memory_space<vmem>>, vector<16xf32>,
    }
    %scan3A_174 = arith.constant 8 : i32
    %dma_start3A_175 = arith.constant 0 : i32
    %dma_start3A_176 = tpu.memref_slice %arg31[%dma_start3A_175] : memref<10240xf32, #tpu.memory_space<vmem_shared>> -> memref<10240xf32, #tpu.memory_space<vmem_shared>>
    tpu.enqueue_indirect_dma source(%arg24 : memref<128xf32, #tpu.memory_space<vmem>>) target(%dma_start3A_176 : memref<10240xf32, #tpu.memory_space<vmem_shared>>) offsets(%arg18 : memref<128xi32, #tpu.memory_space<vmem>>) semaphore(%arg38 : memref<!tpu.dma_semaphore, #tpu.memory_space<semaphore_mem>>) {add = true}
    %scan3A_177 = arith.constant 0 : i32
    %scan3A_178 = arith.constant 0 : i32
    %scan3A_179 = arith.constant 8 : i32
    %scan3A_180 = arith.addi %scan3A_178, %scan3A_179 : i32
    %scan3A_181 = arith.constant 1 : i32
    scf.for %scan3A_453 = %scan3A_178 to %scan3A_180 step %scan3A_181  : i32 {
      %mul3A_454 = arith.constant 16 : i32
      %mul3A_455 = arith.muli %scan3A_453, %mul3A_454 : i32
      %add3A_456 = arith.constant 384 : i32
      %add3A_457 = arith.addi %add3A_456, %mul3A_455 : i32
      %get3A_458 = arith.index_cast %add3A_457 : i32 to index
      %get3A_459 = tpu.vector_load %arg8[%get3A_458] {strides = array<i32>} : memref<10000xi32, #tpu.memory_space<vmem>>, vector<16xi32>,
      %mul3A_460 = arith.constant 16 : i32
      %mul3A_461 = arith.muli %scan3A_453, %mul3A_460 : i32
      %swap3A_462 = arith.index_cast %mul3A_461 : i32 to index
      %swap3A_463 = tpu.vector_load %arg19[%swap3A_462] {strides = array<i32>} : memref<128xi32, #tpu.memory_space<vmem>>, vector<16xi32>,
      tpu.vector_store %arg19[%swap3A_462], %get3A_459 {strides = array<i32>} : memref<128xi32, #tpu.memory_space<vmem>>, vector<16xi32>,
      %get3A_464 = arith.index_cast %add3A_457 : i32 to index
      %get3A_465 = tpu.vector_load %arg9[%get3A_464] {strides = array<i32>} : memref<10000xf32, #tpu.memory_space<vmem>>, vector<16xf32>,
      %mul3A_466 = arith.constant 16 : i32
      %mul3A_467 = arith.muli %scan3A_453, %mul3A_466 : i32
      %swap3A_468 = arith.index_cast %mul3A_467 : i32 to index
      %swap3A_469 = tpu.vector_load %arg25[%swap3A_468] {strides = array<i32>} : memref<128xf32, #tpu.memory_space<vmem>>, vector<16xf32>,
      tpu.vector_store %arg25[%swap3A_468], %get3A_465 {strides = array<i32>} : memref<128xf32, #tpu.memory_space<vmem>>, vector<16xf32>,
    }
    %scan3A_182 = arith.constant 8 : i32
    %dma_start3A_183 = arith.constant 0 : i32
    %dma_start3A_184 = tpu.memref_slice %arg31[%dma_start3A_183] : memref<10240xf32, #tpu.memory_space<vmem_shared>> -> memref<10240xf32, #tpu.memory_space<vmem_shared>>
    tpu.enqueue_indirect_dma source(%arg25 : memref<128xf32, #tpu.memory_space<vmem>>) target(%dma_start3A_184 : memref<10240xf32, #tpu.memory_space<vmem_shared>>) offsets(%arg19 : memref<128xi32, #tpu.memory_space<vmem>>) semaphore(%arg39 : memref<!tpu.dma_semaphore, #tpu.memory_space<semaphore_mem>>) {add = true}
    %scan3A_185 = arith.constant 0 : i32
    %scan3A_186 = arith.constant 0 : i32
    %scan3A_187 = arith.constant 8 : i32
    %scan3A_188 = arith.addi %scan3A_186, %scan3A_187 : i32
    %scan3A_189 = arith.constant 1 : i32
    scf.for %scan3A_453 = %scan3A_186 to %scan3A_188 step %scan3A_189  : i32 {
      %mul3A_454 = arith.constant 16 : i32
      %mul3A_455 = arith.muli %scan3A_453, %mul3A_454 : i32
      %add3A_456 = arith.constant 512 : i32
      %add3A_457 = arith.addi %add3A_456, %mul3A_455 : i32
      %get3A_458 = arith.index_cast %add3A_457 : i32 to index
      %get3A_459 = tpu.vector_load %arg8[%get3A_458] {strides = array<i32>} : memref<10000xi32, #tpu.memory_space<vmem>>, vector<16xi32>,
      %mul3A_460 = arith.constant 16 : i32
      %mul3A_461 = arith.muli %scan3A_453, %mul3A_460 : i32
      %swap3A_462 = arith.index_cast %mul3A_461 : i32 to index
      %swap3A_463 = tpu.vector_load %arg20[%swap3A_462] {strides = array<i32>} : memref<128xi32, #tpu.memory_space<vmem>>, vector<16xi32>,
      tpu.vector_store %arg20[%swap3A_462], %get3A_459 {strides = array<i32>} : memref<128xi32, #tpu.memory_space<vmem>>, vector<16xi32>,
      %get3A_464 = arith.index_cast %add3A_457 : i32 to index
      %get3A_465 = tpu.vector_load %arg9[%get3A_464] {strides = array<i32>} : memref<10000xf32, #tpu.memory_space<vmem>>, vector<16xf32>,
      %mul3A_466 = arith.constant 16 : i32
      %mul3A_467 = arith.muli %scan3A_453, %mul3A_466 : i32
      %swap3A_468 = arith.index_cast %mul3A_467 : i32 to index
      %swap3A_469 = tpu.vector_load %arg26[%swap3A_468] {strides = array<i32>} : memref<128xf32, #tpu.memory_space<vmem>>, vector<16xf32>,
      tpu.vector_store %arg26[%swap3A_468], %get3A_465 {strides = array<i32>} : memref<128xf32, #tpu.memory_space<vmem>>, vector<16xf32>,
    }
    %scan3A_190 = arith.constant 8 : i32
    %dma_start3A_191 = arith.constant 0 : i32
    %dma_start3A_192 = tpu.memref_slice %arg31[%dma_start3A_191] : memref<10240xf32, #tpu.memory_space<vmem_shared>> -> memref<10240xf32, #tpu.memory_space<vmem_shared>>
    tpu.enqueue_indirect_dma source(%arg26 : memref<128xf32, #tpu.memory_space<vmem>>) target(%dma_start3A_192 : memref<10240xf32, #tpu.memory_space<vmem_shared>>) offsets(%arg20 : memref<128xi32, #tpu.memory_space<vmem>>) semaphore(%arg42 : memref<!tpu.dma_semaphore, #tpu.memory_space<semaphore_mem>>) {add = true}
    %scan3A_193 = arith.constant 0 : i32
    %scan3A_194 = arith.constant 0 : i32
    %scan3A_195 = arith.constant 8 : i32
    %scan3A_196 = arith.addi %scan3A_194, %scan3A_195 : i32
    %scan3A_197 = arith.constant 1 : i32
    scf.for %scan3A_453 = %scan3A_194 to %scan3A_196 step %scan3A_197  : i32 {
      %mul3A_454 = arith.constant 16 : i32
      %mul3A_455 = arith.muli %scan3A_453, %mul3A_454 : i32
      %add3A_456 = arith.constant 640 : i32
      %add3A_457 = arith.addi %add3A_456, %mul3A_455 : i32
      %get3A_458 = arith.index_cast %add3A_457 : i32 to index
      %get3A_459 = tpu.vector_load %arg8[%get3A_458] {strides = array<i32>} : memref<10000xi32, #tpu.memory_space<vmem>>, vector<16xi32>,
      %mul3A_460 = arith.constant 16 : i32
      %mul3A_461 = arith.muli %scan3A_453, %mul3A_460 : i32
      %swap3A_462 = arith.index_cast %mul3A_461 : i32 to index
      %swap3A_463 = tpu.vector_load %arg21[%swap3A_462] {strides = array<i32>} : memref<128xi32, #tpu.memory_space<vmem>>, vector<16xi32>,
      tpu.vector_store %arg21[%swap3A_462], %get3A_459 {strides = array<i32>} : memref<128xi32, #tpu.memory_space<vmem>>, vector<16xi32>,
      %get3A_464 = arith.index_cast %add3A_457 : i32 to index
      %get3A_465 = tpu.vector_load %arg9[%get3A_464] {strides = array<i32>} : memref<10000xf32, #tpu.memory_space<vmem>>, vector<16xf32>,
      %mul3A_466 = arith.constant 16 : i32
      %mul3A_467 = arith.muli %scan3A_453, %mul3A_466 : i32
      %swap3A_468 = arith.index_cast %mul3A_467 : i32 to index
      %swap3A_469 = tpu.vector_load %arg27[%swap3A_468] {strides = array<i32>} : memref<128xf32, #tpu.memory_space<vmem>>, vector<16xf32>,
      tpu.vector_store %arg27[%swap3A_468], %get3A_465 {strides = array<i32>} : memref<128xf32, #tpu.memory_space<vmem>>, vector<16xf32>,
    }
    %scan3A_198 = arith.constant 8 : i32
    %dma_start3A_199 = arith.constant 0 : i32
    %dma_start3A_200 = tpu.memref_slice %arg31[%dma_start3A_199] : memref<10240xf32, #tpu.memory_space<vmem_shared>> -> memref<10240xf32, #tpu.memory_space<vmem_shared>>
    tpu.enqueue_indirect_dma source(%arg27 : memref<128xf32, #tpu.memory_space<vmem>>) target(%dma_start3A_200 : memref<10240xf32, #tpu.memory_space<vmem_shared>>) offsets(%arg21 : memref<128xi32, #tpu.memory_space<vmem>>) semaphore(%arg43 : memref<!tpu.dma_semaphore, #tpu.memory_space<semaphore_mem>>) {add = true}
    %scan3A_201 = arith.constant 0 : i32
    %scan3A_202 = arith.constant 0 : i32
    %scan3A_203 = arith.constant 12 : i32
    %scan3A_204 = arith.addi %scan3A_202, %scan3A_203 : i32
    %scan3A_205 = arith.constant 1 : i32
    scf.for %scan3A_453 = %scan3A_202 to %scan3A_204 step %scan3A_205  : i32 {
      %dma_wait3A_454 = arith.constant 0 : i32
      %dma_wait3A_455 = tpu.memref_slice %arg31[%dma_wait3A_454] : memref<10240xf32, #tpu.memory_space<vmem_shared>> -> memref<10240xf32, #tpu.memory_space<vmem_shared>>
      tpu.wait_indirect_dma semaphore(%arg36 : memref<!tpu.dma_semaphore, #tpu.memory_space<semaphore_mem>>) src(%arg22 : memref<128xf32, #tpu.memory_space<vmem>>) dst(%dma_wait3A_455 : memref<10240xf32, #tpu.memory_space<vmem_shared>>)
      %mul3A_456 = arith.constant 6 : i32
      %mul3A_457 = arith.muli %scan3A_453, %mul3A_456 : i32
      %add3A_458 = arith.constant 6 : i32
      %add3A_459 = arith.addi %add3A_458, %mul3A_457 : i32
      %add3A_460 = arith.constant 0 : i32
      %add3A_461 = arith.addi %add3A_459, %add3A_460 : i32
      %scan3A_462 = arith.constant 0 : i32
      %scan3A_463 = arith.constant 0 : i32
      %scan3A_464 = arith.constant 8 : i32
      %scan3A_465 = arith.addi %scan3A_463, %scan3A_464 : i32
      %scan3A_466 = arith.constant 1 : i32
      scf.for %scan3A_550 = %scan3A_463 to %scan3A_465 step %scan3A_466  : i32 {
        %mul3A_551 = arith.constant 128 : i32
        %mul3A_552 = arith.muli %add3A_461, %mul3A_551 : i32
        %mul3A_553 = arith.constant 16 : i32
        %mul3A_554 = arith.muli %scan3A_550, %mul3A_553 : i32
        %add3A_555 = arith.addi %mul3A_552, %mul3A_554 : i32
        %get3A_556 = arith.index_cast %add3A_555 : i32 to index
        %get3A_557 = tpu.vector_load %arg8[%get3A_556] {strides = array<i32>} : memref<10000xi32, #tpu.memory_space<vmem>>, vector<16xi32>,
        %mul3A_558 = arith.constant 16 : i32
        %mul3A_559 = arith.muli %scan3A_550, %mul3A_558 : i32
        %swap3A_560 = arith.index_cast %mul3A_559 : i32 to index
        %swap3A_561 = tpu.vector_load %arg16[%swap3A_560] {strides = array<i32>} : memref<128xi32, #tpu.memory_space<vmem>>, vector<16xi32>,
        tpu.vector_store %arg16[%swap3A_560], %get3A_557 {strides = array<i32>} : memref<128xi32, #tpu.memory_space<vmem>>, vector<16xi32>,
        %get3A_562 = arith.index_cast %add3A_555 : i32 to index
        %get3A_563 = tpu.vector_load %arg9[%get3A_562] {strides = array<i32>} : memref<10000xf32, #tpu.memory_space<vmem>>, vector<16xf32>,
        %mul3A_564 = arith.constant 16 : i32
        %mul3A_565 = arith.muli %scan3A_550, %mul3A_564 : i32
        %swap3A_566 = arith.index_cast %mul3A_565 : i32 to index
        %swap3A_567 = tpu.vector_load %arg22[%swap3A_566] {strides = array<i32>} : memref<128xf32, #tpu.memory_space<vmem>>, vector<16xf32>,
        tpu.vector_store %arg22[%swap3A_566], %get3A_563 {strides = array<i32>} : memref<128xf32, #tpu.memory_space<vmem>>, vector<16xf32>,
      }
      %scan3A_467 = arith.constant 8 : i32
      %dma_start3A_468 = arith.constant 0 : i32
      %dma_start3A_469 = tpu.memref_slice %arg31[%dma_start3A_468] : memref<10240xf32, #tpu.memory_space<vmem_shared>> -> memref<10240xf32, #tpu.memory_space<vmem_shared>>
      tpu.enqueue_indirect_dma source(%arg22 : memref<128xf32, #tpu.memory_space<vmem>>) target(%dma_start3A_469 : memref<10240xf32, #tpu.memory_space<vmem_shared>>) offsets(%arg16 : memref<128xi32, #tpu.memory_space<vmem>>) semaphore(%arg36 : memref<!tpu.dma_semaphore, #tpu.memory_space<semaphore_mem>>) {add = true}
      %dma_wait3A_470 = arith.constant 0 : i32
      %dma_wait3A_471 = tpu.memref_slice %arg31[%dma_wait3A_470] : memref<10240xf32, #tpu.memory_space<vmem_shared>> -> memref<10240xf32, #tpu.memory_space<vmem_shared>>
      tpu.wait_indirect_dma semaphore(%arg37 : memref<!tpu.dma_semaphore, #tpu.memory_space<semaphore_mem>>) src(%arg23 : memref<128xf32, #tpu.memory_space<vmem>>) dst(%dma_wait3A_471 : memref<10240xf32, #tpu.memory_space<vmem_shared>>)
      %mul3A_472 = arith.constant 6 : i32
      %mul3A_473 = arith.muli %scan3A_453, %mul3A_472 : i32
      %add3A_474 = arith.constant 6 : i32
      %add3A_475 = arith.addi %add3A_474, %mul3A_473 : i32
      %add3A_476 = arith.constant 1 : i32
      %add3A_477 = arith.addi %add3A_475, %add3A_476 : i32
      %scan3A_478 = arith.constant 0 : i32
      %scan3A_479 = arith.constant 0 : i32
      %scan3A_480 = arith.constant 8 : i32
      %scan3A_481 = arith.addi %scan3A_479, %scan3A_480 : i32
      %scan3A_482 = arith.constant 1 : i32
      scf.for %scan3A_550 = %scan3A_479 to %scan3A_481 step %scan3A_482  : i32 {
        %mul3A_551 = arith.constant 128 : i32
        %mul3A_552 = arith.muli %add3A_477, %mul3A_551 : i32
        %mul3A_553 = arith.constant 16 : i32
        %mul3A_554 = arith.muli %scan3A_550, %mul3A_553 : i32
        %add3A_555 = arith.addi %mul3A_552, %mul3A_554 : i32
        %get3A_556 = arith.index_cast %add3A_555 : i32 to index
        %get3A_557 = tpu.vector_load %arg8[%get3A_556] {strides = array<i32>} : memref<10000xi32, #tpu.memory_space<vmem>>, vector<16xi32>,
        %mul3A_558 = arith.constant 16 : i32
        %mul3A_559 = arith.muli %scan3A_550, %mul3A_558 : i32
        %swap3A_560 = arith.index_cast %mul3A_559 : i32 to index
        %swap3A_561 = tpu.vector_load %arg17[%swap3A_560] {strides = array<i32>} : memref<128xi32, #tpu.memory_space<vmem>>, vector<16xi32>,
        tpu.vector_store %arg17[%swap3A_560], %get3A_557 {strides = array<i32>} : memref<128xi32, #tpu.memory_space<vmem>>, vector<16xi32>,
        %get3A_562 = arith.index_cast %add3A_555 : i32 to index
        %get3A_563 = tpu.vector_load %arg9[%get3A_562] {strides = array<i32>} : memref<10000xf32, #tpu.memory_space<vmem>>, vector<16xf32>,
        %mul3A_564 = arith.constant 16 : i32
        %mul3A_565 = arith.muli %scan3A_550, %mul3A_564 : i32
        %swap3A_566 = arith.index_cast %mul3A_565 : i32 to index
        %swap3A_567 = tpu.vector_load %arg23[%swap3A_566] {strides = array<i32>} : memref<128xf32, #tpu.memory_space<vmem>>, vector<16xf32>,
        tpu.vector_store %arg23[%swap3A_566], %get3A_563 {strides = array<i32>} : memref<128xf32, #tpu.memory_space<vmem>>, vector<16xf32>,
      }
      %scan3A_483 = arith.constant 8 : i32
      %dma_start3A_484 = arith.constant 0 : i32
      %dma_start3A_485 = tpu.memref_slice %arg31[%dma_start3A_484] : memref<10240xf32, #tpu.memory_space<vmem_shared>> -> memref<10240xf32, #tpu.memory_space<vmem_shared>>
      tpu.enqueue_indirect_dma source(%arg23 : memref<128xf32, #tpu.memory_space<vmem>>) target(%dma_start3A_485 : memref<10240xf32, #tpu.memory_space<vmem_shared>>) offsets(%arg17 : memref<128xi32, #tpu.memory_space<vmem>>) semaphore(%arg37 : memref<!tpu.dma_semaphore, #tpu.memory_space<semaphore_mem>>) {add = true}
      %dma_wait3A_486 = arith.constant 0 : i32
      %dma_wait3A_487 = tpu.memref_slice %arg31[%dma_wait3A_486] : memref<10240xf32, #tpu.memory_space<vmem_shared>> -> memref<10240xf32, #tpu.memory_space<vmem_shared>>
      tpu.wait_indirect_dma semaphore(%arg38 : memref<!tpu.dma_semaphore, #tpu.memory_space<semaphore_mem>>) src(%arg24 : memref<128xf32, #tpu.memory_space<vmem>>) dst(%dma_wait3A_487 : memref<10240xf32, #tpu.memory_space<vmem_shared>>)
      %mul3A_488 = arith.constant 6 : i32
      %mul3A_489 = arith.muli %scan3A_453, %mul3A_488 : i32
      %add3A_490 = arith.constant 6 : i32
      %add3A_491 = arith.addi %add3A_490, %mul3A_489 : i32
      %add3A_492 = arith.constant 2 : i32
      %add3A_493 = arith.addi %add3A_491, %add3A_492 : i32
      %scan3A_494 = arith.constant 0 : i32
      %scan3A_495 = arith.constant 0 : i32
      %scan3A_496 = arith.constant 8 : i32
      %scan3A_497 = arith.addi %scan3A_495, %scan3A_496 : i32
      %scan3A_498 = arith.constant 1 : i32
      scf.for %scan3A_550 = %scan3A_495 to %scan3A_497 step %scan3A_498  : i32 {
        %mul3A_551 = arith.constant 128 : i32
        %mul3A_552 = arith.muli %add3A_493, %mul3A_551 : i32
        %mul3A_553 = arith.constant 16 : i32
        %mul3A_554 = arith.muli %scan3A_550, %mul3A_553 : i32
        %add3A_555 = arith.addi %mul3A_552, %mul3A_554 : i32
        %get3A_556 = arith.index_cast %add3A_555 : i32 to index
        %get3A_557 = tpu.vector_load %arg8[%get3A_556] {strides = array<i32>} : memref<10000xi32, #tpu.memory_space<vmem>>, vector<16xi32>,
        %mul3A_558 = arith.constant 16 : i32
        %mul3A_559 = arith.muli %scan3A_550, %mul3A_558 : i32
        %swap3A_560 = arith.index_cast %mul3A_559 : i32 to index
        %swap3A_561 = tpu.vector_load %arg18[%swap3A_560] {strides = array<i32>} : memref<128xi32, #tpu.memory_space<vmem>>, vector<16xi32>,
        tpu.vector_store %arg18[%swap3A_560], %get3A_557 {strides = array<i32>} : memref<128xi32, #tpu.memory_space<vmem>>, vector<16xi32>,
        %get3A_562 = arith.index_cast %add3A_555 : i32 to index
        %get3A_563 = tpu.vector_load %arg9[%get3A_562] {strides = array<i32>} : memref<10000xf32, #tpu.memory_space<vmem>>, vector<16xf32>,
        %mul3A_564 = arith.constant 16 : i32
        %mul3A_565 = arith.muli %scan3A_550, %mul3A_564 : i32
        %swap3A_566 = arith.index_cast %mul3A_565 : i32 to index
        %swap3A_567 = tpu.vector_load %arg24[%swap3A_566] {strides = array<i32>} : memref<128xf32, #tpu.memory_space<vmem>>, vector<16xf32>,
        tpu.vector_store %arg24[%swap3A_566], %get3A_563 {strides = array<i32>} : memref<128xf32, #tpu.memory_space<vmem>>, vector<16xf32>,
      }
      %scan3A_499 = arith.constant 8 : i32
      %dma_start3A_500 = arith.constant 0 : i32
      %dma_start3A_501 = tpu.memref_slice %arg31[%dma_start3A_500] : memref<10240xf32, #tpu.memory_space<vmem_shared>> -> memref<10240xf32, #tpu.memory_space<vmem_shared>>
      tpu.enqueue_indirect_dma source(%arg24 : memref<128xf32, #tpu.memory_space<vmem>>) target(%dma_start3A_501 : memref<10240xf32, #tpu.memory_space<vmem_shared>>) offsets(%arg18 : memref<128xi32, #tpu.memory_space<vmem>>) semaphore(%arg38 : memref<!tpu.dma_semaphore, #tpu.memory_space<semaphore_mem>>) {add = true}
      %dma_wait3A_502 = arith.constant 0 : i32
      %dma_wait3A_503 = tpu.memref_slice %arg31[%dma_wait3A_502] : memref<10240xf32, #tpu.memory_space<vmem_shared>> -> memref<10240xf32, #tpu.memory_space<vmem_shared>>
      tpu.wait_indirect_dma semaphore(%arg39 : memref<!tpu.dma_semaphore, #tpu.memory_space<semaphore_mem>>) src(%arg25 : memref<128xf32, #tpu.memory_space<vmem>>) dst(%dma_wait3A_503 : memref<10240xf32, #tpu.memory_space<vmem_shared>>)
      %mul3A_504 = arith.constant 6 : i32
      %mul3A_505 = arith.muli %scan3A_453, %mul3A_504 : i32
      %add3A_506 = arith.constant 6 : i32
      %add3A_507 = arith.addi %add3A_506, %mul3A_505 : i32
      %add3A_508 = arith.constant 3 : i32
      %add3A_509 = arith.addi %add3A_507, %add3A_508 : i32
      %scan3A_510 = arith.constant 0 : i32
      %scan3A_511 = arith.constant 0 : i32
      %scan3A_512 = arith.constant 8 : i32
      %scan3A_513 = arith.addi %scan3A_511, %scan3A_512 : i32
      %scan3A_514 = arith.constant 1 : i32
      scf.for %scan3A_550 = %scan3A_511 to %scan3A_513 step %scan3A_514  : i32 {
        %mul3A_551 = arith.constant 128 : i32
        %mul3A_552 = arith.muli %add3A_509, %mul3A_551 : i32
        %mul3A_553 = arith.constant 16 : i32
        %mul3A_554 = arith.muli %scan3A_550, %mul3A_553 : i32
        %add3A_555 = arith.addi %mul3A_552, %mul3A_554 : i32
        %get3A_556 = arith.index_cast %add3A_555 : i32 to index
        %get3A_557 = tpu.vector_load %arg8[%get3A_556] {strides = array<i32>} : memref<10000xi32, #tpu.memory_space<vmem>>, vector<16xi32>,
        %mul3A_558 = arith.constant 16 : i32
        %mul3A_559 = arith.muli %scan3A_550, %mul3A_558 : i32
        %swap3A_560 = arith.index_cast %mul3A_559 : i32 to index
        %swap3A_561 = tpu.vector_load %arg19[%swap3A_560] {strides = array<i32>} : memref<128xi32, #tpu.memory_space<vmem>>, vector<16xi32>,
        tpu.vector_store %arg19[%swap3A_560], %get3A_557 {strides = array<i32>} : memref<128xi32, #tpu.memory_space<vmem>>, vector<16xi32>,
        %get3A_562 = arith.index_cast %add3A_555 : i32 to index
        %get3A_563 = tpu.vector_load %arg9[%get3A_562] {strides = array<i32>} : memref<10000xf32, #tpu.memory_space<vmem>>, vector<16xf32>,
        %mul3A_564 = arith.constant 16 : i32
        %mul3A_565 = arith.muli %scan3A_550, %mul3A_564 : i32
        %swap3A_566 = arith.index_cast %mul3A_565 : i32 to index
        %swap3A_567 = tpu.vector_load %arg25[%swap3A_566] {strides = array<i32>} : memref<128xf32, #tpu.memory_space<vmem>>, vector<16xf32>,
        tpu.vector_store %arg25[%swap3A_566], %get3A_563 {strides = array<i32>} : memref<128xf32, #tpu.memory_space<vmem>>, vector<16xf32>,
      }
      %scan3A_515 = arith.constant 8 : i32
      %dma_start3A_516 = arith.constant 0 : i32
      %dma_start3A_517 = tpu.memref_slice %arg31[%dma_start3A_516] : memref<10240xf32, #tpu.memory_space<vmem_shared>> -> memref<10240xf32, #tpu.memory_space<vmem_shared>>
      tpu.enqueue_indirect_dma source(%arg25 : memref<128xf32, #tpu.memory_space<vmem>>) target(%dma_start3A_517 : memref<10240xf32, #tpu.memory_space<vmem_shared>>) offsets(%arg19 : memref<128xi32, #tpu.memory_space<vmem>>) semaphore(%arg39 : memref<!tpu.dma_semaphore, #tpu.memory_space<semaphore_mem>>) {add = true}
      %dma_wait3A_518 = arith.constant 0 : i32
      %dma_wait3A_519 = tpu.memref_slice %arg31[%dma_wait3A_518] : memref<10240xf32, #tpu.memory_space<vmem_shared>> -> memref<10240xf32, #tpu.memory_space<vmem_shared>>
      tpu.wait_indirect_dma semaphore(%arg42 : memref<!tpu.dma_semaphore, #tpu.memory_space<semaphore_mem>>) src(%arg26 : memref<128xf32, #tpu.memory_space<vmem>>) dst(%dma_wait3A_519 : memref<10240xf32, #tpu.memory_space<vmem_shared>>)
      %mul3A_520 = arith.constant 6 : i32
      %mul3A_521 = arith.muli %scan3A_453, %mul3A_520 : i32
      %add3A_522 = arith.constant 6 : i32
      %add3A_523 = arith.addi %add3A_522, %mul3A_521 : i32
      %add3A_524 = arith.constant 4 : i32
      %add3A_525 = arith.addi %add3A_523, %add3A_524 : i32
      %scan3A_526 = arith.constant 0 : i32
      %scan3A_527 = arith.constant 0 : i32
      %scan3A_528 = arith.constant 8 : i32
      %scan3A_529 = arith.addi %scan3A_527, %scan3A_528 : i32
      %scan3A_530 = arith.constant 1 : i32
      scf.for %scan3A_550 = %scan3A_527 to %scan3A_529 step %scan3A_530  : i32 {
        %mul3A_551 = arith.constant 128 : i32
        %mul3A_552 = arith.muli %add3A_525, %mul3A_551 : i32
        %mul3A_553 = arith.constant 16 : i32
        %mul3A_554 = arith.muli %scan3A_550, %mul3A_553 : i32
        %add3A_555 = arith.addi %mul3A_552, %mul3A_554 : i32
        %get3A_556 = arith.index_cast %add3A_555 : i32 to index
        %get3A_557 = tpu.vector_load %arg8[%get3A_556] {strides = array<i32>} : memref<10000xi32, #tpu.memory_space<vmem>>, vector<16xi32>,
        %mul3A_558 = arith.constant 16 : i32
        %mul3A_559 = arith.muli %scan3A_550, %mul3A_558 : i32
        %swap3A_560 = arith.index_cast %mul3A_559 : i32 to index
        %swap3A_561 = tpu.vector_load %arg20[%swap3A_560] {strides = array<i32>} : memref<128xi32, #tpu.memory_space<vmem>>, vector<16xi32>,
        tpu.vector_store %arg20[%swap3A_560], %get3A_557 {strides = array<i32>} : memref<128xi32, #tpu.memory_space<vmem>>, vector<16xi32>,
        %get3A_562 = arith.index_cast %add3A_555 : i32 to index
        %get3A_563 = tpu.vector_load %arg9[%get3A_562] {strides = array<i32>} : memref<10000xf32, #tpu.memory_space<vmem>>, vector<16xf32>,
        %mul3A_564 = arith.constant 16 : i32
        %mul3A_565 = arith.muli %scan3A_550, %mul3A_564 : i32
        %swap3A_566 = arith.index_cast %mul3A_565 : i32 to index
        %swap3A_567 = tpu.vector_load %arg26[%swap3A_566] {strides = array<i32>} : memref<128xf32, #tpu.memory_space<vmem>>, vector<16xf32>,
        tpu.vector_store %arg26[%swap3A_566], %get3A_563 {strides = array<i32>} : memref<128xf32, #tpu.memory_space<vmem>>, vector<16xf32>,
      }
      %scan3A_531 = arith.constant 8 : i32
      %dma_start3A_532 = arith.constant 0 : i32
      %dma_start3A_533 = tpu.memref_slice %arg31[%dma_start3A_532] : memref<10240xf32, #tpu.memory_space<vmem_shared>> -> memref<10240xf32, #tpu.memory_space<vmem_shared>>
      tpu.enqueue_indirect_dma source(%arg26 : memref<128xf32, #tpu.memory_space<vmem>>) target(%dma_start3A_533 : memref<10240xf32, #tpu.memory_space<vmem_shared>>) offsets(%arg20 : memref<128xi32, #tpu.memory_space<vmem>>) semaphore(%arg42 : memref<!tpu.dma_semaphore, #tpu.memory_space<semaphore_mem>>) {add = true}
      %dma_wait3A_534 = arith.constant 0 : i32
      %dma_wait3A_535 = tpu.memref_slice %arg31[%dma_wait3A_534] : memref<10240xf32, #tpu.memory_space<vmem_shared>> -> memref<10240xf32, #tpu.memory_space<vmem_shared>>
      tpu.wait_indirect_dma semaphore(%arg43 : memref<!tpu.dma_semaphore, #tpu.memory_space<semaphore_mem>>) src(%arg27 : memref<128xf32, #tpu.memory_space<vmem>>) dst(%dma_wait3A_535 : memref<10240xf32, #tpu.memory_space<vmem_shared>>)
      %mul3A_536 = arith.constant 6 : i32
      %mul3A_537 = arith.muli %scan3A_453, %mul3A_536 : i32
      %add3A_538 = arith.constant 6 : i32
      %add3A_539 = arith.addi %add3A_538, %mul3A_537 : i32
      %add3A_540 = arith.constant 5 : i32
      %add3A_541 = arith.addi %add3A_539, %add3A_540 : i32
      %scan3A_542 = arith.constant 0 : i32
      %scan3A_543 = arith.constant 0 : i32
      %scan3A_544 = arith.constant 8 : i32
      %scan3A_545 = arith.addi %scan3A_543, %scan3A_544 : i32
      %scan3A_546 = arith.constant 1 : i32
      scf.for %scan3A_550 = %scan3A_543 to %scan3A_545 step %scan3A_546  : i32 {
        %mul3A_551 = arith.constant 128 : i32
        %mul3A_552 = arith.muli %add3A_541, %mul3A_551 : i32
        %mul3A_553 = arith.constant 16 : i32
        %mul3A_554 = arith.muli %scan3A_550, %mul3A_553 : i32
        %add3A_555 = arith.addi %mul3A_552, %mul3A_554 : i32
        %get3A_556 = arith.index_cast %add3A_555 : i32 to index
        %get3A_557 = tpu.vector_load %arg8[%get3A_556] {strides = array<i32>} : memref<10000xi32, #tpu.memory_space<vmem>>, vector<16xi32>,
        %mul3A_558 = arith.constant 16 : i32
        %mul3A_559 = arith.muli %scan3A_550, %mul3A_558 : i32
        %swap3A_560 = arith.index_cast %mul3A_559 : i32 to index
        %swap3A_561 = tpu.vector_load %arg21[%swap3A_560] {strides = array<i32>} : memref<128xi32, #tpu.memory_space<vmem>>, vector<16xi32>,
        tpu.vector_store %arg21[%swap3A_560], %get3A_557 {strides = array<i32>} : memref<128xi32, #tpu.memory_space<vmem>>, vector<16xi32>,
        %get3A_562 = arith.index_cast %add3A_555 : i32 to index
        %get3A_563 = tpu.vector_load %arg9[%get3A_562] {strides = array<i32>} : memref<10000xf32, #tpu.memory_space<vmem>>, vector<16xf32>,
        %mul3A_564 = arith.constant 16 : i32
        %mul3A_565 = arith.muli %scan3A_550, %mul3A_564 : i32
        %swap3A_566 = arith.index_cast %mul3A_565 : i32 to index
        %swap3A_567 = tpu.vector_load %arg27[%swap3A_566] {strides = array<i32>} : memref<128xf32, #tpu.memory_space<vmem>>, vector<16xf32>,
        tpu.vector_store %arg27[%swap3A_566], %get3A_563 {strides = array<i32>} : memref<128xf32, #tpu.memory_space<vmem>>, vector<16xf32>,
      }
      %scan3A_547 = arith.constant 8 : i32
      %dma_start3A_548 = arith.constant 0 : i32
      %dma_start3A_549 = tpu.memref_slice %arg31[%dma_start3A_548] : memref<10240xf32, #tpu.memory_space<vmem_shared>> -> memref<10240xf32, #tpu.memory_space<vmem_shared>>
      tpu.enqueue_indirect_dma source(%arg27 : memref<128xf32, #tpu.memory_space<vmem>>) target(%dma_start3A_549 : memref<10240xf32, #tpu.memory_space<vmem_shared>>) offsets(%arg21 : memref<128xi32, #tpu.memory_space<vmem>>) semaphore(%arg43 : memref<!tpu.dma_semaphore, #tpu.memory_space<semaphore_mem>>) {add = true}
    }
    %scan3A_206 = arith.constant 12 : i32
    %dma_wait3A_207 = arith.constant 0 : i32
    %dma_wait3A_208 = tpu.memref_slice %arg31[%dma_wait3A_207] : memref<10240xf32, #tpu.memory_space<vmem_shared>> -> memref<10240xf32, #tpu.memory_space<vmem_shared>>
    tpu.wait_indirect_dma semaphore(%arg36 : memref<!tpu.dma_semaphore, #tpu.memory_space<semaphore_mem>>) src(%arg22 : memref<128xf32, #tpu.memory_space<vmem>>) dst(%dma_wait3A_208 : memref<10240xf32, #tpu.memory_space<vmem_shared>>)
    %dma_wait3A_209 = arith.constant 0 : i32
    %dma_wait3A_210 = tpu.memref_slice %arg31[%dma_wait3A_209] : memref<10240xf32, #tpu.memory_space<vmem_shared>> -> memref<10240xf32, #tpu.memory_space<vmem_shared>>
    tpu.wait_indirect_dma semaphore(%arg37 : memref<!tpu.dma_semaphore, #tpu.memory_space<semaphore_mem>>) src(%arg23 : memref<128xf32, #tpu.memory_space<vmem>>) dst(%dma_wait3A_210 : memref<10240xf32, #tpu.memory_space<vmem_shared>>)
    %dma_wait3A_211 = arith.constant 0 : i32
    %dma_wait3A_212 = tpu.memref_slice %arg31[%dma_wait3A_211] : memref<10240xf32, #tpu.memory_space<vmem_shared>> -> memref<10240xf32, #tpu.memory_space<vmem_shared>>
    tpu.wait_indirect_dma semaphore(%arg38 : memref<!tpu.dma_semaphore, #tpu.memory_space<semaphore_mem>>) src(%arg24 : memref<128xf32, #tpu.memory_space<vmem>>) dst(%dma_wait3A_212 : memref<10240xf32, #tpu.memory_space<vmem_shared>>)
    %dma_wait3A_213 = arith.constant 0 : i32
    %dma_wait3A_214 = tpu.memref_slice %arg31[%dma_wait3A_213] : memref<10240xf32, #tpu.memory_space<vmem_shared>> -> memref<10240xf32, #tpu.memory_space<vmem_shared>>
    tpu.wait_indirect_dma semaphore(%arg39 : memref<!tpu.dma_semaphore, #tpu.memory_space<semaphore_mem>>) src(%arg25 : memref<128xf32, #tpu.memory_space<vmem>>) dst(%dma_wait3A_214 : memref<10240xf32, #tpu.memory_space<vmem_shared>>)
    %dma_wait3A_215 = arith.constant 0 : i32
    %dma_wait3A_216 = tpu.memref_slice %arg31[%dma_wait3A_215] : memref<10240xf32, #tpu.memory_space<vmem_shared>> -> memref<10240xf32, #tpu.memory_space<vmem_shared>>
    tpu.wait_indirect_dma semaphore(%arg42 : memref<!tpu.dma_semaphore, #tpu.memory_space<semaphore_mem>>) src(%arg26 : memref<128xf32, #tpu.memory_space<vmem>>) dst(%dma_wait3A_216 : memref<10240xf32, #tpu.memory_space<vmem_shared>>)
    %dma_wait3A_217 = arith.constant 0 : i32
    %dma_wait3A_218 = tpu.memref_slice %arg31[%dma_wait3A_217] : memref<10240xf32, #tpu.memory_space<vmem_shared>> -> memref<10240xf32, #tpu.memory_space<vmem_shared>>
    tpu.wait_indirect_dma semaphore(%arg43 : memref<!tpu.dma_semaphore, #tpu.memory_space<semaphore_mem>>) src(%arg27 : memref<128xf32, #tpu.memory_space<vmem>>) dst(%dma_wait3A_218 : memref<10240xf32, #tpu.memory_space<vmem_shared>>)
    %get3A = arith.constant 9984 : index
    %get3A_219 = tpu.vector_load %arg8[%get3A] {strides = array<i32>} : memref<10000xi32, #tpu.memory_space<vmem>>, vector<16xi32>,
    %swap3A_220 = arith.constant 0 : index
    %swap3A_221 = tpu.vector_load %arg28[%swap3A_220] {strides = array<i32>} : memref<16xi32, #tpu.memory_space<vmem>>, vector<16xi32>,
    tpu.vector_store %arg28[%swap3A_220], %get3A_219 {strides = array<i32>} : memref<16xi32, #tpu.memory_space<vmem>>, vector<16xi32>,
    %get3A_222 = arith.constant 9984 : index
    %get3A_223 = tpu.vector_load %arg9[%get3A_222] {strides = array<i32>} : memref<10000xf32, #tpu.memory_space<vmem>>, vector<16xf32>,
    %swap3A_224 = arith.constant 0 : index
    %swap3A_225 = tpu.vector_load %arg29[%swap3A_224] {strides = array<i32>} : memref<16xf32, #tpu.memory_space<vmem>>, vector<16xf32>,
    tpu.vector_store %arg29[%swap3A_224], %get3A_223 {strides = array<i32>} : memref<16xf32, #tpu.memory_space<vmem>>, vector<16xf32>,
    "tpu.region"() ({
      %run_scoped3A = tpu.sem_alloc : memref<!tpu.dma_semaphore, #tpu.memory_space<semaphore_mem>>
      %dma_start3A_453 = arith.constant 0 : i32
      %dma_start3A_454 = tpu.memref_slice %arg31[%dma_start3A_453] : memref<10240xf32, #tpu.memory_space<vmem_shared>> -> memref<10240xf32, #tpu.memory_space<vmem_shared>>
      tpu.enqueue_indirect_dma source(%arg29 : memref<16xf32, #tpu.memory_space<vmem>>) target(%dma_start3A_454 : memref<10240xf32, #tpu.memory_space<vmem_shared>>) offsets(%arg28 : memref<16xi32, #tpu.memory_space<vmem>>) semaphore(%run_scoped3A : memref<!tpu.dma_semaphore, #tpu.memory_space<semaphore_mem>>) {add = true}
      %dma_wait3A_455 = arith.constant 0 : i32
      %dma_wait3A_456 = tpu.memref_slice %arg31[%dma_wait3A_455] : memref<10240xf32, #tpu.memory_space<vmem_shared>> -> memref<10240xf32, #tpu.memory_space<vmem_shared>>
      tpu.wait_indirect_dma semaphore(%run_scoped3A : memref<!tpu.dma_semaphore, #tpu.memory_space<semaphore_mem>>) src(%arg29 : memref<16xf32, #tpu.memory_space<vmem>>) dst(%dma_wait3A_456 : memref<10240xf32, #tpu.memory_space<vmem_shared>>)
      tpu.yield
    }) : () -> ()
    %scan3A_226 = arith.constant 0 : i32
    %scan3A_227 = arith.constant 0 : i32
    %scan3A_228 = arith.constant 8 : i32
    %scan3A_229 = arith.addi %scan3A_227, %scan3A_228 : i32
    %scan3A_230 = arith.constant 1 : i32
    scf.for %scan3A_453 = %scan3A_227 to %scan3A_229 step %scan3A_230  : i32 {
      %mul3A_454 = arith.constant 16 : i32
      %mul3A_455 = arith.muli %scan3A_453, %mul3A_454 : i32
      %add3A_456 = arith.constant 0 : i32
      %add3A_457 = arith.addi %add3A_456, %mul3A_455 : i32
      %mul3A_458 = arith.constant 640 : i32
      %mul3A_459 = arith.muli %arg1, %mul3A_458 : i32
      %add3A_460 = arith.addi %mul3A_459, %add3A_457 : i32
      %add3A_461 = vector.broadcast %add3A_460 : i32 to vector<16xi32>
      %add3A_462 = arith.addi %add3A_461, %iota3A : vector<16xi32>
      %mul3A_463 = arith.constant 640 : i32
      %mul3A_464 = arith.muli %arg1, %mul3A_463 : i32
      %add3A_465 = arith.addi %mul3A_464, %add3A_457 : i32
      %get3A_466 = arith.index_cast %add3A_465 : i32 to index
      %get3A_467 = tpu.vector_load %arg10[%get3A_466] {strides = array<i32>} : memref<10240xi32, #tpu.memory_space<vmem>>, vector<16xi32>,
      %lt3A_468 = arith.constant 10000 : i32
      %lt3A_469 = vector.broadcast %lt3A_468 : i32 to vector<16xi32>
      %lt3A_470 = arith.cmpi slt, %add3A_462, %lt3A_469 : vector<16xi32>
      %add3A_471 = arith.constant 200 : i32
      %add3A_472 = vector.broadcast %add3A_471 : i32 to vector<16xi32>
      %add3A_473 = arith.addi %add3A_472, %iota3A : vector<16xi32>
      %select_n3A_474 = arith.select %lt3A_470, %get3A_467, %add3A_473 : vector<16xi1>, vector<16xi32>
      %mul3A_475 = arith.constant 16 : i32
      %mul3A_476 = arith.muli %scan3A_453, %mul3A_475 : i32
      %swap3A_477 = arith.index_cast %mul3A_476 : i32 to index
      %swap3A_478 = tpu.vector_load %arg16[%swap3A_477] {strides = array<i32>} : memref<128xi32, #tpu.memory_space<vmem>>, vector<16xi32>,
      tpu.vector_store %arg16[%swap3A_477], %select_n3A_474 {strides = array<i32>} : memref<128xi32, #tpu.memory_space<vmem>>, vector<16xi32>,
      %jit3A_479 = arith.constant 1.000000e+00 : f32
      %jit3A_480 = arith.constant 0.000000e+00 : f32
      %broadcast_in_dim3A_481 = vector.broadcast %jit3A_479 : f32 to vector<16xf32>
      %broadcast_in_dim3A_482 = vector.broadcast %jit3A_480 : f32 to vector<16xf32>
      %select_n3A_483 = arith.select %lt3A_470, %broadcast_in_dim3A_481, %broadcast_in_dim3A_482 : vector<16xi1>, vector<16xf32>
      %mul3A_484 = arith.constant 16 : i32
      %mul3A_485 = arith.muli %scan3A_453, %mul3A_484 : i32
      %swap3A_486 = arith.index_cast %mul3A_485 : i32 to index
      %swap3A_487 = tpu.vector_load %arg22[%swap3A_486] {strides = array<i32>} : memref<128xf32, #tpu.memory_space<vmem>>, vector<16xf32>,
      tpu.vector_store %arg22[%swap3A_486], %select_n3A_483 {strides = array<i32>} : memref<128xf32, #tpu.memory_space<vmem>>, vector<16xf32>,
    }
    %scan3A_231 = arith.constant 8 : i32
    %dma_start3A_232 = arith.constant 0 : i32
    %dma_start3A_233 = tpu.memref_slice %arg32[%dma_start3A_232] : memref<256xf32, #tpu.memory_space<vmem_shared>> -> memref<256xf32, #tpu.memory_space<vmem_shared>>
    tpu.enqueue_indirect_dma source(%arg22 : memref<128xf32, #tpu.memory_space<vmem>>) target(%dma_start3A_233 : memref<256xf32, #tpu.memory_space<vmem_shared>>) offsets(%arg16 : memref<128xi32, #tpu.memory_space<vmem>>) semaphore(%arg36 : memref<!tpu.dma_semaphore, #tpu.memory_space<semaphore_mem>>) {add = true}
    %scan3A_234 = arith.constant 0 : i32
    %scan3A_235 = arith.constant 0 : i32
    %scan3A_236 = arith.constant 8 : i32
    %scan3A_237 = arith.addi %scan3A_235, %scan3A_236 : i32
    %scan3A_238 = arith.constant 1 : i32
    scf.for %scan3A_453 = %scan3A_235 to %scan3A_237 step %scan3A_238  : i32 {
      %mul3A_454 = arith.constant 16 : i32
      %mul3A_455 = arith.muli %scan3A_453, %mul3A_454 : i32
      %add3A_456 = arith.constant 128 : i32
      %add3A_457 = arith.addi %add3A_456, %mul3A_455 : i32
      %mul3A_458 = arith.constant 640 : i32
      %mul3A_459 = arith.muli %arg1, %mul3A_458 : i32
      %add3A_460 = arith.addi %mul3A_459, %add3A_457 : i32
      %add3A_461 = vector.broadcast %add3A_460 : i32 to vector<16xi32>
      %add3A_462 = arith.addi %add3A_461, %iota3A : vector<16xi32>
      %mul3A_463 = arith.constant 640 : i32
      %mul3A_464 = arith.muli %arg1, %mul3A_463 : i32
      %add3A_465 = arith.addi %mul3A_464, %add3A_457 : i32
      %get3A_466 = arith.index_cast %add3A_465 : i32 to index
      %get3A_467 = tpu.vector_load %arg10[%get3A_466] {strides = array<i32>} : memref<10240xi32, #tpu.memory_space<vmem>>, vector<16xi32>,
      %lt3A_468 = arith.constant 10000 : i32
      %lt3A_469 = vector.broadcast %lt3A_468 : i32 to vector<16xi32>
      %lt3A_470 = arith.cmpi slt, %add3A_462, %lt3A_469 : vector<16xi32>
      %add3A_471 = arith.constant 200 : i32
      %add3A_472 = vector.broadcast %add3A_471 : i32 to vector<16xi32>
      %add3A_473 = arith.addi %add3A_472, %iota3A : vector<16xi32>
      %select_n3A_474 = arith.select %lt3A_470, %get3A_467, %add3A_473 : vector<16xi1>, vector<16xi32>
      %mul3A_475 = arith.constant 16 : i32
      %mul3A_476 = arith.muli %scan3A_453, %mul3A_475 : i32
      %swap3A_477 = arith.index_cast %mul3A_476 : i32 to index
      %swap3A_478 = tpu.vector_load %arg17[%swap3A_477] {strides = array<i32>} : memref<128xi32, #tpu.memory_space<vmem>>, vector<16xi32>,
      tpu.vector_store %arg17[%swap3A_477], %select_n3A_474 {strides = array<i32>} : memref<128xi32, #tpu.memory_space<vmem>>, vector<16xi32>,
      %jit3A_479 = arith.constant 1.000000e+00 : f32
      %jit3A_480 = arith.constant 0.000000e+00 : f32
      %broadcast_in_dim3A_481 = vector.broadcast %jit3A_479 : f32 to vector<16xf32>
      %broadcast_in_dim3A_482 = vector.broadcast %jit3A_480 : f32 to vector<16xf32>
      %select_n3A_483 = arith.select %lt3A_470, %broadcast_in_dim3A_481, %broadcast_in_dim3A_482 : vector<16xi1>, vector<16xf32>
      %mul3A_484 = arith.constant 16 : i32
      %mul3A_485 = arith.muli %scan3A_453, %mul3A_484 : i32
      %swap3A_486 = arith.index_cast %mul3A_485 : i32 to index
      %swap3A_487 = tpu.vector_load %arg23[%swap3A_486] {strides = array<i32>} : memref<128xf32, #tpu.memory_space<vmem>>, vector<16xf32>,
      tpu.vector_store %arg23[%swap3A_486], %select_n3A_483 {strides = array<i32>} : memref<128xf32, #tpu.memory_space<vmem>>, vector<16xf32>,
    }
    %scan3A_239 = arith.constant 8 : i32
    %dma_start3A_240 = arith.constant 0 : i32
    %dma_start3A_241 = tpu.memref_slice %arg32[%dma_start3A_240] : memref<256xf32, #tpu.memory_space<vmem_shared>> -> memref<256xf32, #tpu.memory_space<vmem_shared>>
    tpu.enqueue_indirect_dma source(%arg23 : memref<128xf32, #tpu.memory_space<vmem>>) target(%dma_start3A_241 : memref<256xf32, #tpu.memory_space<vmem_shared>>) offsets(%arg17 : memref<128xi32, #tpu.memory_space<vmem>>) semaphore(%arg37 : memref<!tpu.dma_semaphore, #tpu.memory_space<semaphore_mem>>) {add = true}
    %scan3A_242 = arith.constant 0 : i32
    %scan3A_243 = arith.constant 0 : i32
    %scan3A_244 = arith.constant 8 : i32
    %scan3A_245 = arith.addi %scan3A_243, %scan3A_244 : i32
    %scan3A_246 = arith.constant 1 : i32
    scf.for %scan3A_453 = %scan3A_243 to %scan3A_245 step %scan3A_246  : i32 {
      %mul3A_454 = arith.constant 16 : i32
      %mul3A_455 = arith.muli %scan3A_453, %mul3A_454 : i32
      %add3A_456 = arith.constant 256 : i32
      %add3A_457 = arith.addi %add3A_456, %mul3A_455 : i32
      %mul3A_458 = arith.constant 640 : i32
      %mul3A_459 = arith.muli %arg1, %mul3A_458 : i32
      %add3A_460 = arith.addi %mul3A_459, %add3A_457 : i32
      %add3A_461 = vector.broadcast %add3A_460 : i32 to vector<16xi32>
      %add3A_462 = arith.addi %add3A_461, %iota3A : vector<16xi32>
      %mul3A_463 = arith.constant 640 : i32
      %mul3A_464 = arith.muli %arg1, %mul3A_463 : i32
      %add3A_465 = arith.addi %mul3A_464, %add3A_457 : i32
      %get3A_466 = arith.index_cast %add3A_465 : i32 to index
      %get3A_467 = tpu.vector_load %arg10[%get3A_466] {strides = array<i32>} : memref<10240xi32, #tpu.memory_space<vmem>>, vector<16xi32>,
      %lt3A_468 = arith.constant 10000 : i32
      %lt3A_469 = vector.broadcast %lt3A_468 : i32 to vector<16xi32>
      %lt3A_470 = arith.cmpi slt, %add3A_462, %lt3A_469 : vector<16xi32>
      %add3A_471 = arith.constant 200 : i32
      %add3A_472 = vector.broadcast %add3A_471 : i32 to vector<16xi32>
      %add3A_473 = arith.addi %add3A_472, %iota3A : vector<16xi32>
      %select_n3A_474 = arith.select %lt3A_470, %get3A_467, %add3A_473 : vector<16xi1>, vector<16xi32>
      %mul3A_475 = arith.constant 16 : i32
      %mul3A_476 = arith.muli %scan3A_453, %mul3A_475 : i32
      %swap3A_477 = arith.index_cast %mul3A_476 : i32 to index
      %swap3A_478 = tpu.vector_load %arg18[%swap3A_477] {strides = array<i32>} : memref<128xi32, #tpu.memory_space<vmem>>, vector<16xi32>,
      tpu.vector_store %arg18[%swap3A_477], %select_n3A_474 {strides = array<i32>} : memref<128xi32, #tpu.memory_space<vmem>>, vector<16xi32>,
      %jit3A_479 = arith.constant 1.000000e+00 : f32
      %jit3A_480 = arith.constant 0.000000e+00 : f32
      %broadcast_in_dim3A_481 = vector.broadcast %jit3A_479 : f32 to vector<16xf32>
      %broadcast_in_dim3A_482 = vector.broadcast %jit3A_480 : f32 to vector<16xf32>
      %select_n3A_483 = arith.select %lt3A_470, %broadcast_in_dim3A_481, %broadcast_in_dim3A_482 : vector<16xi1>, vector<16xf32>
      %mul3A_484 = arith.constant 16 : i32
      %mul3A_485 = arith.muli %scan3A_453, %mul3A_484 : i32
      %swap3A_486 = arith.index_cast %mul3A_485 : i32 to index
      %swap3A_487 = tpu.vector_load %arg24[%swap3A_486] {strides = array<i32>} : memref<128xf32, #tpu.memory_space<vmem>>, vector<16xf32>,
      tpu.vector_store %arg24[%swap3A_486], %select_n3A_483 {strides = array<i32>} : memref<128xf32, #tpu.memory_space<vmem>>, vector<16xf32>,
    }
    %scan3A_247 = arith.constant 8 : i32
    %dma_start3A_248 = arith.constant 0 : i32
    %dma_start3A_249 = tpu.memref_slice %arg32[%dma_start3A_248] : memref<256xf32, #tpu.memory_space<vmem_shared>> -> memref<256xf32, #tpu.memory_space<vmem_shared>>
    tpu.enqueue_indirect_dma source(%arg24 : memref<128xf32, #tpu.memory_space<vmem>>) target(%dma_start3A_249 : memref<256xf32, #tpu.memory_space<vmem_shared>>) offsets(%arg18 : memref<128xi32, #tpu.memory_space<vmem>>) semaphore(%arg38 : memref<!tpu.dma_semaphore, #tpu.memory_space<semaphore_mem>>) {add = true}
    %scan3A_250 = arith.constant 0 : i32
    %scan3A_251 = arith.constant 0 : i32
    %scan3A_252 = arith.constant 8 : i32
    %scan3A_253 = arith.addi %scan3A_251, %scan3A_252 : i32
    %scan3A_254 = arith.constant 1 : i32
    scf.for %scan3A_453 = %scan3A_251 to %scan3A_253 step %scan3A_254  : i32 {
      %mul3A_454 = arith.constant 16 : i32
      %mul3A_455 = arith.muli %scan3A_453, %mul3A_454 : i32
      %add3A_456 = arith.constant 384 : i32
      %add3A_457 = arith.addi %add3A_456, %mul3A_455 : i32
      %mul3A_458 = arith.constant 640 : i32
      %mul3A_459 = arith.muli %arg1, %mul3A_458 : i32
      %add3A_460 = arith.addi %mul3A_459, %add3A_457 : i32
      %add3A_461 = vector.broadcast %add3A_460 : i32 to vector<16xi32>
      %add3A_462 = arith.addi %add3A_461, %iota3A : vector<16xi32>
      %mul3A_463 = arith.constant 640 : i32
      %mul3A_464 = arith.muli %arg1, %mul3A_463 : i32
      %add3A_465 = arith.addi %mul3A_464, %add3A_457 : i32
      %get3A_466 = arith.index_cast %add3A_465 : i32 to index
      %get3A_467 = tpu.vector_load %arg10[%get3A_466] {strides = array<i32>} : memref<10240xi32, #tpu.memory_space<vmem>>, vector<16xi32>,
      %lt3A_468 = arith.constant 10000 : i32
      %lt3A_469 = vector.broadcast %lt3A_468 : i32 to vector<16xi32>
      %lt3A_470 = arith.cmpi slt, %add3A_462, %lt3A_469 : vector<16xi32>
      %add3A_471 = arith.constant 200 : i32
      %add3A_472 = vector.broadcast %add3A_471 : i32 to vector<16xi32>
      %add3A_473 = arith.addi %add3A_472, %iota3A : vector<16xi32>
      %select_n3A_474 = arith.select %lt3A_470, %get3A_467, %add3A_473 : vector<16xi1>, vector<16xi32>
      %mul3A_475 = arith.constant 16 : i32
      %mul3A_476 = arith.muli %scan3A_453, %mul3A_475 : i32
      %swap3A_477 = arith.index_cast %mul3A_476 : i32 to index
      %swap3A_478 = tpu.vector_load %arg19[%swap3A_477] {strides = array<i32>} : memref<128xi32, #tpu.memory_space<vmem>>, vector<16xi32>,
      tpu.vector_store %arg19[%swap3A_477], %select_n3A_474 {strides = array<i32>} : memref<128xi32, #tpu.memory_space<vmem>>, vector<16xi32>,
      %jit3A_479 = arith.constant 1.000000e+00 : f32
      %jit3A_480 = arith.constant 0.000000e+00 : f32
      %broadcast_in_dim3A_481 = vector.broadcast %jit3A_479 : f32 to vector<16xf32>
      %broadcast_in_dim3A_482 = vector.broadcast %jit3A_480 : f32 to vector<16xf32>
      %select_n3A_483 = arith.select %lt3A_470, %broadcast_in_dim3A_481, %broadcast_in_dim3A_482 : vector<16xi1>, vector<16xf32>
      %mul3A_484 = arith.constant 16 : i32
      %mul3A_485 = arith.muli %scan3A_453, %mul3A_484 : i32
      %swap3A_486 = arith.index_cast %mul3A_485 : i32 to index
      %swap3A_487 = tpu.vector_load %arg25[%swap3A_486] {strides = array<i32>} : memref<128xf32, #tpu.memory_space<vmem>>, vector<16xf32>,
      tpu.vector_store %arg25[%swap3A_486], %select_n3A_483 {strides = array<i32>} : memref<128xf32, #tpu.memory_space<vmem>>, vector<16xf32>,
    }
    %scan3A_255 = arith.constant 8 : i32
    %dma_start3A_256 = arith.constant 0 : i32
    %dma_start3A_257 = tpu.memref_slice %arg32[%dma_start3A_256] : memref<256xf32, #tpu.memory_space<vmem_shared>> -> memref<256xf32, #tpu.memory_space<vmem_shared>>
    tpu.enqueue_indirect_dma source(%arg25 : memref<128xf32, #tpu.memory_space<vmem>>) target(%dma_start3A_257 : memref<256xf32, #tpu.memory_space<vmem_shared>>) offsets(%arg19 : memref<128xi32, #tpu.memory_space<vmem>>) semaphore(%arg39 : memref<!tpu.dma_semaphore, #tpu.memory_space<semaphore_mem>>) {add = true}
    %scan3A_258 = arith.constant 0 : i32
    %scan3A_259 = arith.constant 0 : i32
    %scan3A_260 = arith.constant 8 : i32
    %scan3A_261 = arith.addi %scan3A_259, %scan3A_260 : i32
    %scan3A_262 = arith.constant 1 : i32
    scf.for %scan3A_453 = %scan3A_259 to %scan3A_261 step %scan3A_262  : i32 {
      %mul3A_454 = arith.constant 16 : i32
      %mul3A_455 = arith.muli %scan3A_453, %mul3A_454 : i32
      %add3A_456 = arith.constant 512 : i32
      %add3A_457 = arith.addi %add3A_456, %mul3A_455 : i32
      %mul3A_458 = arith.constant 640 : i32
      %mul3A_459 = arith.muli %arg1, %mul3A_458 : i32
      %add3A_460 = arith.addi %mul3A_459, %add3A_457 : i32
      %add3A_461 = vector.broadcast %add3A_460 : i32 to vector<16xi32>
      %add3A_462 = arith.addi %add3A_461, %iota3A : vector<16xi32>
      %mul3A_463 = arith.constant 640 : i32
      %mul3A_464 = arith.muli %arg1, %mul3A_463 : i32
      %add3A_465 = arith.addi %mul3A_464, %add3A_457 : i32
      %get3A_466 = arith.index_cast %add3A_465 : i32 to index
      %get3A_467 = tpu.vector_load %arg10[%get3A_466] {strides = array<i32>} : memref<10240xi32, #tpu.memory_space<vmem>>, vector<16xi32>,
      %lt3A_468 = arith.constant 10000 : i32
      %lt3A_469 = vector.broadcast %lt3A_468 : i32 to vector<16xi32>
      %lt3A_470 = arith.cmpi slt, %add3A_462, %lt3A_469 : vector<16xi32>
      %add3A_471 = arith.constant 200 : i32
      %add3A_472 = vector.broadcast %add3A_471 : i32 to vector<16xi32>
      %add3A_473 = arith.addi %add3A_472, %iota3A : vector<16xi32>
      %select_n3A_474 = arith.select %lt3A_470, %get3A_467, %add3A_473 : vector<16xi1>, vector<16xi32>
      %mul3A_475 = arith.constant 16 : i32
      %mul3A_476 = arith.muli %scan3A_453, %mul3A_475 : i32
      %swap3A_477 = arith.index_cast %mul3A_476 : i32 to index
      %swap3A_478 = tpu.vector_load %arg20[%swap3A_477] {strides = array<i32>} : memref<128xi32, #tpu.memory_space<vmem>>, vector<16xi32>,
      tpu.vector_store %arg20[%swap3A_477], %select_n3A_474 {strides = array<i32>} : memref<128xi32, #tpu.memory_space<vmem>>, vector<16xi32>,
      %jit3A_479 = arith.constant 1.000000e+00 : f32
      %jit3A_480 = arith.constant 0.000000e+00 : f32
      %broadcast_in_dim3A_481 = vector.broadcast %jit3A_479 : f32 to vector<16xf32>
      %broadcast_in_dim3A_482 = vector.broadcast %jit3A_480 : f32 to vector<16xf32>
      %select_n3A_483 = arith.select %lt3A_470, %broadcast_in_dim3A_481, %broadcast_in_dim3A_482 : vector<16xi1>, vector<16xf32>
      %mul3A_484 = arith.constant 16 : i32
      %mul3A_485 = arith.muli %scan3A_453, %mul3A_484 : i32
      %swap3A_486 = arith.index_cast %mul3A_485 : i32 to index
      %swap3A_487 = tpu.vector_load %arg26[%swap3A_486] {strides = array<i32>} : memref<128xf32, #tpu.memory_space<vmem>>, vector<16xf32>,
      tpu.vector_store %arg26[%swap3A_486], %select_n3A_483 {strides = array<i32>} : memref<128xf32, #tpu.memory_space<vmem>>, vector<16xf32>,
    }
    %scan3A_263 = arith.constant 8 : i32
    %dma_start3A_264 = arith.constant 0 : i32
    %dma_start3A_265 = tpu.memref_slice %arg32[%dma_start3A_264] : memref<256xf32, #tpu.memory_space<vmem_shared>> -> memref<256xf32, #tpu.memory_space<vmem_shared>>
    tpu.enqueue_indirect_dma source(%arg26 : memref<128xf32, #tpu.memory_space<vmem>>) target(%dma_start3A_265 : memref<256xf32, #tpu.memory_space<vmem_shared>>) offsets(%arg20 : memref<128xi32, #tpu.memory_space<vmem>>) semaphore(%arg42 : memref<!tpu.dma_semaphore, #tpu.memory_space<semaphore_mem>>) {add = true}
    %scan3A_266 = arith.constant 0 : i32
    %scan3A_267 = arith.constant 0 : i32
    %scan3A_268 = arith.constant 0 : i32
    %scan3A_269 = arith.addi %scan3A_267, %scan3A_268 : i32
    %scan3A_270 = arith.constant 0 : i32
    %dma_wait3A_271 = arith.constant 0 : i32
    %dma_wait3A_272 = tpu.memref_slice %arg32[%dma_wait3A_271] : memref<256xf32, #tpu.memory_space<vmem_shared>> -> memref<256xf32, #tpu.memory_space<vmem_shared>>
    tpu.wait_indirect_dma semaphore(%arg36 : memref<!tpu.dma_semaphore, #tpu.memory_space<semaphore_mem>>) src(%arg22 : memref<128xf32, #tpu.memory_space<vmem>>) dst(%dma_wait3A_272 : memref<256xf32, #tpu.memory_space<vmem_shared>>)
    %dma_wait3A_273 = arith.constant 0 : i32
    %dma_wait3A_274 = tpu.memref_slice %arg32[%dma_wait3A_273] : memref<256xf32, #tpu.memory_space<vmem_shared>> -> memref<256xf32, #tpu.memory_space<vmem_shared>>
    tpu.wait_indirect_dma semaphore(%arg37 : memref<!tpu.dma_semaphore, #tpu.memory_space<semaphore_mem>>) src(%arg23 : memref<128xf32, #tpu.memory_space<vmem>>) dst(%dma_wait3A_274 : memref<256xf32, #tpu.memory_space<vmem_shared>>)
    %dma_wait3A_275 = arith.constant 0 : i32
    %dma_wait3A_276 = tpu.memref_slice %arg32[%dma_wait3A_275] : memref<256xf32, #tpu.memory_space<vmem_shared>> -> memref<256xf32, #tpu.memory_space<vmem_shared>>
    tpu.wait_indirect_dma semaphore(%arg38 : memref<!tpu.dma_semaphore, #tpu.memory_space<semaphore_mem>>) src(%arg24 : memref<128xf32, #tpu.memory_space<vmem>>) dst(%dma_wait3A_276 : memref<256xf32, #tpu.memory_space<vmem_shared>>)
    %dma_wait3A_277 = arith.constant 0 : i32
    %dma_wait3A_278 = tpu.memref_slice %arg32[%dma_wait3A_277] : memref<256xf32, #tpu.memory_space<vmem_shared>> -> memref<256xf32, #tpu.memory_space<vmem_shared>>
    tpu.wait_indirect_dma semaphore(%arg39 : memref<!tpu.dma_semaphore, #tpu.memory_space<semaphore_mem>>) src(%arg25 : memref<128xf32, #tpu.memory_space<vmem>>) dst(%dma_wait3A_278 : memref<256xf32, #tpu.memory_space<vmem_shared>>)
    %dma_wait3A_279 = arith.constant 0 : i32
    %dma_wait3A_280 = tpu.memref_slice %arg32[%dma_wait3A_279] : memref<256xf32, #tpu.memory_space<vmem_shared>> -> memref<256xf32, #tpu.memory_space<vmem_shared>>
    tpu.wait_indirect_dma semaphore(%arg42 : memref<!tpu.dma_semaphore, #tpu.memory_space<semaphore_mem>>) src(%arg26 : memref<128xf32, #tpu.memory_space<vmem>>) dst(%dma_wait3A_280 : memref<256xf32, #tpu.memory_space<vmem_shared>>)
    %barrier3A = arith.constant 0 : index
    tpu.barrier barrier_id(%barrier3A)
    %mul3A_281 = arith.constant 640 : i32
    %mul3A_282 = arith.muli %arg1, %mul3A_281 : i32
    "tpu.region"() ({
      %run_scoped3A = tpu.sem_alloc : memref<!tpu.dma_semaphore, #tpu.memory_space<semaphore_mem>>
      %dma_start3A_453 = tpu.memref_slice %arg31[%mul3A_282] : memref<10240xf32, #tpu.memory_space<vmem_shared>> -> memref<640xf32, #tpu.memory_space<vmem_shared>>
      %dma_start3A_454 = tpu.memref_slice %arg31[%mul3A_282] : memref<10240xf32, #tpu.memory_space<vmem_shared>> -> memref<640xf32, #tpu.memory_space<vmem_shared>>
      tpu.enqueue_dma source(%dma_start3A_454 : memref<640xf32, #tpu.memory_space<vmem_shared>>) target(%arg13 : memref<640xf32, #tpu.memory_space<vmem>>) target_semaphore(%run_scoped3A : memref<!tpu.dma_semaphore, #tpu.memory_space<semaphore_mem>>)
      %dma_wait3A_455 = tpu.memref_slice %arg31[%mul3A_282] : memref<10240xf32, #tpu.memory_space<vmem_shared>> -> memref<640xf32, #tpu.memory_space<vmem_shared>>
      %dma_wait3A_456 = tpu.memref_slice %arg31[%mul3A_282] : memref<10240xf32, #tpu.memory_space<vmem_shared>> -> memref<640xf32, #tpu.memory_space<vmem_shared>>
      tpu.wait_dma2 semaphore(%run_scoped3A : memref<!tpu.dma_semaphore, #tpu.memory_space<semaphore_mem>>) src(%dma_wait3A_456 : memref<640xf32, #tpu.memory_space<vmem_shared>>) dst(%arg13 : memref<640xf32, #tpu.memory_space<vmem>>)
      tpu.yield
    }) : () -> ()
    %scan3A_283 = arith.constant 0 : i32
    %scan3A_284 = arith.constant 0 : i32
    %scan3A_285 = arith.constant 40 : i32
    %scan3A_286 = arith.addi %scan3A_284, %scan3A_285 : i32
    %scan3A_287 = arith.constant 1 : i32
    scf.for %scan3A_453 = %scan3A_284 to %scan3A_286 step %scan3A_287  : i32 {
      %mul3A_454 = arith.constant 16 : i32
      %mul3A_455 = arith.muli %scan3A_453, %mul3A_454 : i32
      %get3A_456 = arith.index_cast %mul3A_455 : i32 to index
      %get3A_457 = tpu.vector_load %arg13[%get3A_456] {strides = array<i32>} : memref<640xf32, #tpu.memory_space<vmem>>, vector<16xf32>,
      %add3A_458 = arith.constant 1.000000e+00 : f32
      %add3A_459 = vector.broadcast %add3A_458 : f32 to vector<16xf32>
      %add3A_460 = arith.addf %get3A_457, %add3A_459 : vector<16xf32>
      %bitcast3A = vector.bitcast %add3A_460 : vector<16xf32> to vector<16xi32>
      %shift_right_logical3A = arith.constant 1 : i32
      %shift_right_logical3A_461 = vector.broadcast %shift_right_logical3A : i32 to vector<16xi32>
      %shift_right_logical3A_462 = arith.shrui %bitcast3A, %shift_right_logical3A_461 : vector<16xi32>
      %sub3A_463 = arith.constant 1597463007 : i32
      %sub3A_464 = vector.broadcast %sub3A_463 : i32 to vector<16xi32>
      %sub3A_465 = arith.subi %sub3A_464, %shift_right_logical3A_462 : vector<16xi32>
      %bitcast3A_466 = vector.bitcast %sub3A_465 : vector<16xi32> to vector<16xf32>
      %mul3A_467 = arith.constant 5.000000e-01 : f32
      %mul3A_468 = vector.broadcast %mul3A_467 : f32 to vector<16xf32>
      %mul3A_469 = arith.mulf %mul3A_468, %add3A_460 : vector<16xf32>
      %mul3A_470 = arith.mulf %mul3A_469, %bitcast3A_466 : vector<16xf32>
      %mul3A_471 = arith.mulf %mul3A_470, %bitcast3A_466 : vector<16xf32>
      %sub3A_472 = arith.constant 1.500000e+00 : f32
      %sub3A_473 = vector.broadcast %sub3A_472 : f32 to vector<16xf32>
      %sub3A_474 = arith.subf %sub3A_473, %mul3A_471 : vector<16xf32>
      %mul3A_475 = arith.mulf %bitcast3A_466, %sub3A_474 : vector<16xf32>
      %mul3A_476 = arith.constant 5.000000e-01 : f32
      %mul3A_477 = vector.broadcast %mul3A_476 : f32 to vector<16xf32>
      %mul3A_478 = arith.mulf %mul3A_477, %add3A_460 : vector<16xf32>
      %mul3A_479 = arith.mulf %mul3A_478, %mul3A_475 : vector<16xf32>
      %mul3A_480 = arith.mulf %mul3A_479, %mul3A_475 : vector<16xf32>
      %sub3A_481 = arith.constant 1.500000e+00 : f32
      %sub3A_482 = vector.broadcast %sub3A_481 : f32 to vector<16xf32>
      %sub3A_483 = arith.subf %sub3A_482, %mul3A_480 : vector<16xf32>
      %mul3A_484 = arith.mulf %mul3A_475, %sub3A_483 : vector<16xf32>
      %mul3A_485 = arith.constant 5.000000e-01 : f32
      %mul3A_486 = vector.broadcast %mul3A_485 : f32 to vector<16xf32>
      %mul3A_487 = arith.mulf %mul3A_486, %add3A_460 : vector<16xf32>
      %mul3A_488 = arith.mulf %mul3A_487, %mul3A_484 : vector<16xf32>
      %mul3A_489 = arith.mulf %mul3A_488, %mul3A_484 : vector<16xf32>
      %sub3A_490 = arith.constant 1.500000e+00 : f32
      %sub3A_491 = vector.broadcast %sub3A_490 : f32 to vector<16xf32>
      %sub3A_492 = arith.subf %sub3A_491, %mul3A_489 : vector<16xf32>
      %mul3A_493 = arith.mulf %mul3A_484, %sub3A_492 : vector<16xf32>
      %mul3A_494 = arith.constant 16 : i32
      %mul3A_495 = arith.muli %scan3A_453, %mul3A_494 : i32
      %swap3A_496 = arith.index_cast %mul3A_495 : i32 to index
      %swap3A_497 = tpu.vector_load %arg14[%swap3A_496] {strides = array<i32>} : memref<640xf32, #tpu.memory_space<vmem>>, vector<16xf32>,
      tpu.vector_store %arg14[%swap3A_496], %mul3A_493 {strides = array<i32>} : memref<640xf32, #tpu.memory_space<vmem>>, vector<16xf32>,
      %mul3A_498 = arith.mulf %mul3A_493, %mul3A_493 : vector<16xf32>
      %mul3A_499 = arith.constant 16 : i32
      %mul3A_500 = arith.muli %scan3A_453, %mul3A_499 : i32
      %swap3A_501 = arith.index_cast %mul3A_500 : i32 to index
      %swap3A_502 = tpu.vector_load %arg15[%swap3A_501] {strides = array<i32>} : memref<640xf32, #tpu.memory_space<vmem>>, vector<16xf32>,
      tpu.vector_store %arg15[%swap3A_501], %mul3A_498 {strides = array<i32>} : memref<640xf32, #tpu.memory_space<vmem>>, vector<16xf32>,
    }
    %scan3A_288 = arith.constant 40 : i32
    %mul3A_289 = arith.constant 640 : i32
    %mul3A_290 = arith.muli %arg1, %mul3A_289 : i32
    "tpu.region"() ({
      %run_scoped3A = tpu.sem_alloc : memref<!tpu.dma_semaphore, #tpu.memory_space<semaphore_mem>>
      %dma_start3A_453 = tpu.memref_slice %arg33[%mul3A_290] : memref<10240xf32, #tpu.memory_space<vmem_shared>> -> memref<640xf32, #tpu.memory_space<vmem_shared>>
      %dma_start3A_454 = tpu.memref_slice %arg33[%mul3A_290] : memref<10240xf32, #tpu.memory_space<vmem_shared>> -> memref<640xf32, #tpu.memory_space<vmem_shared>>
      tpu.enqueue_dma source(%arg14 : memref<640xf32, #tpu.memory_space<vmem>>) target(%dma_start3A_454 : memref<640xf32, #tpu.memory_space<vmem_shared>>) target_semaphore(%run_scoped3A : memref<!tpu.dma_semaphore, #tpu.memory_space<semaphore_mem>>)
      %dma_wait3A_455 = tpu.memref_slice %arg33[%mul3A_290] : memref<10240xf32, #tpu.memory_space<vmem_shared>> -> memref<640xf32, #tpu.memory_space<vmem_shared>>
      %dma_wait3A_456 = tpu.memref_slice %arg33[%mul3A_290] : memref<10240xf32, #tpu.memory_space<vmem_shared>> -> memref<640xf32, #tpu.memory_space<vmem_shared>>
      tpu.wait_dma2 semaphore(%run_scoped3A : memref<!tpu.dma_semaphore, #tpu.memory_space<semaphore_mem>>) src(%arg14 : memref<640xf32, #tpu.memory_space<vmem>>) dst(%dma_wait3A_456 : memref<640xf32, #tpu.memory_space<vmem_shared>>)
      tpu.yield
    }) : () -> ()
    %mul3A_291 = arith.constant 640 : i32
    %mul3A_292 = arith.muli %arg1, %mul3A_291 : i32
    "tpu.region"() ({
      %run_scoped3A = tpu.sem_alloc : memref<!tpu.dma_semaphore, #tpu.memory_space<semaphore_mem>>
      %dma_start3A_453 = tpu.memref_slice %arg34[%mul3A_292] : memref<10240xf32, #tpu.memory_space<vmem_shared>> -> memref<640xf32, #tpu.memory_space<vmem_shared>>
      %dma_start3A_454 = tpu.memref_slice %arg34[%mul3A_292] : memref<10240xf32, #tpu.memory_space<vmem_shared>> -> memref<640xf32, #tpu.memory_space<vmem_shared>>
      tpu.enqueue_dma source(%arg15 : memref<640xf32, #tpu.memory_space<vmem>>) target(%dma_start3A_454 : memref<640xf32, #tpu.memory_space<vmem_shared>>) target_semaphore(%run_scoped3A : memref<!tpu.dma_semaphore, #tpu.memory_space<semaphore_mem>>)
      %dma_wait3A_455 = tpu.memref_slice %arg34[%mul3A_292] : memref<10240xf32, #tpu.memory_space<vmem_shared>> -> memref<640xf32, #tpu.memory_space<vmem_shared>>
      %dma_wait3A_456 = tpu.memref_slice %arg34[%mul3A_292] : memref<10240xf32, #tpu.memory_space<vmem_shared>> -> memref<640xf32, #tpu.memory_space<vmem_shared>>
      tpu.wait_dma2 semaphore(%run_scoped3A : memref<!tpu.dma_semaphore, #tpu.memory_space<semaphore_mem>>) src(%arg15 : memref<640xf32, #tpu.memory_space<vmem>>) dst(%dma_wait3A_456 : memref<640xf32, #tpu.memory_space<vmem_shared>>)
      tpu.yield
    }) : () -> ()
    %barrier3A_293 = arith.constant 0 : index
    tpu.barrier barrier_id(%barrier3A_293)
    "tpu.region"() ({
      %run_scoped3A = tpu.sem_alloc : memref<!tpu.dma_semaphore, #tpu.memory_space<semaphore_mem>>
      tpu.enqueue_dma source(%arg33 : memref<10240xf32, #tpu.memory_space<vmem_shared>>) target(%arg11 : memref<10240xf32, #tpu.memory_space<vmem>>) target_semaphore(%run_scoped3A : memref<!tpu.dma_semaphore, #tpu.memory_space<semaphore_mem>>)
      tpu.wait_dma2 semaphore(%run_scoped3A : memref<!tpu.dma_semaphore, #tpu.memory_space<semaphore_mem>>) src(%arg33 : memref<10240xf32, #tpu.memory_space<vmem_shared>>) dst(%arg11 : memref<10240xf32, #tpu.memory_space<vmem>>)
      tpu.yield
    }) : () -> ()
    "tpu.region"() ({
      %run_scoped3A = tpu.sem_alloc : memref<!tpu.dma_semaphore, #tpu.memory_space<semaphore_mem>>
      tpu.enqueue_dma source(%arg34 : memref<10240xf32, #tpu.memory_space<vmem_shared>>) target(%arg12 : memref<10240xf32, #tpu.memory_space<vmem>>) target_semaphore(%run_scoped3A : memref<!tpu.dma_semaphore, #tpu.memory_space<semaphore_mem>>)
      tpu.wait_dma2 semaphore(%run_scoped3A : memref<!tpu.dma_semaphore, #tpu.memory_space<semaphore_mem>>) src(%arg34 : memref<10240xf32, #tpu.memory_space<vmem_shared>>) dst(%arg12 : memref<10240xf32, #tpu.memory_space<vmem>>)
      tpu.yield
    }) : () -> ()
    %scan3A_294 = arith.constant 0 : i32
    %scan3A_295 = arith.constant 0 : i32
    %scan3A_296 = arith.constant 8 : i32
    %scan3A_297 = arith.addi %scan3A_295, %scan3A_296 : i32
    %scan3A_298 = arith.constant 1 : i32
    scf.for %scan3A_453 = %scan3A_295 to %scan3A_297 step %scan3A_298  : i32 {
      %mul3A_454 = arith.constant 16 : i32
      %mul3A_455 = arith.muli %scan3A_453, %mul3A_454 : i32
      %add3A_456 = arith.constant 0 : i32
      %add3A_457 = arith.addi %add3A_456, %mul3A_455 : i32
      %get3A_458 = arith.index_cast %add3A_457 : i32 to index
      %get3A_459 = tpu.vector_load %arg7[%get3A_458] {strides = array<i32>} : memref<10000xi32, #tpu.memory_space<vmem>>, vector<16xi32>,
      %get3A_460 = arith.index_cast %add3A_457 : i32 to index
      %get3A_461 = tpu.vector_load %arg8[%get3A_460] {strides = array<i32>} : memref<10000xi32, #tpu.memory_space<vmem>>, vector<16xi32>,
      %get3A_462 = arith.index_cast %add3A_457 : i32 to index
      %get3A_463 = tpu.vector_load %arg9[%get3A_462] {strides = array<i32>} : memref<10000xf32, #tpu.memory_space<vmem>>, vector<16xf32>,
      %gather3A_464 = tpu.vector_load_idx %arg11[%get3A_461] : memref<10240xf32, #tpu.memory_space<vmem>>[vector<16xi32>], vector<16xf32>,
      %gather3A_465 = tpu.vector_load_idx %arg11[%get3A_459] : memref<10240xf32, #tpu.memory_space<vmem>>[vector<16xi32>], vector<16xf32>,
      %gather3A_466 = tpu.vector_load_idx %arg10[%get3A_461] : memref<10240xi32, #tpu.memory_space<vmem>>[vector<16xi32>], vector<16xi32>,
      %sub3A_467 = vector.broadcast %mul3A_0 : i32 to vector<16xi32>
      %sub3A_468 = arith.subi %gather3A_466, %sub3A_467 : vector<16xi32>
      %ge3A_469 = arith.constant 0 : i32
      %ge3A_470 = vector.broadcast %ge3A_469 : i32 to vector<16xi32>
      %ge3A_471 = arith.cmpi sge, %sub3A_468, %ge3A_470 : vector<16xi32>
      %lt3A_472 = arith.constant 64 : i32
      %lt3A_473 = vector.broadcast %lt3A_472 : i32 to vector<16xi32>
      %lt3A_474 = arith.cmpi slt, %sub3A_468, %lt3A_473 : vector<16xi32>
      %and3A_475 = arith.andi %ge3A_471, %lt3A_474 : vector<16xi1>
      %mul3A_476 = arith.constant 16 : i32
      %mul3A_477 = arith.muli %scan3A_453, %mul3A_476 : i32
      %add3A_478 = vector.broadcast %mul3A_477 : i32 to vector<16xi32>
      %add3A_479 = arith.addi %iota3A, %add3A_478 : vector<16xi32>
      %and3A_480 = arith.constant 127 : i32
      %and3A_481 = vector.broadcast %and3A_480 : i32 to vector<16xi32>
      %and3A_482 = arith.andi %add3A_479, %and3A_481 : vector<16xi32>
      %add3A_483 = arith.constant 655360 : i32
      %add3A_484 = vector.broadcast %add3A_483 : i32 to vector<16xi32>
      %add3A_485 = arith.addi %add3A_484, %and3A_482 : vector<16xi32>
      %mul3A_486 = arith.constant 10240 : i32
      %mul3A_487 = vector.broadcast %mul3A_486 : i32 to vector<16xi32>
      %mul3A_488 = arith.muli %sub3A_468, %mul3A_487 : vector<16xi32>
      %add3A_489 = arith.addi %mul3A_488, %get3A_459 : vector<16xi32>
      %select_n3A_490 = arith.select %and3A_475, %add3A_489, %add3A_485 : vector<16xi1>, vector<16xi32>
      %mul3A_491 = arith.constant 16 : i32
      %mul3A_492 = arith.muli %scan3A_453, %mul3A_491 : i32
      %swap3A_493 = arith.index_cast %mul3A_492 : i32 to index
      %swap3A_494 = tpu.vector_load %arg16[%swap3A_493] {strides = array<i32>} : memref<128xi32, #tpu.memory_space<vmem>>, vector<16xi32>,
      tpu.vector_store %arg16[%swap3A_493], %select_n3A_490 {strides = array<i32>} : memref<128xi32, #tpu.memory_space<vmem>>, vector<16xi32>,
      %mul3A_495 = arith.mulf %gather3A_464, %gather3A_465 : vector<16xf32>
      %mul3A_496 = arith.mulf %mul3A_495, %get3A_463 : vector<16xf32>
      %jit3A_497 = arith.constant 0.000000e+00 : f32
      %broadcast_in_dim3A_498 = vector.broadcast %jit3A_497 : f32 to vector<16xf32>
      %select_n3A_499 = arith.select %and3A_475, %mul3A_496, %broadcast_in_dim3A_498 : vector<16xi1>, vector<16xf32>
      %mul3A_500 = arith.constant 16 : i32
      %mul3A_501 = arith.muli %scan3A_453, %mul3A_500 : i32
      %swap3A_502 = arith.index_cast %mul3A_501 : i32 to index
      %swap3A_503 = tpu.vector_load %arg22[%swap3A_502] {strides = array<i32>} : memref<128xf32, #tpu.memory_space<vmem>>, vector<16xf32>,
      tpu.vector_store %arg22[%swap3A_502], %select_n3A_499 {strides = array<i32>} : memref<128xf32, #tpu.memory_space<vmem>>, vector<16xf32>,
    }
    %scan3A_299 = arith.constant 8 : i32
    %dma_start3A_300 = arith.constant 0 : i32
    %dma_start3A_301 = tpu.memref_slice %arg35[%dma_start3A_300] : memref<655488xf32, #tpu.memory_space<vmem_shared>> -> memref<655488xf32, #tpu.memory_space<vmem_shared>>
    tpu.enqueue_indirect_dma source(%arg22 : memref<128xf32, #tpu.memory_space<vmem>>) target(%dma_start3A_301 : memref<655488xf32, #tpu.memory_space<vmem_shared>>) offsets(%arg16 : memref<128xi32, #tpu.memory_space<vmem>>) semaphore(%arg36 : memref<!tpu.dma_semaphore, #tpu.memory_space<semaphore_mem>>) {add = true}
    %scan3A_302 = arith.constant 0 : i32
    %scan3A_303 = arith.constant 0 : i32
    %scan3A_304 = arith.constant 8 : i32
    %scan3A_305 = arith.addi %scan3A_303, %scan3A_304 : i32
    %scan3A_306 = arith.constant 1 : i32
    scf.for %scan3A_453 = %scan3A_303 to %scan3A_305 step %scan3A_306  : i32 {
      %mul3A_454 = arith.constant 16 : i32
      %mul3A_455 = arith.muli %scan3A_453, %mul3A_454 : i32
      %add3A_456 = arith.constant 128 : i32
      %add3A_457 = arith.addi %add3A_456, %mul3A_455 : i32
      %get3A_458 = arith.index_cast %add3A_457 : i32 to index
      %get3A_459 = tpu.vector_load %arg7[%get3A_458] {strides = array<i32>} : memref<10000xi32, #tpu.memory_space<vmem>>, vector<16xi32>,
      %get3A_460 = arith.index_cast %add3A_457 : i32 to index
      %get3A_461 = tpu.vector_load %arg8[%get3A_460] {strides = array<i32>} : memref<10000xi32, #tpu.memory_space<vmem>>, vector<16xi32>,
      %get3A_462 = arith.index_cast %add3A_457 : i32 to index
      %get3A_463 = tpu.vector_load %arg9[%get3A_462] {strides = array<i32>} : memref<10000xf32, #tpu.memory_space<vmem>>, vector<16xf32>,
      %gather3A_464 = tpu.vector_load_idx %arg11[%get3A_461] : memref<10240xf32, #tpu.memory_space<vmem>>[vector<16xi32>], vector<16xf32>,
      %gather3A_465 = tpu.vector_load_idx %arg11[%get3A_459] : memref<10240xf32, #tpu.memory_space<vmem>>[vector<16xi32>], vector<16xf32>,
      %gather3A_466 = tpu.vector_load_idx %arg10[%get3A_461] : memref<10240xi32, #tpu.memory_space<vmem>>[vector<16xi32>], vector<16xi32>,
      %sub3A_467 = vector.broadcast %mul3A_0 : i32 to vector<16xi32>
      %sub3A_468 = arith.subi %gather3A_466, %sub3A_467 : vector<16xi32>
      %ge3A_469 = arith.constant 0 : i32
      %ge3A_470 = vector.broadcast %ge3A_469 : i32 to vector<16xi32>
      %ge3A_471 = arith.cmpi sge, %sub3A_468, %ge3A_470 : vector<16xi32>
      %lt3A_472 = arith.constant 64 : i32
      %lt3A_473 = vector.broadcast %lt3A_472 : i32 to vector<16xi32>
      %lt3A_474 = arith.cmpi slt, %sub3A_468, %lt3A_473 : vector<16xi32>
      %and3A_475 = arith.andi %ge3A_471, %lt3A_474 : vector<16xi1>
      %mul3A_476 = arith.constant 16 : i32
      %mul3A_477 = arith.muli %scan3A_453, %mul3A_476 : i32
      %add3A_478 = vector.broadcast %mul3A_477 : i32 to vector<16xi32>
      %add3A_479 = arith.addi %iota3A, %add3A_478 : vector<16xi32>
      %and3A_480 = arith.constant 127 : i32
      %and3A_481 = vector.broadcast %and3A_480 : i32 to vector<16xi32>
      %and3A_482 = arith.andi %add3A_479, %and3A_481 : vector<16xi32>
      %add3A_483 = arith.constant 655360 : i32
      %add3A_484 = vector.broadcast %add3A_483 : i32 to vector<16xi32>
      %add3A_485 = arith.addi %add3A_484, %and3A_482 : vector<16xi32>
      %mul3A_486 = arith.constant 10240 : i32
      %mul3A_487 = vector.broadcast %mul3A_486 : i32 to vector<16xi32>
      %mul3A_488 = arith.muli %sub3A_468, %mul3A_487 : vector<16xi32>
      %add3A_489 = arith.addi %mul3A_488, %get3A_459 : vector<16xi32>
      %select_n3A_490 = arith.select %and3A_475, %add3A_489, %add3A_485 : vector<16xi1>, vector<16xi32>
      %mul3A_491 = arith.constant 16 : i32
      %mul3A_492 = arith.muli %scan3A_453, %mul3A_491 : i32
      %swap3A_493 = arith.index_cast %mul3A_492 : i32 to index
      %swap3A_494 = tpu.vector_load %arg17[%swap3A_493] {strides = array<i32>} : memref<128xi32, #tpu.memory_space<vmem>>, vector<16xi32>,
      tpu.vector_store %arg17[%swap3A_493], %select_n3A_490 {strides = array<i32>} : memref<128xi32, #tpu.memory_space<vmem>>, vector<16xi32>,
      %mul3A_495 = arith.mulf %gather3A_464, %gather3A_465 : vector<16xf32>
      %mul3A_496 = arith.mulf %mul3A_495, %get3A_463 : vector<16xf32>
      %jit3A_497 = arith.constant 0.000000e+00 : f32
      %broadcast_in_dim3A_498 = vector.broadcast %jit3A_497 : f32 to vector<16xf32>
      %select_n3A_499 = arith.select %and3A_475, %mul3A_496, %broadcast_in_dim3A_498 : vector<16xi1>, vector<16xf32>
      %mul3A_500 = arith.constant 16 : i32
      %mul3A_501 = arith.muli %scan3A_453, %mul3A_500 : i32
      %swap3A_502 = arith.index_cast %mul3A_501 : i32 to index
      %swap3A_503 = tpu.vector_load %arg23[%swap3A_502] {strides = array<i32>} : memref<128xf32, #tpu.memory_space<vmem>>, vector<16xf32>,
      tpu.vector_store %arg23[%swap3A_502], %select_n3A_499 {strides = array<i32>} : memref<128xf32, #tpu.memory_space<vmem>>, vector<16xf32>,
    }
    %scan3A_307 = arith.constant 8 : i32
    %dma_start3A_308 = arith.constant 0 : i32
    %dma_start3A_309 = tpu.memref_slice %arg35[%dma_start3A_308] : memref<655488xf32, #tpu.memory_space<vmem_shared>> -> memref<655488xf32, #tpu.memory_space<vmem_shared>>
    tpu.enqueue_indirect_dma source(%arg23 : memref<128xf32, #tpu.memory_space<vmem>>) target(%dma_start3A_309 : memref<655488xf32, #tpu.memory_space<vmem_shared>>) offsets(%arg17 : memref<128xi32, #tpu.memory_space<vmem>>) semaphore(%arg37 : memref<!tpu.dma_semaphore, #tpu.memory_space<semaphore_mem>>) {add = true}
    %scan3A_310 = arith.constant 0 : i32
    %scan3A_311 = arith.constant 0 : i32
    %scan3A_312 = arith.constant 8 : i32
    %scan3A_313 = arith.addi %scan3A_311, %scan3A_312 : i32
    %scan3A_314 = arith.constant 1 : i32
    scf.for %scan3A_453 = %scan3A_311 to %scan3A_313 step %scan3A_314  : i32 {
      %mul3A_454 = arith.constant 16 : i32
      %mul3A_455 = arith.muli %scan3A_453, %mul3A_454 : i32
      %add3A_456 = arith.constant 256 : i32
      %add3A_457 = arith.addi %add3A_456, %mul3A_455 : i32
      %get3A_458 = arith.index_cast %add3A_457 : i32 to index
      %get3A_459 = tpu.vector_load %arg7[%get3A_458] {strides = array<i32>} : memref<10000xi32, #tpu.memory_space<vmem>>, vector<16xi32>,
      %get3A_460 = arith.index_cast %add3A_457 : i32 to index
      %get3A_461 = tpu.vector_load %arg8[%get3A_460] {strides = array<i32>} : memref<10000xi32, #tpu.memory_space<vmem>>, vector<16xi32>,
      %get3A_462 = arith.index_cast %add3A_457 : i32 to index
      %get3A_463 = tpu.vector_load %arg9[%get3A_462] {strides = array<i32>} : memref<10000xf32, #tpu.memory_space<vmem>>, vector<16xf32>,
      %gather3A_464 = tpu.vector_load_idx %arg11[%get3A_461] : memref<10240xf32, #tpu.memory_space<vmem>>[vector<16xi32>], vector<16xf32>,
      %gather3A_465 = tpu.vector_load_idx %arg11[%get3A_459] : memref<10240xf32, #tpu.memory_space<vmem>>[vector<16xi32>], vector<16xf32>,
      %gather3A_466 = tpu.vector_load_idx %arg10[%get3A_461] : memref<10240xi32, #tpu.memory_space<vmem>>[vector<16xi32>], vector<16xi32>,
      %sub3A_467 = vector.broadcast %mul3A_0 : i32 to vector<16xi32>
      %sub3A_468 = arith.subi %gather3A_466, %sub3A_467 : vector<16xi32>
      %ge3A_469 = arith.constant 0 : i32
      %ge3A_470 = vector.broadcast %ge3A_469 : i32 to vector<16xi32>
      %ge3A_471 = arith.cmpi sge, %sub3A_468, %ge3A_470 : vector<16xi32>
      %lt3A_472 = arith.constant 64 : i32
      %lt3A_473 = vector.broadcast %lt3A_472 : i32 to vector<16xi32>
      %lt3A_474 = arith.cmpi slt, %sub3A_468, %lt3A_473 : vector<16xi32>
      %and3A_475 = arith.andi %ge3A_471, %lt3A_474 : vector<16xi1>
      %mul3A_476 = arith.constant 16 : i32
      %mul3A_477 = arith.muli %scan3A_453, %mul3A_476 : i32
      %add3A_478 = vector.broadcast %mul3A_477 : i32 to vector<16xi32>
      %add3A_479 = arith.addi %iota3A, %add3A_478 : vector<16xi32>
      %and3A_480 = arith.constant 127 : i32
      %and3A_481 = vector.broadcast %and3A_480 : i32 to vector<16xi32>
      %and3A_482 = arith.andi %add3A_479, %and3A_481 : vector<16xi32>
      %add3A_483 = arith.constant 655360 : i32
      %add3A_484 = vector.broadcast %add3A_483 : i32 to vector<16xi32>
      %add3A_485 = arith.addi %add3A_484, %and3A_482 : vector<16xi32>
      %mul3A_486 = arith.constant 10240 : i32
      %mul3A_487 = vector.broadcast %mul3A_486 : i32 to vector<16xi32>
      %mul3A_488 = arith.muli %sub3A_468, %mul3A_487 : vector<16xi32>
      %add3A_489 = arith.addi %mul3A_488, %get3A_459 : vector<16xi32>
      %select_n3A_490 = arith.select %and3A_475, %add3A_489, %add3A_485 : vector<16xi1>, vector<16xi32>
      %mul3A_491 = arith.constant 16 : i32
      %mul3A_492 = arith.muli %scan3A_453, %mul3A_491 : i32
      %swap3A_493 = arith.index_cast %mul3A_492 : i32 to index
      %swap3A_494 = tpu.vector_load %arg18[%swap3A_493] {strides = array<i32>} : memref<128xi32, #tpu.memory_space<vmem>>, vector<16xi32>,
      tpu.vector_store %arg18[%swap3A_493], %select_n3A_490 {strides = array<i32>} : memref<128xi32, #tpu.memory_space<vmem>>, vector<16xi32>,
      %mul3A_495 = arith.mulf %gather3A_464, %gather3A_465 : vector<16xf32>
      %mul3A_496 = arith.mulf %mul3A_495, %get3A_463 : vector<16xf32>
      %jit3A_497 = arith.constant 0.000000e+00 : f32
      %broadcast_in_dim3A_498 = vector.broadcast %jit3A_497 : f32 to vector<16xf32>
      %select_n3A_499 = arith.select %and3A_475, %mul3A_496, %broadcast_in_dim3A_498 : vector<16xi1>, vector<16xf32>
      %mul3A_500 = arith.constant 16 : i32
      %mul3A_501 = arith.muli %scan3A_453, %mul3A_500 : i32
      %swap3A_502 = arith.index_cast %mul3A_501 : i32 to index
      %swap3A_503 = tpu.vector_load %arg24[%swap3A_502] {strides = array<i32>} : memref<128xf32, #tpu.memory_space<vmem>>, vector<16xf32>,
      tpu.vector_store %arg24[%swap3A_502], %select_n3A_499 {strides = array<i32>} : memref<128xf32, #tpu.memory_space<vmem>>, vector<16xf32>,
    }
    %scan3A_315 = arith.constant 8 : i32
    %dma_start3A_316 = arith.constant 0 : i32
    %dma_start3A_317 = tpu.memref_slice %arg35[%dma_start3A_316] : memref<655488xf32, #tpu.memory_space<vmem_shared>> -> memref<655488xf32, #tpu.memory_space<vmem_shared>>
    tpu.enqueue_indirect_dma source(%arg24 : memref<128xf32, #tpu.memory_space<vmem>>) target(%dma_start3A_317 : memref<655488xf32, #tpu.memory_space<vmem_shared>>) offsets(%arg18 : memref<128xi32, #tpu.memory_space<vmem>>) semaphore(%arg38 : memref<!tpu.dma_semaphore, #tpu.memory_space<semaphore_mem>>) {add = true}
    %scan3A_318 = arith.constant 0 : i32
    %scan3A_319 = arith.constant 0 : i32
    %scan3A_320 = arith.constant 8 : i32
    %scan3A_321 = arith.addi %scan3A_319, %scan3A_320 : i32
    %scan3A_322 = arith.constant 1 : i32
    scf.for %scan3A_453 = %scan3A_319 to %scan3A_321 step %scan3A_322  : i32 {
      %mul3A_454 = arith.constant 16 : i32
      %mul3A_455 = arith.muli %scan3A_453, %mul3A_454 : i32
      %add3A_456 = arith.constant 384 : i32
      %add3A_457 = arith.addi %add3A_456, %mul3A_455 : i32
      %get3A_458 = arith.index_cast %add3A_457 : i32 to index
      %get3A_459 = tpu.vector_load %arg7[%get3A_458] {strides = array<i32>} : memref<10000xi32, #tpu.memory_space<vmem>>, vector<16xi32>,
      %get3A_460 = arith.index_cast %add3A_457 : i32 to index
      %get3A_461 = tpu.vector_load %arg8[%get3A_460] {strides = array<i32>} : memref<10000xi32, #tpu.memory_space<vmem>>, vector<16xi32>,
      %get3A_462 = arith.index_cast %add3A_457 : i32 to index
      %get3A_463 = tpu.vector_load %arg9[%get3A_462] {strides = array<i32>} : memref<10000xf32, #tpu.memory_space<vmem>>, vector<16xf32>,
      %gather3A_464 = tpu.vector_load_idx %arg11[%get3A_461] : memref<10240xf32, #tpu.memory_space<vmem>>[vector<16xi32>], vector<16xf32>,
      %gather3A_465 = tpu.vector_load_idx %arg11[%get3A_459] : memref<10240xf32, #tpu.memory_space<vmem>>[vector<16xi32>], vector<16xf32>,
      %gather3A_466 = tpu.vector_load_idx %arg10[%get3A_461] : memref<10240xi32, #tpu.memory_space<vmem>>[vector<16xi32>], vector<16xi32>,
      %sub3A_467 = vector.broadcast %mul3A_0 : i32 to vector<16xi32>
      %sub3A_468 = arith.subi %gather3A_466, %sub3A_467 : vector<16xi32>
      %ge3A_469 = arith.constant 0 : i32
      %ge3A_470 = vector.broadcast %ge3A_469 : i32 to vector<16xi32>
      %ge3A_471 = arith.cmpi sge, %sub3A_468, %ge3A_470 : vector<16xi32>
      %lt3A_472 = arith.constant 64 : i32
      %lt3A_473 = vector.broadcast %lt3A_472 : i32 to vector<16xi32>
      %lt3A_474 = arith.cmpi slt, %sub3A_468, %lt3A_473 : vector<16xi32>
      %and3A_475 = arith.andi %ge3A_471, %lt3A_474 : vector<16xi1>
      %mul3A_476 = arith.constant 16 : i32
      %mul3A_477 = arith.muli %scan3A_453, %mul3A_476 : i32
      %add3A_478 = vector.broadcast %mul3A_477 : i32 to vector<16xi32>
      %add3A_479 = arith.addi %iota3A, %add3A_478 : vector<16xi32>
      %and3A_480 = arith.constant 127 : i32
      %and3A_481 = vector.broadcast %and3A_480 : i32 to vector<16xi32>
      %and3A_482 = arith.andi %add3A_479, %and3A_481 : vector<16xi32>
      %add3A_483 = arith.constant 655360 : i32
      %add3A_484 = vector.broadcast %add3A_483 : i32 to vector<16xi32>
      %add3A_485 = arith.addi %add3A_484, %and3A_482 : vector<16xi32>
      %mul3A_486 = arith.constant 10240 : i32
      %mul3A_487 = vector.broadcast %mul3A_486 : i32 to vector<16xi32>
      %mul3A_488 = arith.muli %sub3A_468, %mul3A_487 : vector<16xi32>
      %add3A_489 = arith.addi %mul3A_488, %get3A_459 : vector<16xi32>
      %select_n3A_490 = arith.select %and3A_475, %add3A_489, %add3A_485 : vector<16xi1>, vector<16xi32>
      %mul3A_491 = arith.constant 16 : i32
      %mul3A_492 = arith.muli %scan3A_453, %mul3A_491 : i32
      %swap3A_493 = arith.index_cast %mul3A_492 : i32 to index
      %swap3A_494 = tpu.vector_load %arg19[%swap3A_493] {strides = array<i32>} : memref<128xi32, #tpu.memory_space<vmem>>, vector<16xi32>,
      tpu.vector_store %arg19[%swap3A_493], %select_n3A_490 {strides = array<i32>} : memref<128xi32, #tpu.memory_space<vmem>>, vector<16xi32>,
      %mul3A_495 = arith.mulf %gather3A_464, %gather3A_465 : vector<16xf32>
      %mul3A_496 = arith.mulf %mul3A_495, %get3A_463 : vector<16xf32>
      %jit3A_497 = arith.constant 0.000000e+00 : f32
      %broadcast_in_dim3A_498 = vector.broadcast %jit3A_497 : f32 to vector<16xf32>
      %select_n3A_499 = arith.select %and3A_475, %mul3A_496, %broadcast_in_dim3A_498 : vector<16xi1>, vector<16xf32>
      %mul3A_500 = arith.constant 16 : i32
      %mul3A_501 = arith.muli %scan3A_453, %mul3A_500 : i32
      %swap3A_502 = arith.index_cast %mul3A_501 : i32 to index
      %swap3A_503 = tpu.vector_load %arg25[%swap3A_502] {strides = array<i32>} : memref<128xf32, #tpu.memory_space<vmem>>, vector<16xf32>,
      tpu.vector_store %arg25[%swap3A_502], %select_n3A_499 {strides = array<i32>} : memref<128xf32, #tpu.memory_space<vmem>>, vector<16xf32>,
    }
    %scan3A_323 = arith.constant 8 : i32
    %dma_start3A_324 = arith.constant 0 : i32
    %dma_start3A_325 = tpu.memref_slice %arg35[%dma_start3A_324] : memref<655488xf32, #tpu.memory_space<vmem_shared>> -> memref<655488xf32, #tpu.memory_space<vmem_shared>>
    tpu.enqueue_indirect_dma source(%arg25 : memref<128xf32, #tpu.memory_space<vmem>>) target(%dma_start3A_325 : memref<655488xf32, #tpu.memory_space<vmem_shared>>) offsets(%arg19 : memref<128xi32, #tpu.memory_space<vmem>>) semaphore(%arg39 : memref<!tpu.dma_semaphore, #tpu.memory_space<semaphore_mem>>) {add = true}
    %scan3A_326 = arith.constant 0 : i32
    %scan3A_327 = arith.constant 0 : i32
    %scan3A_328 = arith.constant 8 : i32
    %scan3A_329 = arith.addi %scan3A_327, %scan3A_328 : i32
    %scan3A_330 = arith.constant 1 : i32
    scf.for %scan3A_453 = %scan3A_327 to %scan3A_329 step %scan3A_330  : i32 {
      %mul3A_454 = arith.constant 16 : i32
      %mul3A_455 = arith.muli %scan3A_453, %mul3A_454 : i32
      %add3A_456 = arith.constant 512 : i32
      %add3A_457 = arith.addi %add3A_456, %mul3A_455 : i32
      %get3A_458 = arith.index_cast %add3A_457 : i32 to index
      %get3A_459 = tpu.vector_load %arg7[%get3A_458] {strides = array<i32>} : memref<10000xi32, #tpu.memory_space<vmem>>, vector<16xi32>,
      %get3A_460 = arith.index_cast %add3A_457 : i32 to index
      %get3A_461 = tpu.vector_load %arg8[%get3A_460] {strides = array<i32>} : memref<10000xi32, #tpu.memory_space<vmem>>, vector<16xi32>,
      %get3A_462 = arith.index_cast %add3A_457 : i32 to index
      %get3A_463 = tpu.vector_load %arg9[%get3A_462] {strides = array<i32>} : memref<10000xf32, #tpu.memory_space<vmem>>, vector<16xf32>,
      %gather3A_464 = tpu.vector_load_idx %arg11[%get3A_461] : memref<10240xf32, #tpu.memory_space<vmem>>[vector<16xi32>], vector<16xf32>,
      %gather3A_465 = tpu.vector_load_idx %arg11[%get3A_459] : memref<10240xf32, #tpu.memory_space<vmem>>[vector<16xi32>], vector<16xf32>,
      %gather3A_466 = tpu.vector_load_idx %arg10[%get3A_461] : memref<10240xi32, #tpu.memory_space<vmem>>[vector<16xi32>], vector<16xi32>,
      %sub3A_467 = vector.broadcast %mul3A_0 : i32 to vector<16xi32>
      %sub3A_468 = arith.subi %gather3A_466, %sub3A_467 : vector<16xi32>
      %ge3A_469 = arith.constant 0 : i32
      %ge3A_470 = vector.broadcast %ge3A_469 : i32 to vector<16xi32>
      %ge3A_471 = arith.cmpi sge, %sub3A_468, %ge3A_470 : vector<16xi32>
      %lt3A_472 = arith.constant 64 : i32
      %lt3A_473 = vector.broadcast %lt3A_472 : i32 to vector<16xi32>
      %lt3A_474 = arith.cmpi slt, %sub3A_468, %lt3A_473 : vector<16xi32>
      %and3A_475 = arith.andi %ge3A_471, %lt3A_474 : vector<16xi1>
      %mul3A_476 = arith.constant 16 : i32
      %mul3A_477 = arith.muli %scan3A_453, %mul3A_476 : i32
      %add3A_478 = vector.broadcast %mul3A_477 : i32 to vector<16xi32>
      %add3A_479 = arith.addi %iota3A, %add3A_478 : vector<16xi32>
      %and3A_480 = arith.constant 127 : i32
      %and3A_481 = vector.broadcast %and3A_480 : i32 to vector<16xi32>
      %and3A_482 = arith.andi %add3A_479, %and3A_481 : vector<16xi32>
      %add3A_483 = arith.constant 655360 : i32
      %add3A_484 = vector.broadcast %add3A_483 : i32 to vector<16xi32>
      %add3A_485 = arith.addi %add3A_484, %and3A_482 : vector<16xi32>
      %mul3A_486 = arith.constant 10240 : i32
      %mul3A_487 = vector.broadcast %mul3A_486 : i32 to vector<16xi32>
      %mul3A_488 = arith.muli %sub3A_468, %mul3A_487 : vector<16xi32>
      %add3A_489 = arith.addi %mul3A_488, %get3A_459 : vector<16xi32>
      %select_n3A_490 = arith.select %and3A_475, %add3A_489, %add3A_485 : vector<16xi1>, vector<16xi32>
      %mul3A_491 = arith.constant 16 : i32
      %mul3A_492 = arith.muli %scan3A_453, %mul3A_491 : i32
      %swap3A_493 = arith.index_cast %mul3A_492 : i32 to index
      %swap3A_494 = tpu.vector_load %arg20[%swap3A_493] {strides = array<i32>} : memref<128xi32, #tpu.memory_space<vmem>>, vector<16xi32>,
      tpu.vector_store %arg20[%swap3A_493], %select_n3A_490 {strides = array<i32>} : memref<128xi32, #tpu.memory_space<vmem>>, vector<16xi32>,
      %mul3A_495 = arith.mulf %gather3A_464, %gather3A_465 : vector<16xf32>
      %mul3A_496 = arith.mulf %mul3A_495, %get3A_463 : vector<16xf32>
      %jit3A_497 = arith.constant 0.000000e+00 : f32
      %broadcast_in_dim3A_498 = vector.broadcast %jit3A_497 : f32 to vector<16xf32>
      %select_n3A_499 = arith.select %and3A_475, %mul3A_496, %broadcast_in_dim3A_498 : vector<16xi1>, vector<16xf32>
      %mul3A_500 = arith.constant 16 : i32
      %mul3A_501 = arith.muli %scan3A_453, %mul3A_500 : i32
      %swap3A_502 = arith.index_cast %mul3A_501 : i32 to index
      %swap3A_503 = tpu.vector_load %arg26[%swap3A_502] {strides = array<i32>} : memref<128xf32, #tpu.memory_space<vmem>>, vector<16xf32>,
      tpu.vector_store %arg26[%swap3A_502], %select_n3A_499 {strides = array<i32>} : memref<128xf32, #tpu.memory_space<vmem>>, vector<16xf32>,
    }
    %scan3A_331 = arith.constant 8 : i32
    %dma_start3A_332 = arith.constant 0 : i32
    %dma_start3A_333 = tpu.memref_slice %arg35[%dma_start3A_332] : memref<655488xf32, #tpu.memory_space<vmem_shared>> -> memref<655488xf32, #tpu.memory_space<vmem_shared>>
    tpu.enqueue_indirect_dma source(%arg26 : memref<128xf32, #tpu.memory_space<vmem>>) target(%dma_start3A_333 : memref<655488xf32, #tpu.memory_space<vmem_shared>>) offsets(%arg20 : memref<128xi32, #tpu.memory_space<vmem>>) semaphore(%arg42 : memref<!tpu.dma_semaphore, #tpu.memory_space<semaphore_mem>>) {add = true}
    %scan3A_334 = arith.constant 0 : i32
    %scan3A_335 = arith.constant 0 : i32
    %scan3A_336 = arith.constant 8 : i32
    %scan3A_337 = arith.addi %scan3A_335, %scan3A_336 : i32
    %scan3A_338 = arith.constant 1 : i32
    scf.for %scan3A_453 = %scan3A_335 to %scan3A_337 step %scan3A_338  : i32 {
      %mul3A_454 = arith.constant 16 : i32
      %mul3A_455 = arith.muli %scan3A_453, %mul3A_454 : i32
      %add3A_456 = arith.constant 640 : i32
      %add3A_457 = arith.addi %add3A_456, %mul3A_455 : i32
      %get3A_458 = arith.index_cast %add3A_457 : i32 to index
      %get3A_459 = tpu.vector_load %arg7[%get3A_458] {strides = array<i32>} : memref<10000xi32, #tpu.memory_space<vmem>>, vector<16xi32>,
      %get3A_460 = arith.index_cast %add3A_457 : i32 to index
      %get3A_461 = tpu.vector_load %arg8[%get3A_460] {strides = array<i32>} : memref<10000xi32, #tpu.memory_space<vmem>>, vector<16xi32>,
      %get3A_462 = arith.index_cast %add3A_457 : i32 to index
      %get3A_463 = tpu.vector_load %arg9[%get3A_462] {strides = array<i32>} : memref<10000xf32, #tpu.memory_space<vmem>>, vector<16xf32>,
      %gather3A_464 = tpu.vector_load_idx %arg11[%get3A_461] : memref<10240xf32, #tpu.memory_space<vmem>>[vector<16xi32>], vector<16xf32>,
      %gather3A_465 = tpu.vector_load_idx %arg11[%get3A_459] : memref<10240xf32, #tpu.memory_space<vmem>>[vector<16xi32>], vector<16xf32>,
      %gather3A_466 = tpu.vector_load_idx %arg10[%get3A_461] : memref<10240xi32, #tpu.memory_space<vmem>>[vector<16xi32>], vector<16xi32>,
      %sub3A_467 = vector.broadcast %mul3A_0 : i32 to vector<16xi32>
      %sub3A_468 = arith.subi %gather3A_466, %sub3A_467 : vector<16xi32>
      %ge3A_469 = arith.constant 0 : i32
      %ge3A_470 = vector.broadcast %ge3A_469 : i32 to vector<16xi32>
      %ge3A_471 = arith.cmpi sge, %sub3A_468, %ge3A_470 : vector<16xi32>
      %lt3A_472 = arith.constant 64 : i32
      %lt3A_473 = vector.broadcast %lt3A_472 : i32 to vector<16xi32>
      %lt3A_474 = arith.cmpi slt, %sub3A_468, %lt3A_473 : vector<16xi32>
      %and3A_475 = arith.andi %ge3A_471, %lt3A_474 : vector<16xi1>
      %mul3A_476 = arith.constant 16 : i32
      %mul3A_477 = arith.muli %scan3A_453, %mul3A_476 : i32
      %add3A_478 = vector.broadcast %mul3A_477 : i32 to vector<16xi32>
      %add3A_479 = arith.addi %iota3A, %add3A_478 : vector<16xi32>
      %and3A_480 = arith.constant 127 : i32
      %and3A_481 = vector.broadcast %and3A_480 : i32 to vector<16xi32>
      %and3A_482 = arith.andi %add3A_479, %and3A_481 : vector<16xi32>
      %add3A_483 = arith.constant 655360 : i32
      %add3A_484 = vector.broadcast %add3A_483 : i32 to vector<16xi32>
      %add3A_485 = arith.addi %add3A_484, %and3A_482 : vector<16xi32>
      %mul3A_486 = arith.constant 10240 : i32
      %mul3A_487 = vector.broadcast %mul3A_486 : i32 to vector<16xi32>
      %mul3A_488 = arith.muli %sub3A_468, %mul3A_487 : vector<16xi32>
      %add3A_489 = arith.addi %mul3A_488, %get3A_459 : vector<16xi32>
      %select_n3A_490 = arith.select %and3A_475, %add3A_489, %add3A_485 : vector<16xi1>, vector<16xi32>
      %mul3A_491 = arith.constant 16 : i32
      %mul3A_492 = arith.muli %scan3A_453, %mul3A_491 : i32
      %swap3A_493 = arith.index_cast %mul3A_492 : i32 to index
      %swap3A_494 = tpu.vector_load %arg21[%swap3A_493] {strides = array<i32>} : memref<128xi32, #tpu.memory_space<vmem>>, vector<16xi32>,
      tpu.vector_store %arg21[%swap3A_493], %select_n3A_490 {strides = array<i32>} : memref<128xi32, #tpu.memory_space<vmem>>, vector<16xi32>,
      %mul3A_495 = arith.mulf %gather3A_464, %gather3A_465 : vector<16xf32>
      %mul3A_496 = arith.mulf %mul3A_495, %get3A_463 : vector<16xf32>
      %jit3A_497 = arith.constant 0.000000e+00 : f32
      %broadcast_in_dim3A_498 = vector.broadcast %jit3A_497 : f32 to vector<16xf32>
      %select_n3A_499 = arith.select %and3A_475, %mul3A_496, %broadcast_in_dim3A_498 : vector<16xi1>, vector<16xf32>
      %mul3A_500 = arith.constant 16 : i32
      %mul3A_501 = arith.muli %scan3A_453, %mul3A_500 : i32
      %swap3A_502 = arith.index_cast %mul3A_501 : i32 to index
      %swap3A_503 = tpu.vector_load %arg27[%swap3A_502] {strides = array<i32>} : memref<128xf32, #tpu.memory_space<vmem>>, vector<16xf32>,
      tpu.vector_store %arg27[%swap3A_502], %select_n3A_499 {strides = array<i32>} : memref<128xf32, #tpu.memory_space<vmem>>, vector<16xf32>,
    }
    %scan3A_339 = arith.constant 8 : i32
    %dma_start3A_340 = arith.constant 0 : i32
    %dma_start3A_341 = tpu.memref_slice %arg35[%dma_start3A_340] : memref<655488xf32, #tpu.memory_space<vmem_shared>> -> memref<655488xf32, #tpu.memory_space<vmem_shared>>
    tpu.enqueue_indirect_dma source(%arg27 : memref<128xf32, #tpu.memory_space<vmem>>) target(%dma_start3A_341 : memref<655488xf32, #tpu.memory_space<vmem_shared>>) offsets(%arg21 : memref<128xi32, #tpu.memory_space<vmem>>) semaphore(%arg43 : memref<!tpu.dma_semaphore, #tpu.memory_space<semaphore_mem>>) {add = true}
    %scan3A_342 = arith.constant 0 : i32
    %scan3A_343 = arith.constant 0 : i32
    %scan3A_344 = arith.constant 12 : i32
    %scan3A_345 = arith.addi %scan3A_343, %scan3A_344 : i32
    %scan3A_346 = arith.constant 1 : i32
    scf.for %scan3A_453 = %scan3A_343 to %scan3A_345 step %scan3A_346  : i32 {
      %dma_wait3A_454 = arith.constant 0 : i32
      %dma_wait3A_455 = tpu.memref_slice %arg35[%dma_wait3A_454] : memref<655488xf32, #tpu.memory_space<vmem_shared>> -> memref<655488xf32, #tpu.memory_space<vmem_shared>>
      tpu.wait_indirect_dma semaphore(%arg36 : memref<!tpu.dma_semaphore, #tpu.memory_space<semaphore_mem>>) src(%arg22 : memref<128xf32, #tpu.memory_space<vmem>>) dst(%dma_wait3A_455 : memref<655488xf32, #tpu.memory_space<vmem_shared>>)
      %mul3A_456 = arith.constant 6 : i32
      %mul3A_457 = arith.muli %scan3A_453, %mul3A_456 : i32
      %add3A_458 = arith.constant 6 : i32
      %add3A_459 = arith.addi %add3A_458, %mul3A_457 : i32
      %add3A_460 = arith.constant 0 : i32
      %add3A_461 = arith.addi %add3A_459, %add3A_460 : i32
      %scan3A_462 = arith.constant 0 : i32
      %scan3A_463 = arith.constant 0 : i32
      %scan3A_464 = arith.constant 8 : i32
      %scan3A_465 = arith.addi %scan3A_463, %scan3A_464 : i32
      %scan3A_466 = arith.constant 1 : i32
      scf.for %scan3A_550 = %scan3A_463 to %scan3A_465 step %scan3A_466  : i32 {
        %mul3A_551 = arith.constant 128 : i32
        %mul3A_552 = arith.muli %add3A_461, %mul3A_551 : i32
        %mul3A_553 = arith.constant 16 : i32
        %mul3A_554 = arith.muli %scan3A_550, %mul3A_553 : i32
        %add3A_555 = arith.addi %mul3A_552, %mul3A_554 : i32
        %get3A_556 = arith.index_cast %add3A_555 : i32 to index
        %get3A_557 = tpu.vector_load %arg7[%get3A_556] {strides = array<i32>} : memref<10000xi32, #tpu.memory_space<vmem>>, vector<16xi32>,
        %get3A_558 = arith.index_cast %add3A_555 : i32 to index
        %get3A_559 = tpu.vector_load %arg8[%get3A_558] {strides = array<i32>} : memref<10000xi32, #tpu.memory_space<vmem>>, vector<16xi32>,
        %get3A_560 = arith.index_cast %add3A_555 : i32 to index
        %get3A_561 = tpu.vector_load %arg9[%get3A_560] {strides = array<i32>} : memref<10000xf32, #tpu.memory_space<vmem>>, vector<16xf32>,
        %gather3A_562 = tpu.vector_load_idx %arg11[%get3A_559] : memref<10240xf32, #tpu.memory_space<vmem>>[vector<16xi32>], vector<16xf32>,
        %gather3A_563 = tpu.vector_load_idx %arg11[%get3A_557] : memref<10240xf32, #tpu.memory_space<vmem>>[vector<16xi32>], vector<16xf32>,
        %gather3A_564 = tpu.vector_load_idx %arg10[%get3A_559] : memref<10240xi32, #tpu.memory_space<vmem>>[vector<16xi32>], vector<16xi32>,
        %sub3A_565 = vector.broadcast %mul3A_0 : i32 to vector<16xi32>
        %sub3A_566 = arith.subi %gather3A_564, %sub3A_565 : vector<16xi32>
        %ge3A_567 = arith.constant 0 : i32
        %ge3A_568 = vector.broadcast %ge3A_567 : i32 to vector<16xi32>
        %ge3A_569 = arith.cmpi sge, %sub3A_566, %ge3A_568 : vector<16xi32>
        %lt3A_570 = arith.constant 64 : i32
        %lt3A_571 = vector.broadcast %lt3A_570 : i32 to vector<16xi32>
        %lt3A_572 = arith.cmpi slt, %sub3A_566, %lt3A_571 : vector<16xi32>
        %and3A_573 = arith.andi %ge3A_569, %lt3A_572 : vector<16xi1>
        %mul3A_574 = arith.constant 16 : i32
        %mul3A_575 = arith.muli %scan3A_550, %mul3A_574 : i32
        %add3A_576 = vector.broadcast %mul3A_575 : i32 to vector<16xi32>
        %add3A_577 = arith.addi %iota3A, %add3A_576 : vector<16xi32>
        %and3A_578 = arith.constant 127 : i32
        %and3A_579 = vector.broadcast %and3A_578 : i32 to vector<16xi32>
        %and3A_580 = arith.andi %add3A_577, %and3A_579 : vector<16xi32>
        %add3A_581 = arith.constant 655360 : i32
        %add3A_582 = vector.broadcast %add3A_581 : i32 to vector<16xi32>
        %add3A_583 = arith.addi %add3A_582, %and3A_580 : vector<16xi32>
        %mul3A_584 = arith.constant 10240 : i32
        %mul3A_585 = vector.broadcast %mul3A_584 : i32 to vector<16xi32>
        %mul3A_586 = arith.muli %sub3A_566, %mul3A_585 : vector<16xi32>
        %add3A_587 = arith.addi %mul3A_586, %get3A_557 : vector<16xi32>
        %select_n3A_588 = arith.select %and3A_573, %add3A_587, %add3A_583 : vector<16xi1>, vector<16xi32>
        %mul3A_589 = arith.constant 16 : i32
        %mul3A_590 = arith.muli %scan3A_550, %mul3A_589 : i32
        %swap3A_591 = arith.index_cast %mul3A_590 : i32 to index
        %swap3A_592 = tpu.vector_load %arg16[%swap3A_591] {strides = array<i32>} : memref<128xi32, #tpu.memory_space<vmem>>, vector<16xi32>,
        tpu.vector_store %arg16[%swap3A_591], %select_n3A_588 {strides = array<i32>} : memref<128xi32, #tpu.memory_space<vmem>>, vector<16xi32>,
        %mul3A_593 = arith.mulf %gather3A_562, %gather3A_563 : vector<16xf32>
        %mul3A_594 = arith.mulf %mul3A_593, %get3A_561 : vector<16xf32>
        %jit3A_595 = arith.constant 0.000000e+00 : f32
        %broadcast_in_dim3A_596 = vector.broadcast %jit3A_595 : f32 to vector<16xf32>
        %select_n3A_597 = arith.select %and3A_573, %mul3A_594, %broadcast_in_dim3A_596 : vector<16xi1>, vector<16xf32>
        %mul3A_598 = arith.constant 16 : i32
        %mul3A_599 = arith.muli %scan3A_550, %mul3A_598 : i32
        %swap3A_600 = arith.index_cast %mul3A_599 : i32 to index
        %swap3A_601 = tpu.vector_load %arg22[%swap3A_600] {strides = array<i32>} : memref<128xf32, #tpu.memory_space<vmem>>, vector<16xf32>,
        tpu.vector_store %arg22[%swap3A_600], %select_n3A_597 {strides = array<i32>} : memref<128xf32, #tpu.memory_space<vmem>>, vector<16xf32>,
      }
      %scan3A_467 = arith.constant 8 : i32
      %dma_start3A_468 = arith.constant 0 : i32
      %dma_start3A_469 = tpu.memref_slice %arg35[%dma_start3A_468] : memref<655488xf32, #tpu.memory_space<vmem_shared>> -> memref<655488xf32, #tpu.memory_space<vmem_shared>>
      tpu.enqueue_indirect_dma source(%arg22 : memref<128xf32, #tpu.memory_space<vmem>>) target(%dma_start3A_469 : memref<655488xf32, #tpu.memory_space<vmem_shared>>) offsets(%arg16 : memref<128xi32, #tpu.memory_space<vmem>>) semaphore(%arg36 : memref<!tpu.dma_semaphore, #tpu.memory_space<semaphore_mem>>) {add = true}
      %dma_wait3A_470 = arith.constant 0 : i32
      %dma_wait3A_471 = tpu.memref_slice %arg35[%dma_wait3A_470] : memref<655488xf32, #tpu.memory_space<vmem_shared>> -> memref<655488xf32, #tpu.memory_space<vmem_shared>>
      tpu.wait_indirect_dma semaphore(%arg37 : memref<!tpu.dma_semaphore, #tpu.memory_space<semaphore_mem>>) src(%arg23 : memref<128xf32, #tpu.memory_space<vmem>>) dst(%dma_wait3A_471 : memref<655488xf32, #tpu.memory_space<vmem_shared>>)
      %mul3A_472 = arith.constant 6 : i32
      %mul3A_473 = arith.muli %scan3A_453, %mul3A_472 : i32
      %add3A_474 = arith.constant 6 : i32
      %add3A_475 = arith.addi %add3A_474, %mul3A_473 : i32
      %add3A_476 = arith.constant 1 : i32
      %add3A_477 = arith.addi %add3A_475, %add3A_476 : i32
      %scan3A_478 = arith.constant 0 : i32
      %scan3A_479 = arith.constant 0 : i32
      %scan3A_480 = arith.constant 8 : i32
      %scan3A_481 = arith.addi %scan3A_479, %scan3A_480 : i32
      %scan3A_482 = arith.constant 1 : i32
      scf.for %scan3A_550 = %scan3A_479 to %scan3A_481 step %scan3A_482  : i32 {
        %mul3A_551 = arith.constant 128 : i32
        %mul3A_552 = arith.muli %add3A_477, %mul3A_551 : i32
        %mul3A_553 = arith.constant 16 : i32
        %mul3A_554 = arith.muli %scan3A_550, %mul3A_553 : i32
        %add3A_555 = arith.addi %mul3A_552, %mul3A_554 : i32
        %get3A_556 = arith.index_cast %add3A_555 : i32 to index
        %get3A_557 = tpu.vector_load %arg7[%get3A_556] {strides = array<i32>} : memref<10000xi32, #tpu.memory_space<vmem>>, vector<16xi32>,
        %get3A_558 = arith.index_cast %add3A_555 : i32 to index
        %get3A_559 = tpu.vector_load %arg8[%get3A_558] {strides = array<i32>} : memref<10000xi32, #tpu.memory_space<vmem>>, vector<16xi32>,
        %get3A_560 = arith.index_cast %add3A_555 : i32 to index
        %get3A_561 = tpu.vector_load %arg9[%get3A_560] {strides = array<i32>} : memref<10000xf32, #tpu.memory_space<vmem>>, vector<16xf32>,
        %gather3A_562 = tpu.vector_load_idx %arg11[%get3A_559] : memref<10240xf32, #tpu.memory_space<vmem>>[vector<16xi32>], vector<16xf32>,
        %gather3A_563 = tpu.vector_load_idx %arg11[%get3A_557] : memref<10240xf32, #tpu.memory_space<vmem>>[vector<16xi32>], vector<16xf32>,
        %gather3A_564 = tpu.vector_load_idx %arg10[%get3A_559] : memref<10240xi32, #tpu.memory_space<vmem>>[vector<16xi32>], vector<16xi32>,
        %sub3A_565 = vector.broadcast %mul3A_0 : i32 to vector<16xi32>
        %sub3A_566 = arith.subi %gather3A_564, %sub3A_565 : vector<16xi32>
        %ge3A_567 = arith.constant 0 : i32
        %ge3A_568 = vector.broadcast %ge3A_567 : i32 to vector<16xi32>
        %ge3A_569 = arith.cmpi sge, %sub3A_566, %ge3A_568 : vector<16xi32>
        %lt3A_570 = arith.constant 64 : i32
        %lt3A_571 = vector.broadcast %lt3A_570 : i32 to vector<16xi32>
        %lt3A_572 = arith.cmpi slt, %sub3A_566, %lt3A_571 : vector<16xi32>
        %and3A_573 = arith.andi %ge3A_569, %lt3A_572 : vector<16xi1>
        %mul3A_574 = arith.constant 16 : i32
        %mul3A_575 = arith.muli %scan3A_550, %mul3A_574 : i32
        %add3A_576 = vector.broadcast %mul3A_575 : i32 to vector<16xi32>
        %add3A_577 = arith.addi %iota3A, %add3A_576 : vector<16xi32>
        %and3A_578 = arith.constant 127 : i32
        %and3A_579 = vector.broadcast %and3A_578 : i32 to vector<16xi32>
        %and3A_580 = arith.andi %add3A_577, %and3A_579 : vector<16xi32>
        %add3A_581 = arith.constant 655360 : i32
        %add3A_582 = vector.broadcast %add3A_581 : i32 to vector<16xi32>
        %add3A_583 = arith.addi %add3A_582, %and3A_580 : vector<16xi32>
        %mul3A_584 = arith.constant 10240 : i32
        %mul3A_585 = vector.broadcast %mul3A_584 : i32 to vector<16xi32>
        %mul3A_586 = arith.muli %sub3A_566, %mul3A_585 : vector<16xi32>
        %add3A_587 = arith.addi %mul3A_586, %get3A_557 : vector<16xi32>
        %select_n3A_588 = arith.select %and3A_573, %add3A_587, %add3A_583 : vector<16xi1>, vector<16xi32>
        %mul3A_589 = arith.constant 16 : i32
        %mul3A_590 = arith.muli %scan3A_550, %mul3A_589 : i32
        %swap3A_591 = arith.index_cast %mul3A_590 : i32 to index
        %swap3A_592 = tpu.vector_load %arg17[%swap3A_591] {strides = array<i32>} : memref<128xi32, #tpu.memory_space<vmem>>, vector<16xi32>,
        tpu.vector_store %arg17[%swap3A_591], %select_n3A_588 {strides = array<i32>} : memref<128xi32, #tpu.memory_space<vmem>>, vector<16xi32>,
        %mul3A_593 = arith.mulf %gather3A_562, %gather3A_563 : vector<16xf32>
        %mul3A_594 = arith.mulf %mul3A_593, %get3A_561 : vector<16xf32>
        %jit3A_595 = arith.constant 0.000000e+00 : f32
        %broadcast_in_dim3A_596 = vector.broadcast %jit3A_595 : f32 to vector<16xf32>
        %select_n3A_597 = arith.select %and3A_573, %mul3A_594, %broadcast_in_dim3A_596 : vector<16xi1>, vector<16xf32>
        %mul3A_598 = arith.constant 16 : i32
        %mul3A_599 = arith.muli %scan3A_550, %mul3A_598 : i32
        %swap3A_600 = arith.index_cast %mul3A_599 : i32 to index
        %swap3A_601 = tpu.vector_load %arg23[%swap3A_600] {strides = array<i32>} : memref<128xf32, #tpu.memory_space<vmem>>, vector<16xf32>,
        tpu.vector_store %arg23[%swap3A_600], %select_n3A_597 {strides = array<i32>} : memref<128xf32, #tpu.memory_space<vmem>>, vector<16xf32>,
      }
      %scan3A_483 = arith.constant 8 : i32
      %dma_start3A_484 = arith.constant 0 : i32
      %dma_start3A_485 = tpu.memref_slice %arg35[%dma_start3A_484] : memref<655488xf32, #tpu.memory_space<vmem_shared>> -> memref<655488xf32, #tpu.memory_space<vmem_shared>>
      tpu.enqueue_indirect_dma source(%arg23 : memref<128xf32, #tpu.memory_space<vmem>>) target(%dma_start3A_485 : memref<655488xf32, #tpu.memory_space<vmem_shared>>) offsets(%arg17 : memref<128xi32, #tpu.memory_space<vmem>>) semaphore(%arg37 : memref<!tpu.dma_semaphore, #tpu.memory_space<semaphore_mem>>) {add = true}
      %dma_wait3A_486 = arith.constant 0 : i32
      %dma_wait3A_487 = tpu.memref_slice %arg35[%dma_wait3A_486] : memref<655488xf32, #tpu.memory_space<vmem_shared>> -> memref<655488xf32, #tpu.memory_space<vmem_shared>>
      tpu.wait_indirect_dma semaphore(%arg38 : memref<!tpu.dma_semaphore, #tpu.memory_space<semaphore_mem>>) src(%arg24 : memref<128xf32, #tpu.memory_space<vmem>>) dst(%dma_wait3A_487 : memref<655488xf32, #tpu.memory_space<vmem_shared>>)
      %mul3A_488 = arith.constant 6 : i32
      %mul3A_489 = arith.muli %scan3A_453, %mul3A_488 : i32
      %add3A_490 = arith.constant 6 : i32
      %add3A_491 = arith.addi %add3A_490, %mul3A_489 : i32
      %add3A_492 = arith.constant 2 : i32
      %add3A_493 = arith.addi %add3A_491, %add3A_492 : i32
      %scan3A_494 = arith.constant 0 : i32
      %scan3A_495 = arith.constant 0 : i32
      %scan3A_496 = arith.constant 8 : i32
      %scan3A_497 = arith.addi %scan3A_495, %scan3A_496 : i32
      %scan3A_498 = arith.constant 1 : i32
      scf.for %scan3A_550 = %scan3A_495 to %scan3A_497 step %scan3A_498  : i32 {
        %mul3A_551 = arith.constant 128 : i32
        %mul3A_552 = arith.muli %add3A_493, %mul3A_551 : i32
        %mul3A_553 = arith.constant 16 : i32
        %mul3A_554 = arith.muli %scan3A_550, %mul3A_553 : i32
        %add3A_555 = arith.addi %mul3A_552, %mul3A_554 : i32
        %get3A_556 = arith.index_cast %add3A_555 : i32 to index
        %get3A_557 = tpu.vector_load %arg7[%get3A_556] {strides = array<i32>} : memref<10000xi32, #tpu.memory_space<vmem>>, vector<16xi32>,
        %get3A_558 = arith.index_cast %add3A_555 : i32 to index
        %get3A_559 = tpu.vector_load %arg8[%get3A_558] {strides = array<i32>} : memref<10000xi32, #tpu.memory_space<vmem>>, vector<16xi32>,
        %get3A_560 = arith.index_cast %add3A_555 : i32 to index
        %get3A_561 = tpu.vector_load %arg9[%get3A_560] {strides = array<i32>} : memref<10000xf32, #tpu.memory_space<vmem>>, vector<16xf32>,
        %gather3A_562 = tpu.vector_load_idx %arg11[%get3A_559] : memref<10240xf32, #tpu.memory_space<vmem>>[vector<16xi32>], vector<16xf32>,
        %gather3A_563 = tpu.vector_load_idx %arg11[%get3A_557] : memref<10240xf32, #tpu.memory_space<vmem>>[vector<16xi32>], vector<16xf32>,
        %gather3A_564 = tpu.vector_load_idx %arg10[%get3A_559] : memref<10240xi32, #tpu.memory_space<vmem>>[vector<16xi32>], vector<16xi32>,
        %sub3A_565 = vector.broadcast %mul3A_0 : i32 to vector<16xi32>
        %sub3A_566 = arith.subi %gather3A_564, %sub3A_565 : vector<16xi32>
        %ge3A_567 = arith.constant 0 : i32
        %ge3A_568 = vector.broadcast %ge3A_567 : i32 to vector<16xi32>
        %ge3A_569 = arith.cmpi sge, %sub3A_566, %ge3A_568 : vector<16xi32>
        %lt3A_570 = arith.constant 64 : i32
        %lt3A_571 = vector.broadcast %lt3A_570 : i32 to vector<16xi32>
        %lt3A_572 = arith.cmpi slt, %sub3A_566, %lt3A_571 : vector<16xi32>
        %and3A_573 = arith.andi %ge3A_569, %lt3A_572 : vector<16xi1>
        %mul3A_574 = arith.constant 16 : i32
        %mul3A_575 = arith.muli %scan3A_550, %mul3A_574 : i32
        %add3A_576 = vector.broadcast %mul3A_575 : i32 to vector<16xi32>
        %add3A_577 = arith.addi %iota3A, %add3A_576 : vector<16xi32>
        %and3A_578 = arith.constant 127 : i32
        %and3A_579 = vector.broadcast %and3A_578 : i32 to vector<16xi32>
        %and3A_580 = arith.andi %add3A_577, %and3A_579 : vector<16xi32>
        %add3A_581 = arith.constant 655360 : i32
        %add3A_582 = vector.broadcast %add3A_581 : i32 to vector<16xi32>
        %add3A_583 = arith.addi %add3A_582, %and3A_580 : vector<16xi32>
        %mul3A_584 = arith.constant 10240 : i32
        %mul3A_585 = vector.broadcast %mul3A_584 : i32 to vector<16xi32>
        %mul3A_586 = arith.muli %sub3A_566, %mul3A_585 : vector<16xi32>
        %add3A_587 = arith.addi %mul3A_586, %get3A_557 : vector<16xi32>
        %select_n3A_588 = arith.select %and3A_573, %add3A_587, %add3A_583 : vector<16xi1>, vector<16xi32>
        %mul3A_589 = arith.constant 16 : i32
        %mul3A_590 = arith.muli %scan3A_550, %mul3A_589 : i32
        %swap3A_591 = arith.index_cast %mul3A_590 : i32 to index
        %swap3A_592 = tpu.vector_load %arg18[%swap3A_591] {strides = array<i32>} : memref<128xi32, #tpu.memory_space<vmem>>, vector<16xi32>,
        tpu.vector_store %arg18[%swap3A_591], %select_n3A_588 {strides = array<i32>} : memref<128xi32, #tpu.memory_space<vmem>>, vector<16xi32>,
        %mul3A_593 = arith.mulf %gather3A_562, %gather3A_563 : vector<16xf32>
        %mul3A_594 = arith.mulf %mul3A_593, %get3A_561 : vector<16xf32>
        %jit3A_595 = arith.constant 0.000000e+00 : f32
        %broadcast_in_dim3A_596 = vector.broadcast %jit3A_595 : f32 to vector<16xf32>
        %select_n3A_597 = arith.select %and3A_573, %mul3A_594, %broadcast_in_dim3A_596 : vector<16xi1>, vector<16xf32>
        %mul3A_598 = arith.constant 16 : i32
        %mul3A_599 = arith.muli %scan3A_550, %mul3A_598 : i32
        %swap3A_600 = arith.index_cast %mul3A_599 : i32 to index
        %swap3A_601 = tpu.vector_load %arg24[%swap3A_600] {strides = array<i32>} : memref<128xf32, #tpu.memory_space<vmem>>, vector<16xf32>,
        tpu.vector_store %arg24[%swap3A_600], %select_n3A_597 {strides = array<i32>} : memref<128xf32, #tpu.memory_space<vmem>>, vector<16xf32>,
      }
      %scan3A_499 = arith.constant 8 : i32
      %dma_start3A_500 = arith.constant 0 : i32
      %dma_start3A_501 = tpu.memref_slice %arg35[%dma_start3A_500] : memref<655488xf32, #tpu.memory_space<vmem_shared>> -> memref<655488xf32, #tpu.memory_space<vmem_shared>>
      tpu.enqueue_indirect_dma source(%arg24 : memref<128xf32, #tpu.memory_space<vmem>>) target(%dma_start3A_501 : memref<655488xf32, #tpu.memory_space<vmem_shared>>) offsets(%arg18 : memref<128xi32, #tpu.memory_space<vmem>>) semaphore(%arg38 : memref<!tpu.dma_semaphore, #tpu.memory_space<semaphore_mem>>) {add = true}
      %dma_wait3A_502 = arith.constant 0 : i32
      %dma_wait3A_503 = tpu.memref_slice %arg35[%dma_wait3A_502] : memref<655488xf32, #tpu.memory_space<vmem_shared>> -> memref<655488xf32, #tpu.memory_space<vmem_shared>>
      tpu.wait_indirect_dma semaphore(%arg39 : memref<!tpu.dma_semaphore, #tpu.memory_space<semaphore_mem>>) src(%arg25 : memref<128xf32, #tpu.memory_space<vmem>>) dst(%dma_wait3A_503 : memref<655488xf32, #tpu.memory_space<vmem_shared>>)
      %mul3A_504 = arith.constant 6 : i32
      %mul3A_505 = arith.muli %scan3A_453, %mul3A_504 : i32
      %add3A_506 = arith.constant 6 : i32
      %add3A_507 = arith.addi %add3A_506, %mul3A_505 : i32
      %add3A_508 = arith.constant 3 : i32
      %add3A_509 = arith.addi %add3A_507, %add3A_508 : i32
      %scan3A_510 = arith.constant 0 : i32
      %scan3A_511 = arith.constant 0 : i32
      %scan3A_512 = arith.constant 8 : i32
      %scan3A_513 = arith.addi %scan3A_511, %scan3A_512 : i32
      %scan3A_514 = arith.constant 1 : i32
      scf.for %scan3A_550 = %scan3A_511 to %scan3A_513 step %scan3A_514  : i32 {
        %mul3A_551 = arith.constant 128 : i32
        %mul3A_552 = arith.muli %add3A_509, %mul3A_551 : i32
        %mul3A_553 = arith.constant 16 : i32
        %mul3A_554 = arith.muli %scan3A_550, %mul3A_553 : i32
        %add3A_555 = arith.addi %mul3A_552, %mul3A_554 : i32
        %get3A_556 = arith.index_cast %add3A_555 : i32 to index
        %get3A_557 = tpu.vector_load %arg7[%get3A_556] {strides = array<i32>} : memref<10000xi32, #tpu.memory_space<vmem>>, vector<16xi32>,
        %get3A_558 = arith.index_cast %add3A_555 : i32 to index
        %get3A_559 = tpu.vector_load %arg8[%get3A_558] {strides = array<i32>} : memref<10000xi32, #tpu.memory_space<vmem>>, vector<16xi32>,
        %get3A_560 = arith.index_cast %add3A_555 : i32 to index
        %get3A_561 = tpu.vector_load %arg9[%get3A_560] {strides = array<i32>} : memref<10000xf32, #tpu.memory_space<vmem>>, vector<16xf32>,
        %gather3A_562 = tpu.vector_load_idx %arg11[%get3A_559] : memref<10240xf32, #tpu.memory_space<vmem>>[vector<16xi32>], vector<16xf32>,
        %gather3A_563 = tpu.vector_load_idx %arg11[%get3A_557] : memref<10240xf32, #tpu.memory_space<vmem>>[vector<16xi32>], vector<16xf32>,
        %gather3A_564 = tpu.vector_load_idx %arg10[%get3A_559] : memref<10240xi32, #tpu.memory_space<vmem>>[vector<16xi32>], vector<16xi32>,
        %sub3A_565 = vector.broadcast %mul3A_0 : i32 to vector<16xi32>
        %sub3A_566 = arith.subi %gather3A_564, %sub3A_565 : vector<16xi32>
        %ge3A_567 = arith.constant 0 : i32
        %ge3A_568 = vector.broadcast %ge3A_567 : i32 to vector<16xi32>
        %ge3A_569 = arith.cmpi sge, %sub3A_566, %ge3A_568 : vector<16xi32>
        %lt3A_570 = arith.constant 64 : i32
        %lt3A_571 = vector.broadcast %lt3A_570 : i32 to vector<16xi32>
        %lt3A_572 = arith.cmpi slt, %sub3A_566, %lt3A_571 : vector<16xi32>
        %and3A_573 = arith.andi %ge3A_569, %lt3A_572 : vector<16xi1>
        %mul3A_574 = arith.constant 16 : i32
        %mul3A_575 = arith.muli %scan3A_550, %mul3A_574 : i32
        %add3A_576 = vector.broadcast %mul3A_575 : i32 to vector<16xi32>
        %add3A_577 = arith.addi %iota3A, %add3A_576 : vector<16xi32>
        %and3A_578 = arith.constant 127 : i32
        %and3A_579 = vector.broadcast %and3A_578 : i32 to vector<16xi32>
        %and3A_580 = arith.andi %add3A_577, %and3A_579 : vector<16xi32>
        %add3A_581 = arith.constant 655360 : i32
        %add3A_582 = vector.broadcast %add3A_581 : i32 to vector<16xi32>
        %add3A_583 = arith.addi %add3A_582, %and3A_580 : vector<16xi32>
        %mul3A_584 = arith.constant 10240 : i32
        %mul3A_585 = vector.broadcast %mul3A_584 : i32 to vector<16xi32>
        %mul3A_586 = arith.muli %sub3A_566, %mul3A_585 : vector<16xi32>
        %add3A_587 = arith.addi %mul3A_586, %get3A_557 : vector<16xi32>
        %select_n3A_588 = arith.select %and3A_573, %add3A_587, %add3A_583 : vector<16xi1>, vector<16xi32>
        %mul3A_589 = arith.constant 16 : i32
        %mul3A_590 = arith.muli %scan3A_550, %mul3A_589 : i32
        %swap3A_591 = arith.index_cast %mul3A_590 : i32 to index
        %swap3A_592 = tpu.vector_load %arg19[%swap3A_591] {strides = array<i32>} : memref<128xi32, #tpu.memory_space<vmem>>, vector<16xi32>,
        tpu.vector_store %arg19[%swap3A_591], %select_n3A_588 {strides = array<i32>} : memref<128xi32, #tpu.memory_space<vmem>>, vector<16xi32>,
        %mul3A_593 = arith.mulf %gather3A_562, %gather3A_563 : vector<16xf32>
        %mul3A_594 = arith.mulf %mul3A_593, %get3A_561 : vector<16xf32>
        %jit3A_595 = arith.constant 0.000000e+00 : f32
        %broadcast_in_dim3A_596 = vector.broadcast %jit3A_595 : f32 to vector<16xf32>
        %select_n3A_597 = arith.select %and3A_573, %mul3A_594, %broadcast_in_dim3A_596 : vector<16xi1>, vector<16xf32>
        %mul3A_598 = arith.constant 16 : i32
        %mul3A_599 = arith.muli %scan3A_550, %mul3A_598 : i32
        %swap3A_600 = arith.index_cast %mul3A_599 : i32 to index
        %swap3A_601 = tpu.vector_load %arg25[%swap3A_600] {strides = array<i32>} : memref<128xf32, #tpu.memory_space<vmem>>, vector<16xf32>,
        tpu.vector_store %arg25[%swap3A_600], %select_n3A_597 {strides = array<i32>} : memref<128xf32, #tpu.memory_space<vmem>>, vector<16xf32>,
      }
      %scan3A_515 = arith.constant 8 : i32
      %dma_start3A_516 = arith.constant 0 : i32
      %dma_start3A_517 = tpu.memref_slice %arg35[%dma_start3A_516] : memref<655488xf32, #tpu.memory_space<vmem_shared>> -> memref<655488xf32, #tpu.memory_space<vmem_shared>>
      tpu.enqueue_indirect_dma source(%arg25 : memref<128xf32, #tpu.memory_space<vmem>>) target(%dma_start3A_517 : memref<655488xf32, #tpu.memory_space<vmem_shared>>) offsets(%arg19 : memref<128xi32, #tpu.memory_space<vmem>>) semaphore(%arg39 : memref<!tpu.dma_semaphore, #tpu.memory_space<semaphore_mem>>) {add = true}
      %dma_wait3A_518 = arith.constant 0 : i32
      %dma_wait3A_519 = tpu.memref_slice %arg35[%dma_wait3A_518] : memref<655488xf32, #tpu.memory_space<vmem_shared>> -> memref<655488xf32, #tpu.memory_space<vmem_shared>>
      tpu.wait_indirect_dma semaphore(%arg42 : memref<!tpu.dma_semaphore, #tpu.memory_space<semaphore_mem>>) src(%arg26 : memref<128xf32, #tpu.memory_space<vmem>>) dst(%dma_wait3A_519 : memref<655488xf32, #tpu.memory_space<vmem_shared>>)
      %mul3A_520 = arith.constant 6 : i32
      %mul3A_521 = arith.muli %scan3A_453, %mul3A_520 : i32
      %add3A_522 = arith.constant 6 : i32
      %add3A_523 = arith.addi %add3A_522, %mul3A_521 : i32
      %add3A_524 = arith.constant 4 : i32
      %add3A_525 = arith.addi %add3A_523, %add3A_524 : i32
      %scan3A_526 = arith.constant 0 : i32
      %scan3A_527 = arith.constant 0 : i32
      %scan3A_528 = arith.constant 8 : i32
      %scan3A_529 = arith.addi %scan3A_527, %scan3A_528 : i32
      %scan3A_530 = arith.constant 1 : i32
      scf.for %scan3A_550 = %scan3A_527 to %scan3A_529 step %scan3A_530  : i32 {
        %mul3A_551 = arith.constant 128 : i32
        %mul3A_552 = arith.muli %add3A_525, %mul3A_551 : i32
        %mul3A_553 = arith.constant 16 : i32
        %mul3A_554 = arith.muli %scan3A_550, %mul3A_553 : i32
        %add3A_555 = arith.addi %mul3A_552, %mul3A_554 : i32
        %get3A_556 = arith.index_cast %add3A_555 : i32 to index
        %get3A_557 = tpu.vector_load %arg7[%get3A_556] {strides = array<i32>} : memref<10000xi32, #tpu.memory_space<vmem>>, vector<16xi32>,
        %get3A_558 = arith.index_cast %add3A_555 : i32 to index
        %get3A_559 = tpu.vector_load %arg8[%get3A_558] {strides = array<i32>} : memref<10000xi32, #tpu.memory_space<vmem>>, vector<16xi32>,
        %get3A_560 = arith.index_cast %add3A_555 : i32 to index
        %get3A_561 = tpu.vector_load %arg9[%get3A_560] {strides = array<i32>} : memref<10000xf32, #tpu.memory_space<vmem>>, vector<16xf32>,
        %gather3A_562 = tpu.vector_load_idx %arg11[%get3A_559] : memref<10240xf32, #tpu.memory_space<vmem>>[vector<16xi32>], vector<16xf32>,
        %gather3A_563 = tpu.vector_load_idx %arg11[%get3A_557] : memref<10240xf32, #tpu.memory_space<vmem>>[vector<16xi32>], vector<16xf32>,
        %gather3A_564 = tpu.vector_load_idx %arg10[%get3A_559] : memref<10240xi32, #tpu.memory_space<vmem>>[vector<16xi32>], vector<16xi32>,
        %sub3A_565 = vector.broadcast %mul3A_0 : i32 to vector<16xi32>
        %sub3A_566 = arith.subi %gather3A_564, %sub3A_565 : vector<16xi32>
        %ge3A_567 = arith.constant 0 : i32
        %ge3A_568 = vector.broadcast %ge3A_567 : i32 to vector<16xi32>
        %ge3A_569 = arith.cmpi sge, %sub3A_566, %ge3A_568 : vector<16xi32>
        %lt3A_570 = arith.constant 64 : i32
        %lt3A_571 = vector.broadcast %lt3A_570 : i32 to vector<16xi32>
        %lt3A_572 = arith.cmpi slt, %sub3A_566, %lt3A_571 : vector<16xi32>
        %and3A_573 = arith.andi %ge3A_569, %lt3A_572 : vector<16xi1>
        %mul3A_574 = arith.constant 16 : i32
        %mul3A_575 = arith.muli %scan3A_550, %mul3A_574 : i32
        %add3A_576 = vector.broadcast %mul3A_575 : i32 to vector<16xi32>
        %add3A_577 = arith.addi %iota3A, %add3A_576 : vector<16xi32>
        %and3A_578 = arith.constant 127 : i32
        %and3A_579 = vector.broadcast %and3A_578 : i32 to vector<16xi32>
        %and3A_580 = arith.andi %add3A_577, %and3A_579 : vector<16xi32>
        %add3A_581 = arith.constant 655360 : i32
        %add3A_582 = vector.broadcast %add3A_581 : i32 to vector<16xi32>
        %add3A_583 = arith.addi %add3A_582, %and3A_580 : vector<16xi32>
        %mul3A_584 = arith.constant 10240 : i32
        %mul3A_585 = vector.broadcast %mul3A_584 : i32 to vector<16xi32>
        %mul3A_586 = arith.muli %sub3A_566, %mul3A_585 : vector<16xi32>
        %add3A_587 = arith.addi %mul3A_586, %get3A_557 : vector<16xi32>
        %select_n3A_588 = arith.select %and3A_573, %add3A_587, %add3A_583 : vector<16xi1>, vector<16xi32>
        %mul3A_589 = arith.constant 16 : i32
        %mul3A_590 = arith.muli %scan3A_550, %mul3A_589 : i32
        %swap3A_591 = arith.index_cast %mul3A_590 : i32 to index
        %swap3A_592 = tpu.vector_load %arg20[%swap3A_591] {strides = array<i32>} : memref<128xi32, #tpu.memory_space<vmem>>, vector<16xi32>,
        tpu.vector_store %arg20[%swap3A_591], %select_n3A_588 {strides = array<i32>} : memref<128xi32, #tpu.memory_space<vmem>>, vector<16xi32>,
        %mul3A_593 = arith.mulf %gather3A_562, %gather3A_563 : vector<16xf32>
        %mul3A_594 = arith.mulf %mul3A_593, %get3A_561 : vector<16xf32>
        %jit3A_595 = arith.constant 0.000000e+00 : f32
        %broadcast_in_dim3A_596 = vector.broadcast %jit3A_595 : f32 to vector<16xf32>
        %select_n3A_597 = arith.select %and3A_573, %mul3A_594, %broadcast_in_dim3A_596 : vector<16xi1>, vector<16xf32>
        %mul3A_598 = arith.constant 16 : i32
        %mul3A_599 = arith.muli %scan3A_550, %mul3A_598 : i32
        %swap3A_600 = arith.index_cast %mul3A_599 : i32 to index
        %swap3A_601 = tpu.vector_load %arg26[%swap3A_600] {strides = array<i32>} : memref<128xf32, #tpu.memory_space<vmem>>, vector<16xf32>,
        tpu.vector_store %arg26[%swap3A_600], %select_n3A_597 {strides = array<i32>} : memref<128xf32, #tpu.memory_space<vmem>>, vector<16xf32>,
      }
      %scan3A_531 = arith.constant 8 : i32
      %dma_start3A_532 = arith.constant 0 : i32
      %dma_start3A_533 = tpu.memref_slice %arg35[%dma_start3A_532] : memref<655488xf32, #tpu.memory_space<vmem_shared>> -> memref<655488xf32, #tpu.memory_space<vmem_shared>>
      tpu.enqueue_indirect_dma source(%arg26 : memref<128xf32, #tpu.memory_space<vmem>>) target(%dma_start3A_533 : memref<655488xf32, #tpu.memory_space<vmem_shared>>) offsets(%arg20 : memref<128xi32, #tpu.memory_space<vmem>>) semaphore(%arg42 : memref<!tpu.dma_semaphore, #tpu.memory_space<semaphore_mem>>) {add = true}
      %dma_wait3A_534 = arith.constant 0 : i32
      %dma_wait3A_535 = tpu.memref_slice %arg35[%dma_wait3A_534] : memref<655488xf32, #tpu.memory_space<vmem_shared>> -> memref<655488xf32, #tpu.memory_space<vmem_shared>>
      tpu.wait_indirect_dma semaphore(%arg43 : memref<!tpu.dma_semaphore, #tpu.memory_space<semaphore_mem>>) src(%arg27 : memref<128xf32, #tpu.memory_space<vmem>>) dst(%dma_wait3A_535 : memref<655488xf32, #tpu.memory_space<vmem_shared>>)
      %mul3A_536 = arith.constant 6 : i32
      %mul3A_537 = arith.muli %scan3A_453, %mul3A_536 : i32
      %add3A_538 = arith.constant 6 : i32
      %add3A_539 = arith.addi %add3A_538, %mul3A_537 : i32
      %add3A_540 = arith.constant 5 : i32
      %add3A_541 = arith.addi %add3A_539, %add3A_540 : i32
      %scan3A_542 = arith.constant 0 : i32
      %scan3A_543 = arith.constant 0 : i32
      %scan3A_544 = arith.constant 8 : i32
      %scan3A_545 = arith.addi %scan3A_543, %scan3A_544 : i32
      %scan3A_546 = arith.constant 1 : i32
      scf.for %scan3A_550 = %scan3A_543 to %scan3A_545 step %scan3A_546  : i32 {
        %mul3A_551 = arith.constant 128 : i32
        %mul3A_552 = arith.muli %add3A_541, %mul3A_551 : i32
        %mul3A_553 = arith.constant 16 : i32
        %mul3A_554 = arith.muli %scan3A_550, %mul3A_553 : i32
        %add3A_555 = arith.addi %mul3A_552, %mul3A_554 : i32
        %get3A_556 = arith.index_cast %add3A_555 : i32 to index
        %get3A_557 = tpu.vector_load %arg7[%get3A_556] {strides = array<i32>} : memref<10000xi32, #tpu.memory_space<vmem>>, vector<16xi32>,
        %get3A_558 = arith.index_cast %add3A_555 : i32 to index
        %get3A_559 = tpu.vector_load %arg8[%get3A_558] {strides = array<i32>} : memref<10000xi32, #tpu.memory_space<vmem>>, vector<16xi32>,
        %get3A_560 = arith.index_cast %add3A_555 : i32 to index
        %get3A_561 = tpu.vector_load %arg9[%get3A_560] {strides = array<i32>} : memref<10000xf32, #tpu.memory_space<vmem>>, vector<16xf32>,
        %gather3A_562 = tpu.vector_load_idx %arg11[%get3A_559] : memref<10240xf32, #tpu.memory_space<vmem>>[vector<16xi32>], vector<16xf32>,
        %gather3A_563 = tpu.vector_load_idx %arg11[%get3A_557] : memref<10240xf32, #tpu.memory_space<vmem>>[vector<16xi32>], vector<16xf32>,
        %gather3A_564 = tpu.vector_load_idx %arg10[%get3A_559] : memref<10240xi32, #tpu.memory_space<vmem>>[vector<16xi32>], vector<16xi32>,
        %sub3A_565 = vector.broadcast %mul3A_0 : i32 to vector<16xi32>
        %sub3A_566 = arith.subi %gather3A_564, %sub3A_565 : vector<16xi32>
        %ge3A_567 = arith.constant 0 : i32
        %ge3A_568 = vector.broadcast %ge3A_567 : i32 to vector<16xi32>
        %ge3A_569 = arith.cmpi sge, %sub3A_566, %ge3A_568 : vector<16xi32>
        %lt3A_570 = arith.constant 64 : i32
        %lt3A_571 = vector.broadcast %lt3A_570 : i32 to vector<16xi32>
        %lt3A_572 = arith.cmpi slt, %sub3A_566, %lt3A_571 : vector<16xi32>
        %and3A_573 = arith.andi %ge3A_569, %lt3A_572 : vector<16xi1>
        %mul3A_574 = arith.constant 16 : i32
        %mul3A_575 = arith.muli %scan3A_550, %mul3A_574 : i32
        %add3A_576 = vector.broadcast %mul3A_575 : i32 to vector<16xi32>
        %add3A_577 = arith.addi %iota3A, %add3A_576 : vector<16xi32>
        %and3A_578 = arith.constant 127 : i32
        %and3A_579 = vector.broadcast %and3A_578 : i32 to vector<16xi32>
        %and3A_580 = arith.andi %add3A_577, %and3A_579 : vector<16xi32>
        %add3A_581 = arith.constant 655360 : i32
        %add3A_582 = vector.broadcast %add3A_581 : i32 to vector<16xi32>
        %add3A_583 = arith.addi %add3A_582, %and3A_580 : vector<16xi32>
        %mul3A_584 = arith.constant 10240 : i32
        %mul3A_585 = vector.broadcast %mul3A_584 : i32 to vector<16xi32>
        %mul3A_586 = arith.muli %sub3A_566, %mul3A_585 : vector<16xi32>
        %add3A_587 = arith.addi %mul3A_586, %get3A_557 : vector<16xi32>
        %select_n3A_588 = arith.select %and3A_573, %add3A_587, %add3A_583 : vector<16xi1>, vector<16xi32>
        %mul3A_589 = arith.constant 16 : i32
        %mul3A_590 = arith.muli %scan3A_550, %mul3A_589 : i32
        %swap3A_591 = arith.index_cast %mul3A_590 : i32 to index
        %swap3A_592 = tpu.vector_load %arg21[%swap3A_591] {strides = array<i32>} : memref<128xi32, #tpu.memory_space<vmem>>, vector<16xi32>,
        tpu.vector_store %arg21[%swap3A_591], %select_n3A_588 {strides = array<i32>} : memref<128xi32, #tpu.memory_space<vmem>>, vector<16xi32>,
        %mul3A_593 = arith.mulf %gather3A_562, %gather3A_563 : vector<16xf32>
        %mul3A_594 = arith.mulf %mul3A_593, %get3A_561 : vector<16xf32>
        %jit3A_595 = arith.constant 0.000000e+00 : f32
        %broadcast_in_dim3A_596 = vector.broadcast %jit3A_595 : f32 to vector<16xf32>
        %select_n3A_597 = arith.select %and3A_573, %mul3A_594, %broadcast_in_dim3A_596 : vector<16xi1>, vector<16xf32>
        %mul3A_598 = arith.constant 16 : i32
        %mul3A_599 = arith.muli %scan3A_550, %mul3A_598 : i32
        %swap3A_600 = arith.index_cast %mul3A_599 : i32 to index
        %swap3A_601 = tpu.vector_load %arg27[%swap3A_600] {strides = array<i32>} : memref<128xf32, #tpu.memory_space<vmem>>, vector<16xf32>,
        tpu.vector_store %arg27[%swap3A_600], %select_n3A_597 {strides = array<i32>} : memref<128xf32, #tpu.memory_space<vmem>>, vector<16xf32>,
      }
      %scan3A_547 = arith.constant 8 : i32
      %dma_start3A_548 = arith.constant 0 : i32
      %dma_start3A_549 = tpu.memref_slice %arg35[%dma_start3A_548] : memref<655488xf32, #tpu.memory_space<vmem_shared>> -> memref<655488xf32, #tpu.memory_space<vmem_shared>>
      tpu.enqueue_indirect_dma source(%arg27 : memref<128xf32, #tpu.memory_space<vmem>>) target(%dma_start3A_549 : memref<655488xf32, #tpu.memory_space<vmem_shared>>) offsets(%arg21 : memref<128xi32, #tpu.memory_space<vmem>>) semaphore(%arg43 : memref<!tpu.dma_semaphore, #tpu.memory_space<semaphore_mem>>) {add = true}
    }
    %scan3A_347 = arith.constant 12 : i32
    %dma_wait3A_348 = arith.constant 0 : i32
    %dma_wait3A_349 = tpu.memref_slice %arg35[%dma_wait3A_348] : memref<655488xf32, #tpu.memory_space<vmem_shared>> -> memref<655488xf32, #tpu.memory_space<vmem_shared>>
    tpu.wait_indirect_dma semaphore(%arg36 : memref<!tpu.dma_semaphore, #tpu.memory_space<semaphore_mem>>) src(%arg22 : memref<128xf32, #tpu.memory_space<vmem>>) dst(%dma_wait3A_349 : memref<655488xf32, #tpu.memory_space<vmem_shared>>)
    %dma_wait3A_350 = arith.constant 0 : i32
    %dma_wait3A_351 = tpu.memref_slice %arg35[%dma_wait3A_350] : memref<655488xf32, #tpu.memory_space<vmem_shared>> -> memref<655488xf32, #tpu.memory_space<vmem_shared>>
    tpu.wait_indirect_dma semaphore(%arg37 : memref<!tpu.dma_semaphore, #tpu.memory_space<semaphore_mem>>) src(%arg23 : memref<128xf32, #tpu.memory_space<vmem>>) dst(%dma_wait3A_351 : memref<655488xf32, #tpu.memory_space<vmem_shared>>)
    %dma_wait3A_352 = arith.constant 0 : i32
    %dma_wait3A_353 = tpu.memref_slice %arg35[%dma_wait3A_352] : memref<655488xf32, #tpu.memory_space<vmem_shared>> -> memref<655488xf32, #tpu.memory_space<vmem_shared>>
    tpu.wait_indirect_dma semaphore(%arg38 : memref<!tpu.dma_semaphore, #tpu.memory_space<semaphore_mem>>) src(%arg24 : memref<128xf32, #tpu.memory_space<vmem>>) dst(%dma_wait3A_353 : memref<655488xf32, #tpu.memory_space<vmem_shared>>)
    %dma_wait3A_354 = arith.constant 0 : i32
    %dma_wait3A_355 = tpu.memref_slice %arg35[%dma_wait3A_354] : memref<655488xf32, #tpu.memory_space<vmem_shared>> -> memref<655488xf32, #tpu.memory_space<vmem_shared>>
    tpu.wait_indirect_dma semaphore(%arg39 : memref<!tpu.dma_semaphore, #tpu.memory_space<semaphore_mem>>) src(%arg25 : memref<128xf32, #tpu.memory_space<vmem>>) dst(%dma_wait3A_355 : memref<655488xf32, #tpu.memory_space<vmem_shared>>)
    %dma_wait3A_356 = arith.constant 0 : i32
    %dma_wait3A_357 = tpu.memref_slice %arg35[%dma_wait3A_356] : memref<655488xf32, #tpu.memory_space<vmem_shared>> -> memref<655488xf32, #tpu.memory_space<vmem_shared>>
    tpu.wait_indirect_dma semaphore(%arg42 : memref<!tpu.dma_semaphore, #tpu.memory_space<semaphore_mem>>) src(%arg26 : memref<128xf32, #tpu.memory_space<vmem>>) dst(%dma_wait3A_357 : memref<655488xf32, #tpu.memory_space<vmem_shared>>)
    %dma_wait3A_358 = arith.constant 0 : i32
    %dma_wait3A_359 = tpu.memref_slice %arg35[%dma_wait3A_358] : memref<655488xf32, #tpu.memory_space<vmem_shared>> -> memref<655488xf32, #tpu.memory_space<vmem_shared>>
    tpu.wait_indirect_dma semaphore(%arg43 : memref<!tpu.dma_semaphore, #tpu.memory_space<semaphore_mem>>) src(%arg27 : memref<128xf32, #tpu.memory_space<vmem>>) dst(%dma_wait3A_359 : memref<655488xf32, #tpu.memory_space<vmem_shared>>)
    %get3A_360 = arith.constant 9984 : index
    %get3A_361 = tpu.vector_load %arg7[%get3A_360] {strides = array<i32>} : memref<10000xi32, #tpu.memory_space<vmem>>, vector<16xi32>,
    %get3A_362 = arith.constant 9984 : index
    %get3A_363 = tpu.vector_load %arg8[%get3A_362] {strides = array<i32>} : memref<10000xi32, #tpu.memory_space<vmem>>, vector<16xi32>,
    %get3A_364 = arith.constant 9984 : index
    %get3A_365 = tpu.vector_load %arg9[%get3A_364] {strides = array<i32>} : memref<10000xf32, #tpu.memory_space<vmem>>, vector<16xf32>,
    %gather3A = tpu.vector_load_idx %arg11[%get3A_363] : memref<10240xf32, #tpu.memory_space<vmem>>[vector<16xi32>], vector<16xf32>,
    %gather3A_366 = tpu.vector_load_idx %arg11[%get3A_361] : memref<10240xf32, #tpu.memory_space<vmem>>[vector<16xi32>], vector<16xf32>,
    %gather3A_367 = tpu.vector_load_idx %arg10[%get3A_363] : memref<10240xi32, #tpu.memory_space<vmem>>[vector<16xi32>], vector<16xi32>,
    %sub3A = vector.broadcast %mul3A_0 : i32 to vector<16xi32>
    %sub3A_368 = arith.subi %gather3A_367, %sub3A : vector<16xi32>
    %ge3A = arith.constant 0 : i32
    %ge3A_369 = vector.broadcast %ge3A : i32 to vector<16xi32>
    %ge3A_370 = arith.cmpi sge, %sub3A_368, %ge3A_369 : vector<16xi32>
    %lt3A = arith.constant 64 : i32
    %lt3A_371 = vector.broadcast %lt3A : i32 to vector<16xi32>
    %lt3A_372 = arith.cmpi slt, %sub3A_368, %lt3A_371 : vector<16xi32>
    %and3A = arith.andi %ge3A_370, %lt3A_372 : vector<16xi1>
    %mul3A_373 = arith.constant 10240 : i32
    %mul3A_374 = vector.broadcast %mul3A_373 : i32 to vector<16xi32>
    %mul3A_375 = arith.muli %sub3A_368, %mul3A_374 : vector<16xi32>
    %add3A_376 = arith.addi %mul3A_375, %get3A_361 : vector<16xi32>
    %add3A_377 = arith.constant 655360 : i32
    %add3A_378 = vector.broadcast %add3A_377 : i32 to vector<16xi32>
    %add3A_379 = arith.addi %add3A_378, %iota3A : vector<16xi32>
    %select_n3A = arith.select %and3A, %add3A_376, %add3A_379 : vector<16xi1>, vector<16xi32>
    %swap3A_380 = arith.constant 0 : index
    %swap3A_381 = tpu.vector_load %arg28[%swap3A_380] {strides = array<i32>} : memref<16xi32, #tpu.memory_space<vmem>>, vector<16xi32>,
    tpu.vector_store %arg28[%swap3A_380], %select_n3A {strides = array<i32>} : memref<16xi32, #tpu.memory_space<vmem>>, vector<16xi32>,
    %mul3A_382 = arith.mulf %gather3A, %gather3A_366 : vector<16xf32>
    %mul3A_383 = arith.mulf %mul3A_382, %get3A_365 : vector<16xf32>
    %jit3A = arith.constant 0.000000e+00 : f32
    %broadcast_in_dim3A_384 = vector.broadcast %jit3A : f32 to vector<16xf32>
    %select_n3A_385 = arith.select %and3A, %mul3A_383, %broadcast_in_dim3A_384 : vector<16xi1>, vector<16xf32>
    %swap3A_386 = arith.constant 0 : index
    %swap3A_387 = tpu.vector_load %arg29[%swap3A_386] {strides = array<i32>} : memref<16xf32, #tpu.memory_space<vmem>>, vector<16xf32>,
    tpu.vector_store %arg29[%swap3A_386], %select_n3A_385 {strides = array<i32>} : memref<16xf32, #tpu.memory_space<vmem>>, vector<16xf32>,
    "tpu.region"() ({
      %run_scoped3A = tpu.sem_alloc : memref<!tpu.dma_semaphore, #tpu.memory_space<semaphore_mem>>
      %dma_start3A_453 = arith.constant 0 : i32
      %dma_start3A_454 = tpu.memref_slice %arg35[%dma_start3A_453] : memref<655488xf32, #tpu.memory_space<vmem_shared>> -> memref<655488xf32, #tpu.memory_space<vmem_shared>>
      tpu.enqueue_indirect_dma source(%arg29 : memref<16xf32, #tpu.memory_space<vmem>>) target(%dma_start3A_454 : memref<655488xf32, #tpu.memory_space<vmem_shared>>) offsets(%arg28 : memref<16xi32, #tpu.memory_space<vmem>>) semaphore(%run_scoped3A : memref<!tpu.dma_semaphore, #tpu.memory_space<semaphore_mem>>) {add = true}
      %dma_wait3A_455 = arith.constant 0 : i32
      %dma_wait3A_456 = tpu.memref_slice %arg35[%dma_wait3A_455] : memref<655488xf32, #tpu.memory_space<vmem_shared>> -> memref<655488xf32, #tpu.memory_space<vmem_shared>>
      tpu.wait_indirect_dma semaphore(%run_scoped3A : memref<!tpu.dma_semaphore, #tpu.memory_space<semaphore_mem>>) src(%arg29 : memref<16xf32, #tpu.memory_space<vmem>>) dst(%dma_wait3A_456 : memref<655488xf32, #tpu.memory_space<vmem_shared>>)
      tpu.yield
    }) : () -> ()
    %scan3A_388 = arith.constant 0 : i32
    %scan3A_389 = arith.constant 0 : i32
    %scan3A_390 = arith.constant 8 : i32
    %scan3A_391 = arith.addi %scan3A_389, %scan3A_390 : i32
    %scan3A_392 = arith.constant 1 : i32
    scf.for %scan3A_453 = %scan3A_389 to %scan3A_391 step %scan3A_392  : i32 {
      %mul3A_454 = arith.constant 16 : i32
      %mul3A_455 = arith.muli %scan3A_453, %mul3A_454 : i32
      %add3A_456 = arith.constant 0 : i32
      %add3A_457 = arith.addi %add3A_456, %mul3A_455 : i32
      %mul3A_458 = arith.constant 640 : i32
      %mul3A_459 = arith.muli %arg1, %mul3A_458 : i32
      %add3A_460 = arith.addi %mul3A_459, %add3A_457 : i32
      %add3A_461 = vector.broadcast %add3A_460 : i32 to vector<16xi32>
      %add3A_462 = arith.addi %add3A_461, %iota3A : vector<16xi32>
      %gather3A_463 = tpu.vector_load_idx %arg10[%add3A_462] : memref<10240xi32, #tpu.memory_space<vmem>>[vector<16xi32>], vector<16xi32>,
      %sub3A_464 = vector.broadcast %mul3A_0 : i32 to vector<16xi32>
      %sub3A_465 = arith.subi %gather3A_463, %sub3A_464 : vector<16xi32>
      %gather3A_466 = tpu.vector_load_idx %arg12[%add3A_462] : memref<10240xf32, #tpu.memory_space<vmem>>[vector<16xi32>], vector<16xf32>,
      %ge3A_467 = arith.constant 0 : i32
      %ge3A_468 = vector.broadcast %ge3A_467 : i32 to vector<16xi32>
      %ge3A_469 = arith.cmpi sge, %sub3A_465, %ge3A_468 : vector<16xi32>
      %lt3A_470 = arith.constant 64 : i32
      %lt3A_471 = vector.broadcast %lt3A_470 : i32 to vector<16xi32>
      %lt3A_472 = arith.cmpi slt, %sub3A_465, %lt3A_471 : vector<16xi32>
      %and3A_473 = arith.andi %ge3A_469, %lt3A_472 : vector<16xi1>
      %lt3A_474 = arith.constant 10000 : i32
      %lt3A_475 = vector.broadcast %lt3A_474 : i32 to vector<16xi32>
      %lt3A_476 = arith.cmpi slt, %add3A_462, %lt3A_475 : vector<16xi32>
      %and3A_477 = arith.andi %and3A_473, %lt3A_476 : vector<16xi1>
      %mul3A_478 = arith.constant 16 : i32
      %mul3A_479 = arith.muli %scan3A_453, %mul3A_478 : i32
      %add3A_480 = vector.broadcast %mul3A_479 : i32 to vector<16xi32>
      %add3A_481 = arith.addi %iota3A, %add3A_480 : vector<16xi32>
      %and3A_482 = arith.constant 127 : i32
      %and3A_483 = vector.broadcast %and3A_482 : i32 to vector<16xi32>
      %and3A_484 = arith.andi %add3A_481, %and3A_483 : vector<16xi32>
      %add3A_485 = arith.constant 655360 : i32
      %add3A_486 = vector.broadcast %add3A_485 : i32 to vector<16xi32>
      %add3A_487 = arith.addi %add3A_486, %and3A_484 : vector<16xi32>
      %mul3A_488 = arith.constant 10240 : i32
      %mul3A_489 = vector.broadcast %mul3A_488 : i32 to vector<16xi32>
      %mul3A_490 = arith.muli %sub3A_465, %mul3A_489 : vector<16xi32>
      %add3A_491 = arith.addi %mul3A_490, %add3A_462 : vector<16xi32>
      %select_n3A_492 = arith.select %and3A_477, %add3A_491, %add3A_487 : vector<16xi1>, vector<16xi32>
      %mul3A_493 = arith.constant 16 : i32
      %mul3A_494 = arith.muli %scan3A_453, %mul3A_493 : i32
      %swap3A_495 = arith.index_cast %mul3A_494 : i32 to index
      %swap3A_496 = tpu.vector_load %arg16[%swap3A_495] {strides = array<i32>} : memref<128xi32, #tpu.memory_space<vmem>>, vector<16xi32>,
      tpu.vector_store %arg16[%swap3A_495], %select_n3A_492 {strides = array<i32>} : memref<128xi32, #tpu.memory_space<vmem>>, vector<16xi32>,
      %jit3A_497 = arith.constant 0.000000e+00 : f32
      %broadcast_in_dim3A_498 = vector.broadcast %jit3A_497 : f32 to vector<16xf32>
      %select_n3A_499 = arith.select %and3A_477, %gather3A_466, %broadcast_in_dim3A_498 : vector<16xi1>, vector<16xf32>
      %mul3A_500 = arith.constant 16 : i32
      %mul3A_501 = arith.muli %scan3A_453, %mul3A_500 : i32
      %swap3A_502 = arith.index_cast %mul3A_501 : i32 to index
      %swap3A_503 = tpu.vector_load %arg22[%swap3A_502] {strides = array<i32>} : memref<128xf32, #tpu.memory_space<vmem>>, vector<16xf32>,
      tpu.vector_store %arg22[%swap3A_502], %select_n3A_499 {strides = array<i32>} : memref<128xf32, #tpu.memory_space<vmem>>, vector<16xf32>,
    }
    %scan3A_393 = arith.constant 8 : i32
    %dma_start3A_394 = arith.constant 0 : i32
    %dma_start3A_395 = tpu.memref_slice %arg35[%dma_start3A_394] : memref<655488xf32, #tpu.memory_space<vmem_shared>> -> memref<655488xf32, #tpu.memory_space<vmem_shared>>
    tpu.enqueue_indirect_dma source(%arg22 : memref<128xf32, #tpu.memory_space<vmem>>) target(%dma_start3A_395 : memref<655488xf32, #tpu.memory_space<vmem_shared>>) offsets(%arg16 : memref<128xi32, #tpu.memory_space<vmem>>) semaphore(%arg36 : memref<!tpu.dma_semaphore, #tpu.memory_space<semaphore_mem>>) {add = true}
    %scan3A_396 = arith.constant 0 : i32
    %scan3A_397 = arith.constant 0 : i32
    %scan3A_398 = arith.constant 8 : i32
    %scan3A_399 = arith.addi %scan3A_397, %scan3A_398 : i32
    %scan3A_400 = arith.constant 1 : i32
    scf.for %scan3A_453 = %scan3A_397 to %scan3A_399 step %scan3A_400  : i32 {
      %mul3A_454 = arith.constant 16 : i32
      %mul3A_455 = arith.muli %scan3A_453, %mul3A_454 : i32
      %add3A_456 = arith.constant 128 : i32
      %add3A_457 = arith.addi %add3A_456, %mul3A_455 : i32
      %mul3A_458 = arith.constant 640 : i32
      %mul3A_459 = arith.muli %arg1, %mul3A_458 : i32
      %add3A_460 = arith.addi %mul3A_459, %add3A_457 : i32
      %add3A_461 = vector.broadcast %add3A_460 : i32 to vector<16xi32>
      %add3A_462 = arith.addi %add3A_461, %iota3A : vector<16xi32>
      %gather3A_463 = tpu.vector_load_idx %arg10[%add3A_462] : memref<10240xi32, #tpu.memory_space<vmem>>[vector<16xi32>], vector<16xi32>,
      %sub3A_464 = vector.broadcast %mul3A_0 : i32 to vector<16xi32>
      %sub3A_465 = arith.subi %gather3A_463, %sub3A_464 : vector<16xi32>
      %gather3A_466 = tpu.vector_load_idx %arg12[%add3A_462] : memref<10240xf32, #tpu.memory_space<vmem>>[vector<16xi32>], vector<16xf32>,
      %ge3A_467 = arith.constant 0 : i32
      %ge3A_468 = vector.broadcast %ge3A_467 : i32 to vector<16xi32>
      %ge3A_469 = arith.cmpi sge, %sub3A_465, %ge3A_468 : vector<16xi32>
      %lt3A_470 = arith.constant 64 : i32
      %lt3A_471 = vector.broadcast %lt3A_470 : i32 to vector<16xi32>
      %lt3A_472 = arith.cmpi slt, %sub3A_465, %lt3A_471 : vector<16xi32>
      %and3A_473 = arith.andi %ge3A_469, %lt3A_472 : vector<16xi1>
      %lt3A_474 = arith.constant 10000 : i32
      %lt3A_475 = vector.broadcast %lt3A_474 : i32 to vector<16xi32>
      %lt3A_476 = arith.cmpi slt, %add3A_462, %lt3A_475 : vector<16xi32>
      %and3A_477 = arith.andi %and3A_473, %lt3A_476 : vector<16xi1>
      %mul3A_478 = arith.constant 16 : i32
      %mul3A_479 = arith.muli %scan3A_453, %mul3A_478 : i32
      %add3A_480 = vector.broadcast %mul3A_479 : i32 to vector<16xi32>
      %add3A_481 = arith.addi %iota3A, %add3A_480 : vector<16xi32>
      %and3A_482 = arith.constant 127 : i32
      %and3A_483 = vector.broadcast %and3A_482 : i32 to vector<16xi32>
      %and3A_484 = arith.andi %add3A_481, %and3A_483 : vector<16xi32>
      %add3A_485 = arith.constant 655360 : i32
      %add3A_486 = vector.broadcast %add3A_485 : i32 to vector<16xi32>
      %add3A_487 = arith.addi %add3A_486, %and3A_484 : vector<16xi32>
      %mul3A_488 = arith.constant 10240 : i32
      %mul3A_489 = vector.broadcast %mul3A_488 : i32 to vector<16xi32>
      %mul3A_490 = arith.muli %sub3A_465, %mul3A_489 : vector<16xi32>
      %add3A_491 = arith.addi %mul3A_490, %add3A_462 : vector<16xi32>
      %select_n3A_492 = arith.select %and3A_477, %add3A_491, %add3A_487 : vector<16xi1>, vector<16xi32>
      %mul3A_493 = arith.constant 16 : i32
      %mul3A_494 = arith.muli %scan3A_453, %mul3A_493 : i32
      %swap3A_495 = arith.index_cast %mul3A_494 : i32 to index
      %swap3A_496 = tpu.vector_load %arg17[%swap3A_495] {strides = array<i32>} : memref<128xi32, #tpu.memory_space<vmem>>, vector<16xi32>,
      tpu.vector_store %arg17[%swap3A_495], %select_n3A_492 {strides = array<i32>} : memref<128xi32, #tpu.memory_space<vmem>>, vector<16xi32>,
      %jit3A_497 = arith.constant 0.000000e+00 : f32
      %broadcast_in_dim3A_498 = vector.broadcast %jit3A_497 : f32 to vector<16xf32>
      %select_n3A_499 = arith.select %and3A_477, %gather3A_466, %broadcast_in_dim3A_498 : vector<16xi1>, vector<16xf32>
      %mul3A_500 = arith.constant 16 : i32
      %mul3A_501 = arith.muli %scan3A_453, %mul3A_500 : i32
      %swap3A_502 = arith.index_cast %mul3A_501 : i32 to index
      %swap3A_503 = tpu.vector_load %arg23[%swap3A_502] {strides = array<i32>} : memref<128xf32, #tpu.memory_space<vmem>>, vector<16xf32>,
      tpu.vector_store %arg23[%swap3A_502], %select_n3A_499 {strides = array<i32>} : memref<128xf32, #tpu.memory_space<vmem>>, vector<16xf32>,
    }
    %scan3A_401 = arith.constant 8 : i32
    %dma_start3A_402 = arith.constant 0 : i32
    %dma_start3A_403 = tpu.memref_slice %arg35[%dma_start3A_402] : memref<655488xf32, #tpu.memory_space<vmem_shared>> -> memref<655488xf32, #tpu.memory_space<vmem_shared>>
    tpu.enqueue_indirect_dma source(%arg23 : memref<128xf32, #tpu.memory_space<vmem>>) target(%dma_start3A_403 : memref<655488xf32, #tpu.memory_space<vmem_shared>>) offsets(%arg17 : memref<128xi32, #tpu.memory_space<vmem>>) semaphore(%arg37 : memref<!tpu.dma_semaphore, #tpu.memory_space<semaphore_mem>>) {add = true}
    %scan3A_404 = arith.constant 0 : i32
    %scan3A_405 = arith.constant 0 : i32
    %scan3A_406 = arith.constant 8 : i32
    %scan3A_407 = arith.addi %scan3A_405, %scan3A_406 : i32
    %scan3A_408 = arith.constant 1 : i32
    scf.for %scan3A_453 = %scan3A_405 to %scan3A_407 step %scan3A_408  : i32 {
      %mul3A_454 = arith.constant 16 : i32
      %mul3A_455 = arith.muli %scan3A_453, %mul3A_454 : i32
      %add3A_456 = arith.constant 256 : i32
      %add3A_457 = arith.addi %add3A_456, %mul3A_455 : i32
      %mul3A_458 = arith.constant 640 : i32
      %mul3A_459 = arith.muli %arg1, %mul3A_458 : i32
      %add3A_460 = arith.addi %mul3A_459, %add3A_457 : i32
      %add3A_461 = vector.broadcast %add3A_460 : i32 to vector<16xi32>
      %add3A_462 = arith.addi %add3A_461, %iota3A : vector<16xi32>
      %gather3A_463 = tpu.vector_load_idx %arg10[%add3A_462] : memref<10240xi32, #tpu.memory_space<vmem>>[vector<16xi32>], vector<16xi32>,
      %sub3A_464 = vector.broadcast %mul3A_0 : i32 to vector<16xi32>
      %sub3A_465 = arith.subi %gather3A_463, %sub3A_464 : vector<16xi32>
      %gather3A_466 = tpu.vector_load_idx %arg12[%add3A_462] : memref<10240xf32, #tpu.memory_space<vmem>>[vector<16xi32>], vector<16xf32>,
      %ge3A_467 = arith.constant 0 : i32
      %ge3A_468 = vector.broadcast %ge3A_467 : i32 to vector<16xi32>
      %ge3A_469 = arith.cmpi sge, %sub3A_465, %ge3A_468 : vector<16xi32>
      %lt3A_470 = arith.constant 64 : i32
      %lt3A_471 = vector.broadcast %lt3A_470 : i32 to vector<16xi32>
      %lt3A_472 = arith.cmpi slt, %sub3A_465, %lt3A_471 : vector<16xi32>
      %and3A_473 = arith.andi %ge3A_469, %lt3A_472 : vector<16xi1>
      %lt3A_474 = arith.constant 10000 : i32
      %lt3A_475 = vector.broadcast %lt3A_474 : i32 to vector<16xi32>
      %lt3A_476 = arith.cmpi slt, %add3A_462, %lt3A_475 : vector<16xi32>
      %and3A_477 = arith.andi %and3A_473, %lt3A_476 : vector<16xi1>
      %mul3A_478 = arith.constant 16 : i32
      %mul3A_479 = arith.muli %scan3A_453, %mul3A_478 : i32
      %add3A_480 = vector.broadcast %mul3A_479 : i32 to vector<16xi32>
      %add3A_481 = arith.addi %iota3A, %add3A_480 : vector<16xi32>
      %and3A_482 = arith.constant 127 : i32
      %and3A_483 = vector.broadcast %and3A_482 : i32 to vector<16xi32>
      %and3A_484 = arith.andi %add3A_481, %and3A_483 : vector<16xi32>
      %add3A_485 = arith.constant 655360 : i32
      %add3A_486 = vector.broadcast %add3A_485 : i32 to vector<16xi32>
      %add3A_487 = arith.addi %add3A_486, %and3A_484 : vector<16xi32>
      %mul3A_488 = arith.constant 10240 : i32
      %mul3A_489 = vector.broadcast %mul3A_488 : i32 to vector<16xi32>
      %mul3A_490 = arith.muli %sub3A_465, %mul3A_489 : vector<16xi32>
      %add3A_491 = arith.addi %mul3A_490, %add3A_462 : vector<16xi32>
      %select_n3A_492 = arith.select %and3A_477, %add3A_491, %add3A_487 : vector<16xi1>, vector<16xi32>
      %mul3A_493 = arith.constant 16 : i32
      %mul3A_494 = arith.muli %scan3A_453, %mul3A_493 : i32
      %swap3A_495 = arith.index_cast %mul3A_494 : i32 to index
      %swap3A_496 = tpu.vector_load %arg18[%swap3A_495] {strides = array<i32>} : memref<128xi32, #tpu.memory_space<vmem>>, vector<16xi32>,
      tpu.vector_store %arg18[%swap3A_495], %select_n3A_492 {strides = array<i32>} : memref<128xi32, #tpu.memory_space<vmem>>, vector<16xi32>,
      %jit3A_497 = arith.constant 0.000000e+00 : f32
      %broadcast_in_dim3A_498 = vector.broadcast %jit3A_497 : f32 to vector<16xf32>
      %select_n3A_499 = arith.select %and3A_477, %gather3A_466, %broadcast_in_dim3A_498 : vector<16xi1>, vector<16xf32>
      %mul3A_500 = arith.constant 16 : i32
      %mul3A_501 = arith.muli %scan3A_453, %mul3A_500 : i32
      %swap3A_502 = arith.index_cast %mul3A_501 : i32 to index
      %swap3A_503 = tpu.vector_load %arg24[%swap3A_502] {strides = array<i32>} : memref<128xf32, #tpu.memory_space<vmem>>, vector<16xf32>,
      tpu.vector_store %arg24[%swap3A_502], %select_n3A_499 {strides = array<i32>} : memref<128xf32, #tpu.memory_space<vmem>>, vector<16xf32>,
    }
    %scan3A_409 = arith.constant 8 : i32
    %dma_start3A_410 = arith.constant 0 : i32
    %dma_start3A_411 = tpu.memref_slice %arg35[%dma_start3A_410] : memref<655488xf32, #tpu.memory_space<vmem_shared>> -> memref<655488xf32, #tpu.memory_space<vmem_shared>>
    tpu.enqueue_indirect_dma source(%arg24 : memref<128xf32, #tpu.memory_space<vmem>>) target(%dma_start3A_411 : memref<655488xf32, #tpu.memory_space<vmem_shared>>) offsets(%arg18 : memref<128xi32, #tpu.memory_space<vmem>>) semaphore(%arg38 : memref<!tpu.dma_semaphore, #tpu.memory_space<semaphore_mem>>) {add = true}
    %scan3A_412 = arith.constant 0 : i32
    %scan3A_413 = arith.constant 0 : i32
    %scan3A_414 = arith.constant 8 : i32
    %scan3A_415 = arith.addi %scan3A_413, %scan3A_414 : i32
    %scan3A_416 = arith.constant 1 : i32
    scf.for %scan3A_453 = %scan3A_413 to %scan3A_415 step %scan3A_416  : i32 {
      %mul3A_454 = arith.constant 16 : i32
      %mul3A_455 = arith.muli %scan3A_453, %mul3A_454 : i32
      %add3A_456 = arith.constant 384 : i32
      %add3A_457 = arith.addi %add3A_456, %mul3A_455 : i32
      %mul3A_458 = arith.constant 640 : i32
      %mul3A_459 = arith.muli %arg1, %mul3A_458 : i32
      %add3A_460 = arith.addi %mul3A_459, %add3A_457 : i32
      %add3A_461 = vector.broadcast %add3A_460 : i32 to vector<16xi32>
      %add3A_462 = arith.addi %add3A_461, %iota3A : vector<16xi32>
      %gather3A_463 = tpu.vector_load_idx %arg10[%add3A_462] : memref<10240xi32, #tpu.memory_space<vmem>>[vector<16xi32>], vector<16xi32>,
      %sub3A_464 = vector.broadcast %mul3A_0 : i32 to vector<16xi32>
      %sub3A_465 = arith.subi %gather3A_463, %sub3A_464 : vector<16xi32>
      %gather3A_466 = tpu.vector_load_idx %arg12[%add3A_462] : memref<10240xf32, #tpu.memory_space<vmem>>[vector<16xi32>], vector<16xf32>,
      %ge3A_467 = arith.constant 0 : i32
      %ge3A_468 = vector.broadcast %ge3A_467 : i32 to vector<16xi32>
      %ge3A_469 = arith.cmpi sge, %sub3A_465, %ge3A_468 : vector<16xi32>
      %lt3A_470 = arith.constant 64 : i32
      %lt3A_471 = vector.broadcast %lt3A_470 : i32 to vector<16xi32>
      %lt3A_472 = arith.cmpi slt, %sub3A_465, %lt3A_471 : vector<16xi32>
      %and3A_473 = arith.andi %ge3A_469, %lt3A_472 : vector<16xi1>
      %lt3A_474 = arith.constant 10000 : i32
      %lt3A_475 = vector.broadcast %lt3A_474 : i32 to vector<16xi32>
      %lt3A_476 = arith.cmpi slt, %add3A_462, %lt3A_475 : vector<16xi32>
      %and3A_477 = arith.andi %and3A_473, %lt3A_476 : vector<16xi1>
      %mul3A_478 = arith.constant 16 : i32
      %mul3A_479 = arith.muli %scan3A_453, %mul3A_478 : i32
      %add3A_480 = vector.broadcast %mul3A_479 : i32 to vector<16xi32>
      %add3A_481 = arith.addi %iota3A, %add3A_480 : vector<16xi32>
      %and3A_482 = arith.constant 127 : i32
      %and3A_483 = vector.broadcast %and3A_482 : i32 to vector<16xi32>
      %and3A_484 = arith.andi %add3A_481, %and3A_483 : vector<16xi32>
      %add3A_485 = arith.constant 655360 : i32
      %add3A_486 = vector.broadcast %add3A_485 : i32 to vector<16xi32>
      %add3A_487 = arith.addi %add3A_486, %and3A_484 : vector<16xi32>
      %mul3A_488 = arith.constant 10240 : i32
      %mul3A_489 = vector.broadcast %mul3A_488 : i32 to vector<16xi32>
      %mul3A_490 = arith.muli %sub3A_465, %mul3A_489 : vector<16xi32>
      %add3A_491 = arith.addi %mul3A_490, %add3A_462 : vector<16xi32>
      %select_n3A_492 = arith.select %and3A_477, %add3A_491, %add3A_487 : vector<16xi1>, vector<16xi32>
      %mul3A_493 = arith.constant 16 : i32
      %mul3A_494 = arith.muli %scan3A_453, %mul3A_493 : i32
      %swap3A_495 = arith.index_cast %mul3A_494 : i32 to index
      %swap3A_496 = tpu.vector_load %arg19[%swap3A_495] {strides = array<i32>} : memref<128xi32, #tpu.memory_space<vmem>>, vector<16xi32>,
      tpu.vector_store %arg19[%swap3A_495], %select_n3A_492 {strides = array<i32>} : memref<128xi32, #tpu.memory_space<vmem>>, vector<16xi32>,
      %jit3A_497 = arith.constant 0.000000e+00 : f32
      %broadcast_in_dim3A_498 = vector.broadcast %jit3A_497 : f32 to vector<16xf32>
      %select_n3A_499 = arith.select %and3A_477, %gather3A_466, %broadcast_in_dim3A_498 : vector<16xi1>, vector<16xf32>
      %mul3A_500 = arith.constant 16 : i32
      %mul3A_501 = arith.muli %scan3A_453, %mul3A_500 : i32
      %swap3A_502 = arith.index_cast %mul3A_501 : i32 to index
      %swap3A_503 = tpu.vector_load %arg25[%swap3A_502] {strides = array<i32>} : memref<128xf32, #tpu.memory_space<vmem>>, vector<16xf32>,
      tpu.vector_store %arg25[%swap3A_502], %select_n3A_499 {strides = array<i32>} : memref<128xf32, #tpu.memory_space<vmem>>, vector<16xf32>,
    }
    %scan3A_417 = arith.constant 8 : i32
    %dma_start3A_418 = arith.constant 0 : i32
    %dma_start3A_419 = tpu.memref_slice %arg35[%dma_start3A_418] : memref<655488xf32, #tpu.memory_space<vmem_shared>> -> memref<655488xf32, #tpu.memory_space<vmem_shared>>
    tpu.enqueue_indirect_dma source(%arg25 : memref<128xf32, #tpu.memory_space<vmem>>) target(%dma_start3A_419 : memref<655488xf32, #tpu.memory_space<vmem_shared>>) offsets(%arg19 : memref<128xi32, #tpu.memory_space<vmem>>) semaphore(%arg39 : memref<!tpu.dma_semaphore, #tpu.memory_space<semaphore_mem>>) {add = true}
    %scan3A_420 = arith.constant 0 : i32
    %scan3A_421 = arith.constant 0 : i32
    %scan3A_422 = arith.constant 8 : i32
    %scan3A_423 = arith.addi %scan3A_421, %scan3A_422 : i32
    %scan3A_424 = arith.constant 1 : i32
    scf.for %scan3A_453 = %scan3A_421 to %scan3A_423 step %scan3A_424  : i32 {
      %mul3A_454 = arith.constant 16 : i32
      %mul3A_455 = arith.muli %scan3A_453, %mul3A_454 : i32
      %add3A_456 = arith.constant 512 : i32
      %add3A_457 = arith.addi %add3A_456, %mul3A_455 : i32
      %mul3A_458 = arith.constant 640 : i32
      %mul3A_459 = arith.muli %arg1, %mul3A_458 : i32
      %add3A_460 = arith.addi %mul3A_459, %add3A_457 : i32
      %add3A_461 = vector.broadcast %add3A_460 : i32 to vector<16xi32>
      %add3A_462 = arith.addi %add3A_461, %iota3A : vector<16xi32>
      %gather3A_463 = tpu.vector_load_idx %arg10[%add3A_462] : memref<10240xi32, #tpu.memory_space<vmem>>[vector<16xi32>], vector<16xi32>,
      %sub3A_464 = vector.broadcast %mul3A_0 : i32 to vector<16xi32>
      %sub3A_465 = arith.subi %gather3A_463, %sub3A_464 : vector<16xi32>
      %gather3A_466 = tpu.vector_load_idx %arg12[%add3A_462] : memref<10240xf32, #tpu.memory_space<vmem>>[vector<16xi32>], vector<16xf32>,
      %ge3A_467 = arith.constant 0 : i32
      %ge3A_468 = vector.broadcast %ge3A_467 : i32 to vector<16xi32>
      %ge3A_469 = arith.cmpi sge, %sub3A_465, %ge3A_468 : vector<16xi32>
      %lt3A_470 = arith.constant 64 : i32
      %lt3A_471 = vector.broadcast %lt3A_470 : i32 to vector<16xi32>
      %lt3A_472 = arith.cmpi slt, %sub3A_465, %lt3A_471 : vector<16xi32>
      %and3A_473 = arith.andi %ge3A_469, %lt3A_472 : vector<16xi1>
      %lt3A_474 = arith.constant 10000 : i32
      %lt3A_475 = vector.broadcast %lt3A_474 : i32 to vector<16xi32>
      %lt3A_476 = arith.cmpi slt, %add3A_462, %lt3A_475 : vector<16xi32>
      %and3A_477 = arith.andi %and3A_473, %lt3A_476 : vector<16xi1>
      %mul3A_478 = arith.constant 16 : i32
      %mul3A_479 = arith.muli %scan3A_453, %mul3A_478 : i32
      %add3A_480 = vector.broadcast %mul3A_479 : i32 to vector<16xi32>
      %add3A_481 = arith.addi %iota3A, %add3A_480 : vector<16xi32>
      %and3A_482 = arith.constant 127 : i32
      %and3A_483 = vector.broadcast %and3A_482 : i32 to vector<16xi32>
      %and3A_484 = arith.andi %add3A_481, %and3A_483 : vector<16xi32>
      %add3A_485 = arith.constant 655360 : i32
      %add3A_486 = vector.broadcast %add3A_485 : i32 to vector<16xi32>
      %add3A_487 = arith.addi %add3A_486, %and3A_484 : vector<16xi32>
      %mul3A_488 = arith.constant 10240 : i32
      %mul3A_489 = vector.broadcast %mul3A_488 : i32 to vector<16xi32>
      %mul3A_490 = arith.muli %sub3A_465, %mul3A_489 : vector<16xi32>
      %add3A_491 = arith.addi %mul3A_490, %add3A_462 : vector<16xi32>
      %select_n3A_492 = arith.select %and3A_477, %add3A_491, %add3A_487 : vector<16xi1>, vector<16xi32>
      %mul3A_493 = arith.constant 16 : i32
      %mul3A_494 = arith.muli %scan3A_453, %mul3A_493 : i32
      %swap3A_495 = arith.index_cast %mul3A_494 : i32 to index
      %swap3A_496 = tpu.vector_load %arg20[%swap3A_495] {strides = array<i32>} : memref<128xi32, #tpu.memory_space<vmem>>, vector<16xi32>,
      tpu.vector_store %arg20[%swap3A_495], %select_n3A_492 {strides = array<i32>} : memref<128xi32, #tpu.memory_space<vmem>>, vector<16xi32>,
      %jit3A_497 = arith.constant 0.000000e+00 : f32
      %broadcast_in_dim3A_498 = vector.broadcast %jit3A_497 : f32 to vector<16xf32>
      %select_n3A_499 = arith.select %and3A_477, %gather3A_466, %broadcast_in_dim3A_498 : vector<16xi1>, vector<16xf32>
      %mul3A_500 = arith.constant 16 : i32
      %mul3A_501 = arith.muli %scan3A_453, %mul3A_500 : i32
      %swap3A_502 = arith.index_cast %mul3A_501 : i32 to index
      %swap3A_503 = tpu.vector_load %arg26[%swap3A_502] {strides = array<i32>} : memref<128xf32, #tpu.memory_space<vmem>>, vector<16xf32>,
      tpu.vector_store %arg26[%swap3A_502], %select_n3A_499 {strides = array<i32>} : memref<128xf32, #tpu.memory_space<vmem>>, vector<16xf32>,
    }
    %scan3A_425 = arith.constant 8 : i32
    %dma_start3A_426 = arith.constant 0 : i32
    %dma_start3A_427 = tpu.memref_slice %arg35[%dma_start3A_426] : memref<655488xf32, #tpu.memory_space<vmem_shared>> -> memref<655488xf32, #tpu.memory_space<vmem_shared>>
    tpu.enqueue_indirect_dma source(%arg26 : memref<128xf32, #tpu.memory_space<vmem>>) target(%dma_start3A_427 : memref<655488xf32, #tpu.memory_space<vmem_shared>>) offsets(%arg20 : memref<128xi32, #tpu.memory_space<vmem>>) semaphore(%arg42 : memref<!tpu.dma_semaphore, #tpu.memory_space<semaphore_mem>>) {add = true}
    %scan3A_428 = arith.constant 0 : i32
    %scan3A_429 = arith.constant 0 : i32
    %scan3A_430 = arith.constant 0 : i32
    %scan3A_431 = arith.addi %scan3A_429, %scan3A_430 : i32
    %scan3A_432 = arith.constant 0 : i32
    %dma_wait3A_433 = arith.constant 0 : i32
    %dma_wait3A_434 = tpu.memref_slice %arg35[%dma_wait3A_433] : memref<655488xf32, #tpu.memory_space<vmem_shared>> -> memref<655488xf32, #tpu.memory_space<vmem_shared>>
    tpu.wait_indirect_dma semaphore(%arg36 : memref<!tpu.dma_semaphore, #tpu.memory_space<semaphore_mem>>) src(%arg22 : memref<128xf32, #tpu.memory_space<vmem>>) dst(%dma_wait3A_434 : memref<655488xf32, #tpu.memory_space<vmem_shared>>)
    %dma_wait3A_435 = arith.constant 0 : i32
    %dma_wait3A_436 = tpu.memref_slice %arg35[%dma_wait3A_435] : memref<655488xf32, #tpu.memory_space<vmem_shared>> -> memref<655488xf32, #tpu.memory_space<vmem_shared>>
    tpu.wait_indirect_dma semaphore(%arg37 : memref<!tpu.dma_semaphore, #tpu.memory_space<semaphore_mem>>) src(%arg23 : memref<128xf32, #tpu.memory_space<vmem>>) dst(%dma_wait3A_436 : memref<655488xf32, #tpu.memory_space<vmem_shared>>)
    %dma_wait3A_437 = arith.constant 0 : i32
    %dma_wait3A_438 = tpu.memref_slice %arg35[%dma_wait3A_437] : memref<655488xf32, #tpu.memory_space<vmem_shared>> -> memref<655488xf32, #tpu.memory_space<vmem_shared>>
    tpu.wait_indirect_dma semaphore(%arg38 : memref<!tpu.dma_semaphore, #tpu.memory_space<semaphore_mem>>) src(%arg24 : memref<128xf32, #tpu.memory_space<vmem>>) dst(%dma_wait3A_438 : memref<655488xf32, #tpu.memory_space<vmem_shared>>)
    %dma_wait3A_439 = arith.constant 0 : i32
    %dma_wait3A_440 = tpu.memref_slice %arg35[%dma_wait3A_439] : memref<655488xf32, #tpu.memory_space<vmem_shared>> -> memref<655488xf32, #tpu.memory_space<vmem_shared>>
    tpu.wait_indirect_dma semaphore(%arg39 : memref<!tpu.dma_semaphore, #tpu.memory_space<semaphore_mem>>) src(%arg25 : memref<128xf32, #tpu.memory_space<vmem>>) dst(%dma_wait3A_440 : memref<655488xf32, #tpu.memory_space<vmem_shared>>)
    %dma_wait3A_441 = arith.constant 0 : i32
    %dma_wait3A_442 = tpu.memref_slice %arg35[%dma_wait3A_441] : memref<655488xf32, #tpu.memory_space<vmem_shared>> -> memref<655488xf32, #tpu.memory_space<vmem_shared>>
    tpu.wait_indirect_dma semaphore(%arg42 : memref<!tpu.dma_semaphore, #tpu.memory_space<semaphore_mem>>) src(%arg26 : memref<128xf32, #tpu.memory_space<vmem>>) dst(%dma_wait3A_442 : memref<655488xf32, #tpu.memory_space<vmem_shared>>)
    %barrier3A_443 = arith.constant 0 : index
    tpu.barrier barrier_id(%barrier3A_443)
    %mul3A_444 = arith.constant 40960 : i32
    %mul3A_445 = arith.muli %arg1, %mul3A_444 : i32
    %mul3A_446 = arith.constant 40960 : i32
    %mul3A_447 = arith.muli %arg1, %mul3A_446 : i32
    "tpu.region"() ({
      %run_scoped3A = tpu.sem_alloc : memref<!tpu.dma_semaphore, #tpu.memory_space<semaphore_mem>>
      %dma_start3A_453 = tpu.memref_slice %arg5[%arg0, %mul3A_447] : memref<2x655360xf32, #tpu.memory_space<hbm>> -> memref<1x40960xf32, #tpu.memory_space<hbm>>
      %dma_start3A_454 = tpu.memref_squeeze %dma_start3A_453 : memref<1x40960xf32, #tpu.memory_space<hbm>> -> memref<40960xf32, #tpu.memory_space<hbm>>
      %dma_start3A_455 = tpu.memref_slice %arg35[%mul3A_445] : memref<655488xf32, #tpu.memory_space<vmem_shared>> -> memref<40960xf32, #tpu.memory_space<vmem_shared>>
      tpu.enqueue_dma source(%dma_start3A_455 : memref<40960xf32, #tpu.memory_space<vmem_shared>>) target(%dma_start3A_454 : memref<40960xf32, #tpu.memory_space<hbm>>) target_semaphore(%run_scoped3A : memref<!tpu.dma_semaphore, #tpu.memory_space<semaphore_mem>>)
      %dma_wait3A_456 = tpu.memref_slice %arg5[%arg0, %mul3A_447] : memref<2x655360xf32, #tpu.memory_space<hbm>> -> memref<1x40960xf32, #tpu.memory_space<hbm>>
      %dma_wait3A_457 = tpu.memref_squeeze %dma_wait3A_456 : memref<1x40960xf32, #tpu.memory_space<hbm>> -> memref<40960xf32, #tpu.memory_space<hbm>>
      %dma_wait3A_458 = tpu.memref_slice %arg35[%mul3A_445] : memref<655488xf32, #tpu.memory_space<vmem_shared>> -> memref<40960xf32, #tpu.memory_space<vmem_shared>>
      tpu.wait_dma2 semaphore(%run_scoped3A : memref<!tpu.dma_semaphore, #tpu.memory_space<semaphore_mem>>) src(%dma_wait3A_458 : memref<40960xf32, #tpu.memory_space<vmem_shared>>) dst(%dma_wait3A_457 : memref<40960xf32, #tpu.memory_space<hbm>>)
      tpu.yield
    }) : () -> ()
    %eq3A_448 = arith.constant 0 : i32
    %eq3A_449 = arith.cmpi eq, %arg1, %eq3A_448 : i32
    %convert_element_type3A_450 = arith.extui %eq3A_449 : i1 to i32
    %cond3A_451 = arith.constant 0 : i32
    %cond3A_452 = arith.cmpi ne, %convert_element_type3A_450, %cond3A_451 : i32
    scf.if %cond3A_452 {
      "tpu.region"() ({
        %run_scoped3A = tpu.sem_alloc : memref<!tpu.dma_semaphore, #tpu.memory_space<semaphore_mem>>
        %dma_start3A_453 = arith.constant 0 : i32
        %dma_start3A_454 = tpu.memref_slice %arg6[%arg0, %dma_start3A_453] : memref<2x256xf32, #tpu.memory_space<hbm>> -> memref<1x256xf32, #tpu.memory_space<hbm>>
        %dma_start3A_455 = tpu.memref_squeeze %dma_start3A_454 : memref<1x256xf32, #tpu.memory_space<hbm>> -> memref<256xf32, #tpu.memory_space<hbm>>
        tpu.enqueue_dma source(%arg32 : memref<256xf32, #tpu.memory_space<vmem_shared>>) target(%dma_start3A_455 : memref<256xf32, #tpu.memory_space<hbm>>) target_semaphore(%run_scoped3A : memref<!tpu.dma_semaphore, #tpu.memory_space<semaphore_mem>>)
        %dma_wait3A_456 = arith.constant 0 : i32
        %dma_wait3A_457 = tpu.memref_slice %arg6[%arg0, %dma_wait3A_456] : memref<2x256xf32, #tpu.memory_space<hbm>> -> memref<1x256xf32, #tpu.memory_space<hbm>>
        %dma_wait3A_458 = tpu.memref_squeeze %dma_wait3A_457 : memref<1x256xf32, #tpu.memory_space<hbm>> -> memref<256xf32, #tpu.memory_space<hbm>>
        tpu.wait_dma2 semaphore(%run_scoped3A : memref<!tpu.dma_semaphore, #tpu.memory_space<semaphore_mem>>) src(%arg32 : memref<256xf32, #tpu.memory_space<vmem_shared>>) dst(%dma_wait3A_458 : memref<256xf32, #tpu.memory_space<hbm>>)
        tpu.yield
      }) : () -> ()
    } else {
    }
    return
  }
}

module attributes {stable_mosaic.version = 14 : i64} {
  func.func @_h_tc_body(%arg0: i32, %arg1: memref<1024x256xf32, #tpu.memory_space<vmem>>, %arg2: memref<256x64xf32, #tpu.memory_space<vmem>>, %arg3: memref<1024x64xf32, #tpu.memory_space<vmem>>) attributes {dimension_semantics = [#tpu.dimension_semantics<arbitrary>], iteration_bounds = array<i64: 10>, scalar_prefetch = 0 : i64, scratch_operands = 0 : i64, tpu.core_type = #tpu.core_type<tc>, window_params = [{transform_indices = @transform_0, window_bounds = array<i64: 1024, 256>}, {pipeline_mode = #tpu.pipeline_mode<synchronous>, transform_indices = @transform_1, window_bounds = array<i64: 256, 64>}, {transform_indices = @transform_2, window_bounds = array<i64: 1024, 64>}]} {
    %get3A = arith.constant 0 : index
    %get3A_0 = arith.constant 0 : index
    %get3A_1 = vector.load %arg1[%get3A, %get3A_0] : memref<1024x256xf32, #tpu.memory_space<vmem>>, vector<1024x256xf32>
    %get3A_2 = arith.constant 0 : index
    %get3A_3 = arith.constant 0 : index
    %get3A_4 = vector.load %arg2[%get3A_2, %get3A_3] : memref<256x64xf32, #tpu.memory_space<vmem>>, vector<256x64xf32>
    %dot_general3A = arith.constant dense<0.000000e+00> : vector<1024x64xf32>
    %dot_general3A_5 = tpu.matmul %get3A_1, %get3A_4, %dot_general3A {dimension_numbers = #tpu.dot_dimension_numbers<[1], [0], [0], [1], [0, 0, 1, 1], [], []>, transpose_lhs_hint = false} : vector<1024x256xf32>, vector<256x64xf32>, vector<1024x64xf32> -> vector<1024x64xf32>
    %iota3A = tpu.iota {dimensions = array<i32: 0>} : vector<1024x64xi32>
    %mul3A = arith.constant 1024 : i32
    %mul3A_6 = arith.muli %arg0, %mul3A : i32
    %sub3A = arith.constant 10000 : i32
    %sub3A_7 = arith.subi %sub3A, %mul3A_6 : i32
    %lt3A = vector.broadcast %sub3A_7 : i32 to vector<1024x64xi32>
    %lt3A_8 = arith.cmpi slt, %iota3A, %lt3A : vector<1024x64xi32>
    %jit3A = arith.constant 0.000000e+00 : f32
    %broadcast_in_dim3A = vector.broadcast %jit3A : f32 to vector<1024x64xf32>
    %select_n3A = arith.select %lt3A_8, %dot_general3A_5, %broadcast_in_dim3A : vector<1024x64xi1>, vector<1024x64xf32>
    %swap3A = arith.constant 0 : index
    %swap3A_9 = arith.constant 0 : index
    %swap3A_10 = vector.load %arg3[%swap3A, %swap3A_9] : memref<1024x64xf32, #tpu.memory_space<vmem>>, vector<1024x64xf32>
    tpu.vector_store %arg3[%swap3A, %swap3A_9], %select_n3A {strides = array<i32>} : memref<1024x64xf32, #tpu.memory_space<vmem>>, vector<1024x64xf32>,
    return
  }
  func.func @transform_0(%arg0: i32) -> (i32, i32) {
    %c0_i32 = arith.constant 0 : i32
    %c0_i32_0 = arith.constant 0 : i32
    return %arg0, %c0_i32 : i32, i32
  }
  func.func @transform_1(%arg0: i32) -> (i32, i32) {
    %c0_i32 = arith.constant 0 : i32
    %c0_i32_0 = arith.constant 0 : i32
    %c0_i32_1 = arith.constant 0 : i32
    return %c0_i32, %c0_i32_0 : i32, i32
  }
  func.func @transform_2(%arg0: i32) -> (i32, i32) {
    %c0_i32 = arith.constant 0 : i32
    %c0_i32_0 = arith.constant 0 : i32
    return %arg0, %c0_i32 : i32, i32
  }
}

module attributes {stable_mosaic.version = 14 : i64} {
  func.func @_p_tc_body(%arg0: i32, %arg1: memref<2x64x1024xf32, #tpu.memory_space<vmem>>, %arg2: memref<1024x64xf32, #tpu.memory_space<vmem>>, %arg3: memref<128x1xf32, #tpu.memory_space<vmem>>, %arg4: memref<1x64xf32, #tpu.memory_space<vmem>>, %arg5: memref<128x64xf32, #tpu.memory_space<vmem>>, %arg6: memref<128x64xf32, #tpu.memory_space<vmem>>) attributes {dimension_semantics = [#tpu.dimension_semantics<arbitrary>], iteration_bounds = array<i64: 10>, scalar_prefetch = 0 : i64, scratch_operands = 1 : i64, tpu.core_type = #tpu.core_type<tc>, window_params = [{transform_indices = @transform_0, window_bounds = array<i64: 2, 64, 1024>}, {transform_indices = @transform_1, window_bounds = array<i64: 1024, 64>}, {pipeline_mode = #tpu.pipeline_mode<synchronous>, transform_indices = @transform_2, window_bounds = array<i64: 128, 1>}, {pipeline_mode = #tpu.pipeline_mode<synchronous>, transform_indices = @transform_3, window_bounds = array<i64: 1, 64>}, {pipeline_mode = #tpu.pipeline_mode<synchronous>, transform_indices = @transform_4, window_bounds = array<i64: 128, 64>}]} {
    %eq3A = arith.constant 0 : i32
    %eq3A_0 = arith.cmpi eq, %arg0, %eq3A : i32
    %convert_element_type3A = arith.extui %eq3A_0 : i1 to i32
    %cond3A = arith.constant 0 : i32
    %cond3A_1 = arith.cmpi ne, %convert_element_type3A, %cond3A : i32
    scf.if %cond3A_1 {
      %broadcast_in_dim3A = arith.constant 0.000000e+00 : f32
      %broadcast_in_dim3A_34 = vector.broadcast %broadcast_in_dim3A : f32 to vector<128x64xf32>
      %swap3A_35 = arith.constant 0 : index
      %swap3A_36 = arith.constant 0 : index
      %swap3A_37 = vector.load %arg6[%swap3A_35, %swap3A_36] : memref<128x64xf32, #tpu.memory_space<vmem>>, vector<128x64xf32>
      tpu.vector_store %arg6[%swap3A_35, %swap3A_36], %broadcast_in_dim3A_34 {strides = array<i32>} : memref<128x64xf32, #tpu.memory_space<vmem>>, vector<128x64xf32>,
    } else {
    }
    %get3A = arith.constant 0 : index
    %get3A_2 = arith.constant 0 : index
    %get3A_3 = vector.load %arg2[%get3A, %get3A_2] : memref<1024x64xf32, #tpu.memory_space<vmem>>, vector<1024x64xf32>
    %get3A_4 = arith.constant 0 : index
    %get3A_5 = arith.constant 0 : index
    %get3A_6 = vector.load %arg6[%get3A_4, %get3A_5] : memref<128x64xf32, #tpu.memory_space<vmem>>, vector<64x64xf32>
    %get3A_7 = arith.constant 0 : index
    %get3A_8 = arith.constant 0 : index
    %get3A_9 = arith.constant 0 : index
    %get3A_10 = vector.load %arg1[%get3A_7, %get3A_8, %get3A_9] : memref<2x64x1024xf32, #tpu.memory_space<vmem>>, vector<1x64x1024xf32>
    %get3A_11 = vector.shape_cast %get3A_10 : vector<1x64x1024xf32> to vector<64x1024xf32>
    %dot_general3A = arith.constant dense<0.000000e+00> : vector<64x64xf32>
    %dot_general3A_12 = tpu.matmul %get3A_11, %get3A_3, %dot_general3A {dimension_numbers = #tpu.dot_dimension_numbers<[1], [0], [0], [1], [0, 0, 1, 1], [], []>, transpose_lhs_hint = false} : vector<64x1024xf32>, vector<1024x64xf32>, vector<64x64xf32> -> vector<64x64xf32>
    %add3A = arith.addf %get3A_6, %dot_general3A_12 : vector<64x64xf32>
    %swap3A = arith.constant 0 : index
    %swap3A_13 = arith.constant 0 : index
    %swap3A_14 = vector.load %arg6[%swap3A, %swap3A_13] : memref<128x64xf32, #tpu.memory_space<vmem>>, vector<64x64xf32>
    tpu.vector_store %arg6[%swap3A, %swap3A_13], %add3A {strides = array<i32>} : memref<128x64xf32, #tpu.memory_space<vmem>>, vector<64x64xf32>,
    %get3A_15 = arith.constant 64 : index
    %get3A_16 = arith.constant 0 : index
    %get3A_17 = vector.load %arg6[%get3A_15, %get3A_16] : memref<128x64xf32, #tpu.memory_space<vmem>>, vector<64x64xf32>
    %get3A_18 = arith.constant 1 : index
    %get3A_19 = arith.constant 0 : index
    %get3A_20 = arith.constant 0 : index
    %get3A_21 = vector.load %arg1[%get3A_18, %get3A_19, %get3A_20] : memref<2x64x1024xf32, #tpu.memory_space<vmem>>, vector<1x64x1024xf32>
    %get3A_22 = vector.shape_cast %get3A_21 : vector<1x64x1024xf32> to vector<64x1024xf32>
    %dot_general3A_23 = arith.constant dense<0.000000e+00> : vector<64x64xf32>
    %dot_general3A_24 = tpu.matmul %get3A_22, %get3A_3, %dot_general3A_23 {dimension_numbers = #tpu.dot_dimension_numbers<[1], [0], [0], [1], [0, 0, 1, 1], [], []>, transpose_lhs_hint = false} : vector<64x1024xf32>, vector<1024x64xf32>, vector<64x64xf32> -> vector<64x64xf32>
    %add3A_25 = arith.addf %get3A_17, %dot_general3A_24 : vector<64x64xf32>
    %swap3A_26 = arith.constant 64 : index
    %swap3A_27 = arith.constant 0 : index
    %swap3A_28 = vector.load %arg6[%swap3A_26, %swap3A_27] : memref<128x64xf32, #tpu.memory_space<vmem>>, vector<64x64xf32>
    tpu.vector_store %arg6[%swap3A_26, %swap3A_27], %add3A_25 {strides = array<i32>} : memref<128x64xf32, #tpu.memory_space<vmem>>, vector<64x64xf32>,
    %eq3A_29 = arith.constant 9 : i32
    %eq3A_30 = arith.cmpi eq, %arg0, %eq3A_29 : i32
    %convert_element_type3A_31 = arith.extui %eq3A_30 : i1 to i32
    %cond3A_32 = arith.constant 0 : i32
    %cond3A_33 = arith.cmpi ne, %convert_element_type3A_31, %cond3A_32 : i32
    scf.if %cond3A_33 {
      %get3A_34 = arith.constant 0 : index
      %get3A_35 = arith.constant 0 : index
      %get3A_36 = vector.load %arg3[%get3A_34, %get3A_35] : memref<128x1xf32, #tpu.memory_space<vmem>>, vector<128x1xf32>
      %get3A_37 = arith.constant 0 : index
      %get3A_38 = arith.constant 0 : index
      %get3A_39 = vector.load %arg6[%get3A_37, %get3A_38] : memref<128x64xf32, #tpu.memory_space<vmem>>, vector<128x64xf32>
      %get3A_40 = arith.constant 0 : index
      %get3A_41 = arith.constant 0 : index
      %get3A_42 = vector.load %arg4[%get3A_40, %get3A_41] : memref<1x64xf32, #tpu.memory_space<vmem>>, vector<1x64xf32>
      %mul3A = vector.broadcast %get3A_36 : vector<128x1xf32> to vector<128x64xf32>
      %mul3A_43 = vector.broadcast %get3A_42 : vector<1x64xf32> to vector<128x64xf32>
      %mul3A_44 = arith.mulf %mul3A, %mul3A_43 : vector<128x64xf32>
      %add3A_45 = arith.addf %get3A_39, %mul3A_44 : vector<128x64xf32>
      %max3A = arith.constant 1.000000e+00 : f32
      %max3A_46 = vector.broadcast %max3A : f32 to vector<128x1xf32>
      %max3A_47 = arith.maximumf %get3A_36, %max3A_46 : vector<128x1xf32>
      %div3A = vector.broadcast %max3A_47 : vector<128x1xf32> to vector<128x64xf32>
      %div3A_48 = arith.divf %add3A_45, %div3A : vector<128x64xf32>
      %reduce_max3A = arith.constant dense<0xFF800000> : vector<128xf32>
      %reduce_max3A_49 = vector.multi_reduction <maximumf>, %div3A_48, %reduce_max3A [1] : vector<128x64xf32> to vector<128xf32>
      %broadcast_in_dim3A = vector.shape_cast %reduce_max3A_49 : vector<128xf32> to vector<128x1xf32>
      %sub3A = vector.broadcast %broadcast_in_dim3A : vector<128x1xf32> to vector<128x64xf32>
      %sub3A_50 = arith.subf %div3A_48, %sub3A : vector<128x64xf32>
      %exp3A = math.exp %sub3A_50 : vector<128x64xf32>
      %reduce_sum3A = arith.constant dense<0.000000e+00> : vector<128xf32>
      %reduce_sum3A_51 = vector.multi_reduction <add>, %exp3A, %reduce_sum3A [1] : vector<128x64xf32> to vector<128xf32>
      %broadcast_in_dim3A_52 = vector.shape_cast %reduce_sum3A_51 : vector<128xf32> to vector<128x1xf32>
      %log3A = math.log %broadcast_in_dim3A_52 : vector<128x1xf32>
      %sub3A_53 = vector.broadcast %log3A : vector<128x1xf32> to vector<128x64xf32>
      %sub3A_54 = arith.subf %sub3A_50, %sub3A_53 : vector<128x64xf32>
      %swap3A_55 = arith.constant 0 : index
      %swap3A_56 = arith.constant 0 : index
      %swap3A_57 = vector.load %arg5[%swap3A_55, %swap3A_56] : memref<128x64xf32, #tpu.memory_space<vmem>>, vector<128x64xf32>
      tpu.vector_store %arg5[%swap3A_55, %swap3A_56], %sub3A_54 {strides = array<i32>} : memref<128x64xf32, #tpu.memory_space<vmem>>, vector<128x64xf32>,
    } else {
    }
    return
  }
  func.func @transform_0(%arg0: i32) -> (i32, i32, i32) {
    %c0_i32 = arith.constant 0 : i32
    %c0_i32_0 = arith.constant 0 : i32
    %c0_i32_1 = arith.constant 0 : i32
    return %c0_i32, %c0_i32_0, %arg0 : i32, i32, i32
  }
  func.func @transform_1(%arg0: i32) -> (i32, i32) {
    %c0_i32 = arith.constant 0 : i32
    %c0_i32_0 = arith.constant 0 : i32
    return %arg0, %c0_i32 : i32, i32
  }
  func.func @transform_2(%arg0: i32) -> (i32, i32) {
    %c0_i32 = arith.constant 0 : i32
    %c0_i32_0 = arith.constant 0 : i32
    %c0_i32_1 = arith.constant 0 : i32
    return %c0_i32, %c0_i32_0 : i32, i32
  }
  func.func @transform_3(%arg0: i32) -> (i32, i32) {
    %c0_i32 = arith.constant 0 : i32
    %c0_i32_0 = arith.constant 0 : i32
    %c0_i32_1 = arith.constant 0 : i32
    return %c0_i32, %c0_i32_0 : i32, i32
  }
  func.func @transform_4(%arg0: i32) -> (i32, i32) {
    %c0_i32 = arith.constant 0 : i32
    %c0_i32_0 = arith.constant 0 : i32
    %c0_i32_1 = arith.constant 0 : i32
    return %c0_i32, %c0_i32_0 : i32, i32
  }
}

</mosaic_0001>

<sc_bundles>
// kernel: kernel.5.cloned.1.call-start
scs
__scs_entry_jumppad:
0x0: {  	(pc) =	sbr.rel $0x88, $3  }
0x1: {  	(tag) =	ssettag $0x0;
	lr =	simm.s32 $0x1  }
0x2: {  	[smem:$0x3F9B] =	sst lr;
	_ =	strace $0xD0000000  }
0x3: {  	_ = 	snop  }
0x4: {  	_ = 	snop  }
0x5: {  	_ = 	snop  }
0x6: {  	_ = 	snop  }
0x7: {  	_ = 	snop  }
__scs_overlays_trampoline_lowered:
0x8: {  	[smem:$0x3FAA] =	sst s0  }
0x9: {  	[smem:$0x3FAB] =	sst s1  }
0xa: {  	[smem:$0x3FAC] =	sst s2  }
0xb: {  	[smem:$0x3FAD] =	sst s3  }
0xc: {  	[smem:$0x3FAE] =	sst s4  }
0xd: {  	[smem:$0x3FAF] =	sst s5  }
0xe: {  	[smem:$0x3FB0] =	sst s6  }
0xf: {  	[smem:$0x3FB1] =	sst s7  }
0x10: {  	[smem:$0x3FB2] =	sst s8  }
0x11: {  	[smem:$0x3FB3] =	sst s9;
	s0 =	simm.s32 @!p0 $0x0  }
0x12: {  	s1 =	sld [smem:$0x3F99];
	s0 =	simm.s32 @p0 $0x1  }
0x13: {  	[smem:$0x3FB4] =	sst s0;
	s0 =	simm.s32 @!p1 $0x0  }
0x14: {  	s2 =	sld [smem:$0x3F98];
	s0 =	simm.s32 @p1 $0x1  }
0x15: {  	[smem:$0x3FB5] =	sst s0;
	s0 =	simm.s32 @!p2 $0x0  }
0x16: {  	s3 =	sld [smem:$0x3FDB];
	s0 =	simm.s32 @p2 $0x1  }
0x17: {  	s4 =	simm.s32 $0x1BF5;
	[smem:$0x3FB7] =	sst s0  }
0x18: {  	s0 =	sld [smem:$0x3F9A];
	_ =	swait.ge [sflag:s4], $0x0  }
0x19: {  	s7 =	sld [smem:$0x3F9B]  }
0x1a: {  	s8 =	sadd.s32 $0xFFFFE003, lr  }
0x1b: {  	s9 =	sadd.s32 $0xFFFFFEF7, lr;
	s5 =	simm.s32 $0xFFFFFFFF;
	p2 =	slt.u32 s8, $0xFFFFF086  }
0x1c: {  	p1 =	slt.u32 s9, $0xF7A;
	s5 =	simm.s32 @!p2 $0x0  }
0x1d: {  	s5 =	simm.s32 @p1 $0x1;
	p0 =	seq.s32 s7, s2  }
0x1e: {  	s7 =	smul.u32 @!p0 $0xF7A, s2;
	p2 =	seq.s32 @!p0 s5, $0x0  }
0x1f: {  	s9 =	smul.u32 $0xF7A, s1;
	s8 =	simm.s32 @!p0 $0x1BF5;
	p2 =	por !p2, p0  }
0x20: {  	[sflag:s8] =	ssyncset.s32 @!p0 $0xFFFFF086;
	s6 =	sadd.s32 @!p0 s3, s7;
	s7 =	simm.s32 @!p0 $0x108  }
0x21: {  	s3 =	sadd.s32 s3, s9;
	s6 =	sadd.s32 @!p0 $0x88, s6;
	s7 =	simm.s32 @p2 $0x1082  }
0x22: {  	[simem:s7], [sflag:s8] =	dma.local @!p0 [hbm:s6], $0xF7A  }
0x23: {  	s9 =	sor.u32 $0xD0000000, s2;
	s6 =	simm.s32 $0x108;
	_ =	swait.ge @!p0 [sflag:s8], $0x0  }
0x24: {  	s3 =	sadd.s32 $0x88, s3;
	s6 =	simm.s32 @!p1 $0x1082;
	[sflag:s4] =	ssyncset.s32 $0xFFFFF086  }
0x25: {  	[simem:s6], [sflag:s4] =	dma.local [hbm:s3], $0xF7A  }
0x26: {  	[smem:$0x3F9B] =	sst s1;
	(tag) =	ssettag s2;
	_ =	strace s9  }
0x27: {  	s1 =	sld [smem:$0x3FAB]  }
0x28: {  	s2 =	sld [smem:$0x3FAC]  }
0x29: {  	s4 =	sld [smem:$0x3FAE]  }
0x2a: {  	p0 =	seq.s32 s5, $0x0;
	s5 =	sld [smem:$0x3FAF]  }
0x2b: {  	s6 =	sld [smem:$0x3FB0]  }
0x2c: {  	s7 =	sld [smem:$0x3FB1]  }
0x2d: {  	s3 =	simm.s32 $0x108;
	s8 =	sld [smem:$0x3FB2]  }
0x2e: {  	s3 =	simm.s32 @!p0 $0x1082;
	s9 =	sld [smem:$0x3FB3]  }
0x2f: {  	lr =	sadd.s32 s0, s3;
	s0 =	sld [smem:$0x3FAA]  }
0x30: {  	s3 =	sld [smem:$0x3FAD]  }
0x31: {  	[smem:$0x3FB6] =	sst s10  }
0x32: {  	s10 =	sld [smem:$0x3FB4];
	_ =	sdelay $0x3  }
0x33: {  	p0 =	seq.s32 s10, $0x1;
	s10 =	sld [smem:$0x3FB6];
	_ =	sdelay $0x3  }
0x34: {  	[smem:$0x3FB6] =	sst s10  }
0x35: {  	s10 =	sld [smem:$0x3FB5];
	_ =	sdelay $0x3  }
0x36: {  	p1 =	seq.s32 s10, $0x1;
	s10 =	sld [smem:$0x3FB6];
	_ =	sdelay $0x3  }
0x37: {  	[smem:$0x3FB6] =	sst s10  }
0x38: {  	s10 =	sld [smem:$0x3FB7]  }
0x39: {  	_ = 	snop;
	(pc) =	sbr.ind lr, $3  }
0x3a: {  	_ = 	snop  }
0x3b: {  	_ = 	snop  }
0x3c: {  	p2 =	seq.s32 s10, $0x1;
	s10 =	sld [smem:$0x3FB6]  }
0x3d: {  	_ =	shalt  }
0x3e: {  	_ =	shalt  }
0x3f: {  	_ =	shalt  }
0x40: {  	_ =	shalt  }
0x41: {  	_ =	shalt  }
0x42: {  	_ =	shalt  }
0x43: {  	_ =	shalt  }
0x44: {  	_ =	shalt  }
0x45: {  	_ =	shalt  }
0x46: {  	_ =	shalt  }
0x47: {  	_ =	shalt  }
0x48: {  	_ =	shalt  }
0x49: {  	_ =	shalt  }
0x4a: {  	_ =	shalt  }
0x4b: {  	_ =	shalt  }
0x4c: {  	_ =	shalt  }
0x4d: {  	_ =	shalt  }
0x4e: {  	_ =	shalt  }
0x4f: {  	_ =	shalt  }
0x50: {  	_ =	shalt  }
0x51: {  	_ =	shalt  }
0x52: {  	_ =	shalt  }
0x53: {  	_ =	shalt  }
0x54: {  	_ =	shalt  }
0x55: {  	_ =	shalt  }
0x56: {  	_ =	shalt  }
0x57: {  	_ =	shalt  }
0x58: {  	_ =	shalt  }
0x59: {  	_ =	shalt  }
0x5a: {  	_ =	shalt  }
0x5b: {  	_ =	shalt  }
0x5c: {  	_ =	shalt  }
0x5d: {  	_ =	shalt  }
0x5e: {  	_ =	shalt  }
0x5f: {  	_ =	shalt  }
0x60: {  	_ =	shalt  }
0x61: {  	_ =	shalt  }
0x62: {  	_ =	shalt  }
0x63: {  	_ =	shalt  }
0x64: {  	_ =	shalt  }
0x65: {  	_ =	shalt  }
0x66: {  	_ =	shalt  }
0x67: {  	_ =	shalt  }
0x68: {  	_ =	shalt  }
0x69: {  	_ =	shalt  }
0x6a: {  	_ =	shalt  }
0x6b: {  	_ =	shalt  }
0x6c: {  	_ =	shalt  }
0x6d: {  	_ =	shalt  }
0x6e: {  	_ =	shalt  }
0x6f: {  	_ =	shalt  }
0x70: {  	_ =	shalt  }
0x71: {  	_ =	shalt  }
0x72: {  	_ =	shalt  }
0x73: {  	_ =	shalt  }
0x74: {  	_ =	shalt  }
0x75: {  	_ =	shalt  }
0x76: {  	_ =	shalt  }
0x77: {  	_ =	shalt  }
0x78: {  	_ =	shalt  }
0x79: {  	_ =	shalt  }
0x7a: {  	_ =	shalt  }
0x7b: {  	_ =	shalt  }
0x7c: {  	_ =	shalt  }
0x7d: {  	_ =	shalt  }
0x7e: {  	_ =	shalt  }
0x7f: {  	_ =	shalt  }
0x80: {  	_ =	shalt  }
0x81: {  	_ =	shalt  }
0x82: {  	_ =	shalt  }
0x83: {  	_ =	shalt  }
0x84: {  	_ =	shalt  }
0x85: {  	_ =	shalt  }
0x86: {  	_ =	shalt  }
0x87: {  	_ =	shalt  }
.Lfunc_end0:
.L_simem_size_0:
called_computation_lowered:
.L_overlay_start_0:
0x88: {  	s2 =	sld [smem:$0x3FD9]  }
0x89: {  	s3 =	sld [smem:$0x3FFE];
	_ =	sdelay $0x1  }
0x8a: {  	s1 =	srdreg.scid  }
0x8b: {  	s0 =	sand.u32 $0x1, s1  }
0x8c: {  	s17 =	sshll.u32 s0, $0xA;
	s2 =	sadd.s32 s3, s2  }
0x8d: {  	s2 =	sadd.s32 s2, s17  }
0x8e: {  	[smem:$0x3FC2] =	sst s2  }
0x8f: {  	_ = 	snop  }
0x90: {  	s2 =	sld [smem:$0x3FC7]  }
0x91: {  	s18 =	sld [smem:$0x3FC6]  }
0x92: {  	s4 =	sld [smem:$0x3FD0];
	(tm) =	ssettm $0x1  }
0x93: {  	s5 =	sld [smem:$0x3FFB];
	_ =	sdelay $0x3  }
0x94: {  	_ =	strace s5  }
0x95: {  	s5 =	sld [smem:$0x3FFC];
	_ =	sdelay $0x3  }
0x96: {  	_ =	strace s5  }
0x97: {  	s5 =	sld [smem:$0x3FFD];
	_ =	sdelay $0x3  }
0x98: {  	_ =	strace s5  }
0x99: {  	_ =	strace $0x8FFFFFFF  }
0x9a: {  	s19 =	sld [smem:$0x3FDB];
	_ =	sdelay $0x1  }
0x9b: {  	s6 =	simm.s32 $_scs_section_size  }
0x9c: {  	s7 =	simm.s32 $_size__tile_overlayer_lowered;
	s8 =	simm.s32 $_tile_overlayer_lowered  }
0x9d: {  	s22 =	simm.s32 $0x1BFF;
	s21 =	sshll.u32 s8, $0x1;
	s5 =	sadd.s32 s6, s19  }
0x9e: {  	s9 =	simm.s32 $0x0;
	s20 =	sshll.u32 s7, $0x1;
	s7 =	sadd.s32 s21, s5  }
0x9f: {  	[timem:s9], [sflag:s22] =	dma.local [hbm:s7], s20  }
0xa0: {  	_ =	swait.ge [sflag:s22], s20  }
0xa1: {  	s6 =	ssub.s32 $0x0, s20;
	[sflag:s22] =	ssyncset.done $0x0  }
0xa2: {  	[sflag:s22] =	ssyncadd.s32 s6;
	_ =	sdelay $0x1  }
0xa3: {  	s23 =	simm.s32 $0x1B8B  }
0xa4: {  	_ =	swait.ge [sflag:s23], $0x1  }
0xa5: {  	[sflag:s23] =	ssyncset.done $0x0  }
0xa6: {  	s25 =	simm.s32 $0x1B8E;
	s24 =	sld [smem:$0x3FFE];
	[sflag:s23] =	ssyncadd.s32 $0xFFFFFFFF  }
0xa7: {  	s26 =	simm.s32 $execute0_lowered;
	[smem:$0x3FD2] =	sst s25  }
0xa8: {  	s7 =	sshll.u32 s26, $0x1;
	_ =	strace $0x80000046;
	[dreg:$0x1] =	wrdreg $0xFFFFFFFF  }
0xa9: {  	s28 =	simm.s32 $_size_execute0_lowered;
	s5 =	sadd.s32 s5, s7;
	[dreg:$0x0] =	wrdreg $0x0  }
0xaa: {  	s7 =	sshll.u32 s28, $0x1;
	[dreg:$0x2] =	wrdreg s5  }
0xab: {  	[dreg:$0x3] =	wrdreg s7  }
0xac: {  	[dreg:$0x4] =	wrdreg $0xC0  }
0xad: {  	_ =	task [dreg:s9], $0x5FFFF  }
0xae: {  	[dreg:$0x1] =	wrdreg $0xFFFFFFFF  }
0xaf: {  	[dreg:$0x0] =	wrdreg $0x60  }
0xb0: {  	[dreg:$0x2] =	wrdreg s24  }
0xb1: {  	[dreg:$0x3] =	wrdreg s2  }
0xb2: {  	[dreg:$0x4] =	wrdreg s18  }
0xb3: {  	[dreg:$0x5] =	wrdreg s4  }
0xb4: {  	[dreg:$0x6] =	wrdreg $0x124900  }
0xb5: {  	[dreg:$0x7] =	wrdreg $0x11D000  }
0xb6: {  	[dreg:$0x8] =	wrdreg $0x11F800  }
0xb7: {  	[dreg:$0x9] =	wrdreg $0x11F900  }
0xb8: {  	[dreg:$0xa] =	wrdreg $0x122100  }
0xb9: {  	[dreg:$0xb] =	wrdreg $0x9  }
0xba: {  	_ =	task.clear_ibuf [dreg:s9], $0xCFFFF;
	_ =	strace $0x90000046  }
0xbb: {  	s29 =	simm.s32 $0x9;
	_ =	strace $0x80000048  }
0xbc: {  	_ =	swait.ge [sflag:s29], $0x1  }
0xbd: {  	[sflag:s29] =	ssyncadd.s32 $0xFFFFFFFF  }
0xbe: {  	_ =	strace $0x90000048  }
0xbf: {  	_ =	sfence  }
0xc0: {  	s30 =	sld [smem:$0x0];
	_ =	sdelay $0x2  }
0xc1: {  	s31 =	sshll.u32 s1, $0xD;
	s1 =	sshrl.u32 s1, $0x2  }
0xc2: {  	s3 =	sand.u32 $0x4000, s31;
	s1 =	sadd.s32 s1, s30  }
0xc3: {  	s0 =	sor.u32 s3, s0;
	s1 =	sshll.u32 s1, $0x11  }
0xc4: {  	s0 =	sor.u32 s1, s0  }
0xc5: {  	s0 =	sadd.s32 $0x8F2B, s0  }
0xc6: {  	[sflag:s0] =	ssyncadd.remote.s32 $0x1  }
0xc7: {  	_ =	sfence.sel $0xFFFF  }
0xc8: {  	[dreg:$0x0] =	wrdreg $0xFFFFFFFF;
	(pc) =	sbr.abs _section_cstart, $3  }
0xc9: {  	[dreg:$0x1] =	wrdreg $0xFFFFFFFF  }
0xca: {  	_ =	task.clear_ibuf [dreg:s9], $0x2FFFF;
	_ =	strace $0x9FFFFFFF  }
0xcb: {  	(tm) =	ssettm $0x7FFFFFFF  }
tec
execute0_lowered:
.L_overlay_start_1:
0x0: {  	(tag) =	ssettag $0x1  }
0x1: {  	s0 =	rddreg [dreg:$0x0]  }
0x2: {  	s1 =	rddreg [dreg:$0x1]  }
0x3: {  	s2 =	rddreg [dreg:$0x3]  }
0x4: {  	s10 =	rddreg [dreg:$0x4]  }
0x5: {  	s13 =	rddreg [dreg:$0x5]  }
0x6: {  	s14 =	rddreg [dreg:$0x6]  }
0x7: {  	s11 =	rddreg [dreg:$0x7]  }
0x8: {  	s15 =	rddreg [dreg:$0x8]  }
0x9: {  	s16 =	stileid.u32;
	s5 =	simm.s32 $0x0;
	s4 =	srdreg.scid  }
0xa: {  	s31 =	simm.s32 $0x7680;
	s29 =	simm.s32 $0x80;
	s3 =	smul.u32 $0x2710, s16  }
0xb: {  	s30 =	simm.s32 $0xF700;
	[smem:$0x7FF] =	sst s5;
	s24 =	smul.u32 $0x14000, s16  }
0xc: {  	s4 =	sand.u32 $0x1, s4;
	s8 =	smul.u32 $0x28000, s16;
	p0 =	sne.s32 s16, $0x0  }
0xd: {  	_ =	strace $0x80000047;
	s6 =	sshll.u32 s4, $0x7;
	s25 =	ssub.s32 $0x2, s4  }
0xe: {  	s3 =	sshrl.u32 s3, $0x3;
	s5 =	sor.u32 s6, s24;
	s7 =	sshrl.u32 s25, $0x1  }
0xf: {  	s6 =	sshll.u32 s4, $0x6;
	s17 =	sshrl.u32 s8, $0x2;
	s24 =	sshll.u32 s4, $0x4  }
0x10: {  	s4 =	simm.s32 $0xFA00;
	s5 =	sshrl.u32 s5, $0x3;
	s1 =	sadd.s32 s1, s3  }
0x11: {  	s9 =	sadd.s32 s3, s0;
	s2 =	sadd.s32 s2, s24;
	[dreg:$0xd] =	wrdreg s1  }
0x12: {  	s26 =	ssub.s32 s25, s7;
	s8 =	sadd.s32 s17, s10;
	[dreg:$0x14] =	wrdreg s2  }
0x13: {  	s10 =	simm.s32 $0x1;
	s12 =	sadd.s32 $0xE00, s9;
	[dreg:$0xc] =	wrdreg s8  }
0x14: {  	s17 =	simm.s32 $0x4;
	s18 =	sadd.s32 $0x5C20, s9;
	[dreg:$0xa] =	wrdreg s12  }
0x15: {  	s3 =	simm.s32 $0x0;
	s19 =	sadd.s32 $0x2000, s8;
	[dreg:$0xb] =	wrdreg s18  }
0x16: {  	s0 =	sadd.s32 s5, s0;
	s20 =	sadd.s32 $0x4000, s8;
	[dreg:$0xe] =	wrdreg s19  }
0x17: {  	s21 =	sadd.s32 $0x6000, s8;
	s22 =	sadd.s32 $0x8000, s8;
	[dreg:$0xf] =	wrdreg s20  }
0x18: {  	s26 =	smax.u32 s26, $0x1;
	s9 =	simm.s32 $0x9;
	[dreg:$0x10] =	wrdreg s21  }
0x19: {  	s5 =	simm.s32 $0xF780;
	s12 =	smul.u32 $0x280, s16;
	[dreg:$0x12] =	wrdreg s22  }
0x1a: {  	s0 =	sadd.s32 $0xAC00, s0;
	[dreg:$0x17] =	wrdreg s26;
	s16 =	simm.s32 $0x3  }
0x1b: {  	s18 =	simm.s32 $0x7;
	s19 =	simm.s32 $0x8;
	s20 =	simm.s32 $0xF600  }
0x1c: {  	s21 =	simm.s32 $0xF900;
	s22 =	simm.s32 $0xF680;
	s1 =	sadd.s32 $0x7680, s12  }
0x1d: {  	[dreg:$0x16] =	wrdreg s0;
	s7 =	sadd.s32 s12, s13;
	s23 =	sadd.s32 s12, s11;
	v1 =	vmov s1  }
0x1e: {  	s25 =	sadd.s32 s12, s15;
	s24 =	sadd.s32 $0x80, s12;
	s26 =	sadd.s32 $0x180, s12  }
0x1f: {  	v2 =	vimm.s32 $0x0;
	s28 =	sadd.s32 $0x200, s12;
	s15 =	simm.s32 $0x2;
	[dreg:$0x13] =	wrdreg s23  }
0x20: {  	v3 =	vimm.f32 $0.0e+00;
	v4 =	vlaneseq.u32;
	v6 =	vimm.f32 $1.000000000e+00;
	s11 =	simm.s32 $0x9E80;
	[dreg:$0x15] =	wrdreg s25;
	s25 =	sadd.s32 $0x100, s12  }
0x21: {  	v5 =	vadd.s32 $0xC8, v4;
	v7 =	vor.u32 $0xA0000, v4;
	v0 =	vmov s6;
	s23 =	simm.s32 $0xF980;
	s1 =	simm.s32 $0xC680;
	[dreg:$0x11] =	wrdreg s7  }
.LBB2_1:
0x22: {  	[dreg:$0x18] =	wrdreg s3  }
0x23: {  	s2 =	simm.s32 $0x0;
	s0 =	rddreg [dreg:$0xa]  }
0x24: {  	[tilespmem:s2], [sflag:$0x5] =	stream.linear.gather [hbm4b:s0+s2], $0x2710, $0x38;
	[tilespmem:$0x1C498] =	vst v63  }
0x25: {  	s3 =	rddreg [dreg:$0xb];
	s6 =	simm.s32 $0x2780  }
0x26: {  	[tilespmem:s6], [sflag:$0x6] =	stream.linear.gather [hbm4b:s3+s2], $0x2710, $0x38;
	[tilespmem:$0x1C498] =	vst v63  }
0x27: {  	s3 =	rddreg [dreg:$0xd];
	s6 =	simm.s32 $0x4F00  }
0x28: {  	[tilespmem:s6], [sflag:$0x7] =	stream.linear.gather [hbm4b:s3+s2], $0x2710, $0x38;
	[tilespmem:$0x1C498] =	vst v63  }
0x29: {  	s6 =	rddreg [dreg:$0x2]  }
0x2a: {  	[tilespmem:s31], [sflag:$0x8] =	stream.linear.gather [hbm4b:s6+s2], $0x2710, $0x38;
	[tilespmem:$0x1C498] =	vst v63  }
0x2b: {  	[tilespmem:$0x9D90] =	vst v2  }
0x2c: {  	[tilespmem:$0x9DA0] =	vst v2  }
0x2d: {  	[tilespmem:$0x9DB0] =	vst v2  }
0x2e: {  	[tilespmem:$0x9DC0] =	vst v2  }
0x2f: {  	[tilespmem:$0x9DD0] =	vst v2  }
0x30: {  	[tilespmem:$0x9DE0] =	vst v2  }
0x31: {  	[tilespmem:$0x9DF0] =	vst v2  }
0x32: {  	[tilespmem:$0x9E00] =	vst v2  }
0x33: {  	[tilespmem:$0x9E10] =	vst v2  }
0x34: {  	[tilespmem:$0x9E20] =	vst v2  }
0x35: {  	[tilespmem:$0x9E30] =	vst v2  }
0x36: {  	[tilespmem:$0x9E40] =	vst v2  }
0x37: {  	[tilespmem:$0x9E50] =	vst v2  }
0x38: {  	[tilespmem:$0x9E60] =	vst v2  }
0x39: {  	s0 =	simm.s32 $0x40;
	s2 =	simm.s32 $0x0;
	[tilespmem:$0x9E70] =	vst v2  }
.LBB2_2:
0x3a: {  	p1 =	sne.s32 s0, $0x7FC0;
	[tilespmem:s2+$0xFD00] =	vst v3;
	s2 =	smov.u32 s0;
	s0 =	sadd.s32 $0x40, s0  }
.Ltmp0:
0x3b: {  	(pc) =	sbr.rel @p1 .LBB2_2-.Ltmp0, $2  }
0x3c: {  	_ =	sdelay $0x2  }
0x3d: {  	s2 =	sshra.s32 s2, $0x2  }
0x3e: {  	[tilespmem:s2+$0xFD00] =	vst v3;
	s2 =	simm.s32 $0xFD00  }
0x3f: {  	[spmem:s8] =	stream.linear.scatter [tilespmem:s2], [sflag:$0x1], $0x2000, $0x38;
	[tilespmem:$0x1C498] =	vst v63  }
0x40: {  	s0 =	rddreg [dreg:$0xe]  }
0x41: {  	[spmem:s0] =	stream.linear.scatter [tilespmem:s2], [sflag:$0x2], $0x2000, $0x38;
	[tilespmem:$0x1C498] =	vst v63  }
0x42: {  	s3 =	rddreg [dreg:$0xf]  }
0x43: {  	[spmem:s3] =	stream.linear.scatter [tilespmem:s2], [sflag:$0x3], $0x2000, $0x38;
	[tilespmem:$0x1C498] =	vst v63  }
0x44: {  	s6 =	rddreg [dreg:$0x10]  }
0x45: {  	[spmem:s6] =	stream.linear.scatter [tilespmem:s2], [sflag:$0x4], $0x2000, $0x38;
	[tilespmem:$0x1C498] =	vst v63  }
0x46: {  	_ = 	snop  }
0x47: {  	[spmem:s7] =	stream.linear.scatter [tilespmem:s2], [sflag:$0x9], $0x280, $0x38;
	[tilespmem:$0x1C498] =	vst v63  }
0x48: {  	_ =	swait.ge [sflag:s9], $0x280  }
0x49: {  	[sflag:s9] =	ssyncset.done $0x0  }
0x4a: {  	s0 =	simm.s32 @!p0 $0xFD00;
	[sflag:s9] =	ssyncadd.s32 $0xFFFFFD80  }
0x4b: {  	[spmem:s14] =	stream.linear.scatter @!p0 [tilespmem:s0], [sflag:$0x9], $0x100, $0x38;
	[tilespmem:$0x1C498] =	vst v63  }
0x4c: {  	s0 =	simm.s32 @!p0 $0x9  }
0x4d: {  	_ =	swait.ge @!p0 [sflag:s0], $0x100  }
0x4e: {  	[sflag:s0] =	ssyncset.done @!p0 $0x0  }
0x4f: {  	[sflag:s0] =	ssyncadd.s32 @!p0 $0xFFFFFF00  }
0x50: {  	_ =	swait.ge [sflag:s10], $0x2000  }
0x51: {  	[sflag:s10] =	ssyncset.done $0x0  }
0x52: {  	s7 =	rddreg [dreg:$0x12];
	[sflag:s10] =	ssyncadd.s32 $0xFFFFE000  }
0x53: {  	[spmem:s7] =	stream.linear.scatter [tilespmem:s2], [sflag:$0x9], $0x2000, $0x38;
	[tilespmem:$0x1C498] =	vst v63  }
0x54: {  	_ =	swait.ge [sflag:s9], $0x2000  }
0x55: {  	[sflag:s9] =	ssyncset.done $0x0  }
0x56: {  	[sflag:s9] =	ssyncadd.s32 $0xFFFFE000  }
0x57: {  	_ =	swait.ge [sflag:s15], $0x2000  }
0x58: {  	[sflag:s15] =	ssyncset.done $0x0  }
0x59: {  	[sflag:s15] =	ssyncadd.s32 $0xFFFFE000  }
0x5a: {  	_ =	swait.ge [sflag:s16], $0x2000  }
0x5b: {  	[sflag:s16] =	ssyncset.done $0x0  }
0x5c: {  	[sflag:s16] =	ssyncadd.s32 $0xFFFFE000  }
0x5d: {  	_ =	swait.ge [sflag:s17], $0x2000  }
0x5e: {  	[sflag:s17] =	ssyncset.done $0x0  }
0x5f: {  	s8 =	simm.s32 $0x5;
	[sflag:s17] =	ssyncadd.s32 $0xFFFFE000  }
0x60: {  	_ =	swait.ge [sflag:s8], $0x2710  }
0x61: {  	[sflag:s8] =	ssyncset.done $0x0  }
0x62: {  	s14 =	simm.s32 $0x6;
	[sflag:s8] =	ssyncadd.s32 $0xFFFFD8F0  }
0x63: {  	_ =	swait.ge [sflag:s14], $0x2710  }
0x64: {  	[sflag:s14] =	ssyncset.done $0x0  }
0x65: {  	[sflag:s14] =	ssyncadd.s32 $0xFFFFD8F0  }
0x66: {  	_ =	swait.ge [sflag:s18], $0x2710  }
0x67: {  	[sflag:s18] =	ssyncset.done $0x0  }
0x68: {  	[sflag:s18] =	ssyncadd.s32 $0xFFFFD8F0  }
0x69: {  	_ =	swait.ge [sflag:s19], $0x2710  }
0x6a: {  	[sflag:s19] =	ssyncset.done $0x0  }
0x6b: {  	[sflag:s19] =	ssyncadd.s32 $0xFFFFD8F0  }
0x6c: {  	v8 =	vld [tilespmem:$0x2780]  }
0x6d: {  	v9 =	vld [tilespmem:$0x4F00]  }
0x6e: {  	v10 =	vld [tilespmem:$0x2790]  }
0x6f: {  	v11 =	vld [tilespmem:$0x4F10]  }
0x70: {  	v12 =	vld [tilespmem:$0x27A0]  }
0x71: {  	[tilespmem:$0xF600] =	vst v8;
	v8 =	vld [tilespmem:$0x4F20]  }
0x72: {  	v44 =	vld [tilespmem:$0x27B0];
	[tilespmem:$0xF900] =	vst v9  }
0x73: {  	v45 =	vld [tilespmem:$0x4F30];
	[tilespmem:$0xF610] =	vst v10  }
0x74: {  	v46 =	vld [tilespmem:$0x27C0];
	[tilespmem:$0xF910] =	vst v11  }
0x75: {  	v47 =	vld [tilespmem:$0x4F40];
	[tilespmem:$0xF620] =	vst v12  }
0x76: {  	[tilespmem:$0xF920] =	vst v8;
	v8 =	vld [tilespmem:$0x27D0]  }
0x77: {  	v48 =	vld [tilespmem:$0x4F50];
	[tilespmem:$0xF630] =	vst v44  }
0x78: {  	v49 =	vld [tilespmem:$0x27E0];
	[tilespmem:$0xF930] =	vst v45  }
0x79: {  	v50 =	vld [tilespmem:$0x4F60];
	[tilespmem:$0xF640] =	vst v46  }
0x7a: {  	v51 =	vld [tilespmem:$0x27F0];
	[tilespmem:$0xF940] =	vst v47  }
0x7b: {  	[tilespmem:$0xF650] =	vst v8;
	v8 =	vld [tilespmem:$0x4F70]  }
0x7c: {  	[tilespmem:$0xF950] =	vst v48  }
0x7d: {  	[tilespmem:$0xF660] =	vst v49  }
0x7e: {  	[tilespmem:$0xF960] =	vst v50  }
0x7f: {  	[tilespmem:$0xF670] =	vst v51  }
0x80: {  	[tilespmem:$0xF970] =	vst v8  }
0x81: {  	[spmem:s13] =	stream.indirect.scatter.add.f32 [tilespmem:s21], [sflag:$0x1], $0x1, s20, s29, $0xb8;
	[tilespmem:$0x1C498] =	vst v63  }
0x82: {  	v8 =	vld [tilespmem:$0x2800]  }
0x83: {  	v52 =	vld [tilespmem:$0x4F80]  }
0x84: {  	v53 =	vld [tilespmem:$0x2810]  }
0x85: {  	v54 =	vld [tilespmem:$0x4F90]  }
0x86: {  	v55 =	vld [tilespmem:$0x2820]  }
0x87: {  	[tilespmem:$0xF680] =	vst v8;
	v8 =	vld [tilespmem:$0x4FA0]  }
0x88: {  	v56 =	vld [tilespmem:$0x2830];
	[tilespmem:$0xF980] =	vst v52  }
0x89: {  	v57 =	vld [tilespmem:$0x4FB0];
	[tilespmem:$0xF690] =	vst v53  }
0x8a: {  	v58 =	vld [tilespmem:$0x2840];
	[tilespmem:$0xF990] =	vst v54  }
0x8b: {  	v59 =	vld [tilespmem:$0x4FC0];
	[tilespmem:$0xF6A0] =	vst v55  }
0x8c: {  	[tilespmem:$0xF9A0] =	vst v8;
	v8 =	vld [tilespmem:$0x2850]  }
0x8d: {  	v60 =	vld [tilespmem:$0x4FD0];
	[tilespmem:$0xF6B0] =	vst v56  }
0x8e: {  	v61 =	vld [tilespmem:$0x2860];
	[tilespmem:$0xF9B0] =	vst v57  }
0x8f: {  	v62 =	vld [tilespmem:$0x4FE0];
	[tilespmem:$0xF6C0] =	vst v58  }
0x90: {  	v63 =	vld [tilespmem:$0x2870];
	[tilespmem:$0xF9C0] =	vst v59  }
0x91: {  	[tilespmem:$0xF6D0] =	vst v8;
	v8 =	vld [tilespmem:$0x4FF0]  }
0x92: {  	[tilespmem:$0xF9D0] =	vst v60  }
0x93: {  	[tilespmem:$0xF6E0] =	vst v61  }
0x94: {  	[tilespmem:$0xF9E0] =	vst v62  }
0x95: {  	[tilespmem:$0xF6F0] =	vst v63  }
0x96: {  	[tilespmem:$0xF9F0] =	vst v8  }
0x97: {  	[spmem:s13] =	stream.indirect.scatter.add.f32 [tilespmem:s23], [sflag:$0x2], $0x1, s22, s29, $0xb8;
	[tilespmem:$0x1C498] =	vst v63  }
0x98: {  	v8 =	vld [tilespmem:$0x2880]  }
0x99: {  	v16 =	vld [tilespmem:$0x5000]  }
0x9a: {  	v17 =	vld [tilespmem:$0x2890]  }
0x9b: {  	v18 =	vld [tilespmem:$0x5010]  }
0x9c: {  	v19 =	vld [tilespmem:$0x28A0]  }
0x9d: {  	[tilespmem:$0xF700] =	vst v8;
	v8 =	vld [tilespmem:$0x5020]  }
0x9e: {  	v20 =	vld [tilespmem:$0x28B0];
	[tilespmem:$0xFA00] =	vst v16  }
0x9f: {  	v21 =	vld [tilespmem:$0x5030];
	[tilespmem:$0xF710] =	vst v17  }
0xa0: {  	v22 =	vld [tilespmem:$0x28C0];
	[tilespmem:$0xFA10] =	vst v18  }
0xa1: {  	v23 =	vld [tilespmem:$0x5040];
	[tilespmem:$0xF720] =	vst v19  }
0xa2: {  	[tilespmem:$0xFA20] =	vst v8;
	v8 =	vld [tilespmem:$0x28D0]  }
0xa3: {  	v24 =	vld [tilespmem:$0x5050];
	[tilespmem:$0xF730] =	vst v20  }
0xa4: {  	v25 =	vld [tilespmem:$0x28E0];
	[tilespmem:$0xFA30] =	vst v21  }
0xa5: {  	v26 =	vld [tilespmem:$0x5060];
	[tilespmem:$0xF740] =	vst v22  }
0xa6: {  	v27 =	vld [tilespmem:$0x28F0];
	[tilespmem:$0xFA40] =	vst v23  }
0xa7: {  	[tilespmem:$0xF750] =	vst v8;
	v8 =	vld [tilespmem:$0x5070]  }
0xa8: {  	[tilespmem:$0xFA50] =	vst v24  }
0xa9: {  	[tilespmem:$0xF760] =	vst v25  }
0xaa: {  	[tilespmem:$0xFA60] =	vst v26  }
0xab: {  	[tilespmem:$0xF770] =	vst v27  }
0xac: {  	[tilespmem:$0xFA70] =	vst v8  }
0xad: {  	[spmem:s13] =	stream.indirect.scatter.add.f32 [tilespmem:s4], [sflag:$0x3], $0x1, s30, s29, $0xb8;
	[tilespmem:$0x1C498] =	vst v63  }
0xae: {  	v8 =	vld [tilespmem:$0x2900]  }
0xaf: {  	v28 =	vld [tilespmem:$0x5080]  }
0xb0: {  	v29 =	vld [tilespmem:$0x2910]  }
0xb1: {  	v30 =	vld [tilespmem:$0x5090]  }
0xb2: {  	v31 =	vld [tilespmem:$0x2920]  }
0xb3: {  	[tilespmem:$0xF780] =	vst v8;
	v8 =	vld [tilespmem:$0x50A0]  }
0xb4: {  	v32 =	vld [tilespmem:$0x2930];
	[tilespmem:$0xFA80] =	vst v28  }
0xb5: {  	v33 =	vld [tilespmem:$0x50B0];
	[tilespmem:$0xF790] =	vst v29  }
0xb6: {  	v34 =	vld [tilespmem:$0x2940];
	[tilespmem:$0xFA90] =	vst v30  }
0xb7: {  	v35 =	vld [tilespmem:$0x50C0];
	[tilespmem:$0xF7A0] =	vst v31  }
0xb8: {  	[tilespmem:$0xFAA0] =	vst v8;
	v8 =	vld [tilespmem:$0x2950]  }
0xb9: {  	v36 =	vld [tilespmem:$0x50D0];
	[tilespmem:$0xF7B0] =	vst v32  }
0xba: {  	v37 =	vld [tilespmem:$0x2960];
	[tilespmem:$0xFAB0] =	vst v33  }
0xbb: {  	v38 =	vld [tilespmem:$0x50E0];
	[tilespmem:$0xF7C0] =	vst v34  }
0xbc: {  	v39 =	vld [tilespmem:$0x2970];
	[tilespmem:$0xFAC0] =	vst v35  }
0xbd: {  	[tilespmem:$0xF7D0] =	vst v8;
	v8 =	vld [tilespmem:$0x50F0]  }
0xbe: {  	[tilespmem:$0xFAD0] =	vst v36  }
0xbf: {  	[tilespmem:$0xF7E0] =	vst v37  }
0xc0: {  	[tilespmem:$0xFAE0] =	vst v38  }
0xc1: {  	[tilespmem:$0xF7F0] =	vst v39  }
0xc2: {  	s3 =	simm.s32 $0xFA80;
	[tilespmem:$0xFAF0] =	vst v8  }
0xc3: {  	[spmem:s13] =	stream.indirect.scatter.add.f32 [tilespmem:s3], [sflag:$0x4], $0x1, s5, s29, $0xb8;
	[tilespmem:$0x1C498] =	vst v63  }
0xc4: {  	v8 =	vld [tilespmem:$0x2980]  }
0xc5: {  	v40 =	vld [tilespmem:$0x5100]  }
0xc6: {  	v41 =	vld [tilespmem:$0x2990]  }
0xc7: {  	v42 =	vld [tilespmem:$0x5110]  }
0xc8: {  	v43 =	vld [tilespmem:$0x29A0]  }
0xc9: {  	[tilespmem:$0xF800] =	vst v8;
	v8 =	vld [tilespmem:$0x5120]  }
0xca: {  	v44 =	vld [tilespmem:$0x29B0];
	[tilespmem:$0xFB00] =	vst v40  }
0xcb: {  	v45 =	vld [tilespmem:$0x5130];
	[tilespmem:$0xF810] =	vst v41  }
0xcc: {  	v46 =	vld [tilespmem:$0x29C0];
	[tilespmem:$0xFB10] =	vst v42  }
0xcd: {  	v47 =	vld [tilespmem:$0x5140];
	[tilespmem:$0xF820] =	vst v43  }
0xce: {  	[tilespmem:$0xFB20] =	vst v8;
	v8 =	vld [tilespmem:$0x29D0]  }
0xcf: {  	v48 =	vld [tilespmem:$0x5150];
	[tilespmem:$0xF830] =	vst v44  }
0xd0: {  	v49 =	vld [tilespmem:$0x29E0];
	[tilespmem:$0xFB30] =	vst v45  }
0xd1: {  	v50 =	vld [tilespmem:$0x5160];
	[tilespmem:$0xF840] =	vst v46  }
0xd2: {  	v51 =	vld [tilespmem:$0x29F0];
	[tilespmem:$0xFB40] =	vst v47  }
0xd3: {  	[tilespmem:$0xF850] =	vst v8;
	v8 =	vld [tilespmem:$0x5170]  }
0xd4: {  	[tilespmem:$0xFB50] =	vst v48  }
0xd5: {  	[tilespmem:$0xF860] =	vst v49  }
0xd6: {  	[tilespmem:$0xFB60] =	vst v50  }
0xd7: {  	[tilespmem:$0xF870] =	vst v51  }
0xd8: {  	s6 =	simm.s32 $0xF800;
	s8 =	simm.s32 $0xFB00;
	[tilespmem:$0xFB70] =	vst v8  }
0xd9: {  	[spmem:s13] =	stream.indirect.scatter.add.f32 [tilespmem:s8], [sflag:$0x7], $0x1, s6, s29, $0xb8;
	[tilespmem:$0x1C498] =	vst v63  }
0xda: {  	v8 =	vld [tilespmem:$0x2A00]  }
0xdb: {  	v52 =	vld [tilespmem:$0x5180]  }
0xdc: {  	v53 =	vld [tilespmem:$0x2A10]  }
0xdd: {  	v54 =	vld [tilespmem:$0x5190]  }
0xde: {  	v55 =	vld [tilespmem:$0x2A20]  }
0xdf: {  	[tilespmem:$0xF880] =	vst v8;
	v8 =	vld [tilespmem:$0x51A0]  }
0xe0: {  	v56 =	vld [tilespmem:$0x2A30];
	[tilespmem:$0xFB80] =	vst v52  }
0xe1: {  	v57 =	vld [tilespmem:$0x51B0];
	[tilespmem:$0xF890] =	vst v53  }
0xe2: {  	v58 =	vld [tilespmem:$0x2A40];
	[tilespmem:$0xFB90] =	vst v54  }
0xe3: {  	v59 =	vld [tilespmem:$0x51C0];
	[tilespmem:$0xF8A0] =	vst v55  }
0xe4: {  	[tilespmem:$0xFBA0] =	vst v8;
	v8 =	vld [tilespmem:$0x2A50]  }
0xe5: {  	v60 =	vld [tilespmem:$0x51D0];
	[tilespmem:$0xF8B0] =	vst v56  }
0xe6: {  	v61 =	vld [tilespmem:$0x2A60];
	[tilespmem:$0xFBB0] =	vst v57  }
0xe7: {  	v62 =	vld [tilespmem:$0x51E0];
	[tilespmem:$0xF8C0] =	vst v58  }
0xe8: {  	v63 =	vld [tilespmem:$0x2A70];
	[tilespmem:$0xFBC0] =	vst v59  }
0xe9: {  	[tilespmem:$0xF8D0] =	vst v8;
	v8 =	vld [tilespmem:$0x51F0]  }
0xea: {  	[tilespmem:$0xFBD0] =	vst v60  }
0xeb: {  	[tilespmem:$0xF8E0] =	vst v61  }
0xec: {  	[tilespmem:$0xFBE0] =	vst v62  }
0xed: {  	[tilespmem:$0xF8F0] =	vst v63  }
0xee: {  	s0 =	simm.s32 $0x0;
	s7 =	simm.s32 $0xF880;
	s14 =	simm.s32 $0xFB80;
	[tilespmem:$0xFBF0] =	vst v8  }
0xef: {  	[spmem:s13] =	stream.indirect.scatter.add.f32 [tilespmem:s14], [sflag:$0x8], $0x1, s7, s29, $0xb8;
	[tilespmem:$0x1C498] =	vst v63  }
.LBB2_4:
0xf0: {  	_ =	swait.ge [sflag:s10], $0x80  }
0xf1: {  	[sflag:s10] =	ssyncset.done $0x0  }
0xf2: {  	s2 =	sshra.s32 s0, $0x2;
	[sflag:s10] =	ssyncadd.s32 $0xFFFFFF80  }
0xf3: {  	v8 =	vld [tilespmem:s2+$0x2A80];
	_ =	sdelay $0x4  }
0xf4: {  	[tilespmem:$0xF600] =	vst v8  }
0xf5: {  	v8 =	vld [tilespmem:s2+$0x5200];
	_ =	sdelay $0x4  }
0xf6: {  	[tilespmem:$0xF900] =	vst v8  }
0xf7: {  	v8 =	vld [tilespmem:s2+$0x2A90];
	_ =	sdelay $0x4  }
0xf8: {  	[tilespmem:$0xF610] =	vst v8  }
0xf9: {  	v8 =	vld [tilespmem:s2+$0x5210];
	_ =	sdelay $0x4  }
0xfa: {  	[tilespmem:$0xF910] =	vst v8  }
0xfb: {  	v8 =	vld [tilespmem:s2+$0x2AA0];
	_ =	sdelay $0x4  }
0xfc: {  	[tilespmem:$0xF620] =	vst v8  }
0xfd: {  	v8 =	vld [tilespmem:s2+$0x5220];
	_ =	sdelay $0x4  }
0xfe: {  	[tilespmem:$0xF920] =	vst v8  }
0xff: {  	v8 =	vld [tilespmem:s2+$0x2AB0];
	_ =	sdelay $0x4  }
0x100: {  	[tilespmem:$0xF630] =	vst v8  }
0x101: {  	v8 =	vld [tilespmem:s2+$0x5230];
	_ =	sdelay $0x4  }
0x102: {  	[tilespmem:$0xF930] =	vst v8  }
0x103: {  	v8 =	vld [tilespmem:s2+$0x2AC0];
	_ =	sdelay $0x4  }
0x104: {  	[tilespmem:$0xF640] =	vst v8  }
0x105: {  	v8 =	vld [tilespmem:s2+$0x5240];
	_ =	sdelay $0x4  }
0x106: {  	[tilespmem:$0xF940] =	vst v8  }
0x107: {  	v8 =	vld [tilespmem:s2+$0x2AD0];
	_ =	sdelay $0x4  }
0x108: {  	[tilespmem:$0xF650] =	vst v8  }
0x109: {  	v8 =	vld [tilespmem:s2+$0x5250];
	_ =	sdelay $0x4  }
0x10a: {  	[tilespmem:$0xF950] =	vst v8  }
0x10b: {  	v8 =	vld [tilespmem:s2+$0x2AE0];
	_ =	sdelay $0x4  }
0x10c: {  	[tilespmem:$0xF660] =	vst v8  }
0x10d: {  	v8 =	vld [tilespmem:s2+$0x5260];
	_ =	sdelay $0x4  }
0x10e: {  	[tilespmem:$0xF960] =	vst v8  }
0x10f: {  	v8 =	vld [tilespmem:s2+$0x2AF0];
	_ =	sdelay $0x4  }
0x110: {  	[tilespmem:$0xF670] =	vst v8  }
0x111: {  	v8 =	vld [tilespmem:s2+$0x5270];
	_ =	sdelay $0x4  }
0x112: {  	[tilespmem:$0xF970] =	vst v8  }
0x113: {  	[spmem:s13] =	stream.indirect.scatter.add.f32 [tilespmem:s21], [sflag:$0x1], $0x1, s20, s29, $0xb8;
	[tilespmem:$0x1C498] =	vst v63  }
0x114: {  	_ =	swait.ge [sflag:s15], $0x80  }
0x115: {  	[sflag:s15] =	ssyncset.done $0x0  }
0x116: {  	[sflag:s15] =	ssyncadd.s32 $0xFFFFFF80  }
0x117: {  	v8 =	vld [tilespmem:s2+$0x2B00];
	_ =	sdelay $0x4  }
0x118: {  	[tilespmem:$0xF680] =	vst v8  }
0x119: {  	v8 =	vld [tilespmem:s2+$0x5280];
	_ =	sdelay $0x4  }
0x11a: {  	[tilespmem:$0xF980] =	vst v8  }
0x11b: {  	v8 =	vld [tilespmem:s2+$0x2B10];
	_ =	sdelay $0x4  }
0x11c: {  	[tilespmem:$0xF690] =	vst v8  }
0x11d: {  	v8 =	vld [tilespmem:s2+$0x5290];
	_ =	sdelay $0x4  }
0x11e: {  	[tilespmem:$0xF990] =	vst v8  }
0x11f: {  	v8 =	vld [tilespmem:s2+$0x2B20];
	_ =	sdelay $0x4  }
0x120: {  	[tilespmem:$0xF6A0] =	vst v8  }
0x121: {  	v8 =	vld [tilespmem:s2+$0x52A0];
	_ =	sdelay $0x4  }
0x122: {  	[tilespmem:$0xF9A0] =	vst v8  }
0x123: {  	v8 =	vld [tilespmem:s2+$0x2B30];
	_ =	sdelay $0x4  }
0x124: {  	[tilespmem:$0xF6B0] =	vst v8  }
0x125: {  	v8 =	vld [tilespmem:s2+$0x52B0];
	_ =	sdelay $0x4  }
0x126: {  	[tilespmem:$0xF9B0] =	vst v8  }
0x127: {  	v8 =	vld [tilespmem:s2+$0x2B40];
	_ =	sdelay $0x4  }
0x128: {  	[tilespmem:$0xF6C0] =	vst v8  }
0x129: {  	v8 =	vld [tilespmem:s2+$0x52C0];
	_ =	sdelay $0x4  }
0x12a: {  	[tilespmem:$0xF9C0] =	vst v8  }
0x12b: {  	v8 =	vld [tilespmem:s2+$0x2B50];
	_ =	sdelay $0x4  }
0x12c: {  	[tilespmem:$0xF6D0] =	vst v8  }
0x12d: {  	v8 =	vld [tilespmem:s2+$0x52D0];
	_ =	sdelay $0x4  }
0x12e: {  	[tilespmem:$0xF9D0] =	vst v8  }
0x12f: {  	v8 =	vld [tilespmem:s2+$0x2B60];
	_ =	sdelay $0x4  }
0x130: {  	[tilespmem:$0xF6E0] =	vst v8  }
0x131: {  	v8 =	vld [tilespmem:s2+$0x52E0];
	_ =	sdelay $0x4  }
0x132: {  	[tilespmem:$0xF9E0] =	vst v8  }
0x133: {  	v8 =	vld [tilespmem:s2+$0x2B70];
	_ =	sdelay $0x4  }
0x134: {  	[tilespmem:$0xF6F0] =	vst v8  }
0x135: {  	v8 =	vld [tilespmem:s2+$0x52F0];
	_ =	sdelay $0x4  }
0x136: {  	[tilespmem:$0xF9F0] =	vst v8  }
0x137: {  	[spmem:s13] =	stream.indirect.scatter.add.f32 [tilespmem:s23], [sflag:$0x2], $0x1, s22, s29, $0xb8;
	[tilespmem:$0x1C498] =	vst v63  }
0x138: {  	_ =	swait.ge [sflag:s16], $0x80  }
0x139: {  	[sflag:s16] =	ssyncset.done $0x0  }
0x13a: {  	[sflag:s16] =	ssyncadd.s32 $0xFFFFFF80  }
0x13b: {  	v8 =	vld [tilespmem:s2+$0x2B80];
	_ =	sdelay $0x4  }
0x13c: {  	[tilespmem:$0xF700] =	vst v8  }
0x13d: {  	v8 =	vld [tilespmem:s2+$0x5300];
	_ =	sdelay $0x4  }
0x13e: {  	[tilespmem:$0xFA00] =	vst v8  }
0x13f: {  	v8 =	vld [tilespmem:s2+$0x2B90];
	_ =	sdelay $0x4  }
0x140: {  	[tilespmem:$0xF710] =	vst v8  }
0x141: {  	v8 =	vld [tilespmem:s2+$0x5310];
	_ =	sdelay $0x4  }
0x142: {  	[tilespmem:$0xFA10] =	vst v8  }
0x143: {  	v8 =	vld [tilespmem:s2+$0x2BA0];
	_ =	sdelay $0x4  }
0x144: {  	[tilespmem:$0xF720] =	vst v8  }
0x145: {  	v8 =	vld [tilespmem:s2+$0x5320];
	_ =	sdelay $0x4  }
0x146: {  	[tilespmem:$0xFA20] =	vst v8  }
0x147: {  	v8 =	vld [tilespmem:s2+$0x2BB0];
	_ =	sdelay $0x4  }
0x148: {  	[tilespmem:$0xF730] =	vst v8  }
0x149: {  	v8 =	vld [tilespmem:s2+$0x5330];
	_ =	sdelay $0x4  }
0x14a: {  	[tilespmem:$0xFA30] =	vst v8  }
0x14b: {  	v8 =	vld [tilespmem:s2+$0x2BC0];
	_ =	sdelay $0x4  }
0x14c: {  	[tilespmem:$0xF740] =	vst v8  }
0x14d: {  	v8 =	vld [tilespmem:s2+$0x5340];
	_ =	sdelay $0x4  }
0x14e: {  	[tilespmem:$0xFA40] =	vst v8  }
0x14f: {  	v8 =	vld [tilespmem:s2+$0x2BD0];
	_ =	sdelay $0x4  }
0x150: {  	[tilespmem:$0xF750] =	vst v8  }
0x151: {  	v8 =	vld [tilespmem:s2+$0x5350];
	_ =	sdelay $0x4  }
0x152: {  	[tilespmem:$0xFA50] =	vst v8  }
0x153: {  	v8 =	vld [tilespmem:s2+$0x2BE0];
	_ =	sdelay $0x4  }
0x154: {  	[tilespmem:$0xF760] =	vst v8  }
0x155: {  	v8 =	vld [tilespmem:s2+$0x5360];
	_ =	sdelay $0x4  }
0x156: {  	[tilespmem:$0xFA60] =	vst v8  }
0x157: {  	v8 =	vld [tilespmem:s2+$0x2BF0];
	_ =	sdelay $0x4  }
0x158: {  	[tilespmem:$0xF770] =	vst v8  }
0x159: {  	v8 =	vld [tilespmem:s2+$0x5370];
	_ =	sdelay $0x4  }
0x15a: {  	[tilespmem:$0xFA70] =	vst v8  }
0x15b: {  	[spmem:s13] =	stream.indirect.scatter.add.f32 [tilespmem:s4], [sflag:$0x3], $0x1, s30, s29, $0xb8;
	[tilespmem:$0x1C498] =	vst v63  }
0x15c: {  	_ =	swait.ge [sflag:s17], $0x80  }
0x15d: {  	[sflag:s17] =	ssyncset.done $0x0  }
0x15e: {  	[sflag:s17] =	ssyncadd.s32 $0xFFFFFF80  }
0x15f: {  	v8 =	vld [tilespmem:s2+$0x2C00];
	_ =	sdelay $0x4  }
0x160: {  	[tilespmem:$0xF780] =	vst v8  }
0x161: {  	v8 =	vld [tilespmem:s2+$0x5380];
	_ =	sdelay $0x4  }
0x162: {  	[tilespmem:$0xFA80] =	vst v8  }
0x163: {  	v8 =	vld [tilespmem:s2+$0x2C10];
	_ =	sdelay $0x4  }
0x164: {  	[tilespmem:$0xF790] =	vst v8  }
0x165: {  	v8 =	vld [tilespmem:s2+$0x5390];
	_ =	sdelay $0x4  }
0x166: {  	[tilespmem:$0xFA90] =	vst v8  }
0x167: {  	v8 =	vld [tilespmem:s2+$0x2C20];
	_ =	sdelay $0x4  }
0x168: {  	[tilespmem:$0xF7A0] =	vst v8  }
0x169: {  	v8 =	vld [tilespmem:s2+$0x53A0];
	_ =	sdelay $0x4  }
0x16a: {  	[tilespmem:$0xFAA0] =	vst v8  }
0x16b: {  	v8 =	vld [tilespmem:s2+$0x2C30];
	_ =	sdelay $0x4  }
0x16c: {  	[tilespmem:$0xF7B0] =	vst v8  }
0x16d: {  	v8 =	vld [tilespmem:s2+$0x53B0];
	_ =	sdelay $0x4  }
0x16e: {  	[tilespmem:$0xFAB0] =	vst v8  }
0x16f: {  	v8 =	vld [tilespmem:s2+$0x2C40];
	_ =	sdelay $0x4  }
0x170: {  	[tilespmem:$0xF7C0] =	vst v8  }
0x171: {  	v8 =	vld [tilespmem:s2+$0x53C0];
	_ =	sdelay $0x4  }
0x172: {  	[tilespmem:$0xFAC0] =	vst v8  }
0x173: {  	v8 =	vld [tilespmem:s2+$0x2C50];
	_ =	sdelay $0x4  }
0x174: {  	[tilespmem:$0xF7D0] =	vst v8  }
0x175: {  	v8 =	vld [tilespmem:s2+$0x53D0];
	_ =	sdelay $0x4  }
0x176: {  	[tilespmem:$0xFAD0] =	vst v8  }
0x177: {  	v8 =	vld [tilespmem:s2+$0x2C60];
	_ =	sdelay $0x4  }
0x178: {  	[tilespmem:$0xF7E0] =	vst v8  }
0x179: {  	v8 =	vld [tilespmem:s2+$0x53E0];
	_ =	sdelay $0x4  }
0x17a: {  	[tilespmem:$0xFAE0] =	vst v8  }
0x17b: {  	v8 =	vld [tilespmem:s2+$0x2C70];
	_ =	sdelay $0x4  }
0x17c: {  	[tilespmem:$0xF7F0] =	vst v8  }
0x17d: {  	v8 =	vld [tilespmem:s2+$0x53F0];
	_ =	sdelay $0x4  }
0x17e: {  	[tilespmem:$0xFAF0] =	vst v8  }
0x17f: {  	[spmem:s13] =	stream.indirect.scatter.add.f32 [tilespmem:s3], [sflag:$0x4], $0x1, s5, s29, $0xb8;
	[tilespmem:$0x1C498] =	vst v63  }
0x180: {  	_ =	swait.ge [sflag:s18], $0x80  }
0x181: {  	[sflag:s18] =	ssyncset.done $0x0  }
0x182: {  	[sflag:s18] =	ssyncadd.s32 $0xFFFFFF80  }
0x183: {  	v8 =	vld [tilespmem:s2+$0x2C80];
	_ =	sdelay $0x4  }
0x184: {  	[tilespmem:$0xF800] =	vst v8  }
0x185: {  	v8 =	vld [tilespmem:s2+$0x5400];
	_ =	sdelay $0x4  }
0x186: {  	[tilespmem:$0xFB00] =	vst v8  }
0x187: {  	v8 =	vld [tilespmem:s2+$0x2C90];
	_ =	sdelay $0x4  }
0x188: {  	[tilespmem:$0xF810] =	vst v8  }
0x189: {  	v8 =	vld [tilespmem:s2+$0x5410];
	_ =	sdelay $0x4  }
0x18a: {  	[tilespmem:$0xFB10] =	vst v8  }
0x18b: {  	v8 =	vld [tilespmem:s2+$0x2CA0];
	_ =	sdelay $0x4  }
0x18c: {  	[tilespmem:$0xF820] =	vst v8  }
0x18d: {  	v8 =	vld [tilespmem:s2+$0x5420];
	_ =	sdelay $0x4  }
0x18e: {  	[tilespmem:$0xFB20] =	vst v8  }
0x18f: {  	v8 =	vld [tilespmem:s2+$0x2CB0];
	_ =	sdelay $0x4  }
0x190: {  	[tilespmem:$0xF830] =	vst v8  }
0x191: {  	v8 =	vld [tilespmem:s2+$0x5430];
	_ =	sdelay $0x4  }
0x192: {  	[tilespmem:$0xFB30] =	vst v8  }
0x193: {  	v8 =	vld [tilespmem:s2+$0x2CC0];
	_ =	sdelay $0x4  }
0x194: {  	[tilespmem:$0xF840] =	vst v8  }
0x195: {  	v8 =	vld [tilespmem:s2+$0x5440];
	_ =	sdelay $0x4  }
0x196: {  	[tilespmem:$0xFB40] =	vst v8  }
0x197: {  	v8 =	vld [tilespmem:s2+$0x2CD0];
	_ =	sdelay $0x4  }
0x198: {  	[tilespmem:$0xF850] =	vst v8  }
0x199: {  	v8 =	vld [tilespmem:s2+$0x5450];
	_ =	sdelay $0x4  }
0x19a: {  	[tilespmem:$0xFB50] =	vst v8  }
0x19b: {  	v8 =	vld [tilespmem:s2+$0x2CE0];
	_ =	sdelay $0x4  }
0x19c: {  	[tilespmem:$0xF860] =	vst v8  }
0x19d: {  	v8 =	vld [tilespmem:s2+$0x5460];
	_ =	sdelay $0x4  }
0x19e: {  	[tilespmem:$0xFB60] =	vst v8  }
0x19f: {  	v8 =	vld [tilespmem:s2+$0x2CF0];
	_ =	sdelay $0x4  }
0x1a0: {  	[tilespmem:$0xF870] =	vst v8  }
0x1a1: {  	v8 =	vld [tilespmem:s2+$0x5470];
	_ =	sdelay $0x4  }
0x1a2: {  	[tilespmem:$0xFB70] =	vst v8  }
0x1a3: {  	[spmem:s13] =	stream.indirect.scatter.add.f32 [tilespmem:s8], [sflag:$0x7], $0x1, s6, s29, $0xb8;
	[tilespmem:$0x1C498] =	vst v63  }
0x1a4: {  	_ =	swait.ge [sflag:s19], $0x80  }
0x1a5: {  	[sflag:s19] =	ssyncset.done $0x0  }
0x1a6: {  	[sflag:s19] =	ssyncadd.s32 $0xFFFFFF80  }
0x1a7: {  	v8 =	vld [tilespmem:s2+$0x2D00];
	_ =	sdelay $0x4  }
0x1a8: {  	[tilespmem:$0xF880] =	vst v8  }
0x1a9: {  	v8 =	vld [tilespmem:s2+$0x5480];
	_ =	sdelay $0x4  }
0x1aa: {  	[tilespmem:$0xFB80] =	vst v8  }
0x1ab: {  	v8 =	vld [tilespmem:s2+$0x2D10];
	_ =	sdelay $0x4  }
0x1ac: {  	[tilespmem:$0xF890] =	vst v8  }
0x1ad: {  	v8 =	vld [tilespmem:s2+$0x5490];
	_ =	sdelay $0x4  }
0x1ae: {  	[tilespmem:$0xFB90] =	vst v8  }
0x1af: {  	v8 =	vld [tilespmem:s2+$0x2D20];
	_ =	sdelay $0x4  }
0x1b0: {  	[tilespmem:$0xF8A0] =	vst v8  }
0x1b1: {  	v8 =	vld [tilespmem:s2+$0x54A0];
	_ =	sdelay $0x4  }
0x1b2: {  	[tilespmem:$0xFBA0] =	vst v8  }
0x1b3: {  	v8 =	vld [tilespmem:s2+$0x2D30];
	_ =	sdelay $0x4  }
0x1b4: {  	[tilespmem:$0xF8B0] =	vst v8  }
0x1b5: {  	v8 =	vld [tilespmem:s2+$0x54B0];
	_ =	sdelay $0x4  }
0x1b6: {  	[tilespmem:$0xFBB0] =	vst v8  }
0x1b7: {  	v8 =	vld [tilespmem:s2+$0x2D40];
	_ =	sdelay $0x4  }
0x1b8: {  	[tilespmem:$0xF8C0] =	vst v8  }
0x1b9: {  	v8 =	vld [tilespmem:s2+$0x54C0];
	_ =	sdelay $0x4  }
0x1ba: {  	[tilespmem:$0xFBC0] =	vst v8  }
0x1bb: {  	v8 =	vld [tilespmem:s2+$0x2D50];
	_ =	sdelay $0x4  }
0x1bc: {  	[tilespmem:$0xF8D0] =	vst v8  }
0x1bd: {  	v8 =	vld [tilespmem:s2+$0x54D0];
	_ =	sdelay $0x4  }
0x1be: {  	[tilespmem:$0xFBD0] =	vst v8  }
0x1bf: {  	v8 =	vld [tilespmem:s2+$0x2D60];
	_ =	sdelay $0x4  }
0x1c0: {  	[tilespmem:$0xF8E0] =	vst v8  }
0x1c1: {  	v8 =	vld [tilespmem:s2+$0x54E0];
	_ =	sdelay $0x4  }
0x1c2: {  	[tilespmem:$0xFBE0] =	vst v8  }
0x1c3: {  	v8 =	vld [tilespmem:s2+$0x2D70];
	_ =	sdelay $0x4  }
0x1c4: {  	[tilespmem:$0xF8F0] =	vst v8  }
0x1c5: {  	v8 =	vld [tilespmem:s2+$0x54F0]  }
0x1c6: {  	p1 =	sne.s32 s0, $0x8400  }
.Ltmp1:
0x1c7: {  	_ = 	snop;
	(pc) =	sbr.rel @p1 .LBB2_4-.Ltmp1, $3  }
0x1c8: {  	_ =	sdelay $0x1  }
0x1c9: {  	s0 =	sadd.s32 $0xC00, s0;
	[tilespmem:$0xFBF0] =	vst v8  }
0x1ca: {  	[spmem:s13] =	stream.indirect.scatter.add.f32 [tilespmem:s14], [sflag:$0x8], $0x1, s7, s29, $0xb8;
	[tilespmem:$0x1C498] =	vst v63  }
0x1cb: {  	_ =	swait.ge [sflag:s10], $0x80  }
0x1cc: {  	[sflag:s10] =	ssyncset.done $0x0  }
0x1cd: {  	[sflag:s10] =	ssyncadd.s32 $0xFFFFFF80  }
0x1ce: {  	_ =	swait.ge [sflag:s15], $0x80  }
0x1cf: {  	[sflag:s15] =	ssyncset.done $0x0  }
0x1d0: {  	[sflag:s15] =	ssyncadd.s32 $0xFFFFFF80  }
0x1d1: {  	_ =	swait.ge [sflag:s16], $0x80  }
0x1d2: {  	[sflag:s16] =	ssyncset.done $0x0  }
0x1d3: {  	[sflag:s16] =	ssyncadd.s32 $0xFFFFFF80  }
0x1d4: {  	_ =	swait.ge [sflag:s17], $0x80  }
0x1d5: {  	[sflag:s17] =	ssyncset.done $0x0  }
0x1d6: {  	[sflag:s17] =	ssyncadd.s32 $0xFFFFFF80  }
0x1d7: {  	_ =	swait.ge [sflag:s18], $0x80  }
0x1d8: {  	[sflag:s18] =	ssyncset.done $0x0  }
0x1d9: {  	[sflag:s18] =	ssyncadd.s32 $0xFFFFFF80  }
0x1da: {  	_ =	swait.ge [sflag:s19], $0x80  }
0x1db: {  	[sflag:s19] =	ssyncset.done $0x0  }
0x1dc: {  	[sflag:s19] =	ssyncadd.s32 $0xFFFFFF80  }
0x1dd: {  	v8 =	vld [tilespmem:$0x4E80]  }
0x1de: {  	v9 =	vld [tilespmem:$0x7600];
	_ =	sdelay $0x3  }
0x1df: {  	[tilespmem:$0xFC00] =	vst v8  }
0x1e0: {  	s0 =	simm.s32 $0x10;
	s2 =	simm.s32 $0xFC00;
	s3 =	simm.s32 $0xFC80;
	[tilespmem:$0xFC80] =	vst v9  }
0x1e1: {  	[spmem:s13] =	stream.indirect.scatter.add.f32 [tilespmem:s3], [sflag:$0x9], $0x1, s2, s0, $0xb8;
	[tilespmem:$0x1C498] =	vst v63  }
0x1e2: {  	_ =	swait.ge [sflag:s9], $0x10  }
0x1e3: {  	p1 =	slt.u32 s12, $0x2710;
	s0 =	simm.s32 $0x0;
	[sflag:s9] =	ssyncset.done $0x0  }
0x1e4: {  	v8 =	vpsel !p1, $0x0, v6;
	s2 =	simm.s32 $0x40;
	s3 =	smov.u32 s12;
	[sflag:s9] =	ssyncadd.s32 $0xFFFFFFF0  }
.LBB2_6:
0x1e5: {  	p2 =	sne.s32 s2, $0x1C0;
	v9 =	vld.idx.msk [tilespmem:v1+s0+$0x0 ss:$0x1], $0xffff;
	[tilespmem:s0+$0xF900] =	vst v8;
	_ =	sdelay $0x2  }
.Ltmp2:
0x1e6: {  	(pc) =	sbr.rel @p2 .LBB2_6-.Ltmp2, $4  }
0x1e7: {  	_ = 	snop  }
0x1e8: {  	s3 =	sadd.s32 $0x10, s3  }
0x1e9: {  	v9 =	vpsel p1, v9, v5;
	p1 =	slt.u32 s3, $0x2710  }
0x1ea: {  	v8 =	vpsel !p1, $0x0, v6;
	[tilespmem:s0+$0xF600] =	vst v9;
	s0 =	sshra.s32 s2, $0x2;
	s2 =	sadd.s32 $0x40, s2  }
0x1eb: {  	_ =	sdelay $0x3  }
0x1ec: {  	v9 =	vld.idx.msk [tilespmem:v1+s0+$0x0 ss:$0x1], $0xffff;
	_ =	sdelay $0x4  }
0x1ed: {  	[tilespmem:s0+$0xF900] =	vst v8;
	s19 =	sand.u32 $0x3FFFFF80, s24;
	v8 =	vpsel p1, v9, v5  }
0x1ee: {  	s7 =	rddreg [dreg:$0x6];
	[tilespmem:s0+$0xF600] =	vst v8;
	s0 =	sadd.s32 $0x7680, s19  }
0x1ef: {  	[spmem:s7] =	stream.indirect.scatter.add.f32 [tilespmem:s21], [sflag:$0x1], $0x1, s20, s29, $0xb8;
	[tilespmem:$0x1C498] =	vst v63  }
0x1f0: {  	v8 =	vld [tilespmem:s0+$0x0];
	_ =	sdelay $0x2  }
0x1f1: {  	p2 =	slt.u32 s24, $0x2710;
	s2 =	simm.s32 $0x0;
	s3 =	simm.s32 $0x7690  }
0x1f2: {  	s4 =	sadd.s32 $0x10, s24;
	s5 =	simm.s32 $0x80;
	s13 =	simm.s32 $0xFB00;
	v9 =	vpsel !p2, $0x0, v6  }
0x1f3: {  	s6 =	sand.u32 $0x3FFFFF80, s4;
	p1 =	slt.u32 s4, $0x2710;
	s0 =	simm.s32 $0x40;
	[tilespmem:s2+$0xF980] =	vst v9;
	v8 =	vpsel p2, v8, v5  }
.LBB2_8:
0x1f4: {  	p2 =	sne.s32 s5, $0x1C0;
	s6 =	sadd.s32 s6, s3;
	v9 =	vpsel !p1, $0x0, v6;
	[tilespmem:s2+$0xF680] =	vst v8;
	s2 =	sshra.s32 s0, $0x2  }
0x1f5: {  	s0 =	smov.u32 s5;
	v8 =	vld [tilespmem:s6+$0x0];
	[tilespmem:s2+$0xF980] =	vst v9  }
.Ltmp3:
0x1f6: {  	(pc) =	sbr.rel @p2 .LBB2_8-.Ltmp3, $3  }
0x1f7: {  	_ =	sdelay $0x1  }
0x1f8: {  	s3 =	sadd.s32 $0x10, s3;
	s4 =	sadd.s32 $0x10, s4  }
0x1f9: {  	s5 =	sadd.s32 $0x40, s5;
	s6 =	sand.u32 $0x3FFFFF80, s4;
	v8 =	vpsel p1, v8, v5;
	p1 =	slt.u32 s4, $0x2710  }
0x1fa: {  	s3 =	sadd.s32 s6, s3;
	[tilespmem:s2+$0xF680] =	vst v8  }
0x1fb: {  	v8 =	vld [tilespmem:s3+$0x0];
	_ =	sdelay $0x3  }
0x1fc: {  	s0 =	sshra.s32 s0, $0x2;
	v9 =	vpsel !p1, $0x0, v6  }
0x1fd: {  	s19 =	sand.u32 $0x3FFFFF80, s25;
	[tilespmem:s0+$0xF980] =	vst v9;
	v8 =	vpsel p1, v8, v5  }
0x1fe: {  	[tilespmem:s0+$0xF680] =	vst v8;
	s0 =	sadd.s32 $0x7680, s19  }
0x1ff: {  	[spmem:s7] =	stream.indirect.scatter.add.f32 [tilespmem:s23], [sflag:$0x2], $0x1, s22, s29, $0xb8;
	[tilespmem:$0x1C498] =	vst v63  }
0x200: {  	v8 =	vld [tilespmem:s0+$0x0];
	_ =	sdelay $0x2  }
0x201: {  	p2 =	slt.u32 s25, $0x2710;
	s2 =	simm.s32 $0x0  }
0x202: {  	s4 =	sadd.s32 $0x10, s25;
	s5 =	simm.s32 $0x80;
	v9 =	vpsel !p2, $0x0, v6;
	s3 =	simm.s32 $0x7690  }
0x203: {  	s6 =	sand.u32 $0x3FFFFF80, s4;
	p1 =	slt.u32 s4, $0x2710;
	s0 =	simm.s32 $0x40;
	[tilespmem:s2+$0xFA00] =	vst v9;
	v8 =	vpsel p2, v8, v5  }
.LBB2_10:
0x204: {  	p2 =	sne.s32 s5, $0x1C0;
	s6 =	sadd.s32 s6, s3;
	v9 =	vpsel !p1, $0x0, v6;
	[tilespmem:s2+$0xF700] =	vst v8;
	s2 =	sshra.s32 s0, $0x2  }
0x205: {  	s0 =	smov.u32 s5;
	v8 =	vld [tilespmem:s6+$0x0];
	[tilespmem:s2+$0xFA00] =	vst v9  }
.Ltmp4:
0x206: {  	(pc) =	sbr.rel @p2 .LBB2_10-.Ltmp4, $3  }
0x207: {  	_ =	sdelay $0x1  }
0x208: {  	s3 =	sadd.s32 $0x10, s3;
	s4 =	sadd.s32 $0x10, s4  }
0x209: {  	s5 =	sadd.s32 $0x40, s5;
	s6 =	sand.u32 $0x3FFFFF80, s4;
	v8 =	vpsel p1, v8, v5;
	p1 =	slt.u32 s4, $0x2710  }
0x20a: {  	s3 =	sadd.s32 s6, s3;
	[tilespmem:s2+$0xF700] =	vst v8  }
0x20b: {  	v8 =	vld [tilespmem:s3+$0x0];
	_ =	sdelay $0x3  }
0x20c: {  	s0 =	sshra.s32 s0, $0x2;
	v9 =	vpsel !p1, $0x0, v6  }
0x20d: {  	s19 =	sand.u32 $0x3FFFFF80, s26;
	[tilespmem:s0+$0xFA00] =	vst v9;
	v8 =	vpsel p1, v8, v5  }
0x20e: {  	s14 =	simm.s32 $0xFA00;
	[tilespmem:s0+$0xF700] =	vst v8;
	s0 =	sadd.s32 $0x7680, s19  }
0x20f: {  	[spmem:s7] =	stream.indirect.scatter.add.f32 [tilespmem:s14], [sflag:$0x3], $0x1, s30, s29, $0xb8;
	[tilespmem:$0x1C498] =	vst v63  }
0x210: {  	v8 =	vld [tilespmem:s0+$0x0];
	_ =	sdelay $0x2  }
0x211: {  	p2 =	slt.u32 s26, $0x2710;
	s2 =	simm.s32 $0x0  }
0x212: {  	s4 =	sadd.s32 $0x10, s26;
	s5 =	simm.s32 $0x80;
	v9 =	vpsel !p2, $0x0, v6;
	s3 =	simm.s32 $0x7690  }
0x213: {  	s6 =	sand.u32 $0x3FFFFF80, s4;
	p1 =	slt.u32 s4, $0x2710;
	s0 =	simm.s32 $0x40;
	[tilespmem:s2+$0xFA80] =	vst v9;
	v8 =	vpsel p2, v8, v5  }
.LBB2_12:
0x214: {  	p2 =	sne.s32 s5, $0x1C0;
	s6 =	sadd.s32 s6, s3;
	v9 =	vpsel !p1, $0x0, v6;
	[tilespmem:s2+$0xF780] =	vst v8;
	s2 =	sshra.s32 s0, $0x2  }
0x215: {  	s0 =	smov.u32 s5;
	v8 =	vld [tilespmem:s6+$0x0];
	[tilespmem:s2+$0xFA80] =	vst v9  }
.Ltmp5:
0x216: {  	(pc) =	sbr.rel @p2 .LBB2_12-.Ltmp5, $3  }
0x217: {  	_ =	sdelay $0x1  }
0x218: {  	s3 =	sadd.s32 $0x10, s3;
	s4 =	sadd.s32 $0x10, s4  }
0x219: {  	s5 =	sadd.s32 $0x40, s5;
	s6 =	sand.u32 $0x3FFFFF80, s4;
	v8 =	vpsel p1, v8, v5;
	p1 =	slt.u32 s4, $0x2710  }
0x21a: {  	s3 =	sadd.s32 s6, s3;
	[tilespmem:s2+$0xF780] =	vst v8  }
0x21b: {  	v8 =	vld [tilespmem:s3+$0x0];
	_ =	sdelay $0x3  }
0x21c: {  	s0 =	sshra.s32 s0, $0x2;
	v9 =	vpsel !p1, $0x0, v6  }
0x21d: {  	s19 =	sand.u32 $0x3FFFFF80, s28;
	[tilespmem:s0+$0xFA80] =	vst v9;
	v8 =	vpsel p1, v8, v5  }
0x21e: {  	s8 =	simm.s32 $0xF780;
	s14 =	simm.s32 $0xFA80;
	[tilespmem:s0+$0xF780] =	vst v8;
	s0 =	sadd.s32 $0x7680, s19  }
0x21f: {  	[spmem:s7] =	stream.indirect.scatter.add.f32 [tilespmem:s14], [sflag:$0x4], $0x1, s8, s29, $0xb8;
	[tilespmem:$0x1C498] =	vst v63  }
0x220: {  	v8 =	vld [tilespmem:s0+$0x0];
	_ =	sdelay $0x2  }
0x221: {  	p2 =	slt.u32 s28, $0x2710;
	s2 =	simm.s32 $0x0  }
0x222: {  	s4 =	sadd.s32 $0x10, s28;
	s5 =	simm.s32 $0x80;
	v9 =	vpsel !p2, $0x0, v6;
	s3 =	simm.s32 $0x7690  }
0x223: {  	s6 =	sand.u32 $0x3FFFFF80, s4;
	p1 =	slt.u32 s4, $0x2710;
	s0 =	simm.s32 $0x40;
	[tilespmem:s2+$0xFB00] =	vst v9;
	v8 =	vpsel p2, v8, v5  }
.LBB2_14:
0x224: {  	p2 =	sne.s32 s5, $0x1C0;
	s6 =	sadd.s32 s6, s3;
	v9 =	vpsel !p1, $0x0, v6;
	[tilespmem:s2+$0xF800] =	vst v8;
	s2 =	sshra.s32 s0, $0x2  }
0x225: {  	s0 =	smov.u32 s5;
	v8 =	vld [tilespmem:s6+$0x0];
	[tilespmem:s2+$0xFB00] =	vst v9  }
.Ltmp6:
0x226: {  	(pc) =	sbr.rel @p2 .LBB2_14-.Ltmp6, $3  }
0x227: {  	_ =	sdelay $0x1  }
0x228: {  	s3 =	sadd.s32 $0x10, s3;
	s4 =	sadd.s32 $0x10, s4  }
0x229: {  	s5 =	sadd.s32 $0x40, s5;
	s6 =	sand.u32 $0x3FFFFF80, s4;
	v8 =	vpsel p1, v8, v5;
	p1 =	slt.u32 s4, $0x2710  }
0x22a: {  	s3 =	sadd.s32 s6, s3;
	[tilespmem:s2+$0xF800] =	vst v8  }
0x22b: {  	v8 =	vld [tilespmem:s3+$0x0];
	_ =	sdelay $0x3  }
0x22c: {  	s0 =	sshra.s32 s0, $0x2;
	v9 =	vpsel !p1, $0x0, v6  }
0x22d: {  	[tilespmem:s0+$0xFB00] =	vst v9;
	v8 =	vpsel p1, v8, v5  }
0x22e: {  	s14 =	simm.s32 $0xF800;
	[tilespmem:s0+$0xF800] =	vst v8  }
0x22f: {  	[spmem:s7] =	stream.indirect.scatter.add.f32 [tilespmem:s13], [sflag:$0x7], $0x1, s14, s29, $0xb8;
	[tilespmem:$0x1C498] =	vst v63  }
0x230: {  	_ =	swait.ge [sflag:s10], $0x80  }
0x231: {  	[sflag:s10] =	ssyncset.done $0x0  }
0x232: {  	[sflag:s10] =	ssyncadd.s32 $0xFFFFFF80  }
0x233: {  	_ =	swait.ge [sflag:s15], $0x80  }
0x234: {  	[sflag:s15] =	ssyncset.done $0x0  }
0x235: {  	[sflag:s15] =	ssyncadd.s32 $0xFFFFFF80  }
0x236: {  	_ =	swait.ge [sflag:s16], $0x80  }
0x237: {  	[sflag:s16] =	ssyncset.done $0x0  }
0x238: {  	[sflag:s16] =	ssyncadd.s32 $0xFFFFFF80  }
0x239: {  	_ =	swait.ge [sflag:s17], $0x80  }
0x23a: {  	[sflag:s17] =	ssyncset.done $0x0  }
0x23b: {  	[sflag:s17] =	ssyncadd.s32 $0xFFFFFF80  }
0x23c: {  	_ =	swait.ge [sflag:s18], $0x80  }
0x23d: {  	[sflag:s18] =	ssyncset.done $0x0  }
0x23e: {  	[sflag:s18] =	ssyncadd.s32 $0xFFFFFF80  }
0x23f: {  	[bflag:$0x0] =	sbarrier.arrive $0xFFFF  }
0x240: {  	s19 =	simm.s32 $0xEE80;
	s18 =	rddreg [dreg:$0x11]  }
0x241: {  	[tilespmem:s19], [sflag:$0x9] =	stream.linear.gather [spmem:s18], $0x280, $0x38;
	[tilespmem:$0x1C498] =	vst v63  }
0x242: {  	_ =	swait.ge [sflag:s9], $0x280  }
0x243: {  	[sflag:s9] =	ssyncset.done $0x0  }
0x244: {  	s3 =	simm.s32 $0x0;
	[sflag:s9] =	ssyncadd.s32 $0xFFFFFD80  }
0x245: {  	v8 =	vld [tilespmem:s3+$0xEE80];
	_ =	sdelay $0x3  }
0x246: {  	s2 =	simm.s32 $0x10  }
0x247: {  	v9 =	vld [tilespmem:s2+$0xEE80];
	v8 =	vadd.f32 $1.000000000e+00, v8;
	_ =	sdelay $0x1  }
0x248: {  	v10 =	vshrl.u32 v8, $0x1;
	v11 =	vmul.f32 $5.000000000e-01, v8  }
0x249: {  	v8 =	vsub.s32 $0x5F3759DF, v10  }
0x24a: {  	v10 =	vmul.f32 v8, v11  }
0x24b: {  	s0 =	simm.s32 $0x20;
	v9 =	vadd.f32 $1.000000000e+00, v9  }
0x24c: {  	v12 =	vld [tilespmem:s0+$0xEE80];
	v10 =	vmul.f32 v8, v10  }
0x24d: {  	v13 =	vshrl.u32 v9, $0x1;
	v14 =	vmul.f32 $5.000000000e-01, v9  }
0x24e: {  	v9 =	vsub.f32 $1.500000000e+00, v10;
	v10 =	vsub.s32 $0x5F3759DF, v13  }
0x24f: {  	v13 =	vmul.f32 v10, v14  }
0x250: {  	s4 =	simm.s32 $0x30;
	v9 =	vmul.f32 v8, v9  }
0x251: {  	v8 =	vadd.f32 $1.000000000e+00, v12;
	v12 =	vld [tilespmem:s4+$0xEE80];
	v13 =	vmul.f32 v10, v13  }
0x252: {  	v15 =	vmul.f32 v9, v11  }
0x253: {  	v16 =	vshrl.u32 v8, $0x1;
	v8 =	vmul.f32 $5.000000000e-01, v8;
	v13 =	vsub.f32 $1.500000000e+00, v13  }
0x254: {  	v16 =	vsub.s32 $0x5F3759DF, v16;
	v15 =	vmul.f32 v15, v9  }
0x255: {  	s5 =	simm.s32 $0x40;
	v17 =	vmul.f32 v16, v8;
	v10 =	vmul.f32 v10, v13  }
0x256: {  	v12 =	vadd.f32 $1.000000000e+00, v12;
	v13 =	vsub.f32 $1.500000000e+00, v15;
	v15 =	vld [tilespmem:s5+$0xEE80]  }
0x257: {  	v17 =	vmul.f32 v16, v17;
	v18 =	vmul.f32 v10, v14  }
0x258: {  	v20 =	vmul.f32 v13, v9;
	v13 =	vshrl.u32 v12, $0x1  }
0x259: {  	v9 =	vmul.f32 $5.000000000e-01, v12;
	v12 =	vsub.f32 $1.500000000e+00, v17;
	v17 =	vmul.f32 v18, v10  }
0x25a: {  	v13 =	vsub.s32 $0x5F3759DF, v13;
	v18 =	vmul.f32 v20, v11  }
0x25b: {  	v11 =	vmul.f32 v16, v12;
	v12 =	vadd.f32 $1.000000000e+00, v15;
	v15 =	vsub.f32 $1.500000000e+00, v17  }
0x25c: {  	s7 =	simm.s32 $0x50;
	v19 =	vmul.f32 v13, v9  }
0x25d: {  	v16 =	vmul.f32 v18, v20;
	v10 =	vmul.f32 v15, v10;
	v15 =	vld [tilespmem:s7+$0xEE80]  }
0x25e: {  	v17 =	vmul.f32 v13, v19;
	v18 =	vmul.f32 v11, v8  }
0x25f: {  	v21 =	vshrl.u32 v12, $0x1;
	v22 =	vsub.f32 $1.500000000e+00, v16  }
0x260: {  	v12 =	vmul.f32 $5.000000000e-01, v12;
	v19 =	vsub.f32 $1.500000000e+00, v17;
	v16 =	vmul.f32 v18, v11  }
0x261: {  	s6 =	simm.s32 $0x180;
	v18 =	vsub.s32 $0x5F3759DF, v21;
	v17 =	vmul.f32 v10, v14;
	v14 =	vmul.f32 v22, v20  }
.LBB2_16:
0x262: {  	s8 =	sshra.s32 s6, $0x2;
	v20 =	vadd.f32 $1.000000000e+00, v15;
	v21 =	vmul.f32 v18, v12;
	v19 =	vmul.f32 v13, v19;
	v22 =	vmovc v9;
	v9 =	vmovc v12;
	p1 =	sne.s32 s6, $0x9C0  }
.Ltmp7:
0x263: {  	v12 =	vsub.f32 $1.500000000e+00, v16;
	v13 =	vmovc v18;
	v15 =	vld [tilespmem:s8+$0xEE80];
	v16 =	vmul.f32 v17, v10;
	[tilespmem:s3+$0xF100] =	vst v14;
	v14 =	vmul.f32 v14, v14;
	(pc) =	sbr.rel @p1 .LBB2_16-.Ltmp7, $4  }
0x264: {  	v17 =	vmul.f32 v13, v21;
	v18 =	vmul.f32 v19, v22  }
0x265: {  	s6 =	sadd.s32 $0x40, s6;
	v21 =	vshrl.u32 v20, $0x1;
	v23 =	vmul.f32 v12, v11;
	v11 =	vmovc v19;
	v24 =	vsub.f32 $1.500000000e+00, v16;
	[tilespmem:s3+$0xF380] =	vst v14;
	s3 =	smov.u32 s2  }
0x266: {  	v12 =	vmul.f32 $5.000000000e-01, v20;
	s2 =	smov.u32 s0;
	s0 =	smov.u32 s4;
	s4 =	smov.u32 s5;
	v19 =	vsub.f32 $1.500000000e+00, v17;
	v16 =	vmul.f32 v18, v11  }
0x267: {  	s5 =	smov.u32 s7;
	s7 =	smov.u32 s8;
	v18 =	vsub.s32 $0x5F3759DF, v21;
	v17 =	vmul.f32 v23, v8;
	v8 =	vmovc v22;
	v14 =	vmul.f32 v24, v10;
	v10 =	vmovc v23  }
0x268: {  	v15 =	vadd.f32 $1.000000000e+00, v15;
	_ =	sdelay $0x1  }
0x269: {  	v20 =	vmul.f32 v18, v12;
	v21 =	vshrl.u32 v15, $0x1;
	v15 =	vmul.f32 $5.000000000e-01, v15  }
0x26a: {  	v21 =	vsub.s32 $0x5F3759DF, v21  }
0x26b: {  	v20 =	vmul.f32 v18, v20;
	v22 =	vmul.f32 v21, v15  }
0x26c: {  	v13 =	vmul.f32 v13, v19  }
0x26d: {  	v44 =	vsub.f32 $1.500000000e+00, v20;
	v45 =	vmul.f32 v21, v22  }
0x26e: {  	v46 =	vmul.f32 v13, v9  }
0x26f: {  	v47 =	vmul.f32 v18, v44;
	v48 =	vsub.f32 $1.500000000e+00, v45  }
0x270: {  	v16 =	vsub.f32 $1.500000000e+00, v16;
	v49 =	vmul.f32 v46, v13  }
0x271: {  	v50 =	vmul.f32 v47, v12;
	v19 =	vmul.f32 v21, v48  }
0x272: {  	v17 =	vmul.f32 v17, v10;
	v11 =	vmul.f32 v16, v11;
	v51 =	vsub.f32 $1.500000000e+00, v49  }
0x273: {  	v52 =	vmul.f32 v50, v47;
	v53 =	vmul.f32 v19, v15  }
0x274: {  	v8 =	vmul.f32 v11, v8;
	v13 =	vmul.f32 v51, v13  }
0x275: {  	v54 =	vsub.f32 $1.500000000e+00, v52;
	v55 =	vmul.f32 v53, v19  }
0x276: {  	v17 =	vsub.f32 $1.500000000e+00, v17;
	v8 =	vmul.f32 v8, v11;
	v9 =	vmul.f32 v13, v9  }
0x277: {  	v56 =	vmul.f32 v14, v14;
	v16 =	vmul.f32 v54, v47;
	v57 =	vsub.f32 $1.500000000e+00, v55  }
0x278: {  	v10 =	vmul.f32 v17, v10;
	v8 =	vsub.f32 $1.500000000e+00, v8;
	v9 =	vmul.f32 v9, v13  }
0x279: {  	v58 =	vmul.f32 v16, v12;
	v59 =	vmul.f32 v57, v19  }
0x27a: {  	[tilespmem:s3+$0xF100] =	vst v14;
	v60 =	vmul.f32 v10, v10;
	v8 =	vmul.f32 v8, v11  }
0x27b: {  	[tilespmem:s3+$0xF380] =	vst v56;
	v9 =	vsub.f32 $1.500000000e+00, v9;
	v11 =	vmul.f32 v58, v16;
	v61 =	vmul.f32 v59, v15  }
0x27c: {  	[tilespmem:s2+$0xF100] =	vst v10;
	v10 =	vmul.f32 v8, v8  }
0x27d: {  	[tilespmem:s2+$0xF380] =	vst v60;
	v9 =	vmul.f32 v9, v13;
	v11 =	vsub.f32 $1.500000000e+00, v11;
	v12 =	vmul.f32 v61, v59  }
0x27e: {  	[tilespmem:s0+$0xF100] =	vst v8  }
0x27f: {  	[tilespmem:s0+$0xF380] =	vst v10;
	v8 =	vmul.f32 v9, v9;
	v10 =	vmul.f32 v11, v16;
	v11 =	vsub.f32 $1.500000000e+00, v12  }
0x280: {  	[tilespmem:s4+$0xF100] =	vst v9  }
0x281: {  	[tilespmem:s4+$0xF380] =	vst v8;
	v8 =	vmul.f32 v10, v10;
	v9 =	vmul.f32 v11, v59  }
0x282: {  	[tilespmem:s5+$0xF100] =	vst v10  }
0x283: {  	[tilespmem:s5+$0xF380] =	vst v8;
	v8 =	vmul.f32 v9, v9  }
0x284: {  	[tilespmem:s7+$0xF100] =	vst v9  }
0x285: {  	s8 =	simm.s32 $0xF100;
	[tilespmem:s7+$0xF380] =	vst v8;
	s7 =	rddreg [dreg:$0x13]  }
0x286: {  	[spmem:s7] =	stream.linear.scatter [tilespmem:s8], [sflag:$0x9], $0x280, $0x38;
	[tilespmem:$0x1C498] =	vst v63  }
0x287: {  	_ =	swait.ge [sflag:s9], $0x280  }
0x288: {  	[sflag:s9] =	ssyncset.done $0x0  }
0x289: {  	s15 =	simm.s32 $0xF380;
	s14 =	rddreg [dreg:$0x15];
	[sflag:s9] =	ssyncadd.s32 $0xFFFFFD80  }
0x28a: {  	[spmem:s14] =	stream.linear.scatter [tilespmem:s15], [sflag:$0x9], $0x280, $0x38;
	[tilespmem:$0x1C498] =	vst v63  }
0x28b: {  	_ =	swait.ge [sflag:s9], $0x280  }
0x28c: {  	[sflag:s9] =	ssyncset.done $0x0  }
0x28d: {  	[sflag:s9] =	ssyncadd.s32 $0xFFFFFD80  }
0x28e: {  	[bflag:$0x0] =	sbarrier.arrive $0xFFFF  }
0x28f: {  	s16 =	rddreg [dreg:$0x7]  }
0x290: {  	[tilespmem:s11], [sflag:$0x9] =	stream.linear.gather [spmem:s16], $0x2800, $0x38;
	[tilespmem:$0x1C498] =	vst v63  }
0x291: {  	_ =	swait.ge [sflag:s9], $0x2800  }
0x292: {  	[sflag:s9] =	ssyncset.done $0x0  }
0x293: {  	[sflag:s9] =	ssyncadd.s32 $0xFFFFD800  }
0x294: {  	s17 =	rddreg [dreg:$0x8]  }
0x295: {  	[tilespmem:s1], [sflag:$0x9] =	stream.linear.gather [spmem:s17], $0x2800, $0x38;
	[tilespmem:$0x1C498] =	vst v63  }
0x296: {  	_ =	swait.ge [sflag:s9], $0x2800  }
0x297: {  	[sflag:s9] =	ssyncset.done $0x0  }
0x298: {  	s18 =	simm.s32 $0x0;
	[sflag:s9] =	ssyncadd.s32 $0xFFFFD800  }
0x299: {  	s19 =	simm.s32 $0x2780;
	v8 =	vld [tilespmem:s18+$0x0]  }
0x29a: {  	v9 =	vld [tilespmem:s19+$0x0];
	_ =	sdelay $0x6  }
0x29b: {  	v10 =	vld.idx.msk [tilespmem:v8+s11+$0x0], $0xffff  }
0x29c: {  	v11 =	vld.idx.msk [tilespmem:v9+s31+$0x0], $0xffff  }
0x29d: {  	v9 =	vld.idx.msk [tilespmem:v9+s11+$0x0], $0xffff  }
0x29e: {  	s3 =	simm.s32 $0x4F00  }
0x29f: {  	v62 =	vld [tilespmem:s3+$0x0];
	_ =	sdelay $0x1  }
0x2a0: {  	v11 =	vsub.s32 v11, v0  }
0x2a1: {  	v9 =	vmul.f32 v10, v9;
	v63 =	vmul.u32 $0x2800, v11  }
0x2a2: {  	v10 =	vor.u32 s18, v7  }
0x2a3: {  	vm0 =	vlt.u32 v11, $0x40;
	v9 =	vmul.f32 v9, v62;
	v8 =	vadd.s32 v8, v63  }
0x2a4: {  	s2 =	simm.s32 $0xF600;
	v8 =	vsel vm0, v8, v10  }
0x2a5: {  	s0 =	simm.s32 $0xF900;
	[tilespmem:s2+$0x0] =	vst v8;
	v8 =	vnsel vm0, $0x0, v9  }
0x2a6: {  	s4 =	simm.s32 $0x10;
	[tilespmem:s0+$0x0] =	vst v8  }
0x2a7: {  	s5 =	simm.s32 $0x2790;
	v8 =	vld [tilespmem:s4+$0x0]  }
0x2a8: {  	v9 =	vld [tilespmem:s5+$0x0]  }
0x2a9: {  	s6 =	simm.s32 $0x20;
	s7 =	simm.s32 $0x10  }
.LBB2_18:
0x2aa: {  	p1 =	sne.s32 s6, $0x70;
	_ =	sdelay $0x4  }
0x2ab: {  	v10 =	vld.idx.msk [tilespmem:v8+s11+$0x0], $0xffff  }
0x2ac: {  	v11 =	vld.idx.msk [tilespmem:v9+s31+$0x0], $0xffff  }
0x2ad: {  	v9 =	vld.idx.msk [tilespmem:v9+s11+$0x0], $0xffff;
	_ =	sdelay $0x1  }
0x2ae: {  	s3 =	sadd.s32 $0x10, s3  }
0x2af: {  	v12 =	vld [tilespmem:s3+$0x0];
	_ =	sdelay $0x1  }
0x2b0: {  	v11 =	vsub.s32 v11, v0  }
0x2b1: {  	v13 =	vmul.u32 $0x2800, v11;
	v9 =	vmul.f32 v10, v9  }
0x2b2: {  	v10 =	vor.u32 s4, v7;
	s4 =	smov.u32 s6  }
0x2b3: {  	vm0 =	vlt.u32 v11, $0x40;
	v8 =	vadd.s32 v8, v13;
	v9 =	vmul.f32 v9, v12  }
0x2b4: {  	s2 =	sadd.s32 $0x10, s2;
	v8 =	vsel vm0, v8, v10  }
.Ltmp8:
0x2b5: {  	s0 =	sadd.s32 $0x10, s0;
	[tilespmem:s2+$0x0] =	vst v8;
	v8 =	vnsel vm0, $0x0, v9;
	(pc) =	sbr.rel @p1 .LBB2_18-.Ltmp8, $4  }
0x2b6: {  	s7 =	sadd.s32 $0x10, s7;
	[tilespmem:s0+$0x0] =	vst v8  }
0x2b7: {  	s5 =	sadd.s32 $0x10, s5;
	v8 =	vld [tilespmem:s7+$0x0]  }
0x2b8: {  	v9 =	vld [tilespmem:s5+$0x0]  }
0x2b9: {  	s6 =	sadd.s32 $0x10, s6  }
0x2ba: {  	_ =	sdelay $0x5  }
0x2bb: {  	v10 =	vld.idx.msk [tilespmem:v8+s11+$0x0], $0xffff  }
0x2bc: {  	v11 =	vld.idx.msk [tilespmem:v9+s31+$0x0], $0xffff  }
0x2bd: {  	v9 =	vld.idx.msk [tilespmem:v9+s11+$0x0], $0xffff  }
0x2be: {  	s3 =	sadd.s32 $0x10, s3  }
0x2bf: {  	v12 =	vld [tilespmem:s3+$0x0];
	_ =	sdelay $0x1  }
0x2c0: {  	v11 =	vsub.s32 v11, v0  }
0x2c1: {  	v9 =	vmul.f32 v10, v9;
	v13 =	vmul.u32 $0x2800, v11  }
0x2c2: {  	v10 =	vor.u32 s4, v7  }
0x2c3: {  	vm0 =	vlt.u32 v11, $0x40;
	v9 =	vmul.f32 v9, v12;
	v8 =	vadd.s32 v8, v13  }
0x2c4: {  	s2 =	sadd.s32 $0x10, s2;
	v8 =	vsel vm0, v8, v10  }
0x2c5: {  	s0 =	sadd.s32 $0x10, s0;
	[tilespmem:s2+$0x0] =	vst v8;
	v8 =	vnsel vm0, $0x0, v9  }
0x2c6: {  	s18 =	simm.s32 $0x80;
	s19 =	rddreg [dreg:$0x4];
	[tilespmem:s0+$0x0] =	vst v8  }
0x2c7: {  	[spmem:s19] =	stream.indirect.scatter.add.f32 [tilespmem:s21], [sflag:$0x1], $0x1, s20, s18, $0xb8;
	[tilespmem:$0x1C498] =	vst v63  }
0x2c8: {  	s20 =	simm.s32 $0x2800;
	v8 =	vld [tilespmem:s18+$0x0]  }
0x2c9: {  	v9 =	vld [tilespmem:s20+$0x0];
	_ =	sdelay $0x6  }
0x2ca: {  	v10 =	vld.idx.msk [tilespmem:v8+s11+$0x0], $0xffff  }
0x2cb: {  	v11 =	vld.idx.msk [tilespmem:v9+s31+$0x0], $0xffff  }
0x2cc: {  	v9 =	vld.idx.msk [tilespmem:v9+s11+$0x0], $0xffff  }
0x2cd: {  	s2 =	simm.s32 $0x4F80  }
0x2ce: {  	v62 =	vld [tilespmem:s2+$0x0];
	_ =	sdelay $0x1  }
0x2cf: {  	v11 =	vsub.s32 v11, v0  }
0x2d0: {  	s21 =	simm.s32 $0x0;
	v9 =	vmul.f32 v10, v9;
	v63 =	vmul.u32 $0x2800, v11  }
0x2d1: {  	v10 =	vor.u32 s21, v7  }
0x2d2: {  	vm15 =	vlt.u32 v11, $0x40;
	v9 =	vmul.f32 v9, v62;
	v8 =	vadd.s32 v8, v63  }
0x2d3: {  	s3 =	simm.s32 $0xF680;
	v8 =	vsel vm15, v8, v10  }
0x2d4: {  	s0 =	simm.s32 $0xF980;
	[tilespmem:s3+$0x0] =	vst v8;
	v8 =	vnsel vm15, $0x0, v9  }
0x2d5: {  	s5 =	simm.s32 $0x90;
	[tilespmem:s0+$0x0] =	vst v8  }
0x2d6: {  	s6 =	simm.s32 $0x2810;
	v8 =	vld [tilespmem:s5+$0x0]  }
0x2d7: {  	s7 =	simm.s32 $0x20;
	v9 =	vld [tilespmem:s6+$0x0]  }
0x2d8: {  	s8 =	simm.s32 $0xF880;
	s9 =	simm.s32 $0xFB80;
	s4 =	simm.s32 $0x10  }
.LBB2_20:
0x2d9: {  	p1 =	sne.s32 s7, $0x70;
	_ =	sdelay $0x4  }
0x2da: {  	v10 =	vld.idx.msk [tilespmem:v8+s11+$0x0], $0xffff  }
0x2db: {  	v11 =	vld.idx.msk [tilespmem:v9+s31+$0x0], $0xffff  }
0x2dc: {  	v9 =	vld.idx.msk [tilespmem:v9+s11+$0x0], $0xffff;
	_ =	sdelay $0x1  }
0x2dd: {  	s2 =	sadd.s32 $0x10, s2  }
0x2de: {  	v12 =	vld [tilespmem:s2+$0x0];
	_ =	sdelay $0x1  }
0x2df: {  	v11 =	vsub.s32 v11, v0  }
0x2e0: {  	v13 =	vmul.u32 $0x2800, v11;
	v9 =	vmul.f32 v10, v9  }
0x2e1: {  	v10 =	vor.u32 s4, v7;
	s4 =	smov.u32 s7  }
0x2e2: {  	vm0 =	vlt.u32 v11, $0x40;
	v8 =	vadd.s32 v8, v13;
	v9 =	vmul.f32 v9, v12  }
0x2e3: {  	s3 =	sadd.s32 $0x10, s3;
	v8 =	vsel vm0, v8, v10  }
.Ltmp9:
0x2e4: {  	s0 =	sadd.s32 $0x10, s0;
	[tilespmem:s3+$0x0] =	vst v8;
	v8 =	vnsel vm0, $0x0, v9;
	(pc) =	sbr.rel @p1 .LBB2_20-.Ltmp9, $4  }
0x2e5: {  	s5 =	sadd.s32 $0x10, s5;
	[tilespmem:s0+$0x0] =	vst v8  }
0x2e6: {  	s6 =	sadd.s32 $0x10, s6;
	v8 =	vld [tilespmem:s5+$0x0]  }
0x2e7: {  	v9 =	vld [tilespmem:s6+$0x0]  }
0x2e8: {  	s7 =	sadd.s32 $0x10, s7  }
0x2e9: {  	_ =	sdelay $0x5  }
0x2ea: {  	v10 =	vld.idx.msk [tilespmem:v8+s11+$0x0], $0xffff  }
0x2eb: {  	v11 =	vld.idx.msk [tilespmem:v9+s31+$0x0], $0xffff  }
0x2ec: {  	v9 =	vld.idx.msk [tilespmem:v9+s11+$0x0], $0xffff  }
0x2ed: {  	s2 =	sadd.s32 $0x10, s2  }
0x2ee: {  	v12 =	vld [tilespmem:s2+$0x0];
	_ =	sdelay $0x1  }
0x2ef: {  	v11 =	vsub.s32 v11, v0  }
0x2f0: {  	v9 =	vmul.f32 v10, v9;
	v13 =	vmul.u32 $0x2800, v11  }
0x2f1: {  	v10 =	vor.u32 s4, v7  }
0x2f2: {  	vm0 =	vlt.u32 v11, $0x40;
	v9 =	vmul.f32 v9, v12;
	v8 =	vadd.s32 v8, v13  }
0x2f3: {  	s19 =	sadd.s32 $0x10, s3;
	v8 =	vsel vm0, v8, v10  }
0x2f4: {  	s0 =	sadd.s32 $0x10, s0;
	[tilespmem:s19+$0x0] =	vst v8;
	v8 =	vnsel vm0, $0x0, v9  }
0x2f5: {  	s20 =	rddreg [dreg:$0x4];
	s21 =	simm.s32 $0x100;
	[tilespmem:s0+$0x0] =	vst v8  }
0x2f6: {  	[spmem:s20] =	stream.indirect.scatter.add.f32 [tilespmem:s23], [sflag:$0x2], $0x1, s22, s29, $0xb8;
	[tilespmem:$0x1C498] =	vst v63  }
0x2f7: {  	s22 =	simm.s32 $0x2880;
	v8 =	vld [tilespmem:s21+$0x0]  }
0x2f8: {  	v9 =	vld [tilespmem:s22+$0x0];
	_ =	sdelay $0x6  }
0x2f9: {  	v10 =	vld.idx.msk [tilespmem:v8+s11+$0x0], $0xffff  }
0x2fa: {  	v11 =	vld.idx.msk [tilespmem:v9+s31+$0x0], $0xffff  }
0x2fb: {  	v9 =	vld.idx.msk [tilespmem:v9+s11+$0x0], $0xffff  }
0x2fc: {  	s2 =	simm.s32 $0x5000  }
0x2fd: {  	v62 =	vld [tilespmem:s2+$0x0];
	_ =	sdelay $0x1  }
0x2fe: {  	v11 =	vsub.s32 v11, v0  }
0x2ff: {  	s23 =	simm.s32 $0x0;
	v9 =	vmul.f32 v10, v9;
	v63 =	vmul.u32 $0x2800, v11  }
0x300: {  	v10 =	vor.u32 s23, v7  }
0x301: {  	vm15 =	vlt.u32 v11, $0x40;
	v9 =	vmul.f32 v9, v62;
	v8 =	vadd.s32 v8, v63  }
0x302: {  	s3 =	simm.s32 $0xF700;
	v8 =	vsel vm15, v8, v10  }
0x303: {  	s0 =	simm.s32 $0xFA00;
	[tilespmem:s3+$0x0] =	vst v8;
	v8 =	vnsel vm15, $0x0, v9  }
0x304: {  	s5 =	simm.s32 $0x110;
	[tilespmem:s0+$0x0] =	vst v8  }
0x305: {  	s6 =	simm.s32 $0x2890;
	v8 =	vld [tilespmem:s5+$0x0]  }
0x306: {  	v9 =	vld [tilespmem:s6+$0x0]  }
0x307: {  	s7 =	simm.s32 $0x20;
	s4 =	simm.s32 $0x10  }
.LBB2_22:
0x308: {  	p1 =	sne.s32 s7, $0x70;
	_ =	sdelay $0x4  }
0x309: {  	v10 =	vld.idx.msk [tilespmem:v8+s11+$0x0], $0xffff  }
0x30a: {  	v11 =	vld.idx.msk [tilespmem:v9+s31+$0x0], $0xffff  }
0x30b: {  	v9 =	vld.idx.msk [tilespmem:v9+s11+$0x0], $0xffff;
	_ =	sdelay $0x1  }
0x30c: {  	s2 =	sadd.s32 $0x10, s2  }
0x30d: {  	v12 =	vld [tilespmem:s2+$0x0];
	_ =	sdelay $0x1  }
0x30e: {  	v11 =	vsub.s32 v11, v0  }
0x30f: {  	v13 =	vmul.u32 $0x2800, v11;
	v9 =	vmul.f32 v10, v9  }
0x310: {  	v10 =	vor.u32 s4, v7;
	s4 =	smov.u32 s7  }
0x311: {  	vm0 =	vlt.u32 v11, $0x40;
	v8 =	vadd.s32 v8, v13;
	v9 =	vmul.f32 v9, v12  }
0x312: {  	s3 =	sadd.s32 $0x10, s3;
	v8 =	vsel vm0, v8, v10  }
.Ltmp10:
0x313: {  	s0 =	sadd.s32 $0x10, s0;
	[tilespmem:s3+$0x0] =	vst v8;
	v8 =	vnsel vm0, $0x0, v9;
	(pc) =	sbr.rel @p1 .LBB2_22-.Ltmp10, $4  }
0x314: {  	s5 =	sadd.s32 $0x10, s5;
	[tilespmem:s0+$0x0] =	vst v8  }
0x315: {  	s6 =	sadd.s32 $0x10, s6;
	v8 =	vld [tilespmem:s5+$0x0]  }
0x316: {  	v9 =	vld [tilespmem:s6+$0x0]  }
0x317: {  	s7 =	sadd.s32 $0x10, s7  }
0x318: {  	_ =	sdelay $0x5  }
0x319: {  	v10 =	vld.idx.msk [tilespmem:v8+s11+$0x0], $0xffff  }
0x31a: {  	v11 =	vld.idx.msk [tilespmem:v9+s31+$0x0], $0xffff  }
0x31b: {  	v9 =	vld.idx.msk [tilespmem:v9+s11+$0x0], $0xffff  }
0x31c: {  	s2 =	sadd.s32 $0x10, s2  }
0x31d: {  	v12 =	vld [tilespmem:s2+$0x0];
	_ =	sdelay $0x1  }
0x31e: {  	v11 =	vsub.s32 v11, v0  }
0x31f: {  	v9 =	vmul.f32 v10, v9;
	v13 =	vmul.u32 $0x2800, v11  }
0x320: {  	v10 =	vor.u32 s4, v7  }
0x321: {  	vm0 =	vlt.u32 v11, $0x40;
	v9 =	vmul.f32 v9, v12;
	v8 =	vadd.s32 v8, v13  }
0x322: {  	s19 =	sadd.s32 $0x10, s3;
	v8 =	vsel vm0, v8, v10  }
0x323: {  	s0 =	sadd.s32 $0x10, s0;
	[tilespmem:s19+$0x0] =	vst v8;
	v8 =	vnsel vm0, $0x0, v9  }
0x324: {  	s20 =	rddreg [dreg:$0x4];
	s21 =	simm.s32 $0xFA00;
	s22 =	simm.s32 $0x180;
	[tilespmem:s0+$0x0] =	vst v8  }
0x325: {  	[spmem:s20] =	stream.indirect.scatter.add.f32 [tilespmem:s21], [sflag:$0x3], $0x1, s30, s29, $0xb8;
	[tilespmem:$0x1C498] =	vst v63  }
0x326: {  	s23 =	simm.s32 $0x2900;
	v8 =	vld [tilespmem:s22+$0x0]  }
0x327: {  	v9 =	vld [tilespmem:s23+$0x0];
	_ =	sdelay $0x6  }
0x328: {  	v10 =	vld.idx.msk [tilespmem:v8+s11+$0x0], $0xffff  }
0x329: {  	v11 =	vld.idx.msk [tilespmem:v9+s31+$0x0], $0xffff  }
0x32a: {  	v9 =	vld.idx.msk [tilespmem:v9+s11+$0x0], $0xffff  }
0x32b: {  	s2 =	simm.s32 $0x5080  }
0x32c: {  	v62 =	vld [tilespmem:s2+$0x0];
	_ =	sdelay $0x1  }
0x32d: {  	v11 =	vsub.s32 v11, v0  }
0x32e: {  	s30 =	simm.s32 $0x0;
	v9 =	vmul.f32 v10, v9;
	v63 =	vmul.u32 $0x2800, v11  }
0x32f: {  	v10 =	vor.u32 s30, v7  }
0x330: {  	vm15 =	vlt.u32 v11, $0x40;
	v9 =	vmul.f32 v9, v62;
	v8 =	vadd.s32 v8, v63  }
0x331: {  	s3 =	simm.s32 $0xF780;
	v8 =	vsel vm15, v8, v10  }
0x332: {  	s0 =	simm.s32 $0xFA80;
	[tilespmem:s3+$0x0] =	vst v8;
	v8 =	vnsel vm15, $0x0, v9  }
0x333: {  	s5 =	simm.s32 $0x190;
	[tilespmem:s0+$0x0] =	vst v8  }
0x334: {  	s6 =	simm.s32 $0x2910;
	v8 =	vld [tilespmem:s5+$0x0]  }
0x335: {  	v9 =	vld [tilespmem:s6+$0x0]  }
0x336: {  	s7 =	simm.s32 $0x20;
	s4 =	simm.s32 $0x10  }
.LBB2_24:
0x337: {  	p1 =	sne.s32 s7, $0x70;
	_ =	sdelay $0x4  }
0x338: {  	v10 =	vld.idx.msk [tilespmem:v8+s11+$0x0], $0xffff  }
0x339: {  	v11 =	vld.idx.msk [tilespmem:v9+s31+$0x0], $0xffff  }
0x33a: {  	v9 =	vld.idx.msk [tilespmem:v9+s11+$0x0], $0xffff;
	_ =	sdelay $0x1  }
0x33b: {  	s2 =	sadd.s32 $0x10, s2  }
0x33c: {  	v12 =	vld [tilespmem:s2+$0x0];
	_ =	sdelay $0x1  }
0x33d: {  	v11 =	vsub.s32 v11, v0  }
0x33e: {  	v13 =	vmul.u32 $0x2800, v11;
	v9 =	vmul.f32 v10, v9  }
0x33f: {  	v10 =	vor.u32 s4, v7;
	s4 =	smov.u32 s7  }
0x340: {  	vm0 =	vlt.u32 v11, $0x40;
	v8 =	vadd.s32 v8, v13;
	v9 =	vmul.f32 v9, v12  }
0x341: {  	s3 =	sadd.s32 $0x10, s3;
	v8 =	vsel vm0, v8, v10  }
.Ltmp11:
0x342: {  	s0 =	sadd.s32 $0x10, s0;
	[tilespmem:s3+$0x0] =	vst v8;
	v8 =	vnsel vm0, $0x0, v9;
	(pc) =	sbr.rel @p1 .LBB2_24-.Ltmp11, $4  }
0x343: {  	s5 =	sadd.s32 $0x10, s5;
	[tilespmem:s0+$0x0] =	vst v8  }
0x344: {  	s6 =	sadd.s32 $0x10, s6;
	v8 =	vld [tilespmem:s5+$0x0]  }
0x345: {  	v9 =	vld [tilespmem:s6+$0x0]  }
0x346: {  	s7 =	sadd.s32 $0x10, s7  }
0x347: {  	_ =	sdelay $0x5  }
0x348: {  	v10 =	vld.idx.msk [tilespmem:v8+s11+$0x0], $0xffff  }
0x349: {  	v11 =	vld.idx.msk [tilespmem:v9+s31+$0x0], $0xffff  }
0x34a: {  	v9 =	vld.idx.msk [tilespmem:v9+s11+$0x0], $0xffff  }
0x34b: {  	s2 =	sadd.s32 $0x10, s2  }
0x34c: {  	v12 =	vld [tilespmem:s2+$0x0];
	_ =	sdelay $0x1  }
0x34d: {  	v11 =	vsub.s32 v11, v0  }
0x34e: {  	v9 =	vmul.f32 v10, v9;
	v13 =	vmul.u32 $0x2800, v11  }
0x34f: {  	v10 =	vor.u32 s4, v7  }
0x350: {  	vm0 =	vlt.u32 v11, $0x40;
	v9 =	vmul.f32 v9, v12;
	v8 =	vadd.s32 v8, v13  }
0x351: {  	s18 =	sadd.s32 $0x10, s3;
	v8 =	vsel vm0, v8, v10  }
0x352: {  	s0 =	sadd.s32 $0x10, s0;
	s19 =	rddreg [dreg:$0x4];
	[tilespmem:s18+$0x0] =	vst v8;
	v8 =	vnsel vm0, $0x0, v9  }
0x353: {  	s20 =	simm.s32 $0xF780;
	s21 =	simm.s32 $0xFA80;
	s22 =	simm.s32 $0x200;
	[tilespmem:s0+$0x0] =	vst v8  }
0x354: {  	[spmem:s19] =	stream.indirect.scatter.add.f32 [tilespmem:s21], [sflag:$0x4], $0x1, s20, s29, $0xb8;
	[tilespmem:$0x1C498] =	vst v63  }
0x355: {  	s23 =	simm.s32 $0x2980;
	v8 =	vld [tilespmem:s22+$0x0]  }
0x356: {  	v9 =	vld [tilespmem:s23+$0x0];
	_ =	sdelay $0x6  }
0x357: {  	v10 =	vld.idx.msk [tilespmem:v8+s11+$0x0], $0xffff  }
0x358: {  	v11 =	vld.idx.msk [tilespmem:v9+s31+$0x0], $0xffff  }
0x359: {  	v9 =	vld.idx.msk [tilespmem:v9+s11+$0x0], $0xffff  }
0x35a: {  	s2 =	simm.s32 $0x5100  }
0x35b: {  	v62 =	vld [tilespmem:s2+$0x0];
	_ =	sdelay $0x1  }
0x35c: {  	v11 =	vsub.s32 v11, v0  }
0x35d: {  	s30 =	simm.s32 $0x0;
	v9 =	vmul.f32 v10, v9;
	v63 =	vmul.u32 $0x2800, v11  }
0x35e: {  	v10 =	vor.u32 s30, v7  }
0x35f: {  	vm15 =	vlt.u32 v11, $0x40;
	v9 =	vmul.f32 v9, v62;
	v8 =	vadd.s32 v8, v63  }
0x360: {  	s3 =	simm.s32 $0xF800;
	v8 =	vsel vm15, v8, v10  }
0x361: {  	s0 =	simm.s32 $0xFB00;
	[tilespmem:s3+$0x0] =	vst v8;
	v8 =	vnsel vm15, $0x0, v9  }
0x362: {  	s5 =	simm.s32 $0x210;
	[tilespmem:s0+$0x0] =	vst v8  }
0x363: {  	s6 =	simm.s32 $0x2990;
	v8 =	vld [tilespmem:s5+$0x0]  }
0x364: {  	v9 =	vld [tilespmem:s6+$0x0]  }
0x365: {  	s7 =	simm.s32 $0x20;
	s4 =	simm.s32 $0x10  }
.LBB2_26:
0x366: {  	p1 =	sne.s32 s7, $0x70;
	_ =	sdelay $0x4  }
0x367: {  	v10 =	vld.idx.msk [tilespmem:v8+s11+$0x0], $0xffff  }
0x368: {  	v11 =	vld.idx.msk [tilespmem:v9+s31+$0x0], $0xffff  }
0x369: {  	v9 =	vld.idx.msk [tilespmem:v9+s11+$0x0], $0xffff;
	_ =	sdelay $0x1  }
0x36a: {  	s2 =	sadd.s32 $0x10, s2  }
0x36b: {  	v12 =	vld [tilespmem:s2+$0x0];
	_ =	sdelay $0x1  }
0x36c: {  	v11 =	vsub.s32 v11, v0  }
0x36d: {  	v13 =	vmul.u32 $0x2800, v11;
	v9 =	vmul.f32 v10, v9  }
0x36e: {  	v10 =	vor.u32 s4, v7;
	s4 =	smov.u32 s7  }
0x36f: {  	vm0 =	vlt.u32 v11, $0x40;
	v8 =	vadd.s32 v8, v13;
	v9 =	vmul.f32 v9, v12  }
0x370: {  	s3 =	sadd.s32 $0x10, s3;
	v8 =	vsel vm0, v8, v10  }
.Ltmp12:
0x371: {  	s0 =	sadd.s32 $0x10, s0;
	[tilespmem:s3+$0x0] =	vst v8;
	v8 =	vnsel vm0, $0x0, v9;
	(pc) =	sbr.rel @p1 .LBB2_26-.Ltmp12, $4  }
0x372: {  	s5 =	sadd.s32 $0x10, s5;
	[tilespmem:s0+$0x0] =	vst v8  }
0x373: {  	s6 =	sadd.s32 $0x10, s6;
	v8 =	vld [tilespmem:s5+$0x0]  }
0x374: {  	v9 =	vld [tilespmem:s6+$0x0]  }
0x375: {  	s7 =	sadd.s32 $0x10, s7  }
0x376: {  	_ =	sdelay $0x5  }
0x377: {  	v10 =	vld.idx.msk [tilespmem:v8+s11+$0x0], $0xffff  }
0x378: {  	v11 =	vld.idx.msk [tilespmem:v9+s31+$0x0], $0xffff  }
0x379: {  	v9 =	vld.idx.msk [tilespmem:v9+s11+$0x0], $0xffff  }
0x37a: {  	s2 =	sadd.s32 $0x10, s2  }
0x37b: {  	v12 =	vld [tilespmem:s2+$0x0];
	_ =	sdelay $0x1  }
0x37c: {  	v11 =	vsub.s32 v11, v0  }
0x37d: {  	v9 =	vmul.f32 v10, v9;
	v13 =	vmul.u32 $0x2800, v11  }
0x37e: {  	v10 =	vor.u32 s4, v7  }
0x37f: {  	vm0 =	vlt.u32 v11, $0x40;
	v9 =	vmul.f32 v9, v12;
	v8 =	vadd.s32 v8, v13  }
0x380: {  	s19 =	sadd.s32 $0x10, s3;
	v8 =	vsel vm0, v8, v10  }
0x381: {  	s0 =	sadd.s32 $0x10, s0;
	[tilespmem:s19+$0x0] =	vst v8;
	v8 =	vnsel vm0, $0x0, v9  }
0x382: {  	s20 =	rddreg [dreg:$0x4];
	s21 =	simm.s32 $0xF800;
	s22 =	simm.s32 $0x280;
	[tilespmem:s0+$0x0] =	vst v8  }
0x383: {  	[spmem:s20] =	stream.indirect.scatter.add.f32 [tilespmem:s13], [sflag:$0x7], $0x1, s21, s29, $0xb8;
	[tilespmem:$0x1C498] =	vst v63  }
0x384: {  	s23 =	simm.s32 $0x2A00;
	v8 =	vld [tilespmem:s22+$0x0]  }
0x385: {  	v9 =	vld [tilespmem:s23+$0x0];
	_ =	sdelay $0x6  }
0x386: {  	v10 =	vld.idx.msk [tilespmem:v8+s11+$0x0], $0xffff  }
0x387: {  	v11 =	vld.idx.msk [tilespmem:v9+s31+$0x0], $0xffff  }
0x388: {  	v9 =	vld.idx.msk [tilespmem:v9+s11+$0x0], $0xffff  }
0x389: {  	s2 =	simm.s32 $0x5180  }
0x38a: {  	v62 =	vld [tilespmem:s2+$0x0];
	_ =	sdelay $0x1  }
0x38b: {  	v11 =	vsub.s32 v11, v0  }
0x38c: {  	s30 =	simm.s32 $0x0;
	v9 =	vmul.f32 v10, v9;
	v63 =	vmul.u32 $0x2800, v11  }
0x38d: {  	v10 =	vor.u32 s30, v7  }
0x38e: {  	vm15 =	vlt.u32 v11, $0x40;
	v9 =	vmul.f32 v9, v62;
	v8 =	vadd.s32 v8, v63  }
0x38f: {  	s3 =	simm.s32 $0xF880;
	v8 =	vsel vm15, v8, v10  }
0x390: {  	s0 =	simm.s32 $0xFB80;
	[tilespmem:s3+$0x0] =	vst v8;
	v8 =	vnsel vm15, $0x0, v9  }
0x391: {  	s5 =	simm.s32 $0x290;
	[tilespmem:s0+$0x0] =	vst v8  }
0x392: {  	s6 =	simm.s32 $0x2A10;
	v8 =	vld [tilespmem:s5+$0x0]  }
0x393: {  	v9 =	vld [tilespmem:s6+$0x0]  }
0x394: {  	s7 =	simm.s32 $0x20;
	s4 =	simm.s32 $0x10  }
.LBB2_28:
0x395: {  	p1 =	sne.s32 s7, $0x70;
	_ =	sdelay $0x4  }
0x396: {  	v10 =	vld.idx.msk [tilespmem:v8+s11+$0x0], $0xffff  }
0x397: {  	v11 =	vld.idx.msk [tilespmem:v9+s31+$0x0], $0xffff  }
0x398: {  	v9 =	vld.idx.msk [tilespmem:v9+s11+$0x0], $0xffff;
	_ =	sdelay $0x1  }
0x399: {  	s2 =	sadd.s32 $0x10, s2  }
0x39a: {  	v12 =	vld [tilespmem:s2+$0x0];
	_ =	sdelay $0x1  }
0x39b: {  	v11 =	vsub.s32 v11, v0  }
0x39c: {  	v13 =	vmul.u32 $0x2800, v11;
	v9 =	vmul.f32 v10, v9  }
0x39d: {  	v10 =	vor.u32 s4, v7;
	s4 =	smov.u32 s7  }
0x39e: {  	vm0 =	vlt.u32 v11, $0x40;
	v8 =	vadd.s32 v8, v13;
	v9 =	vmul.f32 v9, v12  }
0x39f: {  	s3 =	sadd.s32 $0x10, s3;
	v8 =	vsel vm0, v8, v10  }
.Ltmp13:
0x3a0: {  	s0 =	sadd.s32 $0x10, s0;
	[tilespmem:s3+$0x0] =	vst v8;
	v8 =	vnsel vm0, $0x0, v9;
	(pc) =	sbr.rel @p1 .LBB2_28-.Ltmp13, $4  }
0x3a1: {  	s5 =	sadd.s32 $0x10, s5;
	[tilespmem:s0+$0x0] =	vst v8  }
0x3a2: {  	s6 =	sadd.s32 $0x10, s6;
	v8 =	vld [tilespmem:s5+$0x0]  }
0x3a3: {  	v9 =	vld [tilespmem:s6+$0x0]  }
0x3a4: {  	s7 =	sadd.s32 $0x10, s7  }
0x3a5: {  	_ =	sdelay $0x5  }
0x3a6: {  	v10 =	vld.idx.msk [tilespmem:v8+s11+$0x0], $0xffff  }
0x3a7: {  	v11 =	vld.idx.msk [tilespmem:v9+s31+$0x0], $0xffff  }
0x3a8: {  	v62 =	vld.idx.msk [tilespmem:v9+s11+$0x0], $0xffff  }
0x3a9: {  	s2 =	sadd.s32 $0x10, s2  }
0x3aa: {  	v12 =	vld [tilespmem:s2+$0x0];
	_ =	sdelay $0x1  }
0x3ab: {  	s22 =	sadd.s32 $0x10, s3;
	v11 =	vsub.s32 v11, v0  }
0x3ac: {  	s0 =	sadd.s32 $0x10, s0;
	s23 =	rddreg [dreg:$0x4];
	s17 =	simm.s32 $0x300;
	v9 =	vmul.f32 v10, v62;
	v13 =	vmul.u32 $0x2800, v11  }
0x3ad: {  	v63 =	vor.u32 s4, v7;
	s15 =	simm.s32 $0x5280;
	s16 =	simm.s32 $0x2B00;
	s18 =	simm.s32 $0x380  }
0x3ae: {  	s19 =	simm.s32 $0x5300;
	s20 =	simm.s32 $0x2B80;
	s21 =	simm.s32 $0x400;
	vm0 =	vlt.u32 v11, $0x40;
	v9 =	vmul.f32 v9, v12;
	v8 =	vadd.s32 v8, v13  }
0x3af: {  	s7 =	simm.s32 $0x480;
	s4 =	simm.s32 $0x2C80;
	s3 =	simm.s32 $0x500;
	v8 =	vsel vm0, v8, v63  }
0x3b0: {  	s13 =	simm.s32 $0x2D00;
	s30 =	simm.s32 $0x580;
	s5 =	simm.s32 $0x0;
	[tilespmem:s22+$0x0] =	vst v8;
	v8 =	vnsel vm0, $0x0, v9  }
0x3b1: {  	s2 =	simm.s32 $0x5480;
	s22 =	simm.s32 $0x5380;
	[tilespmem:s0+$0x0] =	vst v8;
	s0 =	simm.s32 $0x5200  }
0x3b2: {  	[spmem:s23] =	stream.indirect.scatter.add.f32 [tilespmem:s9], [sflag:$0x8], $0x1, s8, s29, $0xb8;
	[tilespmem:$0x1C498] =	vst v63  }
0x3b3: {  	s8 =	simm.s32 $0x2A80;
	s23 =	simm.s32 $0x2C00;
	s9 =	simm.s32 $0x5400  }
.LBB2_30:
0x3b4: {  	v8 =	vmov s17  }
0x3b5: {  	v9 =	vmov s8  }
0x3b6: {  	_ =	swait.ge [sflag:s10], $0x80  }
0x3b7: {  	[sflag:s10] =	ssyncset.done $0x0  }
0x3b8: {  	s6 =	simm.s32 $0x0;
	[sflag:s10] =	ssyncadd.s32 $0xFFFFFF80  }
0x3b9: {  	v11 =	vld.idx.msk [tilespmem:v8+s6+$0x0 ss:$0x1], $0xffff  }
0x3ba: {  	v12 =	vld.idx.msk [tilespmem:v9+s6+$0x0 ss:$0x1], $0xffff;
	_ =	sdelay $0x4  }
0x3bb: {  	v10 =	vmov s0;
	_ =	sdelay $0x1  }
0x3bc: {  	v13 =	vld.idx.msk [tilespmem:v11+s11+$0x0], $0xffff  }
0x3bd: {  	v14 =	vld.idx.msk [tilespmem:v12+s11+$0x0], $0xffff  }
0x3be: {  	v12 =	vld.idx.msk [tilespmem:v12+s31+$0x0], $0xffff  }
0x3bf: {  	v15 =	vld.idx.msk [tilespmem:v10+s6+$0x0 ss:$0x1], $0xffff;
	_ =	sdelay $0x2  }
0x3c0: {  	s14 =	simm.s32 $0x0;
	v14 =	vmul.f32 v13, v14  }
0x3c1: {  	v13 =	vsub.s32 v12, v0;
	v12 =	vor.u32 s14, v7  }
0x3c2: {  	s29 =	simm.s32 $0x0;
	s10 =	simm.s32 $0x40;
	vm0 =	vlt.u32 v13, $0x40;
	v13 =	vmul.u32 $0x2800, v13;
	v14 =	vmul.f32 v14, v15  }
.LBB2_31:
0x3c3: {  	p1 =	sne.s32 s10, $0x1C0  }
0x3c4: {  	s29 =	sadd.s32 $0x10, s29;
	s14 =	smov.u32 s10;
	s10 =	sadd.s32 $0x40, s10;
	v11 =	vadd.s32 v11, v13;
	v13 =	vnsel vm0, $0x0, v14  }
0x3c5: {  	v11 =	vsel vm0, v11, v12;
	[tilespmem:s6+$0xF900] =	vst v13  }
0x3c6: {  	[tilespmem:s6+$0xF600] =	vst v11;
	s6 =	sshra.s32 s14, $0x2  }
0x3c7: {  	v11 =	vld.idx.msk [tilespmem:v8+s6+$0x0 ss:$0x1], $0xffff  }
0x3c8: {  	v12 =	vld.idx.msk [tilespmem:v9+s6+$0x0 ss:$0x1], $0xffff;
	_ =	sdelay $0x5  }
0x3c9: {  	v14 =	vld.idx.msk [tilespmem:v10+s6+$0x0 ss:$0x1], $0xffff  }
0x3ca: {  	v13 =	vld.idx.msk [tilespmem:v11+s11+$0x0], $0xffff  }
0x3cb: {  	v15 =	vld.idx.msk [tilespmem:v12+s11+$0x0], $0xffff  }
0x3cc: {  	v12 =	vld.idx.msk [tilespmem:v12+s31+$0x0], $0xffff;
	_ =	sdelay $0x2  }
.Ltmp14:
0x3cd: {  	(pc) =	sbr.rel @p1 .LBB2_31-.Ltmp14, $4  }
0x3ce: {  	_ = 	snop  }
0x3cf: {  	v15 =	vmul.f32 v13, v15  }
0x3d0: {  	v13 =	vsub.s32 v12, v0;
	v12 =	vor.u32 s29, v7  }
0x3d1: {  	vm0 =	vlt.u32 v13, $0x40;
	v13 =	vmul.u32 $0x2800, v13;
	v14 =	vmul.f32 v15, v14  }
0x3d2: {  	_ = 	snop  }
0x3d3: {  	v8 =	vadd.s32 v11, v13;
	v9 =	vnsel vm0, $0x0, v14  }
0x3d4: {  	s10 =	simm.s32 $0x80;
	v8 =	vsel vm0, v8, v12;
	[tilespmem:s6+$0xF900] =	vst v9  }
0x3d5: {  	s14 =	simm.s32 $0xF600;
	s29 =	simm.s32 $0xF900;
	[tilespmem:s6+$0xF600] =	vst v8;
	s6 =	rddreg [dreg:$0x4]  }
0x3d6: {  	v8 =	vmov s18;
	[spmem:s6] =	stream.indirect.scatter.add.f32 [tilespmem:s29], [sflag:$0x1], $0x1, s14, s10, $0xb8;
	[tilespmem:$0x1C498] =	vst v63  }
0x3d7: {  	v9 =	vmov s16;
	s14 =	simm.s32 $0x2  }
0x3d8: {  	_ =	swait.ge [sflag:s14], $0x80  }
0x3d9: {  	[sflag:s14] =	ssyncset.done $0x0  }
0x3da: {  	s6 =	simm.s32 $0x0;
	[sflag:s14] =	ssyncadd.s32 $0xFFFFFF80  }
0x3db: {  	v11 =	vld.idx.msk [tilespmem:v8+s6+$0x0 ss:$0x1], $0xffff  }
0x3dc: {  	v12 =	vld.idx.msk [tilespmem:v9+s6+$0x0 ss:$0x1], $0xffff;
	_ =	sdelay $0x4  }
0x3dd: {  	v10 =	vmov s15;
	_ =	sdelay $0x1  }
0x3de: {  	v13 =	vld.idx.msk [tilespmem:v11+s11+$0x0], $0xffff  }
0x3df: {  	v14 =	vld.idx.msk [tilespmem:v12+s11+$0x0], $0xffff  }
0x3e0: {  	v12 =	vld.idx.msk [tilespmem:v12+s31+$0x0], $0xffff  }
0x3e1: {  	v15 =	vld.idx.msk [tilespmem:v10+s6+$0x0 ss:$0x1], $0xffff;
	_ =	sdelay $0x2  }
0x3e2: {  	s10 =	simm.s32 $0x0;
	v14 =	vmul.f32 v13, v14  }
0x3e3: {  	v13 =	vsub.s32 v12, v0;
	v12 =	vor.u32 s10, v7  }
0x3e4: {  	s29 =	simm.s32 $0x40;
	vm0 =	vlt.u32 v13, $0x40;
	v13 =	vmul.u32 $0x2800, v13;
	v14 =	vmul.f32 v14, v15  }
.LBB2_33:
0x3e5: {  	p1 =	sne.s32 s29, $0x1C0  }
0x3e6: {  	s10 =	sadd.s32 $0x10, s10;
	s14 =	smov.u32 s29;
	s29 =	sadd.s32 $0x40, s29;
	v11 =	vadd.s32 v11, v13;
	v13 =	vnsel vm0, $0x0, v14  }
0x3e7: {  	v11 =	vsel vm0, v11, v12;
	[tilespmem:s6+$0xF980] =	vst v13  }
0x3e8: {  	[tilespmem:s6+$0xF680] =	vst v11;
	s6 =	sshra.s32 s14, $0x2  }
0x3e9: {  	v11 =	vld.idx.msk [tilespmem:v8+s6+$0x0 ss:$0x1], $0xffff  }
0x3ea: {  	v12 =	vld.idx.msk [tilespmem:v9+s6+$0x0 ss:$0x1], $0xffff;
	_ =	sdelay $0x5  }
0x3eb: {  	v14 =	vld.idx.msk [tilespmem:v10+s6+$0x0 ss:$0x1], $0xffff  }
0x3ec: {  	v13 =	vld.idx.msk [tilespmem:v11+s11+$0x0], $0xffff  }
0x3ed: {  	v15 =	vld.idx.msk [tilespmem:v12+s11+$0x0], $0xffff  }
0x3ee: {  	v12 =	vld.idx.msk [tilespmem:v12+s31+$0x0], $0xffff;
	_ =	sdelay $0x2  }
.Ltmp15:
0x3ef: {  	(pc) =	sbr.rel @p1 .LBB2_33-.Ltmp15, $4  }
0x3f0: {  	_ = 	snop  }
0x3f1: {  	v15 =	vmul.f32 v13, v15  }
0x3f2: {  	v13 =	vsub.s32 v12, v0;
	v12 =	vor.u32 s10, v7  }
0x3f3: {  	vm0 =	vlt.u32 v13, $0x40;
	v13 =	vmul.u32 $0x2800, v13;
	v14 =	vmul.f32 v15, v14  }
0x3f4: {  	_ = 	snop  }
0x3f5: {  	v8 =	vadd.s32 v11, v13;
	v9 =	vnsel vm0, $0x0, v14  }
0x3f6: {  	s10 =	simm.s32 $0x80;
	v8 =	vsel vm0, v8, v12;
	[tilespmem:s6+$0xF980] =	vst v9  }
0x3f7: {  	s14 =	simm.s32 $0xF680;
	s29 =	simm.s32 $0xF980;
	[tilespmem:s6+$0xF680] =	vst v8;
	s6 =	rddreg [dreg:$0x4]  }
0x3f8: {  	v8 =	vmov s21;
	[spmem:s6] =	stream.indirect.scatter.add.f32 [tilespmem:s29], [sflag:$0x2], $0x1, s14, s10, $0xb8;
	[tilespmem:$0x1C498] =	vst v63  }
0x3f9: {  	v9 =	vmov s20;
	s14 =	simm.s32 $0x3  }
0x3fa: {  	_ =	swait.ge [sflag:s14], $0x80  }
0x3fb: {  	[sflag:s14] =	ssyncset.done $0x0  }
0x3fc: {  	s6 =	simm.s32 $0x0;
	[sflag:s14] =	ssyncadd.s32 $0xFFFFFF80  }
0x3fd: {  	v11 =	vld.idx.msk [tilespmem:v8+s6+$0x0 ss:$0x1], $0xffff  }
0x3fe: {  	v12 =	vld.idx.msk [tilespmem:v9+s6+$0x0 ss:$0x1], $0xffff;
	_ =	sdelay $0x4  }
0x3ff: {  	v10 =	vmov s19;
	_ =	sdelay $0x1  }
0x400: {  	v13 =	vld.idx.msk [tilespmem:v11+s11+$0x0], $0xffff  }
0x401: {  	v14 =	vld.idx.msk [tilespmem:v12+s11+$0x0], $0xffff  }
0x402: {  	v12 =	vld.idx.msk [tilespmem:v12+s31+$0x0], $0xffff  }
0x403: {  	v15 =	vld.idx.msk [tilespmem:v10+s6+$0x0 ss:$0x1], $0xffff;
	_ =	sdelay $0x2  }
0x404: {  	s10 =	simm.s32 $0x0;
	v14 =	vmul.f32 v13, v14  }
0x405: {  	v13 =	vsub.s32 v12, v0;
	v12 =	vor.u32 s10, v7  }
0x406: {  	s29 =	simm.s32 $0x40;
	vm0 =	vlt.u32 v13, $0x40;
	v13 =	vmul.u32 $0x2800, v13;
	v14 =	vmul.f32 v14, v15  }
.LBB2_35:
0x407: {  	p1 =	sne.s32 s29, $0x1C0  }
0x408: {  	s10 =	sadd.s32 $0x10, s10;
	s14 =	smov.u32 s29;
	s29 =	sadd.s32 $0x40, s29;
	v11 =	vadd.s32 v11, v13;
	v13 =	vnsel vm0, $0x0, v14  }
0x409: {  	v11 =	vsel vm0, v11, v12;
	[tilespmem:s6+$0xFA00] =	vst v13  }
0x40a: {  	[tilespmem:s6+$0xF700] =	vst v11;
	s6 =	sshra.s32 s14, $0x2  }
0x40b: {  	v11 =	vld.idx.msk [tilespmem:v8+s6+$0x0 ss:$0x1], $0xffff  }
0x40c: {  	v12 =	vld.idx.msk [tilespmem:v9+s6+$0x0 ss:$0x1], $0xffff;
	_ =	sdelay $0x5  }
0x40d: {  	v14 =	vld.idx.msk [tilespmem:v10+s6+$0x0 ss:$0x1], $0xffff  }
0x40e: {  	v13 =	vld.idx.msk [tilespmem:v11+s11+$0x0], $0xffff  }
0x40f: {  	v15 =	vld.idx.msk [tilespmem:v12+s11+$0x0], $0xffff  }
0x410: {  	v12 =	vld.idx.msk [tilespmem:v12+s31+$0x0], $0xffff;
	_ =	sdelay $0x2  }
.Ltmp16:
0x411: {  	(pc) =	sbr.rel @p1 .LBB2_35-.Ltmp16, $4  }
0x412: {  	_ = 	snop  }
0x413: {  	v15 =	vmul.f32 v13, v15  }
0x414: {  	v13 =	vsub.s32 v12, v0;
	v12 =	vor.u32 s10, v7  }
0x415: {  	vm0 =	vlt.u32 v13, $0x40;
	v13 =	vmul.u32 $0x2800, v13;
	v14 =	vmul.f32 v15, v14  }
0x416: {  	_ = 	snop  }
0x417: {  	v8 =	vadd.s32 v11, v13;
	v9 =	vnsel vm0, $0x0, v14  }
0x418: {  	s10 =	simm.s32 $0x80;
	v8 =	vsel vm0, v8, v12;
	[tilespmem:s6+$0xFA00] =	vst v9  }
0x419: {  	s14 =	simm.s32 $0xF700;
	s29 =	simm.s32 $0xFA00;
	[tilespmem:s6+$0xF700] =	vst v8;
	s6 =	rddreg [dreg:$0x4]  }
0x41a: {  	v8 =	vmov s7;
	[spmem:s6] =	stream.indirect.scatter.add.f32 [tilespmem:s29], [sflag:$0x3], $0x1, s14, s10, $0xb8;
	[tilespmem:$0x1C498] =	vst v63  }
0x41b: {  	v9 =	vmov s23;
	s14 =	simm.s32 $0x4  }
0x41c: {  	_ =	swait.ge [sflag:s14], $0x80  }
0x41d: {  	[sflag:s14] =	ssyncset.done $0x0  }
0x41e: {  	s6 =	simm.s32 $0x0;
	[sflag:s14] =	ssyncadd.s32 $0xFFFFFF80  }
0x41f: {  	v11 =	vld.idx.msk [tilespmem:v8+s6+$0x0 ss:$0x1], $0xffff  }
0x420: {  	v12 =	vld.idx.msk [tilespmem:v9+s6+$0x0 ss:$0x1], $0xffff;
	_ =	sdelay $0x4  }
0x421: {  	v10 =	vmov s22;
	_ =	sdelay $0x1  }
0x422: {  	v13 =	vld.idx.msk [tilespmem:v11+s11+$0x0], $0xffff  }
0x423: {  	v14 =	vld.idx.msk [tilespmem:v12+s11+$0x0], $0xffff  }
0x424: {  	v12 =	vld.idx.msk [tilespmem:v12+s31+$0x0], $0xffff  }
0x425: {  	v15 =	vld.idx.msk [tilespmem:v10+s6+$0x0 ss:$0x1], $0xffff;
	_ =	sdelay $0x2  }
0x426: {  	s10 =	simm.s32 $0x0;
	v14 =	vmul.f32 v13, v14  }
0x427: {  	v13 =	vsub.s32 v12, v0;
	v12 =	vor.u32 s10, v7  }
0x428: {  	s29 =	simm.s32 $0x40;
	vm0 =	vlt.u32 v13, $0x40;
	v13 =	vmul.u32 $0x2800, v13;
	v14 =	vmul.f32 v14, v15  }
.LBB2_37:
0x429: {  	p1 =	sne.s32 s29, $0x1C0  }
0x42a: {  	s10 =	sadd.s32 $0x10, s10;
	s14 =	smov.u32 s29;
	s29 =	sadd.s32 $0x40, s29;
	v11 =	vadd.s32 v11, v13;
	v13 =	vnsel vm0, $0x0, v14  }
0x42b: {  	v11 =	vsel vm0, v11, v12;
	[tilespmem:s6+$0xFA80] =	vst v13  }
0x42c: {  	[tilespmem:s6+$0xF780] =	vst v11;
	s6 =	sshra.s32 s14, $0x2  }
0x42d: {  	v11 =	vld.idx.msk [tilespmem:v8+s6+$0x0 ss:$0x1], $0xffff  }
0x42e: {  	v12 =	vld.idx.msk [tilespmem:v9+s6+$0x0 ss:$0x1], $0xffff;
	_ =	sdelay $0x5  }
0x42f: {  	v14 =	vld.idx.msk [tilespmem:v10+s6+$0x0 ss:$0x1], $0xffff  }
0x430: {  	v13 =	vld.idx.msk [tilespmem:v11+s11+$0x0], $0xffff  }
0x431: {  	v15 =	vld.idx.msk [tilespmem:v12+s11+$0x0], $0xffff  }
0x432: {  	v12 =	vld.idx.msk [tilespmem:v12+s31+$0x0], $0xffff;
	_ =	sdelay $0x2  }
.Ltmp17:
0x433: {  	(pc) =	sbr.rel @p1 .LBB2_37-.Ltmp17, $4  }
0x434: {  	_ = 	snop  }
0x435: {  	v15 =	vmul.f32 v13, v15  }
0x436: {  	v13 =	vsub.s32 v12, v0;
	v12 =	vor.u32 s10, v7  }
0x437: {  	vm0 =	vlt.u32 v13, $0x40;
	v13 =	vmul.u32 $0x2800, v13;
	v14 =	vmul.f32 v15, v14  }
0x438: {  	_ = 	snop  }
0x439: {  	v8 =	vadd.s32 v11, v13;
	v9 =	vnsel vm0, $0x0, v14  }
0x43a: {  	s10 =	simm.s32 $0x80;
	v8 =	vsel vm0, v8, v12;
	[tilespmem:s6+$0xFA80] =	vst v9  }
0x43b: {  	s14 =	simm.s32 $0xF780;
	s29 =	simm.s32 $0xFA80;
	[tilespmem:s6+$0xF780] =	vst v8;
	s6 =	rddreg [dreg:$0x4]  }
0x43c: {  	v8 =	vmov s3;
	[spmem:s6] =	stream.indirect.scatter.add.f32 [tilespmem:s29], [sflag:$0x4], $0x1, s14, s10, $0xb8;
	[tilespmem:$0x1C498] =	vst v63  }
0x43d: {  	v9 =	vmov s4;
	s14 =	simm.s32 $0x7  }
0x43e: {  	_ =	swait.ge [sflag:s14], $0x80  }
0x43f: {  	[sflag:s14] =	ssyncset.done $0x0  }
0x440: {  	s6 =	simm.s32 $0x0;
	[sflag:s14] =	ssyncadd.s32 $0xFFFFFF80  }
0x441: {  	v11 =	vld.idx.msk [tilespmem:v8+s6+$0x0 ss:$0x1], $0xffff  }
0x442: {  	v12 =	vld.idx.msk [tilespmem:v9+s6+$0x0 ss:$0x1], $0xffff;
	_ =	sdelay $0x4  }
0x443: {  	v10 =	vmov s9;
	_ =	sdelay $0x1  }
0x444: {  	v13 =	vld.idx.msk [tilespmem:v11+s11+$0x0], $0xffff  }
0x445: {  	v14 =	vld.idx.msk [tilespmem:v12+s11+$0x0], $0xffff  }
0x446: {  	v12 =	vld.idx.msk [tilespmem:v12+s31+$0x0], $0xffff  }
0x447: {  	v15 =	vld.idx.msk [tilespmem:v10+s6+$0x0 ss:$0x1], $0xffff;
	_ =	sdelay $0x2  }
0x448: {  	s10 =	simm.s32 $0x0;
	v14 =	vmul.f32 v13, v14  }
0x449: {  	v13 =	vsub.s32 v12, v0;
	v12 =	vor.u32 s10, v7  }
0x44a: {  	s29 =	simm.s32 $0x40;
	vm0 =	vlt.u32 v13, $0x40;
	v13 =	vmul.u32 $0x2800, v13;
	v14 =	vmul.f32 v14, v15  }
.LBB2_39:
0x44b: {  	p1 =	sne.s32 s29, $0x1C0  }
0x44c: {  	s10 =	sadd.s32 $0x10, s10;
	s14 =	smov.u32 s29;
	s29 =	sadd.s32 $0x40, s29;
	v11 =	vadd.s32 v11, v13;
	v13 =	vnsel vm0, $0x0, v14  }
0x44d: {  	v11 =	vsel vm0, v11, v12;
	[tilespmem:s6+$0xFB00] =	vst v13  }
0x44e: {  	[tilespmem:s6+$0xF800] =	vst v11;
	s6 =	sshra.s32 s14, $0x2  }
0x44f: {  	v11 =	vld.idx.msk [tilespmem:v8+s6+$0x0 ss:$0x1], $0xffff  }
0x450: {  	v12 =	vld.idx.msk [tilespmem:v9+s6+$0x0 ss:$0x1], $0xffff;
	_ =	sdelay $0x5  }
0x451: {  	v14 =	vld.idx.msk [tilespmem:v10+s6+$0x0 ss:$0x1], $0xffff  }
0x452: {  	v13 =	vld.idx.msk [tilespmem:v11+s11+$0x0], $0xffff  }
0x453: {  	v15 =	vld.idx.msk [tilespmem:v12+s11+$0x0], $0xffff  }
0x454: {  	v12 =	vld.idx.msk [tilespmem:v12+s31+$0x0], $0xffff;
	_ =	sdelay $0x2  }
.Ltmp18:
0x455: {  	(pc) =	sbr.rel @p1 .LBB2_39-.Ltmp18, $4  }
0x456: {  	_ = 	snop  }
0x457: {  	v15 =	vmul.f32 v13, v15  }
0x458: {  	v13 =	vsub.s32 v12, v0;
	v12 =	vor.u32 s10, v7  }
0x459: {  	vm0 =	vlt.u32 v13, $0x40;
	v13 =	vmul.u32 $0x2800, v13;
	v14 =	vmul.f32 v15, v14  }
0x45a: {  	_ = 	snop  }
0x45b: {  	v8 =	vadd.s32 v11, v13;
	v9 =	vnsel vm0, $0x0, v14  }
0x45c: {  	s10 =	simm.s32 $0x80;
	v8 =	vsel vm0, v8, v12;
	[tilespmem:s6+$0xFB00] =	vst v9  }
0x45d: {  	s14 =	simm.s32 $0xF800;
	s29 =	simm.s32 $0xFB00;
	[tilespmem:s6+$0xF800] =	vst v8;
	s6 =	rddreg [dreg:$0x4]  }
0x45e: {  	v8 =	vmov s30;
	[spmem:s6] =	stream.indirect.scatter.add.f32 [tilespmem:s29], [sflag:$0x7], $0x1, s14, s10, $0xb8;
	[tilespmem:$0x1C498] =	vst v63  }
0x45f: {  	v9 =	vmov s13;
	s14 =	simm.s32 $0x8  }
0x460: {  	_ =	swait.ge [sflag:s14], $0x80  }
0x461: {  	[sflag:s14] =	ssyncset.done $0x0  }
0x462: {  	s6 =	simm.s32 $0x0;
	[sflag:s14] =	ssyncadd.s32 $0xFFFFFF80  }
0x463: {  	v11 =	vld.idx.msk [tilespmem:v8+s6+$0x0 ss:$0x1], $0xffff  }
0x464: {  	v12 =	vld.idx.msk [tilespmem:v9+s6+$0x0 ss:$0x1], $0xffff;
	_ =	sdelay $0x4  }
0x465: {  	v10 =	vmov s2;
	_ =	sdelay $0x1  }
0x466: {  	v13 =	vld.idx.msk [tilespmem:v11+s11+$0x0], $0xffff  }
0x467: {  	v14 =	vld.idx.msk [tilespmem:v12+s11+$0x0], $0xffff  }
0x468: {  	v12 =	vld.idx.msk [tilespmem:v12+s31+$0x0], $0xffff  }
0x469: {  	v15 =	vld.idx.msk [tilespmem:v10+s6+$0x0 ss:$0x1], $0xffff;
	_ =	sdelay $0x2  }
0x46a: {  	s10 =	simm.s32 $0x0;
	v14 =	vmul.f32 v13, v14  }
0x46b: {  	v13 =	vsub.s32 v12, v0;
	v12 =	vor.u32 s10, v7  }
0x46c: {  	s29 =	simm.s32 $0x40;
	vm0 =	vlt.u32 v13, $0x40;
	v13 =	vmul.u32 $0x2800, v13;
	v14 =	vmul.f32 v14, v15  }
.LBB2_41:
0x46d: {  	p1 =	sne.s32 s29, $0x1C0  }
0x46e: {  	s10 =	sadd.s32 $0x10, s10;
	s14 =	smov.u32 s29;
	s29 =	sadd.s32 $0x40, s29;
	v11 =	vadd.s32 v11, v13;
	v13 =	vnsel vm0, $0x0, v14  }
0x46f: {  	v11 =	vsel vm0, v11, v12;
	[tilespmem:s6+$0xFB80] =	vst v13  }
0x470: {  	[tilespmem:s6+$0xF880] =	vst v11;
	s6 =	sshra.s32 s14, $0x2  }
0x471: {  	v11 =	vld.idx.msk [tilespmem:v8+s6+$0x0 ss:$0x1], $0xffff  }
0x472: {  	v12 =	vld.idx.msk [tilespmem:v9+s6+$0x0 ss:$0x1], $0xffff;
	_ =	sdelay $0x5  }
0x473: {  	v14 =	vld.idx.msk [tilespmem:v10+s6+$0x0 ss:$0x1], $0xffff  }
0x474: {  	v13 =	vld.idx.msk [tilespmem:v11+s11+$0x0], $0xffff  }
0x475: {  	v15 =	vld.idx.msk [tilespmem:v12+s11+$0x0], $0xffff  }
0x476: {  	v12 =	vld.idx.msk [tilespmem:v12+s31+$0x0], $0xffff;
	_ =	sdelay $0x2  }
.Ltmp19:
0x477: {  	(pc) =	sbr.rel @p1 .LBB2_41-.Ltmp19, $4  }
0x478: {  	_ = 	snop  }
0x479: {  	v15 =	vmul.f32 v13, v15  }
0x47a: {  	v13 =	vsub.s32 v12, v0;
	v12 =	vor.u32 s10, v7  }
0x47b: {  	vm0 =	vlt.u32 v13, $0x40;
	v13 =	vmul.u32 $0x2800, v13;
	v14 =	vmul.f32 v15, v14  }
0x47c: {  	s29 =	simm.s32 $0x80;
	s10 =	simm.s32 $0xF880  }
0x47d: {  	s14 =	simm.s32 $0xFB80;
	s5 =	sadd.s32 $0x1, s5;
	s0 =	sadd.s32 $0x300, s0  }
0x47e: {  	s8 =	sadd.s32 $0x300, s8;
	s17 =	sadd.s32 $0x300, s17;
	s15 =	sadd.s32 $0x300, s15  }
0x47f: {  	s16 =	sadd.s32 $0x300, s16;
	s18 =	sadd.s32 $0x300, s18;
	s19 =	sadd.s32 $0x300, s19  }
0x480: {  	s20 =	sadd.s32 $0x300, s20;
	s21 =	sadd.s32 $0x300, s21;
	p1 =	sne.s32 s5, $0xC  }
.Ltmp20:
0x481: {  	s22 =	sadd.s32 $0x300, s22;
	s23 =	sadd.s32 $0x300, s23;
	v8 =	vadd.s32 v11, v13;
	v9 =	vnsel vm0, $0x0, v14;
	(pc) =	sbr.rel @p1 .LBB2_30-.Ltmp20, $4  }
0x482: {  	s7 =	sadd.s32 $0x300, s7;
	s9 =	sadd.s32 $0x300, s9;
	s4 =	sadd.s32 $0x300, s4;
	v8 =	vsel vm0, v8, v12;
	[tilespmem:s6+$0xFB80] =	vst v9  }
0x483: {  	s3 =	sadd.s32 $0x300, s3;
	s2 =	sadd.s32 $0x300, s2;
	[tilespmem:s6+$0xF880] =	vst v8;
	s6 =	rddreg [dreg:$0x4]  }
0x484: {  	[spmem:s6] =	stream.indirect.scatter.add.f32 [tilespmem:s14], [sflag:$0x8], $0x1, s10, s29, $0xb8;
	[tilespmem:$0x1C498] =	vst v63  }
0x485: {  	s13 =	sadd.s32 $0x300, s13;
	s30 =	sadd.s32 $0x300, s30;
	s10 =	simm.s32 $0x1  }
0x486: {  	_ =	swait.ge [sflag:s10], $0x80  }
0x487: {  	[sflag:s10] =	ssyncset.done $0x0  }
0x488: {  	s15 =	simm.s32 $0x2;
	[sflag:s10] =	ssyncadd.s32 $0xFFFFFF80  }
0x489: {  	_ =	swait.ge [sflag:s15], $0x80  }
0x48a: {  	[sflag:s15] =	ssyncset.done $0x0  }
0x48b: {  	s16 =	simm.s32 $0x3;
	[sflag:s15] =	ssyncadd.s32 $0xFFFFFF80  }
0x48c: {  	_ =	swait.ge [sflag:s16], $0x80  }
0x48d: {  	[sflag:s16] =	ssyncset.done $0x0  }
0x48e: {  	s17 =	simm.s32 $0x4;
	[sflag:s16] =	ssyncadd.s32 $0xFFFFFF80  }
0x48f: {  	_ =	swait.ge [sflag:s17], $0x80  }
0x490: {  	[sflag:s17] =	ssyncset.done $0x0  }
0x491: {  	s18 =	simm.s32 $0x7;
	[sflag:s17] =	ssyncadd.s32 $0xFFFFFF80  }
0x492: {  	_ =	swait.ge [sflag:s18], $0x80  }
0x493: {  	[sflag:s18] =	ssyncset.done $0x0  }
0x494: {  	s19 =	simm.s32 $0x8;
	[sflag:s18] =	ssyncadd.s32 $0xFFFFFF80  }
0x495: {  	_ =	swait.ge [sflag:s19], $0x80  }
0x496: {  	[sflag:s19] =	ssyncset.done $0x0  }
0x497: {  	[sflag:s19] =	ssyncadd.s32 $0xFFFFFF80  }
0x498: {  	v8 =	vld [tilespmem:$0x4E80];
	_ =	sdelay $0x1  }
0x499: {  	v9 =	vld [tilespmem:$0x2700];
	_ =	sdelay $0x5  }
0x49a: {  	v10 =	vld.idx.msk [tilespmem:v8+s11+$0x0], $0xffff  }
0x49b: {  	v8 =	vld.idx.msk [tilespmem:v8+s31+$0x0], $0xffff  }
0x49c: {  	v11 =	vld.idx.msk [tilespmem:v9+s11+$0x0], $0xffff;
	_ =	sdelay $0x1  }
0x49d: {  	v12 =	vld [tilespmem:$0x7600];
	_ =	sdelay $0x1  }
0x49e: {  	v8 =	vsub.s32 v8, v0  }
0x49f: {  	v10 =	vmul.f32 v11, v10;
	v13 =	vmul.u32 $0x2800, v8;
	_ =	sdelay $0x1  }
0x4a0: {  	vm0 =	vlt.u32 v8, $0x40;
	v8 =	vadd.s32 v9, v13;
	v9 =	vmul.f32 v10, v12  }
0x4a1: {  	v8 =	vsel vm0, v8, v7  }
0x4a2: {  	s0 =	sadd.s32 $0x0, s12;
	s3 =	simm.s32 $0x10;
	s4 =	simm.s32 $0xFC00;
	[tilespmem:$0xFC00] =	vst v8;
	v8 =	vnsel vm0, $0x0, v9  }
0x4a3: {  	s5 =	simm.s32 $0xFC80;
	s9 =	simm.s32 $0x9;
	s2 =	rddreg [dreg:$0x4];
	v9 =	vor.u32 s0, v4;
	[tilespmem:$0xFC80] =	vst v8  }
0x4a4: {  	[spmem:s2] =	stream.indirect.scatter.add.f32 [tilespmem:s5], [sflag:$0x9], $0x1, s4, s3, $0xb8;
	[tilespmem:$0x1C498] =	vst v63  }
0x4a5: {  	_ =	swait.ge [sflag:s9], $0x10  }
0x4a6: {  	[sflag:s9] =	ssyncset.done $0x0  }
0x4a7: {  	[sflag:s9] =	ssyncadd.s32 $0xFFFFFFF0  }
0x4a8: {  	v8 =	vld.idx.msk [tilespmem:v9+s31+$0x0], $0xffff;
	_ =	sdelay $0x4  }
0x4a9: {  	v10 =	vld.idx.msk [tilespmem:v9+s1+$0x0], $0xffff;
	v11 =	vsub.s32 v8, v0  }
0x4aa: {  	s22 =	sadd.s32 $0x10, s12;
	v60 =	vmov s0;
	v61 =	vmul.u32 $0x2800, v11  }
0x4ab: {  	s23 =	simm.s32 $0x0;
	vm1 =	vlt.u32 v60, $0x2710;
	v8 =	vor.u32 s22, v4;
	vm0 =	vlt.u32 v11, $0x40  }
0x4ac: {  	v11 =	vor.u32 s23, v7;
	vm0 =	vmand vm1, vm0;
	v9 =	vadd.s32 v9, v61  }
0x4ad: {  	s3 =	simm.s32 $0xF600;
	v9 =	vsel vm0, v9, v11  }
0x4ae: {  	s2 =	simm.s32 $0xF900;
	[tilespmem:s3+$0x0] =	vst v9;
	v9 =	vnsel vm0, $0x0, v10  }
0x4af: {  	[tilespmem:s2+$0x0] =	vst v9  }
0x4b0: {  	v9 =	vld.idx.msk [tilespmem:v8+s31+$0x0], $0xffff;
	_ =	sdelay $0x4  }
0x4b1: {  	v10 =	vld.idx.msk [tilespmem:v8+s1+$0x0], $0xffff;
	v62 =	vsub.s32 v9, v0  }
0x4b2: {  	s6 =	simm.s32 $0x30;
	v63 =	vmov s22;
	s4 =	sadd.s32 $0x20, s12;
	v11 =	vmul.u32 $0x2800, v62  }
0x4b3: {  	s30 =	simm.s32 $0xF700;
	s0 =	simm.s32 $0x20;
	s5 =	simm.s32 $0x10;
	vm1 =	vlt.u32 v63, $0x2710;
	v9 =	vor.u32 s4, v4;
	vm0 =	vlt.u32 v62, $0x40  }
.LBB2_44:
0x4b4: {  	p1 =	sne.s32 s6, $0x70;
	vm0 =	vmand vm1, vm0;
	v12 =	vor.u32 s5, v7;
	v11 =	vadd.s32 v8, v11;
	v8 =	vmovc v9;
	s5 =	smov.u32 s0;
	s0 =	smov.u32 s6  }
0x4b5: {  	s3 =	sadd.s32 $0x10, s3;
	v11 =	vsel vm0, v11, v12  }
0x4b6: {  	s2 =	sadd.s32 $0x10, s2;
	v10 =	vnsel vm0, $0x0, v10;
	[tilespmem:s3+$0x0] =	vst v11  }
0x4b7: {  	[tilespmem:s2+$0x0] =	vst v10  }
0x4b8: {  	v9 =	vld.idx.msk [tilespmem:v9+s31+$0x0], $0xffff;
	_ =	sdelay $0x3  }
.Ltmp21:
0x4b9: {  	(pc) =	sbr.rel @p1 .LBB2_44-.Ltmp21, $4  }
0x4ba: {  	v10 =	vld.idx.msk [tilespmem:v8+s1+$0x0], $0xffff  }
0x4bb: {  	v12 =	vsub.s32 v9, v0  }
0x4bc: {  	v13 =	vmov s4;
	s4 =	sadd.s32 s6, s12;
	v11 =	vmul.u32 $0x2800, v12  }
0x4bd: {  	s6 =	sadd.s32 $0x10, s6;
	vm1 =	vlt.u32 v13, $0x2710;
	v9 =	vor.u32 s4, v4;
	vm0 =	vlt.u32 v12, $0x40  }
0x4be: {  	vm0 =	vmand vm1, vm0;
	v12 =	vor.u32 s5, v7;
	v8 =	vadd.s32 v8, v11  }
0x4bf: {  	s3 =	sadd.s32 $0x10, s3;
	v8 =	vsel vm0, v8, v12  }
0x4c0: {  	s2 =	sadd.s32 $0x10, s2;
	[tilespmem:s3+$0x0] =	vst v8;
	v8 =	vnsel vm0, $0x0, v10  }
0x4c1: {  	[tilespmem:s2+$0x0] =	vst v8  }
0x4c2: {  	v8 =	vld.idx.msk [tilespmem:v9+s31+$0x0], $0xffff;
	_ =	sdelay $0x4  }
0x4c3: {  	v10 =	vld.idx.msk [tilespmem:v9+s1+$0x0], $0xffff;
	v8 =	vsub.s32 v8, v0  }
0x4c4: {  	v11 =	vmov s4;
	s7 =	sadd.s32 $0x0, s24;
	v60 =	vmul.u32 $0x2800, v8  }
0x4c5: {  	vm1 =	vlt.u32 v11, $0x2710;
	v11 =	vor.u32 s7, v4;
	vm0 =	vlt.u32 v8, $0x40  }
0x4c6: {  	v8 =	vor.u32 s0, v7;
	vm0 =	vmand vm1, vm0;
	v9 =	vadd.s32 v9, v60  }
0x4c7: {  	s8 =	sadd.s32 $0x10, s3;
	v8 =	vsel vm0, v9, v8  }
0x4c8: {  	s13 =	sadd.s32 $0x10, s2;
	[tilespmem:s8+$0x0] =	vst v8;
	v8 =	vnsel vm0, $0x0, v10  }
0x4c9: {  	s14 =	rddreg [dreg:$0x4];
	s20 =	simm.s32 $0xF600;
	s21 =	simm.s32 $0xF900;
	[tilespmem:s13+$0x0] =	vst v8  }
0x4ca: {  	[spmem:s14] =	stream.indirect.scatter.add.f32 [tilespmem:s21], [sflag:$0x1], $0x1, s20, s29, $0xb8;
	[tilespmem:$0x1C498] =	vst v63  }
0x4cb: {  	v8 =	vld.idx.msk [tilespmem:v11+s31+$0x0], $0xffff;
	_ =	sdelay $0x4  }
0x4cc: {  	v9 =	vld.idx.msk [tilespmem:v11+s1+$0x0], $0xffff;
	v10 =	vsub.s32 v8, v0  }
0x4cd: {  	s22 =	sadd.s32 $0x10, s24;
	v61 =	vmov s7;
	v13 =	vmul.u32 $0x2800, v10  }
0x4ce: {  	s23 =	simm.s32 $0x0;
	vm1 =	vlt.u32 v61, $0x2710;
	v8 =	vor.u32 s22, v4;
	vm0 =	vlt.u32 v10, $0x40  }
0x4cf: {  	v10 =	vor.u32 s23, v7;
	vm0 =	vmand vm1, vm0;
	v11 =	vadd.s32 v11, v13  }
0x4d0: {  	s3 =	simm.s32 $0xF680;
	v10 =	vsel vm0, v11, v10  }
0x4d1: {  	s2 =	simm.s32 $0xF980;
	v9 =	vnsel vm0, $0x0, v9;
	[tilespmem:s3+$0x0] =	vst v10  }
0x4d2: {  	[tilespmem:s2+$0x0] =	vst v9  }
0x4d3: {  	v9 =	vld.idx.msk [tilespmem:v8+s31+$0x0], $0xffff;
	_ =	sdelay $0x3  }
0x4d4: {  	s7 =	rddreg [dreg:$0x11]  }
0x4d5: {  	s4 =	sadd.s32 $0x20, s24;
	s5 =	simm.s32 $0x10;
	s8 =	rddreg [dreg:$0xc];
	v10 =	vld.idx.msk [tilespmem:v8+s1+$0x0], $0xffff;
	v62 =	vsub.s32 v9, v0  }
0x4d6: {  	s6 =	simm.s32 $0x30;
	v63 =	vmov s22;
	s0 =	simm.s32 $0x20;
	s13 =	rddreg [dreg:$0x5];
	v11 =	vmul.u32 $0x2800, v62  }
0x4d7: {  	s14 =	rddreg [dreg:$0x6];
	s22 =	simm.s32 $0xF680;
	s23 =	simm.s32 $0xF980;
	vm1 =	vlt.u32 v63, $0x2710;
	v9 =	vor.u32 s4, v4;
	vm0 =	vlt.u32 v62, $0x40  }
.LBB2_46:
0x4d8: {  	p1 =	sne.s32 s6, $0x70;
	vm0 =	vmand vm1, vm0;
	v12 =	vor.u32 s5, v7;
	v11 =	vadd.s32 v8, v11;
	v8 =	vmovc v9;
	s5 =	smov.u32 s0;
	s0 =	smov.u32 s6  }
0x4d9: {  	s3 =	sadd.s32 $0x10, s3;
	v11 =	vsel vm0, v11, v12  }
0x4da: {  	s2 =	sadd.s32 $0x10, s2;
	v10 =	vnsel vm0, $0x0, v10;
	[tilespmem:s3+$0x0] =	vst v11  }
0x4db: {  	[tilespmem:s2+$0x0] =	vst v10  }
0x4dc: {  	v9 =	vld.idx.msk [tilespmem:v9+s31+$0x0], $0xffff;
	_ =	sdelay $0x3  }
.Ltmp22:
0x4dd: {  	(pc) =	sbr.rel @p1 .LBB2_46-.Ltmp22, $4  }
0x4de: {  	v10 =	vld.idx.msk [tilespmem:v8+s1+$0x0], $0xffff  }
0x4df: {  	v12 =	vsub.s32 v9, v0  }
0x4e0: {  	v13 =	vmov s4;
	s4 =	sadd.s32 s6, s24;
	v11 =	vmul.u32 $0x2800, v12  }
0x4e1: {  	s6 =	sadd.s32 $0x10, s6;
	vm1 =	vlt.u32 v13, $0x2710;
	v9 =	vor.u32 s4, v4;
	vm0 =	vlt.u32 v12, $0x40  }
0x4e2: {  	vm0 =	vmand vm1, vm0;
	v12 =	vor.u32 s5, v7;
	v8 =	vadd.s32 v8, v11  }
0x4e3: {  	s3 =	sadd.s32 $0x10, s3;
	v8 =	vsel vm0, v8, v12  }
0x4e4: {  	s2 =	sadd.s32 $0x10, s2;
	[tilespmem:s3+$0x0] =	vst v8;
	v8 =	vnsel vm0, $0x0, v10  }
0x4e5: {  	[tilespmem:s2+$0x0] =	vst v8  }
0x4e6: {  	v8 =	vld.idx.msk [tilespmem:v9+s31+$0x0], $0xffff;
	_ =	sdelay $0x4  }
0x4e7: {  	v10 =	vld.idx.msk [tilespmem:v9+s1+$0x0], $0xffff;
	v8 =	vsub.s32 v8, v0  }
0x4e8: {  	v11 =	vmov s4;
	s4 =	sadd.s32 $0x0, s25;
	v60 =	vmul.u32 $0x2800, v8  }
0x4e9: {  	vm1 =	vlt.u32 v11, $0x2710;
	v11 =	vor.u32 s4, v4;
	vm0 =	vlt.u32 v8, $0x40  }
0x4ea: {  	v8 =	vor.u32 s0, v7;
	vm0 =	vmand vm1, vm0;
	v9 =	vadd.s32 v9, v60  }
0x4eb: {  	s6 =	sadd.s32 $0x10, s3;
	v8 =	vsel vm0, v9, v8  }
0x4ec: {  	s2 =	sadd.s32 $0x10, s2;
	[tilespmem:s6+$0x0] =	vst v8;
	v8 =	vnsel vm0, $0x0, v10  }
0x4ed: {  	s3 =	rddreg [dreg:$0x4];
	[tilespmem:s2+$0x0] =	vst v8  }
0x4ee: {  	[spmem:s3] =	stream.indirect.scatter.add.f32 [tilespmem:s23], [sflag:$0x2], $0x1, s22, s29, $0xb8;
	[tilespmem:$0x1C498] =	vst v63  }
0x4ef: {  	v8 =	vld.idx.msk [tilespmem:v11+s31+$0x0], $0xffff;
	_ =	sdelay $0x4  }
0x4f0: {  	v9 =	vld.idx.msk [tilespmem:v11+s1+$0x0], $0xffff;
	v10 =	vsub.s32 v8, v0  }
0x4f1: {  	s5 =	sadd.s32 $0x10, s25;
	v61 =	vmov s4;
	v13 =	vmul.u32 $0x2800, v10  }
0x4f2: {  	vm1 =	vlt.u32 v61, $0x2710;
	s6 =	simm.s32 $0x0;
	v8 =	vor.u32 s5, v4;
	vm0 =	vlt.u32 v10, $0x40  }
0x4f3: {  	v10 =	vor.u32 s6, v7;
	vm0 =	vmand vm1, vm0;
	v11 =	vadd.s32 v11, v13  }
0x4f4: {  	s3 =	simm.s32 $0xF700;
	v10 =	vsel vm0, v11, v10  }
0x4f5: {  	s2 =	simm.s32 $0xFA00;
	v9 =	vnsel vm0, $0x0, v9;
	[tilespmem:s3+$0x0] =	vst v10  }
0x4f6: {  	[tilespmem:s2+$0x0] =	vst v9  }
0x4f7: {  	v9 =	vld.idx.msk [tilespmem:v8+s31+$0x0], $0xffff;
	_ =	sdelay $0x4  }
0x4f8: {  	v10 =	vld.idx.msk [tilespmem:v8+s1+$0x0], $0xffff;
	v62 =	vsub.s32 v9, v0  }
0x4f9: {  	s4 =	sadd.s32 $0x20, s25;
	v63 =	vmov s5;
	v11 =	vmul.u32 $0x2800, v62  }
0x4fa: {  	s0 =	simm.s32 $0x20;
	s5 =	simm.s32 $0x10;
	s6 =	simm.s32 $0x30;
	vm1 =	vlt.u32 v63, $0x2710;
	v9 =	vor.u32 s4, v4;
	vm0 =	vlt.u32 v62, $0x40  }
.LBB2_48:
0x4fb: {  	p1 =	sne.s32 s6, $0x70;
	vm0 =	vmand vm1, vm0;
	v12 =	vor.u32 s5, v7;
	v11 =	vadd.s32 v8, v11;
	v8 =	vmovc v9;
	s5 =	smov.u32 s0;
	s0 =	smov.u32 s6  }
0x4fc: {  	s3 =	sadd.s32 $0x10, s3;
	v11 =	vsel vm0, v11, v12  }
0x4fd: {  	s2 =	sadd.s32 $0x10, s2;
	v10 =	vnsel vm0, $0x0, v10;
	[tilespmem:s3+$0x0] =	vst v11  }
0x4fe: {  	[tilespmem:s2+$0x0] =	vst v10  }
0x4ff: {  	v9 =	vld.idx.msk [tilespmem:v9+s31+$0x0], $0xffff;
	_ =	sdelay $0x3  }
.Ltmp23:
0x500: {  	(pc) =	sbr.rel @p1 .LBB2_48-.Ltmp23, $4  }
0x501: {  	v10 =	vld.idx.msk [tilespmem:v8+s1+$0x0], $0xffff  }
0x502: {  	v12 =	vsub.s32 v9, v0  }
0x503: {  	v13 =	vmov s4;
	s4 =	sadd.s32 s6, s25;
	v11 =	vmul.u32 $0x2800, v12  }
0x504: {  	s6 =	sadd.s32 $0x10, s6;
	vm1 =	vlt.u32 v13, $0x2710;
	v9 =	vor.u32 s4, v4;
	vm0 =	vlt.u32 v12, $0x40  }
0x505: {  	vm0 =	vmand vm1, vm0;
	v12 =	vor.u32 s5, v7;
	v8 =	vadd.s32 v8, v11  }
0x506: {  	s3 =	sadd.s32 $0x10, s3;
	v8 =	vsel vm0, v8, v12  }
0x507: {  	s2 =	sadd.s32 $0x10, s2;
	[tilespmem:s3+$0x0] =	vst v8;
	v8 =	vnsel vm0, $0x0, v10  }
0x508: {  	[tilespmem:s2+$0x0] =	vst v8  }
0x509: {  	v8 =	vld.idx.msk [tilespmem:v9+s31+$0x0], $0xffff;
	_ =	sdelay $0x4  }
0x50a: {  	v10 =	vld.idx.msk [tilespmem:v9+s1+$0x0], $0xffff;
	v8 =	vsub.s32 v8, v0  }
0x50b: {  	v11 =	vmov s4;
	s4 =	sadd.s32 $0x0, s26;
	v60 =	vmul.u32 $0x2800, v8  }
0x50c: {  	vm1 =	vlt.u32 v11, $0x2710;
	v11 =	vor.u32 s4, v4;
	vm0 =	vlt.u32 v8, $0x40  }
0x50d: {  	v8 =	vor.u32 s0, v7;
	vm0 =	vmand vm1, vm0;
	v9 =	vadd.s32 v9, v60  }
0x50e: {  	s5 =	sadd.s32 $0x10, s3;
	v8 =	vsel vm0, v9, v8  }
0x50f: {  	s6 =	sadd.s32 $0x10, s2;
	[tilespmem:s5+$0x0] =	vst v8;
	v8 =	vnsel vm0, $0x0, v10  }
0x510: {  	s3 =	simm.s32 $0xFA00;
	s2 =	rddreg [dreg:$0x4];
	[tilespmem:s6+$0x0] =	vst v8  }
0x511: {  	[spmem:s2] =	stream.indirect.scatter.add.f32 [tilespmem:s3], [sflag:$0x3], $0x1, s30, s29, $0xb8;
	[tilespmem:$0x1C498] =	vst v63  }
0x512: {  	v8 =	vld.idx.msk [tilespmem:v11+s31+$0x0], $0xffff;
	_ =	sdelay $0x4  }
0x513: {  	v9 =	vld.idx.msk [tilespmem:v11+s1+$0x0], $0xffff;
	v10 =	vsub.s32 v8, v0  }
0x514: {  	v61 =	vmov s4;
	s5 =	sadd.s32 $0x10, s26;
	v13 =	vmul.u32 $0x2800, v10  }
0x515: {  	vm1 =	vlt.u32 v61, $0x2710;
	s6 =	simm.s32 $0x0;
	v8 =	vor.u32 s5, v4;
	vm0 =	vlt.u32 v10, $0x40  }
0x516: {  	v10 =	vor.u32 s6, v7;
	vm0 =	vmand vm1, vm0;
	v11 =	vadd.s32 v11, v13  }
0x517: {  	s3 =	simm.s32 $0xF780;
	v10 =	vsel vm0, v11, v10  }
0x518: {  	s2 =	simm.s32 $0xFA80;
	v9 =	vnsel vm0, $0x0, v9;
	[tilespmem:s3+$0x0] =	vst v10  }
0x519: {  	[tilespmem:s2+$0x0] =	vst v9  }
0x51a: {  	v9 =	vld.idx.msk [tilespmem:v8+s31+$0x0], $0xffff;
	_ =	sdelay $0x4  }
0x51b: {  	v10 =	vld.idx.msk [tilespmem:v8+s1+$0x0], $0xffff;
	v62 =	vsub.s32 v9, v0  }
0x51c: {  	s4 =	sadd.s32 $0x20, s26;
	v63 =	vmov s5;
	v11 =	vmul.u32 $0x2800, v62  }
0x51d: {  	s0 =	simm.s32 $0x20;
	s5 =	simm.s32 $0x10;
	s6 =	simm.s32 $0x30;
	vm1 =	vlt.u32 v63, $0x2710;
	v9 =	vor.u32 s4, v4;
	vm0 =	vlt.u32 v62, $0x40  }
.LBB2_50:
0x51e: {  	p1 =	sne.s32 s6, $0x70;
	vm0 =	vmand vm1, vm0;
	v12 =	vor.u32 s5, v7;
	v11 =	vadd.s32 v8, v11;
	v8 =	vmovc v9;
	s5 =	smov.u32 s0;
	s0 =	smov.u32 s6  }
0x51f: {  	s3 =	sadd.s32 $0x10, s3;
	v11 =	vsel vm0, v11, v12  }
0x520: {  	s2 =	sadd.s32 $0x10, s2;
	v10 =	vnsel vm0, $0x0, v10;
	[tilespmem:s3+$0x0] =	vst v11  }
0x521: {  	[tilespmem:s2+$0x0] =	vst v10  }
0x522: {  	v9 =	vld.idx.msk [tilespmem:v9+s31+$0x0], $0xffff;
	_ =	sdelay $0x3  }
.Ltmp24:
0x523: {  	(pc) =	sbr.rel @p1 .LBB2_50-.Ltmp24, $4  }
0x524: {  	v10 =	vld.idx.msk [tilespmem:v8+s1+$0x0], $0xffff  }
0x525: {  	v12 =	vsub.s32 v9, v0  }
0x526: {  	v13 =	vmov s4;
	s4 =	sadd.s32 s6, s26;
	v11 =	vmul.u32 $0x2800, v12  }
0x527: {  	s6 =	sadd.s32 $0x10, s6;
	vm1 =	vlt.u32 v13, $0x2710;
	v9 =	vor.u32 s4, v4;
	vm0 =	vlt.u32 v12, $0x40  }
0x528: {  	vm0 =	vmand vm1, vm0;
	v12 =	vor.u32 s5, v7;
	v8 =	vadd.s32 v8, v11  }
0x529: {  	s3 =	sadd.s32 $0x10, s3;
	v8 =	vsel vm0, v8, v12  }
0x52a: {  	s2 =	sadd.s32 $0x10, s2;
	[tilespmem:s3+$0x0] =	vst v8;
	v8 =	vnsel vm0, $0x0, v10  }
0x52b: {  	[tilespmem:s2+$0x0] =	vst v8  }
0x52c: {  	v8 =	vld.idx.msk [tilespmem:v9+s31+$0x0], $0xffff;
	_ =	sdelay $0x4  }
0x52d: {  	v10 =	vld.idx.msk [tilespmem:v9+s1+$0x0], $0xffff;
	v8 =	vsub.s32 v8, v0  }
0x52e: {  	v11 =	vmov s4;
	s4 =	sadd.s32 $0x0, s28;
	v60 =	vmul.u32 $0x2800, v8  }
0x52f: {  	vm1 =	vlt.u32 v11, $0x2710;
	v11 =	vor.u32 s4, v4;
	vm0 =	vlt.u32 v8, $0x40  }
0x530: {  	v8 =	vor.u32 s0, v7;
	vm0 =	vmand vm1, vm0;
	v9 =	vadd.s32 v9, v60  }
0x531: {  	s6 =	sadd.s32 $0x10, s3;
	v8 =	vsel vm0, v9, v8  }
0x532: {  	s2 =	sadd.s32 $0x10, s2;
	[tilespmem:s6+$0x0] =	vst v8;
	v8 =	vnsel vm0, $0x0, v10  }
0x533: {  	s5 =	simm.s32 $0xF780;
	s3 =	rddreg [dreg:$0x4];
	s6 =	simm.s32 $0xFA80;
	[tilespmem:s2+$0x0] =	vst v8  }
0x534: {  	[spmem:s3] =	stream.indirect.scatter.add.f32 [tilespmem:s6], [sflag:$0x4], $0x1, s5, s29, $0xb8;
	[tilespmem:$0x1C498] =	vst v63  }
0x535: {  	v8 =	vld.idx.msk [tilespmem:v11+s31+$0x0], $0xffff;
	_ =	sdelay $0x4  }
0x536: {  	v9 =	vld.idx.msk [tilespmem:v11+s1+$0x0], $0xffff;
	v10 =	vsub.s32 v8, v0  }
0x537: {  	v61 =	vmov s4;
	s5 =	sadd.s32 $0x10, s28;
	v13 =	vmul.u32 $0x2800, v10  }
0x538: {  	vm1 =	vlt.u32 v61, $0x2710;
	s6 =	simm.s32 $0x0;
	v8 =	vor.u32 s5, v4;
	vm0 =	vlt.u32 v10, $0x40  }
0x539: {  	v10 =	vor.u32 s6, v7;
	vm0 =	vmand vm1, vm0;
	v11 =	vadd.s32 v11, v13  }
0x53a: {  	s3 =	simm.s32 $0xF800;
	v10 =	vsel vm0, v11, v10  }
0x53b: {  	s0 =	simm.s32 $0xFB00;
	v9 =	vnsel vm0, $0x0, v9;
	[tilespmem:s3+$0x0] =	vst v10  }
0x53c: {  	[tilespmem:s0+$0x0] =	vst v9  }
0x53d: {  	v9 =	vld.idx.msk [tilespmem:v8+s31+$0x0], $0xffff;
	_ =	sdelay $0x4  }
0x53e: {  	v10 =	vld.idx.msk [tilespmem:v8+s1+$0x0], $0xffff;
	v62 =	vsub.s32 v9, v0  }
0x53f: {  	s4 =	sadd.s32 $0x20, s28;
	v63 =	vmov s5;
	v11 =	vmul.u32 $0x2800, v62  }
0x540: {  	s2 =	simm.s32 $0x20;
	s5 =	simm.s32 $0x10;
	s6 =	simm.s32 $0x30;
	vm1 =	vlt.u32 v63, $0x2710;
	v9 =	vor.u32 s4, v4;
	vm0 =	vlt.u32 v62, $0x40  }
.LBB2_52:
0x541: {  	p1 =	sne.s32 s6, $0x70;
	vm0 =	vmand vm1, vm0;
	v12 =	vor.u32 s5, v7;
	v11 =	vadd.s32 v8, v11;
	v8 =	vmovc v9;
	s5 =	smov.u32 s2;
	s2 =	smov.u32 s6  }
0x542: {  	s3 =	sadd.s32 $0x10, s3;
	v11 =	vsel vm0, v11, v12  }
0x543: {  	s0 =	sadd.s32 $0x10, s0;
	v10 =	vnsel vm0, $0x0, v10;
	[tilespmem:s3+$0x0] =	vst v11  }
0x544: {  	[tilespmem:s0+$0x0] =	vst v10  }
0x545: {  	v9 =	vld.idx.msk [tilespmem:v9+s31+$0x0], $0xffff;
	_ =	sdelay $0x3  }
.Ltmp25:
0x546: {  	(pc) =	sbr.rel @p1 .LBB2_52-.Ltmp25, $4  }
0x547: {  	v10 =	vld.idx.msk [tilespmem:v8+s1+$0x0], $0xffff  }
0x548: {  	v12 =	vsub.s32 v9, v0  }
0x549: {  	v13 =	vmov s4;
	s4 =	sadd.s32 s6, s28;
	v11 =	vmul.u32 $0x2800, v12  }
0x54a: {  	s6 =	sadd.s32 $0x10, s6;
	vm1 =	vlt.u32 v13, $0x2710;
	v9 =	vor.u32 s4, v4;
	vm0 =	vlt.u32 v12, $0x40  }
0x54b: {  	vm0 =	vmand vm1, vm0;
	v12 =	vor.u32 s5, v7;
	v8 =	vadd.s32 v8, v11  }
0x54c: {  	s3 =	sadd.s32 $0x10, s3;
	v8 =	vsel vm0, v8, v12  }
0x54d: {  	s0 =	sadd.s32 $0x10, s0;
	[tilespmem:s3+$0x0] =	vst v8;
	v8 =	vnsel vm0, $0x0, v10  }
0x54e: {  	[tilespmem:s0+$0x0] =	vst v8  }
0x54f: {  	v8 =	vld.idx.msk [tilespmem:v9+s31+$0x0], $0xffff;
	_ =	sdelay $0x4  }
0x550: {  	v60 =	vld.idx.msk [tilespmem:v9+s1+$0x0], $0xffff;
	v8 =	vsub.s32 v8, v0  }
0x551: {  	v61 =	vmov s4;
	v62 =	vmul.u32 $0x2800, v8  }
0x552: {  	vm15 =	vlt.u32 v61, $0x2710;
	vm14 =	vlt.u32 v8, $0x40  }
0x553: {  	v8 =	vor.u32 s2, v7;
	vm0 =	vmand vm15, vm14;
	v63 =	vadd.s32 v9, v62  }
0x554: {  	s3 =	sadd.s32 $0x10, s3;
	v8 =	vsel vm0, v63, v8  }
0x555: {  	s0 =	sadd.s32 $0x10, s0;
	[tilespmem:s3+$0x0] =	vst v8;
	v8 =	vnsel vm0, $0x0, v60  }
0x556: {  	s4 =	rddreg [dreg:$0x4];
	s5 =	simm.s32 $0xF800;
	s6 =	simm.s32 $0xFB00;
	[tilespmem:s0+$0x0] =	vst v8  }
0x557: {  	[spmem:s4] =	stream.indirect.scatter.add.f32 [tilespmem:s6], [sflag:$0x7], $0x1, s5, s29, $0xb8;
	[tilespmem:$0x1C498] =	vst v63  }
0x558: {  	_ =	swait.ge [sflag:s10], $0x80  }
0x559: {  	[sflag:s10] =	ssyncset.done $0x0  }
0x55a: {  	[sflag:s10] =	ssyncadd.s32 $0xFFFFFF80  }
0x55b: {  	_ =	swait.ge [sflag:s15], $0x80  }
0x55c: {  	[sflag:s15] =	ssyncset.done $0x0  }
0x55d: {  	[sflag:s15] =	ssyncadd.s32 $0xFFFFFF80  }
0x55e: {  	_ =	swait.ge [sflag:s16], $0x80  }
0x55f: {  	[sflag:s16] =	ssyncset.done $0x0  }
0x560: {  	[sflag:s16] =	ssyncadd.s32 $0xFFFFFF80  }
0x561: {  	_ =	swait.ge [sflag:s17], $0x80  }
0x562: {  	[sflag:s17] =	ssyncset.done $0x0  }
0x563: {  	[sflag:s17] =	ssyncadd.s32 $0xFFFFFF80  }
0x564: {  	_ =	swait.ge [sflag:s18], $0x80  }
0x565: {  	s2 =	stileid.u32;
	[sflag:s18] =	ssyncset.done $0x0  }
0x566: {  	s0 =	sshll.u32 s2, $0x6;
	[sflag:s18] =	ssyncadd.s32 $0xFFFFFF80  }
0x567: {  	s3 =	sshrl.u32 s8, $0x3;
	s0 =	sor.u32 $0x1C09, s0;
	[bflag:$0x0] =	sbarrier.arrive $0xFFFF  }
0x568: {  	s5 =	simm.s32 $0x10;
	s6 =	simm.s32 $0x20;
	s4 =	rddreg [dreg:$0x16]  }
0x569: {  	[hbm:s4@s6], [sflag:s0] =	dma.strided [spmem:s3@s5], $0x1400, s10, $0x10   }
0x56a: {  	s2 =	sshrl.u32 @!p0 s14, $0x3;
	_ =	swait.ge [sflag:s9], $0x1400  }
0x56b: {  	s3 =	simm.s32 @!p0 $0x1;
	s4 =	simm.s32 @!p0 $0x20;
	[sflag:s9] =	ssyncset.done $0x0  }
0x56c: {  	s5 =	simm.s32 @!p0 $0x10;
	s6 =	rddreg [dreg:$0x14];
	[sflag:s9] =	ssyncadd.s32 $0xFFFFEC00  }
0x56d: {  	[hbm:s6@s4], [sflag:s0] =	dma.strided @!p0 [spmem:s2@s5], $0x20, s3, $0x10   }
0x56e: {  	s0 =	simm.s32 @!p0 $0x9  }
0x56f: {  	_ =	swait.ge @!p0 [sflag:s0], $0x20  }
0x570: {  	s5 =	rddreg [dreg:$0x18]  }
0x571: {  	s6 =	rddreg [dreg:$0x17];
	s3 =	sadd.s32 $0x1, s5  }
0x572: {  	p1 =	sne.s32 s3, s6  }
.Ltmp26:
0x573: {  	_ = 	snop;
	(pc) =	sbr.rel @p1 .LBB2_1-.Ltmp26, $3  }
0x574: {  	_ =	sdelay $0x1  }
0x575: {  	[sflag:s0] =	ssyncset.done @!p0 $0x0  }
0x576: {  	s4 =	simm.s32 $0xFA00;
	[sflag:s0] =	ssyncadd.s32 @!p0 $0xFFFFFFE0;
	s5 =	simm.s32 $0xF780  }
0x577: {  	_ =	sfence.sel $0x180000  }
0x578: {  	[bflag:$0x0] =	sbarrier.arrive $0xFFFF  }
0x579: {  	_ =	strace $0x90000047  }
0x57a: {  	[bflag:$0x2] =	sbarrier.arrive $0xFFFF  }
0x57b: {  	s0 =	rddreg [dreg:$0x9]  }
0x57c: {  	s0 =	sadd.s32 @!p0 $0x100000, s0  }
0x57d: {  	[sflag:s0] =	ssyncadd.tile.s32 @!p0 $0x1;
	_ =	shalt  }
.Lfunc_end2:
_tile_overlayer_lowered:
.L_overlay_start_2:
0x57e: {  	(tag) =	ssettag $0x2  }
0x57f: {  	s0 =	rddreg [dreg:$0x0];
	s2 =	stileid.u32  }
0x580: {  	s1 =	rddreg [dreg:$0x1];
	p0 =	sne.s32 s2, $0x0  }
0x581: {  	s3 =	rddreg [dreg:$0x2];
	[bflag:$0x3] =	sbarrier.arrive $0xFFFF;
	s2 =	simm.s32 @!p0 $0x1C09  }
0x582: {  	[timem:s3], [sflag:s2] =	dma.local @!p0 [hbm:s0], s1  }
0x583: {  	s0 =	simm.s32 @!p0 $0x9  }
0x584: {  	_ =	swait.ge @!p0 [sflag:s0], s1  }
0x585: {  	s1 =	ssub.s32 @!p0 $0x0, s1;
	[sflag:s0] =	ssyncset.done @!p0 $0x0  }
0x586: {  	[sflag:s0] =	ssyncadd.s32 @!p0 s1  }
0x587: {  	[bflag:$0x3] =	sbarrier.arrive $0xFFFF  }
0x588: {  	_ =	shalt  }

</sc_bundles>
